<compile_context>
chip_gen: v7x
topology: tpu7x:2x2x1
jax: 0.10.2.dev20260603
libtpu: 0.0.44.dev20260713+nightly
codegen_flags: <defaults>
</compile_context>

<pallas_src>
import functools

import jax
import jax.numpy as jnp
from jax import lax
from jax.experimental import pallas as pl
from jax.experimental.pallas import tpu as pltpu
from jax.experimental.pallas import tpu_sc as plsc

N, E, D = 10000, 320000, 128
NC, NS = 2, 16
NW = NC * NS
CHUNK = 64
CP = 160
NBUF = 4
IBUF = 8
E_PAD = NW * CP * CHUNK
N_PAD = 10112
RPT = N_PAD // NS
DEG_W = 16
TC_BLK = 400
SLICES = tuple((o, min(CHUNK, RPT - o)) for o in range(0, RPT, CHUNK))


def _make_sc_agg(with_deg):
    mesh = plsc.VectorSubcoreMesh(core_axis_name="c", subcore_axis_name="s")
    out_type = [jax.ShapeDtypeStruct((NC * N_PAD, D), jnp.float32)]
    scratch = [
        pltpu.VMEM((IBUF, 2, CHUNK), jnp.int32),
        pltpu.VMEM((NBUF, CHUNK, D), jnp.float32),
        pltpu.VMEM_SHARED((N_PAD, D), jnp.float32),
        pltpu.SemaphoreType.DMA((IBUF,)),
        pltpu.SemaphoreType.DMA((NBUF,)),
        pltpu.SemaphoreType.DMA((NBUF,)),
    ]
    if with_deg:
        out_type.append(jax.ShapeDtypeStruct((NC * N_PAD, DEG_W), jnp.float32))
        scratch += [
            pltpu.VMEM((CHUNK, DEG_W), jnp.float32),
            pltpu.VMEM_SHARED((N_PAD, DEG_W), jnp.float32),
            pltpu.SemaphoreType.DMA((NBUF,)),
        ]

    def body(*refs):
        if with_deg:
            (x_hbm, idx_hbm, z_d, z_g, one_g,
             agg_out, deg_out, ibuf, rows_v, acc, isem, gsem, ssem,
             ones_v, dacc, dsem) = refs
        else:
            (x_hbm, idx_hbm, z_d,
             agg_out, ibuf, rows_v, acc, isem, gsem, ssem) = refs
        c = lax.axis_index("c")
        s = lax.axis_index("s")
        wid = c * NS + s
        row0 = s * RPT

        pltpu.sync_copy(z_d.at[pl.ds(row0, RPT)], acc.at[pl.ds(row0, RPT)])
        if with_deg:
            pltpu.sync_copy(z_g.at[pl.ds(row0, RPT)],
                            dacc.at[pl.ds(row0, RPT)])
            pltpu.sync_copy(one_g, ones_v)
        plsc.subcore_barrier()

        def idx_fetch(j, k):
            pltpu.async_copy(idx_hbm.at[wid].at[j], ibuf.at[k], isem.at[k])

        def idx_wait(j, k):
            pltpu.make_async_copy(idx_hbm.at[wid].at[j], ibuf.at[k],
                                  isem.at[k]).wait()

        def start_gather(k, b):
            pltpu.async_copy(x_hbm.at[ibuf.at[k].at[0]], rows_v.at[b],
                             gsem.at[b])

        def wait_gather(k, b):
            pltpu.make_async_copy(x_hbm.at[ibuf.at[k].at[0]], rows_v.at[b],
                                  gsem.at[b]).wait()

        def start_scatters(k, b):
            pltpu.async_copy(rows_v.at[b], acc.at[ibuf.at[k].at[1]],
                             ssem.at[b], add=True)
            if with_deg:
                pltpu.async_copy(ones_v, dacc.at[ibuf.at[k].at[1]],
                                 dsem.at[b], add=True)

        def wait_scatters(k, b):
            pltpu.make_async_copy(rows_v.at[b], acc.at[ibuf.at[k].at[1]],
                                  ssem.at[b]).wait()
            if with_deg:
                pltpu.make_async_copy(ones_v, dacc.at[ibuf.at[k].at[1]],
                                      dsem.at[b]).wait()

        for j in range(IBUF):
            idx_fetch(j, j)
        for b in range(NBUF):
            idx_wait(b, b)
            start_gather(b, b)

        @pl.loop(0, CP // NBUF)
        def _(t):
            for b in range(NBUF):
                j = NBUF * t + b
                k = j % IBUF
                wait_gather(k, b)
                start_scatters(k, b)
                jn = j + NBUF

                @pl.when(jn < CP)
                def _():
                    kn = jn % IBUF
                    idx_wait(jn, kn)
                    wait_scatters(k, b)
                    start_gather(kn, b)

                jf = j + IBUF

                @pl.when(jf < CP)
                def _():
                    idx_fetch(jf, k)

        for b in range(NBUF):
            j = CP - NBUF + b
            wait_scatters(j % IBUF, b)

        plsc.subcore_barrier()
        out_row0 = c * N_PAD + row0
        pltpu.sync_copy(acc.at[pl.ds(row0, RPT)],
                        agg_out.at[pl.ds(out_row0, RPT)])
        if with_deg:
            pltpu.sync_copy(dacc.at[pl.ds(row0, RPT)],
                            deg_out.at[pl.ds(out_row0, RPT)])

    return pl.kernel(body, out_type=out_type, mesh=mesh,
                     scratch_types=scratch,
                     compiler_params=pltpu.CompilerParams(
                         use_tc_tiling_on_sc=False))


_sc_agg_deg = _make_sc_agg(True)
_sc_agg = _make_sc_agg(False)


def _tc_xr_body(x_ref, wr_ref, b_ref, o_ref):
    o_ref[...] = jnp.dot(x_ref[...], wr_ref[...],
                         preferred_element_type=jnp.float32,
                         precision=lax.Precision.HIGHEST) + b_ref[...]


def _tc_xr(xin, wrT, b2):
    row_spec = pl.BlockSpec((TC_BLK, D), lambda i: (i, 0))
    return pl.pallas_call(
        _tc_xr_body,
        grid=(N // TC_BLK,),
        in_specs=[row_spec, pl.BlockSpec((D, D), lambda i: (0, 0)),
                  pl.BlockSpec((1, D), lambda i: (0, 0))],
        out_specs=row_spec,
        out_shape=jax.ShapeDtypeStruct((N, D), jnp.float32),
    )(xin, wrT, b2)


def _tc_body(p0_ref, p1_ref, d0_ref, d1_ref, xr_ref, wl_ref, o_ref, *, relu):
    deg = d0_ref[:, :1] + d1_ref[:, :1]
    deg = jnp.maximum(deg, 1.0)
    mean = (p0_ref[...] + p1_ref[...]) / deg
    acc = jnp.dot(mean, wl_ref[...], preferred_element_type=jnp.float32,
                  precision=lax.Precision.HIGHEST)
    acc = acc + xr_ref[...]
    if relu:
        acc = jnp.maximum(acc, 0.0)
    o_ref[...] = acc


def _tc_layer(p0, p1, d0, d1, xr, wlT, relu):
    row_spec = pl.BlockSpec((TC_BLK, D), lambda i: (i, 0))
    deg_spec = pl.BlockSpec((TC_BLK, DEG_W), lambda i: (i, 0))
    w_spec = pl.BlockSpec((D, D), lambda i: (0, 0))
    return pl.pallas_call(
        functools.partial(_tc_body, relu=relu),
        grid=(N // TC_BLK,),
        in_specs=[row_spec, row_spec, deg_spec, deg_spec, row_spec, w_spec],
        out_specs=row_spec,
        out_shape=jax.ShapeDtypeStruct((N, D), jnp.float32),
    )(p0, p1, d0, d1, xr, wlT)


def kernel(x, edge_index, W_l1, b_l1, W_r1, W_l2, b_l2, W_r2):
    ept = E // NW
    ppt = CP * CHUNK - ept
    src2 = edge_index[0].reshape(NW, ept)
    dst2 = edge_index[1].reshape(NW, ept)
    pad_src = jnp.zeros((NW, ppt), jnp.int32)
    w = jnp.arange(NW, dtype=jnp.int32)[:, None]
    pad_dst = N + (jnp.arange(ppt, dtype=jnp.int32)[None, :] + 7 * w) % (N_PAD - N)
    src3 = jnp.concatenate([src2, pad_src], axis=1).reshape(NW, CP, CHUNK)
    dst3 = jnp.concatenate([dst2, pad_dst], axis=1).reshape(NW, CP, CHUNK)
    idx4 = jnp.stack([src3, dst3], axis=2)

    zeros_d = jnp.zeros((N_PAD, D), jnp.float32)
    zeros_g = jnp.zeros((N_PAD, DEG_W), jnp.float32)
    ones_g = jnp.ones((CHUNK, DEG_W), jnp.float32)

    agg1, deg = _sc_agg_deg(x, idx4, zeros_d, zeros_g, ones_g)
    xr1 = _tc_xr(x, W_r1.T, b_l1.reshape(1, D))
    p0, p1 = agg1[:N], agg1[N_PAD:N_PAD + N]
    d0, d1 = deg[:N], deg[N_PAD:N_PAD + N]
    h = _tc_layer(p0, p1, d0, d1, xr1, W_l1.T, relu=True)

    (agg2,) = _sc_agg(h, idx4, zeros_d)
    xr2 = _tc_xr(h, W_r2.T, b_l2.reshape(1, D))
    q0, q1 = agg2[:N], agg2[N_PAD:N_PAD + N]
    out = _tc_layer(q0, q1, d0, d1, xr2, W_l2.T, relu=False)
    return out

# --- scband reference (transcript-rebuilt; emitter-appended) ---
"""Pipeline reference for scband-graph-sage-54193897341395 (READ-ONLY COPY).

The authoritative reference and input builder live on the scoring server;
editing this copy changes nothing except your own understanding.
"""

import jax, jax.numpy as jnp
import numpy as np

N, E, D_IN, D_HID, D_OUT = 10000, 320000, 128, 128, 128


def setup_inputs(seed: int = 0) -> dict:
    key = jax.random.key(seed)
    ks = jax.random.split(key, 8)
    x = jax.random.normal(ks[0], (N, D_IN), dtype=jnp.float32)
    edge_index = jax.random.randint(ks[1], (2, E), 0, N, dtype=jnp.int32)
    s1 = 1.0 / np.sqrt(D_IN)
    s2 = 1.0 / np.sqrt(D_HID)
    W_l1 = jax.random.uniform(ks[2], (D_HID, D_IN), jnp.float32, -s1, s1)
    b_l1 = jax.random.uniform(ks[3], (D_HID,), jnp.float32, -s1, s1)
    W_r1 = jax.random.uniform(ks[4], (D_HID, D_IN), jnp.float32, -s1, s1)
    W_l2 = jax.random.uniform(ks[5], (D_OUT, D_HID), jnp.float32, -s2, s2)
    b_l2 = jax.random.uniform(ks[6], (D_OUT,), jnp.float32, -s2, s2)
    W_r2 = jax.random.uniform(ks[7], (D_OUT, D_HID), jnp.float32, -s2, s2)
    return {"x": x, "edge_index": edge_index, "W_l1": W_l1, "b_l1": b_l1,
            "W_r1": W_r1, "W_l2": W_l2, "b_l2": b_l2, "W_r2": W_r2}


def _sage_conv(x, src, dst, W_l, b_l, W_r):
    # PyG SAGEConv (aggr='mean'): out = lin_l(mean_{j in N(i)} x_j) + lin_r(x_i)
    msg = jnp.take(x, src, axis=0)
    agg = jax.ops.segment_sum(msg, dst, num_segments=N)
    deg = jax.ops.segment_sum(jnp.ones((msg.shape[0],), dtype=x.dtype), dst, num_segments=N)
    mean = agg / jnp.clip(deg, 1.0, None)[:, None]
    return mean @ W_l.T + b_l + x @ W_r.T


def reference(x, edge_index, W_l1, b_l1, W_r1, W_l2, b_l2, W_r2):
    src = edge_index[0]
    dst = edge_index[1]
    h = _sage_conv(x, src, dst, W_l1, b_l1, W_r1)
    h = jax.nn.relu(h)
    # dropout(p=0.1) is identity in eval mode
    out = _sage_conv(h, src, dst, W_l2, b_l2, W_r2)
    return out

if __name__ == "__main__":
    import jax
    _d = setup_inputs()
    print(jax.jit(kernel)(*tuple(_d.values())))

</pallas_src>

<mosaic_0001>
#map = affine_map<(d0, d1) -> (0, 0)>
#map1 = affine_map<(d0, d1) -> (0, 0, 0, 0)>
module attributes {stable_mosaic.version = 14 : i64} {
  func.func @body(%arg0: i32, %arg1: i32, %arg2: memref<10000x128xf32, #tpu.memory_space<hbm>>, %arg3: memref<32x160x2x64xi32, #tpu.memory_space<hbm>>, %arg4: memref<10112x128xf32, #tpu.memory_space<hbm>>, %arg5: memref<10112x16xf32, #tpu.memory_space<hbm>>, %arg6: memref<64x16xf32, #tpu.memory_space<hbm>>, %arg7: memref<20224x128xf32, #tpu.memory_space<hbm>>, %arg8: memref<20224x16xf32, #tpu.memory_space<hbm>>, %arg9: memref<8x2x64xi32, #tpu.memory_space<vmem>>, %arg10: memref<4x64x128xf32, #tpu.memory_space<vmem>>, %arg11: memref<10112x128xf32, #tpu.memory_space<vmem_shared>>, %arg12: memref<8x!tpu.dma_semaphore, #tpu.memory_space<semaphore_mem>>, %arg13: memref<4x!tpu.dma_semaphore, #tpu.memory_space<semaphore_mem>>, %arg14: memref<4x!tpu.dma_semaphore, #tpu.memory_space<semaphore_mem>>, %arg15: memref<64x16xf32, #tpu.memory_space<vmem>>, %arg16: memref<10112x16xf32, #tpu.memory_space<vmem_shared>>, %arg17: memref<4x!tpu.dma_semaphore, #tpu.memory_space<semaphore_mem>>) attributes {dimension_semantics = [#tpu.dimension_semantics<core_parallel>, #tpu.dimension_semantics<subcore_parallel>], iteration_bounds = array<i64: 2, 16>, scalar_prefetch = 0 : i64, scratch_operands = 9 : i64, tpu.core_type = #tpu.core_type<sc_vector_subcore>, window_params = [{transform_indices = #map}, {transform_indices = #map1}, {transform_indices = #map}, {transform_indices = #map}, {transform_indices = #map}, {transform_indices = #map}, {transform_indices = #map}]} {
    %mul3A = arith.constant 16 : i32
    %mul3A_0 = arith.muli %arg0, %mul3A : i32
    %add3A = arith.addi %mul3A_0, %arg1 : i32
    %mul3A_1 = arith.constant 632 : i32
    %mul3A_2 = arith.muli %arg1, %mul3A_1 : i32
    "tpu.region"() ({
      %run_scoped3A = tpu.sem_alloc : memref<!tpu.dma_semaphore, #tpu.memory_space<semaphore_mem>>
      %dma_start3A_601 = arith.constant 0 : i32
      %dma_start3A_602 = tpu.memref_slice %arg11[%mul3A_2, %dma_start3A_601] : memref<10112x128xf32, #tpu.memory_space<vmem_shared>> -> memref<632x128xf32, #tpu.memory_space<vmem_shared>>
      %dma_start3A_603 = arith.constant 0 : i32
      %dma_start3A_604 = tpu.memref_slice %arg4[%mul3A_2, %dma_start3A_603] : memref<10112x128xf32, #tpu.memory_space<hbm>> -> memref<632x128xf32, #tpu.memory_space<hbm>>
      tpu.enqueue_dma source(%dma_start3A_604 : memref<632x128xf32, #tpu.memory_space<hbm>>) target(%dma_start3A_602 : memref<632x128xf32, #tpu.memory_space<vmem_shared>>) target_semaphore(%run_scoped3A : memref<!tpu.dma_semaphore, #tpu.memory_space<semaphore_mem>>)
      %dma_wait3A_605 = arith.constant 0 : i32
      %dma_wait3A_606 = tpu.memref_slice %arg11[%mul3A_2, %dma_wait3A_605] : memref<10112x128xf32, #tpu.memory_space<vmem_shared>> -> memref<632x128xf32, #tpu.memory_space<vmem_shared>>
      %dma_wait3A_607 = arith.constant 0 : i32
      %dma_wait3A_608 = tpu.memref_slice %arg4[%mul3A_2, %dma_wait3A_607] : memref<10112x128xf32, #tpu.memory_space<hbm>> -> memref<632x128xf32, #tpu.memory_space<hbm>>
      tpu.wait_dma2 semaphore(%run_scoped3A : memref<!tpu.dma_semaphore, #tpu.memory_space<semaphore_mem>>) src(%dma_wait3A_608 : memref<632x128xf32, #tpu.memory_space<hbm>>) dst(%dma_wait3A_606 : memref<632x128xf32, #tpu.memory_space<vmem_shared>>)
      tpu.yield
    }) : () -> ()
    "tpu.region"() ({
      %run_scoped3A = tpu.sem_alloc : memref<!tpu.dma_semaphore, #tpu.memory_space<semaphore_mem>>
      %dma_start3A_601 = arith.constant 0 : i32
      %dma_start3A_602 = tpu.memref_slice %arg16[%mul3A_2, %dma_start3A_601] : memref<10112x16xf32, #tpu.memory_space<vmem_shared>> -> memref<632x16xf32, #tpu.memory_space<vmem_shared>>
      %dma_start3A_603 = arith.constant 0 : i32
      %dma_start3A_604 = tpu.memref_slice %arg5[%mul3A_2, %dma_start3A_603] : memref<10112x16xf32, #tpu.memory_space<hbm>> -> memref<632x16xf32, #tpu.memory_space<hbm>>
      tpu.enqueue_dma source(%dma_start3A_604 : memref<632x16xf32, #tpu.memory_space<hbm>>) target(%dma_start3A_602 : memref<632x16xf32, #tpu.memory_space<vmem_shared>>) target_semaphore(%run_scoped3A : memref<!tpu.dma_semaphore, #tpu.memory_space<semaphore_mem>>)
      %dma_wait3A_605 = arith.constant 0 : i32
      %dma_wait3A_606 = tpu.memref_slice %arg16[%mul3A_2, %dma_wait3A_605] : memref<10112x16xf32, #tpu.memory_space<vmem_shared>> -> memref<632x16xf32, #tpu.memory_space<vmem_shared>>
      %dma_wait3A_607 = arith.constant 0 : i32
      %dma_wait3A_608 = tpu.memref_slice %arg5[%mul3A_2, %dma_wait3A_607] : memref<10112x16xf32, #tpu.memory_space<hbm>> -> memref<632x16xf32, #tpu.memory_space<hbm>>
      tpu.wait_dma2 semaphore(%run_scoped3A : memref<!tpu.dma_semaphore, #tpu.memory_space<semaphore_mem>>) src(%dma_wait3A_608 : memref<632x16xf32, #tpu.memory_space<hbm>>) dst(%dma_wait3A_606 : memref<632x16xf32, #tpu.memory_space<vmem_shared>>)
      tpu.yield
    }) : () -> ()
    "tpu.region"() ({
      %run_scoped3A = tpu.sem_alloc : memref<!tpu.dma_semaphore, #tpu.memory_space<semaphore_mem>>
      tpu.enqueue_dma source(%arg6 : memref<64x16xf32, #tpu.memory_space<hbm>>) target(%arg15 : memref<64x16xf32, #tpu.memory_space<vmem>>) target_semaphore(%run_scoped3A : memref<!tpu.dma_semaphore, #tpu.memory_space<semaphore_mem>>)
      tpu.wait_dma2 semaphore(%run_scoped3A : memref<!tpu.dma_semaphore, #tpu.memory_space<semaphore_mem>>) src(%arg6 : memref<64x16xf32, #tpu.memory_space<hbm>>) dst(%arg15 : memref<64x16xf32, #tpu.memory_space<vmem>>)
      tpu.yield
    }) : () -> ()
    %barrier3A = arith.constant 0 : index
    tpu.barrier barrier_id(%barrier3A)
    %dma_start3A = arith.constant 0 : i32
    %dma_start3A_3 = arith.constant 0 : i32
    %dma_start3A_4 = arith.constant 0 : i32
    %dma_start3A_5 = arith.constant 0 : i32
    %dma_start3A_6 = arith.constant 0 : i32
    %dma_start3A_7 = tpu.memref_slice %arg9[%dma_start3A_3, %dma_start3A_5, %dma_start3A_6] : memref<8x2x64xi32, #tpu.memory_space<vmem>> -> memref<1x2x64xi32, #tpu.memory_space<vmem>>
    %dma_start3A_8 = tpu.memref_squeeze %dma_start3A_7 : memref<1x2x64xi32, #tpu.memory_space<vmem>> -> memref<2x64xi32, #tpu.memory_space<vmem>>
    %dma_start3A_9 = arith.constant 0 : i32
    %dma_start3A_10 = arith.constant 0 : i32
    %dma_start3A_11 = arith.constant 0 : i32
    %dma_start3A_12 = tpu.memref_slice %arg3[%add3A, %dma_start3A_9, %dma_start3A_10, %dma_start3A_11] : memref<32x160x2x64xi32, #tpu.memory_space<hbm>> -> memref<1x160x2x64xi32, #tpu.memory_space<hbm>>
    %dma_start3A_13 = tpu.memref_squeeze %dma_start3A_12 : memref<1x160x2x64xi32, #tpu.memory_space<hbm>> -> memref<160x2x64xi32, #tpu.memory_space<hbm>>
    %dma_start3A_14 = arith.constant 0 : i32
    %dma_start3A_15 = arith.constant 0 : i32
    %dma_start3A_16 = tpu.memref_slice %dma_start3A_13[%dma_start3A, %dma_start3A_14, %dma_start3A_15] : memref<160x2x64xi32, #tpu.memory_space<hbm>> -> memref<1x2x64xi32, #tpu.memory_space<hbm>>
    %dma_start3A_17 = tpu.memref_squeeze %dma_start3A_16 : memref<1x2x64xi32, #tpu.memory_space<hbm>> -> memref<2x64xi32, #tpu.memory_space<hbm>>
    %dma_start3A_18 = tpu.memref_slice %arg12[%dma_start3A_4] : memref<8x!tpu.dma_semaphore, #tpu.memory_space<semaphore_mem>> -> memref<1x!tpu.dma_semaphore, #tpu.memory_space<semaphore_mem>>
    %dma_start3A_19 = tpu.memref_squeeze %dma_start3A_18 : memref<1x!tpu.dma_semaphore, #tpu.memory_space<semaphore_mem>> -> memref<!tpu.dma_semaphore, #tpu.memory_space<semaphore_mem>>
    %dma_start3A_20 = arith.constant 0 : i32
    %dma_start3A_21 = arith.constant 0 : i32
    %dma_start3A_22 = tpu.memref_slice %arg9[%dma_start3A_3, %dma_start3A_20, %dma_start3A_21] : memref<8x2x64xi32, #tpu.memory_space<vmem>> -> memref<1x2x64xi32, #tpu.memory_space<vmem>>
    %dma_start3A_23 = tpu.memref_squeeze %dma_start3A_22 : memref<1x2x64xi32, #tpu.memory_space<vmem>> -> memref<2x64xi32, #tpu.memory_space<vmem>>
    %dma_start3A_24 = arith.constant 0 : i32
    %dma_start3A_25 = arith.constant 0 : i32
    %dma_start3A_26 = arith.constant 0 : i32
    %dma_start3A_27 = tpu.memref_slice %arg3[%add3A, %dma_start3A_24, %dma_start3A_25, %dma_start3A_26] : memref<32x160x2x64xi32, #tpu.memory_space<hbm>> -> memref<1x160x2x64xi32, #tpu.memory_space<hbm>>
    %dma_start3A_28 = tpu.memref_squeeze %dma_start3A_27 : memref<1x160x2x64xi32, #tpu.memory_space<hbm>> -> memref<160x2x64xi32, #tpu.memory_space<hbm>>
    %dma_start3A_29 = arith.constant 0 : i32
    %dma_start3A_30 = arith.constant 0 : i32
    %dma_start3A_31 = tpu.memref_slice %dma_start3A_28[%dma_start3A, %dma_start3A_29, %dma_start3A_30] : memref<160x2x64xi32, #tpu.memory_space<hbm>> -> memref<1x2x64xi32, #tpu.memory_space<hbm>>
    %dma_start3A_32 = tpu.memref_squeeze %dma_start3A_31 : memref<1x2x64xi32, #tpu.memory_space<hbm>> -> memref<2x64xi32, #tpu.memory_space<hbm>>
    tpu.enqueue_dma source(%dma_start3A_32 : memref<2x64xi32, #tpu.memory_space<hbm>>) target(%dma_start3A_23 : memref<2x64xi32, #tpu.memory_space<vmem>>) target_semaphore(%dma_start3A_19 : memref<!tpu.dma_semaphore, #tpu.memory_space<semaphore_mem>>)
    %dma_start3A_33 = arith.constant 1 : i32
    %dma_start3A_34 = arith.constant 1 : i32
    %dma_start3A_35 = arith.constant 1 : i32
    %dma_start3A_36 = arith.constant 0 : i32
    %dma_start3A_37 = arith.constant 0 : i32
    %dma_start3A_38 = tpu.memref_slice %arg9[%dma_start3A_34, %dma_start3A_36, %dma_start3A_37] : memref<8x2x64xi32, #tpu.memory_space<vmem>> -> memref<1x2x64xi32, #tpu.memory_space<vmem>>
    %dma_start3A_39 = tpu.memref_squeeze %dma_start3A_38 : memref<1x2x64xi32, #tpu.memory_space<vmem>> -> memref<2x64xi32, #tpu.memory_space<vmem>>
    %dma_start3A_40 = arith.constant 0 : i32
    %dma_start3A_41 = arith.constant 0 : i32
    %dma_start3A_42 = arith.constant 0 : i32
    %dma_start3A_43 = tpu.memref_slice %arg3[%add3A, %dma_start3A_40, %dma_start3A_41, %dma_start3A_42] : memref<32x160x2x64xi32, #tpu.memory_space<hbm>> -> memref<1x160x2x64xi32, #tpu.memory_space<hbm>>
    %dma_start3A_44 = tpu.memref_squeeze %dma_start3A_43 : memref<1x160x2x64xi32, #tpu.memory_space<hbm>> -> memref<160x2x64xi32, #tpu.memory_space<hbm>>
    %dma_start3A_45 = arith.constant 0 : i32
    %dma_start3A_46 = arith.constant 0 : i32
    %dma_start3A_47 = tpu.memref_slice %dma_start3A_44[%dma_start3A_33, %dma_start3A_45, %dma_start3A_46] : memref<160x2x64xi32, #tpu.memory_space<hbm>> -> memref<1x2x64xi32, #tpu.memory_space<hbm>>
    %dma_start3A_48 = tpu.memref_squeeze %dma_start3A_47 : memref<1x2x64xi32, #tpu.memory_space<hbm>> -> memref<2x64xi32, #tpu.memory_space<hbm>>
    %dma_start3A_49 = tpu.memref_slice %arg12[%dma_start3A_35] : memref<8x!tpu.dma_semaphore, #tpu.memory_space<semaphore_mem>> -> memref<1x!tpu.dma_semaphore, #tpu.memory_space<semaphore_mem>>
    %dma_start3A_50 = tpu.memref_squeeze %dma_start3A_49 : memref<1x!tpu.dma_semaphore, #tpu.memory_space<semaphore_mem>> -> memref<!tpu.dma_semaphore, #tpu.memory_space<semaphore_mem>>
    %dma_start3A_51 = arith.constant 0 : i32
    %dma_start3A_52 = arith.constant 0 : i32
    %dma_start3A_53 = tpu.memref_slice %arg9[%dma_start3A_34, %dma_start3A_51, %dma_start3A_52] : memref<8x2x64xi32, #tpu.memory_space<vmem>> -> memref<1x2x64xi32, #tpu.memory_space<vmem>>
    %dma_start3A_54 = tpu.memref_squeeze %dma_start3A_53 : memref<1x2x64xi32, #tpu.memory_space<vmem>> -> memref<2x64xi32, #tpu.memory_space<vmem>>
    %dma_start3A_55 = arith.constant 0 : i32
    %dma_start3A_56 = arith.constant 0 : i32
    %dma_start3A_57 = arith.constant 0 : i32
    %dma_start3A_58 = tpu.memref_slice %arg3[%add3A, %dma_start3A_55, %dma_start3A_56, %dma_start3A_57] : memref<32x160x2x64xi32, #tpu.memory_space<hbm>> -> memref<1x160x2x64xi32, #tpu.memory_space<hbm>>
    %dma_start3A_59 = tpu.memref_squeeze %dma_start3A_58 : memref<1x160x2x64xi32, #tpu.memory_space<hbm>> -> memref<160x2x64xi32, #tpu.memory_space<hbm>>
    %dma_start3A_60 = arith.constant 0 : i32
    %dma_start3A_61 = arith.constant 0 : i32
    %dma_start3A_62 = tpu.memref_slice %dma_start3A_59[%dma_start3A_33, %dma_start3A_60, %dma_start3A_61] : memref<160x2x64xi32, #tpu.memory_space<hbm>> -> memref<1x2x64xi32, #tpu.memory_space<hbm>>
    %dma_start3A_63 = tpu.memref_squeeze %dma_start3A_62 : memref<1x2x64xi32, #tpu.memory_space<hbm>> -> memref<2x64xi32, #tpu.memory_space<hbm>>
    tpu.enqueue_dma source(%dma_start3A_63 : memref<2x64xi32, #tpu.memory_space<hbm>>) target(%dma_start3A_54 : memref<2x64xi32, #tpu.memory_space<vmem>>) target_semaphore(%dma_start3A_50 : memref<!tpu.dma_semaphore, #tpu.memory_space<semaphore_mem>>)
    %dma_start3A_64 = arith.constant 2 : i32
    %dma_start3A_65 = arith.constant 2 : i32
    %dma_start3A_66 = arith.constant 2 : i32
    %dma_start3A_67 = arith.constant 0 : i32
    %dma_start3A_68 = arith.constant 0 : i32
    %dma_start3A_69 = tpu.memref_slice %arg9[%dma_start3A_65, %dma_start3A_67, %dma_start3A_68] : memref<8x2x64xi32, #tpu.memory_space<vmem>> -> memref<1x2x64xi32, #tpu.memory_space<vmem>>
    %dma_start3A_70 = tpu.memref_squeeze %dma_start3A_69 : memref<1x2x64xi32, #tpu.memory_space<vmem>> -> memref<2x64xi32, #tpu.memory_space<vmem>>
    %dma_start3A_71 = arith.constant 0 : i32
    %dma_start3A_72 = arith.constant 0 : i32
    %dma_start3A_73 = arith.constant 0 : i32
    %dma_start3A_74 = tpu.memref_slice %arg3[%add3A, %dma_start3A_71, %dma_start3A_72, %dma_start3A_73] : memref<32x160x2x64xi32, #tpu.memory_space<hbm>> -> memref<1x160x2x64xi32, #tpu.memory_space<hbm>>
    %dma_start3A_75 = tpu.memref_squeeze %dma_start3A_74 : memref<1x160x2x64xi32, #tpu.memory_space<hbm>> -> memref<160x2x64xi32, #tpu.memory_space<hbm>>
    %dma_start3A_76 = arith.constant 0 : i32
    %dma_start3A_77 = arith.constant 0 : i32
    %dma_start3A_78 = tpu.memref_slice %dma_start3A_75[%dma_start3A_64, %dma_start3A_76, %dma_start3A_77] : memref<160x2x64xi32, #tpu.memory_space<hbm>> -> memref<1x2x64xi32, #tpu.memory_space<hbm>>
    %dma_start3A_79 = tpu.memref_squeeze %dma_start3A_78 : memref<1x2x64xi32, #tpu.memory_space<hbm>> -> memref<2x64xi32, #tpu.memory_space<hbm>>
    %dma_start3A_80 = tpu.memref_slice %arg12[%dma_start3A_66] : memref<8x!tpu.dma_semaphore, #tpu.memory_space<semaphore_mem>> -> memref<1x!tpu.dma_semaphore, #tpu.memory_space<semaphore_mem>>
    %dma_start3A_81 = tpu.memref_squeeze %dma_start3A_80 : memref<1x!tpu.dma_semaphore, #tpu.memory_space<semaphore_mem>> -> memref<!tpu.dma_semaphore, #tpu.memory_space<semaphore_mem>>
    %dma_start3A_82 = arith.constant 0 : i32
    %dma_start3A_83 = arith.constant 0 : i32
    %dma_start3A_84 = tpu.memref_slice %arg9[%dma_start3A_65, %dma_start3A_82, %dma_start3A_83] : memref<8x2x64xi32, #tpu.memory_space<vmem>> -> memref<1x2x64xi32, #tpu.memory_space<vmem>>
    %dma_start3A_85 = tpu.memref_squeeze %dma_start3A_84 : memref<1x2x64xi32, #tpu.memory_space<vmem>> -> memref<2x64xi32, #tpu.memory_space<vmem>>
    %dma_start3A_86 = arith.constant 0 : i32
    %dma_start3A_87 = arith.constant 0 : i32
    %dma_start3A_88 = arith.constant 0 : i32
    %dma_start3A_89 = tpu.memref_slice %arg3[%add3A, %dma_start3A_86, %dma_start3A_87, %dma_start3A_88] : memref<32x160x2x64xi32, #tpu.memory_space<hbm>> -> memref<1x160x2x64xi32, #tpu.memory_space<hbm>>
    %dma_start3A_90 = tpu.memref_squeeze %dma_start3A_89 : memref<1x160x2x64xi32, #tpu.memory_space<hbm>> -> memref<160x2x64xi32, #tpu.memory_space<hbm>>
    %dma_start3A_91 = arith.constant 0 : i32
    %dma_start3A_92 = arith.constant 0 : i32
    %dma_start3A_93 = tpu.memref_slice %dma_start3A_90[%dma_start3A_64, %dma_start3A_91, %dma_start3A_92] : memref<160x2x64xi32, #tpu.memory_space<hbm>> -> memref<1x2x64xi32, #tpu.memory_space<hbm>>
    %dma_start3A_94 = tpu.memref_squeeze %dma_start3A_93 : memref<1x2x64xi32, #tpu.memory_space<hbm>> -> memref<2x64xi32, #tpu.memory_space<hbm>>
    tpu.enqueue_dma source(%dma_start3A_94 : memref<2x64xi32, #tpu.memory_space<hbm>>) target(%dma_start3A_85 : memref<2x64xi32, #tpu.memory_space<vmem>>) target_semaphore(%dma_start3A_81 : memref<!tpu.dma_semaphore, #tpu.memory_space<semaphore_mem>>)
    %dma_start3A_95 = arith.constant 3 : i32
    %dma_start3A_96 = arith.constant 3 : i32
    %dma_start3A_97 = arith.constant 3 : i32
    %dma_start3A_98 = arith.constant 0 : i32
    %dma_start3A_99 = arith.constant 0 : i32
    %dma_start3A_100 = tpu.memref_slice %arg9[%dma_start3A_96, %dma_start3A_98, %dma_start3A_99] : memref<8x2x64xi32, #tpu.memory_space<vmem>> -> memref<1x2x64xi32, #tpu.memory_space<vmem>>
    %dma_start3A_101 = tpu.memref_squeeze %dma_start3A_100 : memref<1x2x64xi32, #tpu.memory_space<vmem>> -> memref<2x64xi32, #tpu.memory_space<vmem>>
    %dma_start3A_102 = arith.constant 0 : i32
    %dma_start3A_103 = arith.constant 0 : i32
    %dma_start3A_104 = arith.constant 0 : i32
    %dma_start3A_105 = tpu.memref_slice %arg3[%add3A, %dma_start3A_102, %dma_start3A_103, %dma_start3A_104] : memref<32x160x2x64xi32, #tpu.memory_space<hbm>> -> memref<1x160x2x64xi32, #tpu.memory_space<hbm>>
    %dma_start3A_106 = tpu.memref_squeeze %dma_start3A_105 : memref<1x160x2x64xi32, #tpu.memory_space<hbm>> -> memref<160x2x64xi32, #tpu.memory_space<hbm>>
    %dma_start3A_107 = arith.constant 0 : i32
    %dma_start3A_108 = arith.constant 0 : i32
    %dma_start3A_109 = tpu.memref_slice %dma_start3A_106[%dma_start3A_95, %dma_start3A_107, %dma_start3A_108] : memref<160x2x64xi32, #tpu.memory_space<hbm>> -> memref<1x2x64xi32, #tpu.memory_space<hbm>>
    %dma_start3A_110 = tpu.memref_squeeze %dma_start3A_109 : memref<1x2x64xi32, #tpu.memory_space<hbm>> -> memref<2x64xi32, #tpu.memory_space<hbm>>
    %dma_start3A_111 = tpu.memref_slice %arg12[%dma_start3A_97] : memref<8x!tpu.dma_semaphore, #tpu.memory_space<semaphore_mem>> -> memref<1x!tpu.dma_semaphore, #tpu.memory_space<semaphore_mem>>
    %dma_start3A_112 = tpu.memref_squeeze %dma_start3A_111 : memref<1x!tpu.dma_semaphore, #tpu.memory_space<semaphore_mem>> -> memref<!tpu.dma_semaphore, #tpu.memory_space<semaphore_mem>>
    %dma_start3A_113 = arith.constant 0 : i32
    %dma_start3A_114 = arith.constant 0 : i32
    %dma_start3A_115 = tpu.memref_slice %arg9[%dma_start3A_96, %dma_start3A_113, %dma_start3A_114] : memref<8x2x64xi32, #tpu.memory_space<vmem>> -> memref<1x2x64xi32, #tpu.memory_space<vmem>>
    %dma_start3A_116 = tpu.memref_squeeze %dma_start3A_115 : memref<1x2x64xi32, #tpu.memory_space<vmem>> -> memref<2x64xi32, #tpu.memory_space<vmem>>
    %dma_start3A_117 = arith.constant 0 : i32
    %dma_start3A_118 = arith.constant 0 : i32
    %dma_start3A_119 = arith.constant 0 : i32
    %dma_start3A_120 = tpu.memref_slice %arg3[%add3A, %dma_start3A_117, %dma_start3A_118, %dma_start3A_119] : memref<32x160x2x64xi32, #tpu.memory_space<hbm>> -> memref<1x160x2x64xi32, #tpu.memory_space<hbm>>
    %dma_start3A_121 = tpu.memref_squeeze %dma_start3A_120 : memref<1x160x2x64xi32, #tpu.memory_space<hbm>> -> memref<160x2x64xi32, #tpu.memory_space<hbm>>
    %dma_start3A_122 = arith.constant 0 : i32
    %dma_start3A_123 = arith.constant 0 : i32
    %dma_start3A_124 = tpu.memref_slice %dma_start3A_121[%dma_start3A_95, %dma_start3A_122, %dma_start3A_123] : memref<160x2x64xi32, #tpu.memory_space<hbm>> -> memref<1x2x64xi32, #tpu.memory_space<hbm>>
    %dma_start3A_125 = tpu.memref_squeeze %dma_start3A_124 : memref<1x2x64xi32, #tpu.memory_space<hbm>> -> memref<2x64xi32, #tpu.memory_space<hbm>>
    tpu.enqueue_dma source(%dma_start3A_125 : memref<2x64xi32, #tpu.memory_space<hbm>>) target(%dma_start3A_116 : memref<2x64xi32, #tpu.memory_space<vmem>>) target_semaphore(%dma_start3A_112 : memref<!tpu.dma_semaphore, #tpu.memory_space<semaphore_mem>>)
    %dma_start3A_126 = arith.constant 4 : i32
    %dma_start3A_127 = arith.constant 4 : i32
    %dma_start3A_128 = arith.constant 4 : i32
    %dma_start3A_129 = arith.constant 0 : i32
    %dma_start3A_130 = arith.constant 0 : i32
    %dma_start3A_131 = tpu.memref_slice %arg9[%dma_start3A_127, %dma_start3A_129, %dma_start3A_130] : memref<8x2x64xi32, #tpu.memory_space<vmem>> -> memref<1x2x64xi32, #tpu.memory_space<vmem>>
    %dma_start3A_132 = tpu.memref_squeeze %dma_start3A_131 : memref<1x2x64xi32, #tpu.memory_space<vmem>> -> memref<2x64xi32, #tpu.memory_space<vmem>>
    %dma_start3A_133 = arith.constant 0 : i32
    %dma_start3A_134 = arith.constant 0 : i32
    %dma_start3A_135 = arith.constant 0 : i32
    %dma_start3A_136 = tpu.memref_slice %arg3[%add3A, %dma_start3A_133, %dma_start3A_134, %dma_start3A_135] : memref<32x160x2x64xi32, #tpu.memory_space<hbm>> -> memref<1x160x2x64xi32, #tpu.memory_space<hbm>>
    %dma_start3A_137 = tpu.memref_squeeze %dma_start3A_136 : memref<1x160x2x64xi32, #tpu.memory_space<hbm>> -> memref<160x2x64xi32, #tpu.memory_space<hbm>>
    %dma_start3A_138 = arith.constant 0 : i32
    %dma_start3A_139 = arith.constant 0 : i32
    %dma_start3A_140 = tpu.memref_slice %dma_start3A_137[%dma_start3A_126, %dma_start3A_138, %dma_start3A_139] : memref<160x2x64xi32, #tpu.memory_space<hbm>> -> memref<1x2x64xi32, #tpu.memory_space<hbm>>
    %dma_start3A_141 = tpu.memref_squeeze %dma_start3A_140 : memref<1x2x64xi32, #tpu.memory_space<hbm>> -> memref<2x64xi32, #tpu.memory_space<hbm>>
    %dma_start3A_142 = tpu.memref_slice %arg12[%dma_start3A_128] : memref<8x!tpu.dma_semaphore, #tpu.memory_space<semaphore_mem>> -> memref<1x!tpu.dma_semaphore, #tpu.memory_space<semaphore_mem>>
    %dma_start3A_143 = tpu.memref_squeeze %dma_start3A_142 : memref<1x!tpu.dma_semaphore, #tpu.memory_space<semaphore_mem>> -> memref<!tpu.dma_semaphore, #tpu.memory_space<semaphore_mem>>
    %dma_start3A_144 = arith.constant 0 : i32
    %dma_start3A_145 = arith.constant 0 : i32
    %dma_start3A_146 = tpu.memref_slice %arg9[%dma_start3A_127, %dma_start3A_144, %dma_start3A_145] : memref<8x2x64xi32, #tpu.memory_space<vmem>> -> memref<1x2x64xi32, #tpu.memory_space<vmem>>
    %dma_start3A_147 = tpu.memref_squeeze %dma_start3A_146 : memref<1x2x64xi32, #tpu.memory_space<vmem>> -> memref<2x64xi32, #tpu.memory_space<vmem>>
    %dma_start3A_148 = arith.constant 0 : i32
    %dma_start3A_149 = arith.constant 0 : i32
    %dma_start3A_150 = arith.constant 0 : i32
    %dma_start3A_151 = tpu.memref_slice %arg3[%add3A, %dma_start3A_148, %dma_start3A_149, %dma_start3A_150] : memref<32x160x2x64xi32, #tpu.memory_space<hbm>> -> memref<1x160x2x64xi32, #tpu.memory_space<hbm>>
    %dma_start3A_152 = tpu.memref_squeeze %dma_start3A_151 : memref<1x160x2x64xi32, #tpu.memory_space<hbm>> -> memref<160x2x64xi32, #tpu.memory_space<hbm>>
    %dma_start3A_153 = arith.constant 0 : i32
    %dma_start3A_154 = arith.constant 0 : i32
    %dma_start3A_155 = tpu.memref_slice %dma_start3A_152[%dma_start3A_126, %dma_start3A_153, %dma_start3A_154] : memref<160x2x64xi32, #tpu.memory_space<hbm>> -> memref<1x2x64xi32, #tpu.memory_space<hbm>>
    %dma_start3A_156 = tpu.memref_squeeze %dma_start3A_155 : memref<1x2x64xi32, #tpu.memory_space<hbm>> -> memref<2x64xi32, #tpu.memory_space<hbm>>
    tpu.enqueue_dma source(%dma_start3A_156 : memref<2x64xi32, #tpu.memory_space<hbm>>) target(%dma_start3A_147 : memref<2x64xi32, #tpu.memory_space<vmem>>) target_semaphore(%dma_start3A_143 : memref<!tpu.dma_semaphore, #tpu.memory_space<semaphore_mem>>)
    %dma_start3A_157 = arith.constant 5 : i32
    %dma_start3A_158 = arith.constant 5 : i32
    %dma_start3A_159 = arith.constant 5 : i32
    %dma_start3A_160 = arith.constant 0 : i32
    %dma_start3A_161 = arith.constant 0 : i32
    %dma_start3A_162 = tpu.memref_slice %arg9[%dma_start3A_158, %dma_start3A_160, %dma_start3A_161] : memref<8x2x64xi32, #tpu.memory_space<vmem>> -> memref<1x2x64xi32, #tpu.memory_space<vmem>>
    %dma_start3A_163 = tpu.memref_squeeze %dma_start3A_162 : memref<1x2x64xi32, #tpu.memory_space<vmem>> -> memref<2x64xi32, #tpu.memory_space<vmem>>
    %dma_start3A_164 = arith.constant 0 : i32
    %dma_start3A_165 = arith.constant 0 : i32
    %dma_start3A_166 = arith.constant 0 : i32
    %dma_start3A_167 = tpu.memref_slice %arg3[%add3A, %dma_start3A_164, %dma_start3A_165, %dma_start3A_166] : memref<32x160x2x64xi32, #tpu.memory_space<hbm>> -> memref<1x160x2x64xi32, #tpu.memory_space<hbm>>
    %dma_start3A_168 = tpu.memref_squeeze %dma_start3A_167 : memref<1x160x2x64xi32, #tpu.memory_space<hbm>> -> memref<160x2x64xi32, #tpu.memory_space<hbm>>
    %dma_start3A_169 = arith.constant 0 : i32
    %dma_start3A_170 = arith.constant 0 : i32
    %dma_start3A_171 = tpu.memref_slice %dma_start3A_168[%dma_start3A_157, %dma_start3A_169, %dma_start3A_170] : memref<160x2x64xi32, #tpu.memory_space<hbm>> -> memref<1x2x64xi32, #tpu.memory_space<hbm>>
    %dma_start3A_172 = tpu.memref_squeeze %dma_start3A_171 : memref<1x2x64xi32, #tpu.memory_space<hbm>> -> memref<2x64xi32, #tpu.memory_space<hbm>>
    %dma_start3A_173 = tpu.memref_slice %arg12[%dma_start3A_159] : memref<8x!tpu.dma_semaphore, #tpu.memory_space<semaphore_mem>> -> memref<1x!tpu.dma_semaphore, #tpu.memory_space<semaphore_mem>>
    %dma_start3A_174 = tpu.memref_squeeze %dma_start3A_173 : memref<1x!tpu.dma_semaphore, #tpu.memory_space<semaphore_mem>> -> memref<!tpu.dma_semaphore, #tpu.memory_space<semaphore_mem>>
    %dma_start3A_175 = arith.constant 0 : i32
    %dma_start3A_176 = arith.constant 0 : i32
    %dma_start3A_177 = tpu.memref_slice %arg9[%dma_start3A_158, %dma_start3A_175, %dma_start3A_176] : memref<8x2x64xi32, #tpu.memory_space<vmem>> -> memref<1x2x64xi32, #tpu.memory_space<vmem>>
    %dma_start3A_178 = tpu.memref_squeeze %dma_start3A_177 : memref<1x2x64xi32, #tpu.memory_space<vmem>> -> memref<2x64xi32, #tpu.memory_space<vmem>>
    %dma_start3A_179 = arith.constant 0 : i32
    %dma_start3A_180 = arith.constant 0 : i32
    %dma_start3A_181 = arith.constant 0 : i32
    %dma_start3A_182 = tpu.memref_slice %arg3[%add3A, %dma_start3A_179, %dma_start3A_180, %dma_start3A_181] : memref<32x160x2x64xi32, #tpu.memory_space<hbm>> -> memref<1x160x2x64xi32, #tpu.memory_space<hbm>>
    %dma_start3A_183 = tpu.memref_squeeze %dma_start3A_182 : memref<1x160x2x64xi32, #tpu.memory_space<hbm>> -> memref<160x2x64xi32, #tpu.memory_space<hbm>>
    %dma_start3A_184 = arith.constant 0 : i32
    %dma_start3A_185 = arith.constant 0 : i32
    %dma_start3A_186 = tpu.memref_slice %dma_start3A_183[%dma_start3A_157, %dma_start3A_184, %dma_start3A_185] : memref<160x2x64xi32, #tpu.memory_space<hbm>> -> memref<1x2x64xi32, #tpu.memory_space<hbm>>
    %dma_start3A_187 = tpu.memref_squeeze %dma_start3A_186 : memref<1x2x64xi32, #tpu.memory_space<hbm>> -> memref<2x64xi32, #tpu.memory_space<hbm>>
    tpu.enqueue_dma source(%dma_start3A_187 : memref<2x64xi32, #tpu.memory_space<hbm>>) target(%dma_start3A_178 : memref<2x64xi32, #tpu.memory_space<vmem>>) target_semaphore(%dma_start3A_174 : memref<!tpu.dma_semaphore, #tpu.memory_space<semaphore_mem>>)
    %dma_start3A_188 = arith.constant 6 : i32
    %dma_start3A_189 = arith.constant 6 : i32
    %dma_start3A_190 = arith.constant 6 : i32
    %dma_start3A_191 = arith.constant 0 : i32
    %dma_start3A_192 = arith.constant 0 : i32
    %dma_start3A_193 = tpu.memref_slice %arg9[%dma_start3A_189, %dma_start3A_191, %dma_start3A_192] : memref<8x2x64xi32, #tpu.memory_space<vmem>> -> memref<1x2x64xi32, #tpu.memory_space<vmem>>
    %dma_start3A_194 = tpu.memref_squeeze %dma_start3A_193 : memref<1x2x64xi32, #tpu.memory_space<vmem>> -> memref<2x64xi32, #tpu.memory_space<vmem>>
    %dma_start3A_195 = arith.constant 0 : i32
    %dma_start3A_196 = arith.constant 0 : i32
    %dma_start3A_197 = arith.constant 0 : i32
    %dma_start3A_198 = tpu.memref_slice %arg3[%add3A, %dma_start3A_195, %dma_start3A_196, %dma_start3A_197] : memref<32x160x2x64xi32, #tpu.memory_space<hbm>> -> memref<1x160x2x64xi32, #tpu.memory_space<hbm>>
    %dma_start3A_199 = tpu.memref_squeeze %dma_start3A_198 : memref<1x160x2x64xi32, #tpu.memory_space<hbm>> -> memref<160x2x64xi32, #tpu.memory_space<hbm>>
    %dma_start3A_200 = arith.constant 0 : i32
    %dma_start3A_201 = arith.constant 0 : i32
    %dma_start3A_202 = tpu.memref_slice %dma_start3A_199[%dma_start3A_188, %dma_start3A_200, %dma_start3A_201] : memref<160x2x64xi32, #tpu.memory_space<hbm>> -> memref<1x2x64xi32, #tpu.memory_space<hbm>>
    %dma_start3A_203 = tpu.memref_squeeze %dma_start3A_202 : memref<1x2x64xi32, #tpu.memory_space<hbm>> -> memref<2x64xi32, #tpu.memory_space<hbm>>
    %dma_start3A_204 = tpu.memref_slice %arg12[%dma_start3A_190] : memref<8x!tpu.dma_semaphore, #tpu.memory_space<semaphore_mem>> -> memref<1x!tpu.dma_semaphore, #tpu.memory_space<semaphore_mem>>
    %dma_start3A_205 = tpu.memref_squeeze %dma_start3A_204 : memref<1x!tpu.dma_semaphore, #tpu.memory_space<semaphore_mem>> -> memref<!tpu.dma_semaphore, #tpu.memory_space<semaphore_mem>>
    %dma_start3A_206 = arith.constant 0 : i32
    %dma_start3A_207 = arith.constant 0 : i32
    %dma_start3A_208 = tpu.memref_slice %arg9[%dma_start3A_189, %dma_start3A_206, %dma_start3A_207] : memref<8x2x64xi32, #tpu.memory_space<vmem>> -> memref<1x2x64xi32, #tpu.memory_space<vmem>>
    %dma_start3A_209 = tpu.memref_squeeze %dma_start3A_208 : memref<1x2x64xi32, #tpu.memory_space<vmem>> -> memref<2x64xi32, #tpu.memory_space<vmem>>
    %dma_start3A_210 = arith.constant 0 : i32
    %dma_start3A_211 = arith.constant 0 : i32
    %dma_start3A_212 = arith.constant 0 : i32
    %dma_start3A_213 = tpu.memref_slice %arg3[%add3A, %dma_start3A_210, %dma_start3A_211, %dma_start3A_212] : memref<32x160x2x64xi32, #tpu.memory_space<hbm>> -> memref<1x160x2x64xi32, #tpu.memory_space<hbm>>
    %dma_start3A_214 = tpu.memref_squeeze %dma_start3A_213 : memref<1x160x2x64xi32, #tpu.memory_space<hbm>> -> memref<160x2x64xi32, #tpu.memory_space<hbm>>
    %dma_start3A_215 = arith.constant 0 : i32
    %dma_start3A_216 = arith.constant 0 : i32
    %dma_start3A_217 = tpu.memref_slice %dma_start3A_214[%dma_start3A_188, %dma_start3A_215, %dma_start3A_216] : memref<160x2x64xi32, #tpu.memory_space<hbm>> -> memref<1x2x64xi32, #tpu.memory_space<hbm>>
    %dma_start3A_218 = tpu.memref_squeeze %dma_start3A_217 : memref<1x2x64xi32, #tpu.memory_space<hbm>> -> memref<2x64xi32, #tpu.memory_space<hbm>>
    tpu.enqueue_dma source(%dma_start3A_218 : memref<2x64xi32, #tpu.memory_space<hbm>>) target(%dma_start3A_209 : memref<2x64xi32, #tpu.memory_space<vmem>>) target_semaphore(%dma_start3A_205 : memref<!tpu.dma_semaphore, #tpu.memory_space<semaphore_mem>>)
    %dma_start3A_219 = arith.constant 7 : i32
    %dma_start3A_220 = arith.constant 7 : i32
    %dma_start3A_221 = arith.constant 7 : i32
    %dma_start3A_222 = arith.constant 0 : i32
    %dma_start3A_223 = arith.constant 0 : i32
    %dma_start3A_224 = tpu.memref_slice %arg9[%dma_start3A_220, %dma_start3A_222, %dma_start3A_223] : memref<8x2x64xi32, #tpu.memory_space<vmem>> -> memref<1x2x64xi32, #tpu.memory_space<vmem>>
    %dma_start3A_225 = tpu.memref_squeeze %dma_start3A_224 : memref<1x2x64xi32, #tpu.memory_space<vmem>> -> memref<2x64xi32, #tpu.memory_space<vmem>>
    %dma_start3A_226 = arith.constant 0 : i32
    %dma_start3A_227 = arith.constant 0 : i32
    %dma_start3A_228 = arith.constant 0 : i32
    %dma_start3A_229 = tpu.memref_slice %arg3[%add3A, %dma_start3A_226, %dma_start3A_227, %dma_start3A_228] : memref<32x160x2x64xi32, #tpu.memory_space<hbm>> -> memref<1x160x2x64xi32, #tpu.memory_space<hbm>>
    %dma_start3A_230 = tpu.memref_squeeze %dma_start3A_229 : memref<1x160x2x64xi32, #tpu.memory_space<hbm>> -> memref<160x2x64xi32, #tpu.memory_space<hbm>>
    %dma_start3A_231 = arith.constant 0 : i32
    %dma_start3A_232 = arith.constant 0 : i32
    %dma_start3A_233 = tpu.memref_slice %dma_start3A_230[%dma_start3A_219, %dma_start3A_231, %dma_start3A_232] : memref<160x2x64xi32, #tpu.memory_space<hbm>> -> memref<1x2x64xi32, #tpu.memory_space<hbm>>
    %dma_start3A_234 = tpu.memref_squeeze %dma_start3A_233 : memref<1x2x64xi32, #tpu.memory_space<hbm>> -> memref<2x64xi32, #tpu.memory_space<hbm>>
    %dma_start3A_235 = tpu.memref_slice %arg12[%dma_start3A_221] : memref<8x!tpu.dma_semaphore, #tpu.memory_space<semaphore_mem>> -> memref<1x!tpu.dma_semaphore, #tpu.memory_space<semaphore_mem>>
    %dma_start3A_236 = tpu.memref_squeeze %dma_start3A_235 : memref<1x!tpu.dma_semaphore, #tpu.memory_space<semaphore_mem>> -> memref<!tpu.dma_semaphore, #tpu.memory_space<semaphore_mem>>
    %dma_start3A_237 = arith.constant 0 : i32
    %dma_start3A_238 = arith.constant 0 : i32
    %dma_start3A_239 = tpu.memref_slice %arg9[%dma_start3A_220, %dma_start3A_237, %dma_start3A_238] : memref<8x2x64xi32, #tpu.memory_space<vmem>> -> memref<1x2x64xi32, #tpu.memory_space<vmem>>
    %dma_start3A_240 = tpu.memref_squeeze %dma_start3A_239 : memref<1x2x64xi32, #tpu.memory_space<vmem>> -> memref<2x64xi32, #tpu.memory_space<vmem>>
    %dma_start3A_241 = arith.constant 0 : i32
    %dma_start3A_242 = arith.constant 0 : i32
    %dma_start3A_243 = arith.constant 0 : i32
    %dma_start3A_244 = tpu.memref_slice %arg3[%add3A, %dma_start3A_241, %dma_start3A_242, %dma_start3A_243] : memref<32x160x2x64xi32, #tpu.memory_space<hbm>> -> memref<1x160x2x64xi32, #tpu.memory_space<hbm>>
    %dma_start3A_245 = tpu.memref_squeeze %dma_start3A_244 : memref<1x160x2x64xi32, #tpu.memory_space<hbm>> -> memref<160x2x64xi32, #tpu.memory_space<hbm>>
    %dma_start3A_246 = arith.constant 0 : i32
    %dma_start3A_247 = arith.constant 0 : i32
    %dma_start3A_248 = tpu.memref_slice %dma_start3A_245[%dma_start3A_219, %dma_start3A_246, %dma_start3A_247] : memref<160x2x64xi32, #tpu.memory_space<hbm>> -> memref<1x2x64xi32, #tpu.memory_space<hbm>>
    %dma_start3A_249 = tpu.memref_squeeze %dma_start3A_248 : memref<1x2x64xi32, #tpu.memory_space<hbm>> -> memref<2x64xi32, #tpu.memory_space<hbm>>
    tpu.enqueue_dma source(%dma_start3A_249 : memref<2x64xi32, #tpu.memory_space<hbm>>) target(%dma_start3A_240 : memref<2x64xi32, #tpu.memory_space<vmem>>) target_semaphore(%dma_start3A_236 : memref<!tpu.dma_semaphore, #tpu.memory_space<semaphore_mem>>)
    %dma_wait3A = arith.constant 0 : i32
    %dma_wait3A_250 = arith.constant 0 : i32
    %dma_wait3A_251 = arith.constant 0 : i32
    %dma_wait3A_252 = arith.constant 0 : i32
    %dma_wait3A_253 = arith.constant 0 : i32
    %dma_wait3A_254 = tpu.memref_slice %arg9[%dma_wait3A_250, %dma_wait3A_252, %dma_wait3A_253] : memref<8x2x64xi32, #tpu.memory_space<vmem>> -> memref<1x2x64xi32, #tpu.memory_space<vmem>>
    %dma_wait3A_255 = tpu.memref_squeeze %dma_wait3A_254 : memref<1x2x64xi32, #tpu.memory_space<vmem>> -> memref<2x64xi32, #tpu.memory_space<vmem>>
    %dma_wait3A_256 = arith.constant 0 : i32
    %dma_wait3A_257 = arith.constant 0 : i32
    %dma_wait3A_258 = arith.constant 0 : i32
    %dma_wait3A_259 = tpu.memref_slice %arg3[%add3A, %dma_wait3A_256, %dma_wait3A_257, %dma_wait3A_258] : memref<32x160x2x64xi32, #tpu.memory_space<hbm>> -> memref<1x160x2x64xi32, #tpu.memory_space<hbm>>
    %dma_wait3A_260 = tpu.memref_squeeze %dma_wait3A_259 : memref<1x160x2x64xi32, #tpu.memory_space<hbm>> -> memref<160x2x64xi32, #tpu.memory_space<hbm>>
    %dma_wait3A_261 = arith.constant 0 : i32
    %dma_wait3A_262 = arith.constant 0 : i32
    %dma_wait3A_263 = tpu.memref_slice %dma_wait3A_260[%dma_wait3A, %dma_wait3A_261, %dma_wait3A_262] : memref<160x2x64xi32, #tpu.memory_space<hbm>> -> memref<1x2x64xi32, #tpu.memory_space<hbm>>
    %dma_wait3A_264 = tpu.memref_squeeze %dma_wait3A_263 : memref<1x2x64xi32, #tpu.memory_space<hbm>> -> memref<2x64xi32, #tpu.memory_space<hbm>>
    %dma_wait3A_265 = tpu.memref_slice %arg12[%dma_wait3A_251] : memref<8x!tpu.dma_semaphore, #tpu.memory_space<semaphore_mem>> -> memref<1x!tpu.dma_semaphore, #tpu.memory_space<semaphore_mem>>
    %dma_wait3A_266 = tpu.memref_squeeze %dma_wait3A_265 : memref<1x!tpu.dma_semaphore, #tpu.memory_space<semaphore_mem>> -> memref<!tpu.dma_semaphore, #tpu.memory_space<semaphore_mem>>
    %dma_wait3A_267 = arith.constant 0 : i32
    %dma_wait3A_268 = arith.constant 0 : i32
    %dma_wait3A_269 = tpu.memref_slice %arg9[%dma_wait3A_250, %dma_wait3A_267, %dma_wait3A_268] : memref<8x2x64xi32, #tpu.memory_space<vmem>> -> memref<1x2x64xi32, #tpu.memory_space<vmem>>
    %dma_wait3A_270 = tpu.memref_squeeze %dma_wait3A_269 : memref<1x2x64xi32, #tpu.memory_space<vmem>> -> memref<2x64xi32, #tpu.memory_space<vmem>>
    %dma_wait3A_271 = arith.constant 0 : i32
    %dma_wait3A_272 = arith.constant 0 : i32
    %dma_wait3A_273 = arith.constant 0 : i32
    %dma_wait3A_274 = tpu.memref_slice %arg3[%add3A, %dma_wait3A_271, %dma_wait3A_272, %dma_wait3A_273] : memref<32x160x2x64xi32, #tpu.memory_space<hbm>> -> memref<1x160x2x64xi32, #tpu.memory_space<hbm>>
    %dma_wait3A_275 = tpu.memref_squeeze %dma_wait3A_274 : memref<1x160x2x64xi32, #tpu.memory_space<hbm>> -> memref<160x2x64xi32, #tpu.memory_space<hbm>>
    %dma_wait3A_276 = arith.constant 0 : i32
    %dma_wait3A_277 = arith.constant 0 : i32
    %dma_wait3A_278 = tpu.memref_slice %dma_wait3A_275[%dma_wait3A, %dma_wait3A_276, %dma_wait3A_277] : memref<160x2x64xi32, #tpu.memory_space<hbm>> -> memref<1x2x64xi32, #tpu.memory_space<hbm>>
    %dma_wait3A_279 = tpu.memref_squeeze %dma_wait3A_278 : memref<1x2x64xi32, #tpu.memory_space<hbm>> -> memref<2x64xi32, #tpu.memory_space<hbm>>
    tpu.wait_dma2 semaphore(%dma_wait3A_266 : memref<!tpu.dma_semaphore, #tpu.memory_space<semaphore_mem>>) src(%dma_wait3A_279 : memref<2x64xi32, #tpu.memory_space<hbm>>) dst(%dma_wait3A_270 : memref<2x64xi32, #tpu.memory_space<vmem>>)
    %dma_start3A_280 = arith.constant 0 : i32
    %dma_start3A_281 = arith.constant 0 : i32
    %dma_start3A_282 = arith.constant 0 : i32
    %dma_start3A_283 = arith.constant 0 : i32
    %dma_start3A_284 = arith.constant 0 : i32
    %dma_start3A_285 = arith.constant 0 : i32
    %dma_start3A_286 = tpu.memref_slice %arg10[%dma_start3A_282, %dma_start3A_284, %dma_start3A_285] : memref<4x64x128xf32, #tpu.memory_space<vmem>> -> memref<1x64x128xf32, #tpu.memory_space<vmem>>
    %dma_start3A_287 = tpu.memref_squeeze %dma_start3A_286 : memref<1x64x128xf32, #tpu.memory_space<vmem>> -> memref<64x128xf32, #tpu.memory_space<vmem>>
    %dma_start3A_288 = arith.constant 0 : i32
    %dma_start3A_289 = arith.constant 0 : i32
    %dma_start3A_290 = tpu.memref_slice %arg9[%dma_start3A_280, %dma_start3A_288, %dma_start3A_289] : memref<8x2x64xi32, #tpu.memory_space<vmem>> -> memref<1x2x64xi32, #tpu.memory_space<vmem>>
    %dma_start3A_291 = tpu.memref_squeeze %dma_start3A_290 : memref<1x2x64xi32, #tpu.memory_space<vmem>> -> memref<2x64xi32, #tpu.memory_space<vmem>>
    %dma_start3A_292 = arith.constant 0 : i32
    %dma_start3A_293 = tpu.memref_slice %dma_start3A_291[%dma_start3A_281, %dma_start3A_292] : memref<2x64xi32, #tpu.memory_space<vmem>> -> memref<1x64xi32, #tpu.memory_space<vmem>>
    %dma_start3A_294 = tpu.memref_squeeze %dma_start3A_293 : memref<1x64xi32, #tpu.memory_space<vmem>> -> memref<64xi32, #tpu.memory_space<vmem>>
    %dma_start3A_295 = arith.constant 0 : i32
    %dma_start3A_296 = arith.constant 0 : i32
    %dma_start3A_297 = tpu.memref_slice %arg2[%dma_start3A_295, %dma_start3A_296] : memref<10000x128xf32, #tpu.memory_space<hbm>> -> memref<10000x128xf32, #tpu.memory_space<hbm>>
    %dma_start3A_298 = tpu.memref_slice %arg13[%dma_start3A_283] : memref<4x!tpu.dma_semaphore, #tpu.memory_space<semaphore_mem>> -> memref<1x!tpu.dma_semaphore, #tpu.memory_space<semaphore_mem>>
    %dma_start3A_299 = tpu.memref_squeeze %dma_start3A_298 : memref<1x!tpu.dma_semaphore, #tpu.memory_space<semaphore_mem>> -> memref<!tpu.dma_semaphore, #tpu.memory_space<semaphore_mem>>
    tpu.enqueue_indirect_dma source(%dma_start3A_297 : memref<10000x128xf32, #tpu.memory_space<hbm>>) target(%dma_start3A_287 : memref<64x128xf32, #tpu.memory_space<vmem>>) offsets(%dma_start3A_294 : memref<64xi32, #tpu.memory_space<vmem>>) semaphore(%dma_start3A_299 : memref<!tpu.dma_semaphore, #tpu.memory_space<semaphore_mem>>)
    %dma_wait3A_300 = arith.constant 1 : i32
    %dma_wait3A_301 = arith.constant 1 : i32
    %dma_wait3A_302 = arith.constant 1 : i32
    %dma_wait3A_303 = arith.constant 0 : i32
    %dma_wait3A_304 = arith.constant 0 : i32
    %dma_wait3A_305 = tpu.memref_slice %arg9[%dma_wait3A_301, %dma_wait3A_303, %dma_wait3A_304] : memref<8x2x64xi32, #tpu.memory_space<vmem>> -> memref<1x2x64xi32, #tpu.memory_space<vmem>>
    %dma_wait3A_306 = tpu.memref_squeeze %dma_wait3A_305 : memref<1x2x64xi32, #tpu.memory_space<vmem>> -> memref<2x64xi32, #tpu.memory_space<vmem>>
    %dma_wait3A_307 = arith.constant 0 : i32
    %dma_wait3A_308 = arith.constant 0 : i32
    %dma_wait3A_309 = arith.constant 0 : i32
    %dma_wait3A_310 = tpu.memref_slice %arg3[%add3A, %dma_wait3A_307, %dma_wait3A_308, %dma_wait3A_309] : memref<32x160x2x64xi32, #tpu.memory_space<hbm>> -> memref<1x160x2x64xi32, #tpu.memory_space<hbm>>
    %dma_wait3A_311 = tpu.memref_squeeze %dma_wait3A_310 : memref<1x160x2x64xi32, #tpu.memory_space<hbm>> -> memref<160x2x64xi32, #tpu.memory_space<hbm>>
    %dma_wait3A_312 = arith.constant 0 : i32
    %dma_wait3A_313 = arith.constant 0 : i32
    %dma_wait3A_314 = tpu.memref_slice %dma_wait3A_311[%dma_wait3A_300, %dma_wait3A_312, %dma_wait3A_313] : memref<160x2x64xi32, #tpu.memory_space<hbm>> -> memref<1x2x64xi32, #tpu.memory_space<hbm>>
    %dma_wait3A_315 = tpu.memref_squeeze %dma_wait3A_314 : memref<1x2x64xi32, #tpu.memory_space<hbm>> -> memref<2x64xi32, #tpu.memory_space<hbm>>
    %dma_wait3A_316 = tpu.memref_slice %arg12[%dma_wait3A_302] : memref<8x!tpu.dma_semaphore, #tpu.memory_space<semaphore_mem>> -> memref<1x!tpu.dma_semaphore, #tpu.memory_space<semaphore_mem>>
    %dma_wait3A_317 = tpu.memref_squeeze %dma_wait3A_316 : memref<1x!tpu.dma_semaphore, #tpu.memory_space<semaphore_mem>> -> memref<!tpu.dma_semaphore, #tpu.memory_space<semaphore_mem>>
    %dma_wait3A_318 = arith.constant 0 : i32
    %dma_wait3A_319 = arith.constant 0 : i32
    %dma_wait3A_320 = tpu.memref_slice %arg9[%dma_wait3A_301, %dma_wait3A_318, %dma_wait3A_319] : memref<8x2x64xi32, #tpu.memory_space<vmem>> -> memref<1x2x64xi32, #tpu.memory_space<vmem>>
    %dma_wait3A_321 = tpu.memref_squeeze %dma_wait3A_320 : memref<1x2x64xi32, #tpu.memory_space<vmem>> -> memref<2x64xi32, #tpu.memory_space<vmem>>
    %dma_wait3A_322 = arith.constant 0 : i32
    %dma_wait3A_323 = arith.constant 0 : i32
    %dma_wait3A_324 = arith.constant 0 : i32
    %dma_wait3A_325 = tpu.memref_slice %arg3[%add3A, %dma_wait3A_322, %dma_wait3A_323, %dma_wait3A_324] : memref<32x160x2x64xi32, #tpu.memory_space<hbm>> -> memref<1x160x2x64xi32, #tpu.memory_space<hbm>>
    %dma_wait3A_326 = tpu.memref_squeeze %dma_wait3A_325 : memref<1x160x2x64xi32, #tpu.memory_space<hbm>> -> memref<160x2x64xi32, #tpu.memory_space<hbm>>
    %dma_wait3A_327 = arith.constant 0 : i32
    %dma_wait3A_328 = arith.constant 0 : i32
    %dma_wait3A_329 = tpu.memref_slice %dma_wait3A_326[%dma_wait3A_300, %dma_wait3A_327, %dma_wait3A_328] : memref<160x2x64xi32, #tpu.memory_space<hbm>> -> memref<1x2x64xi32, #tpu.memory_space<hbm>>
    %dma_wait3A_330 = tpu.memref_squeeze %dma_wait3A_329 : memref<1x2x64xi32, #tpu.memory_space<hbm>> -> memref<2x64xi32, #tpu.memory_space<hbm>>
    tpu.wait_dma2 semaphore(%dma_wait3A_317 : memref<!tpu.dma_semaphore, #tpu.memory_space<semaphore_mem>>) src(%dma_wait3A_330 : memref<2x64xi32, #tpu.memory_space<hbm>>) dst(%dma_wait3A_321 : memref<2x64xi32, #tpu.memory_space<vmem>>)
    %dma_start3A_331 = arith.constant 1 : i32
    %dma_start3A_332 = arith.constant 0 : i32
    %dma_start3A_333 = arith.constant 1 : i32
    %dma_start3A_334 = arith.constant 1 : i32
    %dma_start3A_335 = arith.constant 0 : i32
    %dma_start3A_336 = arith.constant 0 : i32
    %dma_start3A_337 = tpu.memref_slice %arg10[%dma_start3A_333, %dma_start3A_335, %dma_start3A_336] : memref<4x64x128xf32, #tpu.memory_space<vmem>> -> memref<1x64x128xf32, #tpu.memory_space<vmem>>
    %dma_start3A_338 = tpu.memref_squeeze %dma_start3A_337 : memref<1x64x128xf32, #tpu.memory_space<vmem>> -> memref<64x128xf32, #tpu.memory_space<vmem>>
    %dma_start3A_339 = arith.constant 0 : i32
    %dma_start3A_340 = arith.constant 0 : i32
    %dma_start3A_341 = tpu.memref_slice %arg9[%dma_start3A_331, %dma_start3A_339, %dma_start3A_340] : memref<8x2x64xi32, #tpu.memory_space<vmem>> -> memref<1x2x64xi32, #tpu.memory_space<vmem>>
    %dma_start3A_342 = tpu.memref_squeeze %dma_start3A_341 : memref<1x2x64xi32, #tpu.memory_space<vmem>> -> memref<2x64xi32, #tpu.memory_space<vmem>>
    %dma_start3A_343 = arith.constant 0 : i32
    %dma_start3A_344 = tpu.memref_slice %dma_start3A_342[%dma_start3A_332, %dma_start3A_343] : memref<2x64xi32, #tpu.memory_space<vmem>> -> memref<1x64xi32, #tpu.memory_space<vmem>>
    %dma_start3A_345 = tpu.memref_squeeze %dma_start3A_344 : memref<1x64xi32, #tpu.memory_space<vmem>> -> memref<64xi32, #tpu.memory_space<vmem>>
    %dma_start3A_346 = arith.constant 0 : i32
    %dma_start3A_347 = arith.constant 0 : i32
    %dma_start3A_348 = tpu.memref_slice %arg2[%dma_start3A_346, %dma_start3A_347] : memref<10000x128xf32, #tpu.memory_space<hbm>> -> memref<10000x128xf32, #tpu.memory_space<hbm>>
    %dma_start3A_349 = tpu.memref_slice %arg13[%dma_start3A_334] : memref<4x!tpu.dma_semaphore, #tpu.memory_space<semaphore_mem>> -> memref<1x!tpu.dma_semaphore, #tpu.memory_space<semaphore_mem>>
    %dma_start3A_350 = tpu.memref_squeeze %dma_start3A_349 : memref<1x!tpu.dma_semaphore, #tpu.memory_space<semaphore_mem>> -> memref<!tpu.dma_semaphore, #tpu.memory_space<semaphore_mem>>
    tpu.enqueue_indirect_dma source(%dma_start3A_348 : memref<10000x128xf32, #tpu.memory_space<hbm>>) target(%dma_start3A_338 : memref<64x128xf32, #tpu.memory_space<vmem>>) offsets(%dma_start3A_345 : memref<64xi32, #tpu.memory_space<vmem>>) semaphore(%dma_start3A_350 : memref<!tpu.dma_semaphore, #tpu.memory_space<semaphore_mem>>)
    %dma_wait3A_351 = arith.constant 2 : i32
    %dma_wait3A_352 = arith.constant 2 : i32
    %dma_wait3A_353 = arith.constant 2 : i32
    %dma_wait3A_354 = arith.constant 0 : i32
    %dma_wait3A_355 = arith.constant 0 : i32
    %dma_wait3A_356 = tpu.memref_slice %arg9[%dma_wait3A_352, %dma_wait3A_354, %dma_wait3A_355] : memref<8x2x64xi32, #tpu.memory_space<vmem>> -> memref<1x2x64xi32, #tpu.memory_space<vmem>>
    %dma_wait3A_357 = tpu.memref_squeeze %dma_wait3A_356 : memref<1x2x64xi32, #tpu.memory_space<vmem>> -> memref<2x64xi32, #tpu.memory_space<vmem>>
    %dma_wait3A_358 = arith.constant 0 : i32
    %dma_wait3A_359 = arith.constant 0 : i32
    %dma_wait3A_360 = arith.constant 0 : i32
    %dma_wait3A_361 = tpu.memref_slice %arg3[%add3A, %dma_wait3A_358, %dma_wait3A_359, %dma_wait3A_360] : memref<32x160x2x64xi32, #tpu.memory_space<hbm>> -> memref<1x160x2x64xi32, #tpu.memory_space<hbm>>
    %dma_wait3A_362 = tpu.memref_squeeze %dma_wait3A_361 : memref<1x160x2x64xi32, #tpu.memory_space<hbm>> -> memref<160x2x64xi32, #tpu.memory_space<hbm>>
    %dma_wait3A_363 = arith.constant 0 : i32
    %dma_wait3A_364 = arith.constant 0 : i32
    %dma_wait3A_365 = tpu.memref_slice %dma_wait3A_362[%dma_wait3A_351, %dma_wait3A_363, %dma_wait3A_364] : memref<160x2x64xi32, #tpu.memory_space<hbm>> -> memref<1x2x64xi32, #tpu.memory_space<hbm>>
    %dma_wait3A_366 = tpu.memref_squeeze %dma_wait3A_365 : memref<1x2x64xi32, #tpu.memory_space<hbm>> -> memref<2x64xi32, #tpu.memory_space<hbm>>
    %dma_wait3A_367 = tpu.memref_slice %arg12[%dma_wait3A_353] : memref<8x!tpu.dma_semaphore, #tpu.memory_space<semaphore_mem>> -> memref<1x!tpu.dma_semaphore, #tpu.memory_space<semaphore_mem>>
    %dma_wait3A_368 = tpu.memref_squeeze %dma_wait3A_367 : memref<1x!tpu.dma_semaphore, #tpu.memory_space<semaphore_mem>> -> memref<!tpu.dma_semaphore, #tpu.memory_space<semaphore_mem>>
    %dma_wait3A_369 = arith.constant 0 : i32
    %dma_wait3A_370 = arith.constant 0 : i32
    %dma_wait3A_371 = tpu.memref_slice %arg9[%dma_wait3A_352, %dma_wait3A_369, %dma_wait3A_370] : memref<8x2x64xi32, #tpu.memory_space<vmem>> -> memref<1x2x64xi32, #tpu.memory_space<vmem>>
    %dma_wait3A_372 = tpu.memref_squeeze %dma_wait3A_371 : memref<1x2x64xi32, #tpu.memory_space<vmem>> -> memref<2x64xi32, #tpu.memory_space<vmem>>
    %dma_wait3A_373 = arith.constant 0 : i32
    %dma_wait3A_374 = arith.constant 0 : i32
    %dma_wait3A_375 = arith.constant 0 : i32
    %dma_wait3A_376 = tpu.memref_slice %arg3[%add3A, %dma_wait3A_373, %dma_wait3A_374, %dma_wait3A_375] : memref<32x160x2x64xi32, #tpu.memory_space<hbm>> -> memref<1x160x2x64xi32, #tpu.memory_space<hbm>>
    %dma_wait3A_377 = tpu.memref_squeeze %dma_wait3A_376 : memref<1x160x2x64xi32, #tpu.memory_space<hbm>> -> memref<160x2x64xi32, #tpu.memory_space<hbm>>
    %dma_wait3A_378 = arith.constant 0 : i32
    %dma_wait3A_379 = arith.constant 0 : i32
    %dma_wait3A_380 = tpu.memref_slice %dma_wait3A_377[%dma_wait3A_351, %dma_wait3A_378, %dma_wait3A_379] : memref<160x2x64xi32, #tpu.memory_space<hbm>> -> memref<1x2x64xi32, #tpu.memory_space<hbm>>
    %dma_wait3A_381 = tpu.memref_squeeze %dma_wait3A_380 : memref<1x2x64xi32, #tpu.memory_space<hbm>> -> memref<2x64xi32, #tpu.memory_space<hbm>>
    tpu.wait_dma2 semaphore(%dma_wait3A_368 : memref<!tpu.dma_semaphore, #tpu.memory_space<semaphore_mem>>) src(%dma_wait3A_381 : memref<2x64xi32, #tpu.memory_space<hbm>>) dst(%dma_wait3A_372 : memref<2x64xi32, #tpu.memory_space<vmem>>)
    %dma_start3A_382 = arith.constant 2 : i32
    %dma_start3A_383 = arith.constant 0 : i32
    %dma_start3A_384 = arith.constant 2 : i32
    %dma_start3A_385 = arith.constant 2 : i32
    %dma_start3A_386 = arith.constant 0 : i32
    %dma_start3A_387 = arith.constant 0 : i32
    %dma_start3A_388 = tpu.memref_slice %arg10[%dma_start3A_384, %dma_start3A_386, %dma_start3A_387] : memref<4x64x128xf32, #tpu.memory_space<vmem>> -> memref<1x64x128xf32, #tpu.memory_space<vmem>>
    %dma_start3A_389 = tpu.memref_squeeze %dma_start3A_388 : memref<1x64x128xf32, #tpu.memory_space<vmem>> -> memref<64x128xf32, #tpu.memory_space<vmem>>
    %dma_start3A_390 = arith.constant 0 : i32
    %dma_start3A_391 = arith.constant 0 : i32
    %dma_start3A_392 = tpu.memref_slice %arg9[%dma_start3A_382, %dma_start3A_390, %dma_start3A_391] : memref<8x2x64xi32, #tpu.memory_space<vmem>> -> memref<1x2x64xi32, #tpu.memory_space<vmem>>
    %dma_start3A_393 = tpu.memref_squeeze %dma_start3A_392 : memref<1x2x64xi32, #tpu.memory_space<vmem>> -> memref<2x64xi32, #tpu.memory_space<vmem>>
    %dma_start3A_394 = arith.constant 0 : i32
    %dma_start3A_395 = tpu.memref_slice %dma_start3A_393[%dma_start3A_383, %dma_start3A_394] : memref<2x64xi32, #tpu.memory_space<vmem>> -> memref<1x64xi32, #tpu.memory_space<vmem>>
    %dma_start3A_396 = tpu.memref_squeeze %dma_start3A_395 : memref<1x64xi32, #tpu.memory_space<vmem>> -> memref<64xi32, #tpu.memory_space<vmem>>
    %dma_start3A_397 = arith.constant 0 : i32
    %dma_start3A_398 = arith.constant 0 : i32
    %dma_start3A_399 = tpu.memref_slice %arg2[%dma_start3A_397, %dma_start3A_398] : memref<10000x128xf32, #tpu.memory_space<hbm>> -> memref<10000x128xf32, #tpu.memory_space<hbm>>
    %dma_start3A_400 = tpu.memref_slice %arg13[%dma_start3A_385] : memref<4x!tpu.dma_semaphore, #tpu.memory_space<semaphore_mem>> -> memref<1x!tpu.dma_semaphore, #tpu.memory_space<semaphore_mem>>
    %dma_start3A_401 = tpu.memref_squeeze %dma_start3A_400 : memref<1x!tpu.dma_semaphore, #tpu.memory_space<semaphore_mem>> -> memref<!tpu.dma_semaphore, #tpu.memory_space<semaphore_mem>>
    tpu.enqueue_indirect_dma source(%dma_start3A_399 : memref<10000x128xf32, #tpu.memory_space<hbm>>) target(%dma_start3A_389 : memref<64x128xf32, #tpu.memory_space<vmem>>) offsets(%dma_start3A_396 : memref<64xi32, #tpu.memory_space<vmem>>) semaphore(%dma_start3A_401 : memref<!tpu.dma_semaphore, #tpu.memory_space<semaphore_mem>>)
    %dma_wait3A_402 = arith.constant 3 : i32
    %dma_wait3A_403 = arith.constant 3 : i32
    %dma_wait3A_404 = arith.constant 3 : i32
    %dma_wait3A_405 = arith.constant 0 : i32
    %dma_wait3A_406 = arith.constant 0 : i32
    %dma_wait3A_407 = tpu.memref_slice %arg9[%dma_wait3A_403, %dma_wait3A_405, %dma_wait3A_406] : memref<8x2x64xi32, #tpu.memory_space<vmem>> -> memref<1x2x64xi32, #tpu.memory_space<vmem>>
    %dma_wait3A_408 = tpu.memref_squeeze %dma_wait3A_407 : memref<1x2x64xi32, #tpu.memory_space<vmem>> -> memref<2x64xi32, #tpu.memory_space<vmem>>
    %dma_wait3A_409 = arith.constant 0 : i32
    %dma_wait3A_410 = arith.constant 0 : i32
    %dma_wait3A_411 = arith.constant 0 : i32
    %dma_wait3A_412 = tpu.memref_slice %arg3[%add3A, %dma_wait3A_409, %dma_wait3A_410, %dma_wait3A_411] : memref<32x160x2x64xi32, #tpu.memory_space<hbm>> -> memref<1x160x2x64xi32, #tpu.memory_space<hbm>>
    %dma_wait3A_413 = tpu.memref_squeeze %dma_wait3A_412 : memref<1x160x2x64xi32, #tpu.memory_space<hbm>> -> memref<160x2x64xi32, #tpu.memory_space<hbm>>
    %dma_wait3A_414 = arith.constant 0 : i32
    %dma_wait3A_415 = arith.constant 0 : i32
    %dma_wait3A_416 = tpu.memref_slice %dma_wait3A_413[%dma_wait3A_402, %dma_wait3A_414, %dma_wait3A_415] : memref<160x2x64xi32, #tpu.memory_space<hbm>> -> memref<1x2x64xi32, #tpu.memory_space<hbm>>
    %dma_wait3A_417 = tpu.memref_squeeze %dma_wait3A_416 : memref<1x2x64xi32, #tpu.memory_space<hbm>> -> memref<2x64xi32, #tpu.memory_space<hbm>>
    %dma_wait3A_418 = tpu.memref_slice %arg12[%dma_wait3A_404] : memref<8x!tpu.dma_semaphore, #tpu.memory_space<semaphore_mem>> -> memref<1x!tpu.dma_semaphore, #tpu.memory_space<semaphore_mem>>
    %dma_wait3A_419 = tpu.memref_squeeze %dma_wait3A_418 : memref<1x!tpu.dma_semaphore, #tpu.memory_space<semaphore_mem>> -> memref<!tpu.dma_semaphore, #tpu.memory_space<semaphore_mem>>
    %dma_wait3A_420 = arith.constant 0 : i32
    %dma_wait3A_421 = arith.constant 0 : i32
    %dma_wait3A_422 = tpu.memref_slice %arg9[%dma_wait3A_403, %dma_wait3A_420, %dma_wait3A_421] : memref<8x2x64xi32, #tpu.memory_space<vmem>> -> memref<1x2x64xi32, #tpu.memory_space<vmem>>
    %dma_wait3A_423 = tpu.memref_squeeze %dma_wait3A_422 : memref<1x2x64xi32, #tpu.memory_space<vmem>> -> memref<2x64xi32, #tpu.memory_space<vmem>>
    %dma_wait3A_424 = arith.constant 0 : i32
    %dma_wait3A_425 = arith.constant 0 : i32
    %dma_wait3A_426 = arith.constant 0 : i32
    %dma_wait3A_427 = tpu.memref_slice %arg3[%add3A, %dma_wait3A_424, %dma_wait3A_425, %dma_wait3A_426] : memref<32x160x2x64xi32, #tpu.memory_space<hbm>> -> memref<1x160x2x64xi32, #tpu.memory_space<hbm>>
    %dma_wait3A_428 = tpu.memref_squeeze %dma_wait3A_427 : memref<1x160x2x64xi32, #tpu.memory_space<hbm>> -> memref<160x2x64xi32, #tpu.memory_space<hbm>>
    %dma_wait3A_429 = arith.constant 0 : i32
    %dma_wait3A_430 = arith.constant 0 : i32
    %dma_wait3A_431 = tpu.memref_slice %dma_wait3A_428[%dma_wait3A_402, %dma_wait3A_429, %dma_wait3A_430] : memref<160x2x64xi32, #tpu.memory_space<hbm>> -> memref<1x2x64xi32, #tpu.memory_space<hbm>>
    %dma_wait3A_432 = tpu.memref_squeeze %dma_wait3A_431 : memref<1x2x64xi32, #tpu.memory_space<hbm>> -> memref<2x64xi32, #tpu.memory_space<hbm>>
    tpu.wait_dma2 semaphore(%dma_wait3A_419 : memref<!tpu.dma_semaphore, #tpu.memory_space<semaphore_mem>>) src(%dma_wait3A_432 : memref<2x64xi32, #tpu.memory_space<hbm>>) dst(%dma_wait3A_423 : memref<2x64xi32, #tpu.memory_space<vmem>>)
    %dma_start3A_433 = arith.constant 3 : i32
    %dma_start3A_434 = arith.constant 0 : i32
    %dma_start3A_435 = arith.constant 3 : i32
    %dma_start3A_436 = arith.constant 3 : i32
    %dma_start3A_437 = arith.constant 0 : i32
    %dma_start3A_438 = arith.constant 0 : i32
    %dma_start3A_439 = tpu.memref_slice %arg10[%dma_start3A_435, %dma_start3A_437, %dma_start3A_438] : memref<4x64x128xf32, #tpu.memory_space<vmem>> -> memref<1x64x128xf32, #tpu.memory_space<vmem>>
    %dma_start3A_440 = tpu.memref_squeeze %dma_start3A_439 : memref<1x64x128xf32, #tpu.memory_space<vmem>> -> memref<64x128xf32, #tpu.memory_space<vmem>>
    %dma_start3A_441 = arith.constant 0 : i32
    %dma_start3A_442 = arith.constant 0 : i32
    %dma_start3A_443 = tpu.memref_slice %arg9[%dma_start3A_433, %dma_start3A_441, %dma_start3A_442] : memref<8x2x64xi32, #tpu.memory_space<vmem>> -> memref<1x2x64xi32, #tpu.memory_space<vmem>>
    %dma_start3A_444 = tpu.memref_squeeze %dma_start3A_443 : memref<1x2x64xi32, #tpu.memory_space<vmem>> -> memref<2x64xi32, #tpu.memory_space<vmem>>
    %dma_start3A_445 = arith.constant 0 : i32
    %dma_start3A_446 = tpu.memref_slice %dma_start3A_444[%dma_start3A_434, %dma_start3A_445] : memref<2x64xi32, #tpu.memory_space<vmem>> -> memref<1x64xi32, #tpu.memory_space<vmem>>
    %dma_start3A_447 = tpu.memref_squeeze %dma_start3A_446 : memref<1x64xi32, #tpu.memory_space<vmem>> -> memref<64xi32, #tpu.memory_space<vmem>>
    %dma_start3A_448 = arith.constant 0 : i32
    %dma_start3A_449 = arith.constant 0 : i32
    %dma_start3A_450 = tpu.memref_slice %arg2[%dma_start3A_448, %dma_start3A_449] : memref<10000x128xf32, #tpu.memory_space<hbm>> -> memref<10000x128xf32, #tpu.memory_space<hbm>>
    %dma_start3A_451 = tpu.memref_slice %arg13[%dma_start3A_436] : memref<4x!tpu.dma_semaphore, #tpu.memory_space<semaphore_mem>> -> memref<1x!tpu.dma_semaphore, #tpu.memory_space<semaphore_mem>>
    %dma_start3A_452 = tpu.memref_squeeze %dma_start3A_451 : memref<1x!tpu.dma_semaphore, #tpu.memory_space<semaphore_mem>> -> memref<!tpu.dma_semaphore, #tpu.memory_space<semaphore_mem>>
    tpu.enqueue_indirect_dma source(%dma_start3A_450 : memref<10000x128xf32, #tpu.memory_space<hbm>>) target(%dma_start3A_440 : memref<64x128xf32, #tpu.memory_space<vmem>>) offsets(%dma_start3A_447 : memref<64xi32, #tpu.memory_space<vmem>>) semaphore(%dma_start3A_452 : memref<!tpu.dma_semaphore, #tpu.memory_space<semaphore_mem>>)
    %scan3A = arith.constant 0 : i32
    %scan3A_453 = arith.constant 40 : i32
    %scan3A_454 = arith.addi %scan3A, %scan3A_453 : i32
    %scan3A_455 = arith.constant 1 : i32
    scf.for %scan3A_601 = %scan3A to %scan3A_454 step %scan3A_455  : i32 {
      %mul3A_602 = arith.constant 1 : i32
      %mul3A_603 = arith.muli %scan3A_601, %mul3A_602 : i32
      %add3A_604 = arith.constant 0 : i32
      %add3A_605 = arith.addi %add3A_604, %mul3A_603 : i32
      %mul3A_606 = arith.constant 4 : i32
      %mul3A_607 = arith.muli %mul3A_606, %add3A_605 : i32
      %add3A_608 = arith.constant 0 : i32
      %add3A_609 = arith.addi %mul3A_607, %add3A_608 : i32
      %jit3A = arith.constant 8 : i32
      %eq3A = arith.constant 0 : i32
      %eq3A_610 = arith.cmpi eq, %jit3A, %eq3A : i32
      %jit3A_611 = arith.constant 1 : i32
      %select_n3A = arith.select %eq3A_610, %jit3A_611, %jit3A : i32
      %rem3A = arith.remsi %add3A_609, %select_n3A : i32
      %ne3A = arith.constant 0 : i32
      %ne3A_612 = arith.cmpi ne, %rem3A, %ne3A : i32
      %lt3A = arith.constant 0 : i32
      %lt3A_613 = arith.cmpi slt, %rem3A, %lt3A : i32
      %lt3A_614 = arith.constant 0 : i32
      %lt3A_615 = arith.cmpi slt, %select_n3A, %lt3A_614 : i32
      %ne3A_616 = arith.xori %lt3A_613, %lt3A_615 : i1
      %and3A = arith.andi %ne3A_616, %ne3A_612 : i1
      %add3A_617 = arith.addi %rem3A, %select_n3A : i32
      %select_n3A_618 = arith.select %and3A, %add3A_617, %rem3A : i32
      %dma_wait3A_619 = arith.constant 0 : i32
      %dma_wait3A_620 = arith.constant 0 : i32
      %dma_wait3A_621 = arith.constant 0 : i32
      %dma_wait3A_622 = arith.constant 0 : i32
      %dma_wait3A_623 = arith.constant 0 : i32
      %dma_wait3A_624 = tpu.memref_slice %arg10[%dma_wait3A_620, %dma_wait3A_622, %dma_wait3A_623] : memref<4x64x128xf32, #tpu.memory_space<vmem>> -> memref<1x64x128xf32, #tpu.memory_space<vmem>>
      %dma_wait3A_625 = tpu.memref_squeeze %dma_wait3A_624 : memref<1x64x128xf32, #tpu.memory_space<vmem>> -> memref<64x128xf32, #tpu.memory_space<vmem>>
      %dma_wait3A_626 = arith.constant 0 : i32
      %dma_wait3A_627 = arith.constant 0 : i32
      %dma_wait3A_628 = tpu.memref_slice %arg9[%select_n3A_618, %dma_wait3A_626, %dma_wait3A_627] : memref<8x2x64xi32, #tpu.memory_space<vmem>> -> memref<1x2x64xi32, #tpu.memory_space<vmem>>
      %dma_wait3A_629 = tpu.memref_squeeze %dma_wait3A_628 : memref<1x2x64xi32, #tpu.memory_space<vmem>> -> memref<2x64xi32, #tpu.memory_space<vmem>>
      %dma_wait3A_630 = arith.constant 0 : i32
      %dma_wait3A_631 = tpu.memref_slice %dma_wait3A_629[%dma_wait3A_619, %dma_wait3A_630] : memref<2x64xi32, #tpu.memory_space<vmem>> -> memref<1x64xi32, #tpu.memory_space<vmem>>
      %dma_wait3A_632 = tpu.memref_squeeze %dma_wait3A_631 : memref<1x64xi32, #tpu.memory_space<vmem>> -> memref<64xi32, #tpu.memory_space<vmem>>
      %dma_wait3A_633 = arith.constant 0 : i32
      %dma_wait3A_634 = arith.constant 0 : i32
      %dma_wait3A_635 = tpu.memref_slice %arg2[%dma_wait3A_633, %dma_wait3A_634] : memref<10000x128xf32, #tpu.memory_space<hbm>> -> memref<10000x128xf32, #tpu.memory_space<hbm>>
      %dma_wait3A_636 = tpu.memref_slice %arg13[%dma_wait3A_621] : memref<4x!tpu.dma_semaphore, #tpu.memory_space<semaphore_mem>> -> memref<1x!tpu.dma_semaphore, #tpu.memory_space<semaphore_mem>>
      %dma_wait3A_637 = tpu.memref_squeeze %dma_wait3A_636 : memref<1x!tpu.dma_semaphore, #tpu.memory_space<semaphore_mem>> -> memref<!tpu.dma_semaphore, #tpu.memory_space<semaphore_mem>>
      tpu.wait_indirect_dma semaphore(%dma_wait3A_637 : memref<!tpu.dma_semaphore, #tpu.memory_space<semaphore_mem>>) src(%dma_wait3A_635 : memref<10000x128xf32, #tpu.memory_space<hbm>>) dst(%dma_wait3A_625 : memref<64x128xf32, #tpu.memory_space<vmem>>)
      %dma_start3A_638 = arith.constant 0 : i32
      %dma_start3A_639 = arith.constant 1 : i32
      %dma_start3A_640 = arith.constant 0 : i32
      %dma_start3A_641 = arith.constant 0 : i32
      %dma_start3A_642 = arith.constant 0 : i32
      %dma_start3A_643 = tpu.memref_slice %arg10[%dma_start3A_638, %dma_start3A_641, %dma_start3A_642] : memref<4x64x128xf32, #tpu.memory_space<vmem>> -> memref<1x64x128xf32, #tpu.memory_space<vmem>>
      %dma_start3A_644 = tpu.memref_squeeze %dma_start3A_643 : memref<1x64x128xf32, #tpu.memory_space<vmem>> -> memref<64x128xf32, #tpu.memory_space<vmem>>
      %dma_start3A_645 = arith.constant 0 : i32
      %dma_start3A_646 = arith.constant 0 : i32
      %dma_start3A_647 = tpu.memref_slice %arg9[%select_n3A_618, %dma_start3A_645, %dma_start3A_646] : memref<8x2x64xi32, #tpu.memory_space<vmem>> -> memref<1x2x64xi32, #tpu.memory_space<vmem>>
      %dma_start3A_648 = tpu.memref_squeeze %dma_start3A_647 : memref<1x2x64xi32, #tpu.memory_space<vmem>> -> memref<2x64xi32, #tpu.memory_space<vmem>>
      %dma_start3A_649 = arith.constant 0 : i32
      %dma_start3A_650 = tpu.memref_slice %dma_start3A_648[%dma_start3A_639, %dma_start3A_649] : memref<2x64xi32, #tpu.memory_space<vmem>> -> memref<1x64xi32, #tpu.memory_space<vmem>>
      %dma_start3A_651 = tpu.memref_squeeze %dma_start3A_650 : memref<1x64xi32, #tpu.memory_space<vmem>> -> memref<64xi32, #tpu.memory_space<vmem>>
      %dma_start3A_652 = arith.constant 0 : i32
      %dma_start3A_653 = arith.constant 0 : i32
      %dma_start3A_654 = tpu.memref_slice %arg11[%dma_start3A_652, %dma_start3A_653] : memref<10112x128xf32, #tpu.memory_space<vmem_shared>> -> memref<10112x128xf32, #tpu.memory_space<vmem_shared>>
      %dma_start3A_655 = tpu.memref_slice %arg14[%dma_start3A_640] : memref<4x!tpu.dma_semaphore, #tpu.memory_space<semaphore_mem>> -> memref<1x!tpu.dma_semaphore, #tpu.memory_space<semaphore_mem>>
      %dma_start3A_656 = tpu.memref_squeeze %dma_start3A_655 : memref<1x!tpu.dma_semaphore, #tpu.memory_space<semaphore_mem>> -> memref<!tpu.dma_semaphore, #tpu.memory_space<semaphore_mem>>
      tpu.enqueue_indirect_dma source(%dma_start3A_644 : memref<64x128xf32, #tpu.memory_space<vmem>>) target(%dma_start3A_654 : memref<10112x128xf32, #tpu.memory_space<vmem_shared>>) offsets(%dma_start3A_651 : memref<64xi32, #tpu.memory_space<vmem>>) semaphore(%dma_start3A_656 : memref<!tpu.dma_semaphore, #tpu.memory_space<semaphore_mem>>) {add = true}
      %dma_start3A_657 = arith.constant 1 : i32
      %dma_start3A_658 = arith.constant 0 : i32
      %dma_start3A_659 = arith.constant 0 : i32
      %dma_start3A_660 = arith.constant 0 : i32
      %dma_start3A_661 = tpu.memref_slice %arg9[%select_n3A_618, %dma_start3A_659, %dma_start3A_660] : memref<8x2x64xi32, #tpu.memory_space<vmem>> -> memref<1x2x64xi32, #tpu.memory_space<vmem>>
      %dma_start3A_662 = tpu.memref_squeeze %dma_start3A_661 : memref<1x2x64xi32, #tpu.memory_space<vmem>> -> memref<2x64xi32, #tpu.memory_space<vmem>>
      %dma_start3A_663 = arith.constant 0 : i32
      %dma_start3A_664 = tpu.memref_slice %dma_start3A_662[%dma_start3A_657, %dma_start3A_663] : memref<2x64xi32, #tpu.memory_space<vmem>> -> memref<1x64xi32, #tpu.memory_space<vmem>>
      %dma_start3A_665 = tpu.memref_squeeze %dma_start3A_664 : memref<1x64xi32, #tpu.memory_space<vmem>> -> memref<64xi32, #tpu.memory_space<vmem>>
      %dma_start3A_666 = arith.constant 0 : i32
      %dma_start3A_667 = arith.constant 0 : i32
      %dma_start3A_668 = tpu.memref_slice %arg16[%dma_start3A_666, %dma_start3A_667] : memref<10112x16xf32, #tpu.memory_space<vmem_shared>> -> memref<10112x16xf32, #tpu.memory_space<vmem_shared>>
      %dma_start3A_669 = tpu.memref_slice %arg17[%dma_start3A_658] : memref<4x!tpu.dma_semaphore, #tpu.memory_space<semaphore_mem>> -> memref<1x!tpu.dma_semaphore, #tpu.memory_space<semaphore_mem>>
      %dma_start3A_670 = tpu.memref_squeeze %dma_start3A_669 : memref<1x!tpu.dma_semaphore, #tpu.memory_space<semaphore_mem>> -> memref<!tpu.dma_semaphore, #tpu.memory_space<semaphore_mem>>
      tpu.enqueue_indirect_dma source(%arg15 : memref<64x16xf32, #tpu.memory_space<vmem>>) target(%dma_start3A_668 : memref<10112x16xf32, #tpu.memory_space<vmem_shared>>) offsets(%dma_start3A_665 : memref<64xi32, #tpu.memory_space<vmem>>) semaphore(%dma_start3A_670 : memref<!tpu.dma_semaphore, #tpu.memory_space<semaphore_mem>>) {add = true}
      %add3A_671 = arith.constant 4 : i32
      %add3A_672 = arith.addi %add3A_609, %add3A_671 : i32
      %lt3A_673 = arith.constant 160 : i32
      %lt3A_674 = arith.cmpi slt, %add3A_672, %lt3A_673 : i32
      %convert_element_type3A = arith.extui %lt3A_674 : i1 to i32
      %cond3A = arith.constant 0 : i32
      %cond3A_675 = arith.cmpi ne, %convert_element_type3A, %cond3A : i32
      scf.if %cond3A_675 {
        %jit3A_941 = arith.constant 8 : i32
        %eq3A_942 = arith.constant 0 : i32
        %eq3A_943 = arith.cmpi eq, %jit3A_941, %eq3A_942 : i32
        %jit3A_944 = arith.constant 1 : i32
        %select_n3A_945 = arith.select %eq3A_943, %jit3A_944, %jit3A_941 : i32
        %rem3A_946 = arith.remsi %add3A_672, %select_n3A_945 : i32
        %ne3A_947 = arith.constant 0 : i32
        %ne3A_948 = arith.cmpi ne, %rem3A_946, %ne3A_947 : i32
        %lt3A_949 = arith.constant 0 : i32
        %lt3A_950 = arith.cmpi slt, %rem3A_946, %lt3A_949 : i32
        %lt3A_951 = arith.constant 0 : i32
        %lt3A_952 = arith.cmpi slt, %select_n3A_945, %lt3A_951 : i32
        %ne3A_953 = arith.xori %lt3A_950, %lt3A_952 : i1
        %and3A_954 = arith.andi %ne3A_953, %ne3A_948 : i1
        %add3A_955 = arith.addi %rem3A_946, %select_n3A_945 : i32
        %select_n3A_956 = arith.select %and3A_954, %add3A_955, %rem3A_946 : i32
        %dma_wait3A_957 = arith.constant 0 : i32
        %dma_wait3A_958 = arith.constant 0 : i32
        %dma_wait3A_959 = tpu.memref_slice %arg9[%select_n3A_956, %dma_wait3A_957, %dma_wait3A_958] : memref<8x2x64xi32, #tpu.memory_space<vmem>> -> memref<1x2x64xi32, #tpu.memory_space<vmem>>
        %dma_wait3A_960 = tpu.memref_squeeze %dma_wait3A_959 : memref<1x2x64xi32, #tpu.memory_space<vmem>> -> memref<2x64xi32, #tpu.memory_space<vmem>>
        %dma_wait3A_961 = arith.constant 0 : i32
        %dma_wait3A_962 = arith.constant 0 : i32
        %dma_wait3A_963 = arith.constant 0 : i32
        %dma_wait3A_964 = tpu.memref_slice %arg3[%add3A, %dma_wait3A_961, %dma_wait3A_962, %dma_wait3A_963] : memref<32x160x2x64xi32, #tpu.memory_space<hbm>> -> memref<1x160x2x64xi32, #tpu.memory_space<hbm>>
        %dma_wait3A_965 = tpu.memref_squeeze %dma_wait3A_964 : memref<1x160x2x64xi32, #tpu.memory_space<hbm>> -> memref<160x2x64xi32, #tpu.memory_space<hbm>>
        %dma_wait3A_966 = arith.constant 0 : i32
        %dma_wait3A_967 = arith.constant 0 : i32
        %dma_wait3A_968 = tpu.memref_slice %dma_wait3A_965[%add3A_672, %dma_wait3A_966, %dma_wait3A_967] : memref<160x2x64xi32, #tpu.memory_space<hbm>> -> memref<1x2x64xi32, #tpu.memory_space<hbm>>
        %dma_wait3A_969 = tpu.memref_squeeze %dma_wait3A_968 : memref<1x2x64xi32, #tpu.memory_space<hbm>> -> memref<2x64xi32, #tpu.memory_space<hbm>>
        %dma_wait3A_970 = tpu.memref_slice %arg12[%select_n3A_956] : memref<8x!tpu.dma_semaphore, #tpu.memory_space<semaphore_mem>> -> memref<1x!tpu.dma_semaphore, #tpu.memory_space<semaphore_mem>>
        %dma_wait3A_971 = tpu.memref_squeeze %dma_wait3A_970 : memref<1x!tpu.dma_semaphore, #tpu.memory_space<semaphore_mem>> -> memref<!tpu.dma_semaphore, #tpu.memory_space<semaphore_mem>>
        %dma_wait3A_972 = arith.constant 0 : i32
        %dma_wait3A_973 = arith.constant 0 : i32
        %dma_wait3A_974 = tpu.memref_slice %arg9[%select_n3A_956, %dma_wait3A_972, %dma_wait3A_973] : memref<8x2x64xi32, #tpu.memory_space<vmem>> -> memref<1x2x64xi32, #tpu.memory_space<vmem>>
        %dma_wait3A_975 = tpu.memref_squeeze %dma_wait3A_974 : memref<1x2x64xi32, #tpu.memory_space<vmem>> -> memref<2x64xi32, #tpu.memory_space<vmem>>
        %dma_wait3A_976 = arith.constant 0 : i32
        %dma_wait3A_977 = arith.constant 0 : i32
        %dma_wait3A_978 = arith.constant 0 : i32
        %dma_wait3A_979 = tpu.memref_slice %arg3[%add3A, %dma_wait3A_976, %dma_wait3A_977, %dma_wait3A_978] : memref<32x160x2x64xi32, #tpu.memory_space<hbm>> -> memref<1x160x2x64xi32, #tpu.memory_space<hbm>>
        %dma_wait3A_980 = tpu.memref_squeeze %dma_wait3A_979 : memref<1x160x2x64xi32, #tpu.memory_space<hbm>> -> memref<160x2x64xi32, #tpu.memory_space<hbm>>
        %dma_wait3A_981 = arith.constant 0 : i32
        %dma_wait3A_982 = arith.constant 0 : i32
        %dma_wait3A_983 = tpu.memref_slice %dma_wait3A_980[%add3A_672, %dma_wait3A_981, %dma_wait3A_982] : memref<160x2x64xi32, #tpu.memory_space<hbm>> -> memref<1x2x64xi32, #tpu.memory_space<hbm>>
        %dma_wait3A_984 = tpu.memref_squeeze %dma_wait3A_983 : memref<1x2x64xi32, #tpu.memory_space<hbm>> -> memref<2x64xi32, #tpu.memory_space<hbm>>
        tpu.wait_dma2 semaphore(%dma_wait3A_971 : memref<!tpu.dma_semaphore, #tpu.memory_space<semaphore_mem>>) src(%dma_wait3A_984 : memref<2x64xi32, #tpu.memory_space<hbm>>) dst(%dma_wait3A_975 : memref<2x64xi32, #tpu.memory_space<vmem>>)
        %dma_wait3A_985 = arith.constant 0 : i32
        %dma_wait3A_986 = arith.constant 1 : i32
        %dma_wait3A_987 = arith.constant 0 : i32
        %dma_wait3A_988 = arith.constant 0 : i32
        %dma_wait3A_989 = arith.constant 0 : i32
        %dma_wait3A_990 = tpu.memref_slice %arg10[%dma_wait3A_985, %dma_wait3A_988, %dma_wait3A_989] : memref<4x64x128xf32, #tpu.memory_space<vmem>> -> memref<1x64x128xf32, #tpu.memory_space<vmem>>
        %dma_wait3A_991 = tpu.memref_squeeze %dma_wait3A_990 : memref<1x64x128xf32, #tpu.memory_space<vmem>> -> memref<64x128xf32, #tpu.memory_space<vmem>>
        %dma_wait3A_992 = arith.constant 0 : i32
        %dma_wait3A_993 = arith.constant 0 : i32
        %dma_wait3A_994 = tpu.memref_slice %arg9[%select_n3A_618, %dma_wait3A_992, %dma_wait3A_993] : memref<8x2x64xi32, #tpu.memory_space<vmem>> -> memref<1x2x64xi32, #tpu.memory_space<vmem>>
        %dma_wait3A_995 = tpu.memref_squeeze %dma_wait3A_994 : memref<1x2x64xi32, #tpu.memory_space<vmem>> -> memref<2x64xi32, #tpu.memory_space<vmem>>
        %dma_wait3A_996 = arith.constant 0 : i32
        %dma_wait3A_997 = tpu.memref_slice %dma_wait3A_995[%dma_wait3A_986, %dma_wait3A_996] : memref<2x64xi32, #tpu.memory_space<vmem>> -> memref<1x64xi32, #tpu.memory_space<vmem>>
        %dma_wait3A_998 = tpu.memref_squeeze %dma_wait3A_997 : memref<1x64xi32, #tpu.memory_space<vmem>> -> memref<64xi32, #tpu.memory_space<vmem>>
        %dma_wait3A_999 = arith.constant 0 : i32
        %dma_wait3A_1000 = arith.constant 0 : i32
        %dma_wait3A_1001 = tpu.memref_slice %arg11[%dma_wait3A_999, %dma_wait3A_1000] : memref<10112x128xf32, #tpu.memory_space<vmem_shared>> -> memref<10112x128xf32, #tpu.memory_space<vmem_shared>>
        %dma_wait3A_1002 = tpu.memref_slice %arg14[%dma_wait3A_987] : memref<4x!tpu.dma_semaphore, #tpu.memory_space<semaphore_mem>> -> memref<1x!tpu.dma_semaphore, #tpu.memory_space<semaphore_mem>>
        %dma_wait3A_1003 = tpu.memref_squeeze %dma_wait3A_1002 : memref<1x!tpu.dma_semaphore, #tpu.memory_space<semaphore_mem>> -> memref<!tpu.dma_semaphore, #tpu.memory_space<semaphore_mem>>
        tpu.wait_indirect_dma semaphore(%dma_wait3A_1003 : memref<!tpu.dma_semaphore, #tpu.memory_space<semaphore_mem>>) src(%dma_wait3A_991 : memref<64x128xf32, #tpu.memory_space<vmem>>) dst(%dma_wait3A_1001 : memref<10112x128xf32, #tpu.memory_space<vmem_shared>>)
        %dma_wait3A_1004 = arith.constant 1 : i32
        %dma_wait3A_1005 = arith.constant 0 : i32
        %dma_wait3A_1006 = arith.constant 0 : i32
        %dma_wait3A_1007 = arith.constant 0 : i32
        %dma_wait3A_1008 = tpu.memref_slice %arg9[%select_n3A_618, %dma_wait3A_1006, %dma_wait3A_1007] : memref<8x2x64xi32, #tpu.memory_space<vmem>> -> memref<1x2x64xi32, #tpu.memory_space<vmem>>
        %dma_wait3A_1009 = tpu.memref_squeeze %dma_wait3A_1008 : memref<1x2x64xi32, #tpu.memory_space<vmem>> -> memref<2x64xi32, #tpu.memory_space<vmem>>
        %dma_wait3A_1010 = arith.constant 0 : i32
        %dma_wait3A_1011 = tpu.memref_slice %dma_wait3A_1009[%dma_wait3A_1004, %dma_wait3A_1010] : memref<2x64xi32, #tpu.memory_space<vmem>> -> memref<1x64xi32, #tpu.memory_space<vmem>>
        %dma_wait3A_1012 = tpu.memref_squeeze %dma_wait3A_1011 : memref<1x64xi32, #tpu.memory_space<vmem>> -> memref<64xi32, #tpu.memory_space<vmem>>
        %dma_wait3A_1013 = arith.constant 0 : i32
        %dma_wait3A_1014 = arith.constant 0 : i32
        %dma_wait3A_1015 = tpu.memref_slice %arg16[%dma_wait3A_1013, %dma_wait3A_1014] : memref<10112x16xf32, #tpu.memory_space<vmem_shared>> -> memref<10112x16xf32, #tpu.memory_space<vmem_shared>>
        %dma_wait3A_1016 = tpu.memref_slice %arg17[%dma_wait3A_1005] : memref<4x!tpu.dma_semaphore, #tpu.memory_space<semaphore_mem>> -> memref<1x!tpu.dma_semaphore, #tpu.memory_space<semaphore_mem>>
        %dma_wait3A_1017 = tpu.memref_squeeze %dma_wait3A_1016 : memref<1x!tpu.dma_semaphore, #tpu.memory_space<semaphore_mem>> -> memref<!tpu.dma_semaphore, #tpu.memory_space<semaphore_mem>>
        tpu.wait_indirect_dma semaphore(%dma_wait3A_1017 : memref<!tpu.dma_semaphore, #tpu.memory_space<semaphore_mem>>) src(%arg15 : memref<64x16xf32, #tpu.memory_space<vmem>>) dst(%dma_wait3A_1015 : memref<10112x16xf32, #tpu.memory_space<vmem_shared>>)
        %dma_start3A_1018 = arith.constant 0 : i32
        %dma_start3A_1019 = arith.constant 0 : i32
        %dma_start3A_1020 = arith.constant 0 : i32
        %dma_start3A_1021 = arith.constant 0 : i32
        %dma_start3A_1022 = arith.constant 0 : i32
        %dma_start3A_1023 = tpu.memref_slice %arg10[%dma_start3A_1019, %dma_start3A_1021, %dma_start3A_1022] : memref<4x64x128xf32, #tpu.memory_space<vmem>> -> memref<1x64x128xf32, #tpu.memory_space<vmem>>
        %dma_start3A_1024 = tpu.memref_squeeze %dma_start3A_1023 : memref<1x64x128xf32, #tpu.memory_space<vmem>> -> memref<64x128xf32, #tpu.memory_space<vmem>>
        %dma_start3A_1025 = arith.constant 0 : i32
        %dma_start3A_1026 = arith.constant 0 : i32
        %dma_start3A_1027 = tpu.memref_slice %arg9[%select_n3A_956, %dma_start3A_1025, %dma_start3A_1026] : memref<8x2x64xi32, #tpu.memory_space<vmem>> -> memref<1x2x64xi32, #tpu.memory_space<vmem>>
        %dma_start3A_1028 = tpu.memref_squeeze %dma_start3A_1027 : memref<1x2x64xi32, #tpu.memory_space<vmem>> -> memref<2x64xi32, #tpu.memory_space<vmem>>
        %dma_start3A_1029 = arith.constant 0 : i32
        %dma_start3A_1030 = tpu.memref_slice %dma_start3A_1028[%dma_start3A_1018, %dma_start3A_1029] : memref<2x64xi32, #tpu.memory_space<vmem>> -> memref<1x64xi32, #tpu.memory_space<vmem>>
        %dma_start3A_1031 = tpu.memref_squeeze %dma_start3A_1030 : memref<1x64xi32, #tpu.memory_space<vmem>> -> memref<64xi32, #tpu.memory_space<vmem>>
        %dma_start3A_1032 = arith.constant 0 : i32
        %dma_start3A_1033 = arith.constant 0 : i32
        %dma_start3A_1034 = tpu.memref_slice %arg2[%dma_start3A_1032, %dma_start3A_1033] : memref<10000x128xf32, #tpu.memory_space<hbm>> -> memref<10000x128xf32, #tpu.memory_space<hbm>>
        %dma_start3A_1035 = tpu.memref_slice %arg13[%dma_start3A_1020] : memref<4x!tpu.dma_semaphore, #tpu.memory_space<semaphore_mem>> -> memref<1x!tpu.dma_semaphore, #tpu.memory_space<semaphore_mem>>
        %dma_start3A_1036 = tpu.memref_squeeze %dma_start3A_1035 : memref<1x!tpu.dma_semaphore, #tpu.memory_space<semaphore_mem>> -> memref<!tpu.dma_semaphore, #tpu.memory_space<semaphore_mem>>
        tpu.enqueue_indirect_dma source(%dma_start3A_1034 : memref<10000x128xf32, #tpu.memory_space<hbm>>) target(%dma_start3A_1024 : memref<64x128xf32, #tpu.memory_space<vmem>>) offsets(%dma_start3A_1031 : memref<64xi32, #tpu.memory_space<vmem>>) semaphore(%dma_start3A_1036 : memref<!tpu.dma_semaphore, #tpu.memory_space<semaphore_mem>>)
      } else {
      }
      %add3A_676 = arith.constant 8 : i32
      %add3A_677 = arith.addi %add3A_609, %add3A_676 : i32
      %lt3A_678 = arith.constant 160 : i32
      %lt3A_679 = arith.cmpi slt, %add3A_677, %lt3A_678 : i32
      %convert_element_type3A_680 = arith.extui %lt3A_679 : i1 to i32
      %cond3A_681 = arith.constant 0 : i32
      %cond3A_682 = arith.cmpi ne, %convert_element_type3A_680, %cond3A_681 : i32
      scf.if %cond3A_682 {
        %dma_start3A_941 = arith.constant 0 : i32
        %dma_start3A_942 = arith.constant 0 : i32
        %dma_start3A_943 = tpu.memref_slice %arg9[%select_n3A_618, %dma_start3A_941, %dma_start3A_942] : memref<8x2x64xi32, #tpu.memory_space<vmem>> -> memref<1x2x64xi32, #tpu.memory_space<vmem>>
        %dma_start3A_944 = tpu.memref_squeeze %dma_start3A_943 : memref<1x2x64xi32, #tpu.memory_space<vmem>> -> memref<2x64xi32, #tpu.memory_space<vmem>>
        %dma_start3A_945 = arith.constant 0 : i32
        %dma_start3A_946 = arith.constant 0 : i32
        %dma_start3A_947 = arith.constant 0 : i32
        %dma_start3A_948 = tpu.memref_slice %arg3[%add3A, %dma_start3A_945, %dma_start3A_946, %dma_start3A_947] : memref<32x160x2x64xi32, #tpu.memory_space<hbm>> -> memref<1x160x2x64xi32, #tpu.memory_space<hbm>>
        %dma_start3A_949 = tpu.memref_squeeze %dma_start3A_948 : memref<1x160x2x64xi32, #tpu.memory_space<hbm>> -> memref<160x2x64xi32, #tpu.memory_space<hbm>>
        %dma_start3A_950 = arith.constant 0 : i32
        %dma_start3A_951 = arith.constant 0 : i32
        %dma_start3A_952 = tpu.memref_slice %dma_start3A_949[%add3A_677, %dma_start3A_950, %dma_start3A_951] : memref<160x2x64xi32, #tpu.memory_space<hbm>> -> memref<1x2x64xi32, #tpu.memory_space<hbm>>
        %dma_start3A_953 = tpu.memref_squeeze %dma_start3A_952 : memref<1x2x64xi32, #tpu.memory_space<hbm>> -> memref<2x64xi32, #tpu.memory_space<hbm>>
        %dma_start3A_954 = tpu.memref_slice %arg12[%select_n3A_618] : memref<8x!tpu.dma_semaphore, #tpu.memory_space<semaphore_mem>> -> memref<1x!tpu.dma_semaphore, #tpu.memory_space<semaphore_mem>>
        %dma_start3A_955 = tpu.memref_squeeze %dma_start3A_954 : memref<1x!tpu.dma_semaphore, #tpu.memory_space<semaphore_mem>> -> memref<!tpu.dma_semaphore, #tpu.memory_space<semaphore_mem>>
        %dma_start3A_956 = arith.constant 0 : i32
        %dma_start3A_957 = arith.constant 0 : i32
        %dma_start3A_958 = tpu.memref_slice %arg9[%select_n3A_618, %dma_start3A_956, %dma_start3A_957] : memref<8x2x64xi32, #tpu.memory_space<vmem>> -> memref<1x2x64xi32, #tpu.memory_space<vmem>>
        %dma_start3A_959 = tpu.memref_squeeze %dma_start3A_958 : memref<1x2x64xi32, #tpu.memory_space<vmem>> -> memref<2x64xi32, #tpu.memory_space<vmem>>
        %dma_start3A_960 = arith.constant 0 : i32
        %dma_start3A_961 = arith.constant 0 : i32
        %dma_start3A_962 = arith.constant 0 : i32
        %dma_start3A_963 = tpu.memref_slice %arg3[%add3A, %dma_start3A_960, %dma_start3A_961, %dma_start3A_962] : memref<32x160x2x64xi32, #tpu.memory_space<hbm>> -> memref<1x160x2x64xi32, #tpu.memory_space<hbm>>
        %dma_start3A_964 = tpu.memref_squeeze %dma_start3A_963 : memref<1x160x2x64xi32, #tpu.memory_space<hbm>> -> memref<160x2x64xi32, #tpu.memory_space<hbm>>
        %dma_start3A_965 = arith.constant 0 : i32
        %dma_start3A_966 = arith.constant 0 : i32
        %dma_start3A_967 = tpu.memref_slice %dma_start3A_964[%add3A_677, %dma_start3A_965, %dma_start3A_966] : memref<160x2x64xi32, #tpu.memory_space<hbm>> -> memref<1x2x64xi32, #tpu.memory_space<hbm>>
        %dma_start3A_968 = tpu.memref_squeeze %dma_start3A_967 : memref<1x2x64xi32, #tpu.memory_space<hbm>> -> memref<2x64xi32, #tpu.memory_space<hbm>>
        tpu.enqueue_dma source(%dma_start3A_968 : memref<2x64xi32, #tpu.memory_space<hbm>>) target(%dma_start3A_959 : memref<2x64xi32, #tpu.memory_space<vmem>>) target_semaphore(%dma_start3A_955 : memref<!tpu.dma_semaphore, #tpu.memory_space<semaphore_mem>>)
      } else {
      }
      %mul3A_683 = arith.constant 4 : i32
      %mul3A_684 = arith.muli %mul3A_683, %add3A_605 : i32
      %add3A_685 = arith.constant 1 : i32
      %add3A_686 = arith.addi %mul3A_684, %add3A_685 : i32
      %jit3A_687 = arith.constant 8 : i32
      %eq3A_688 = arith.constant 0 : i32
      %eq3A_689 = arith.cmpi eq, %jit3A_687, %eq3A_688 : i32
      %jit3A_690 = arith.constant 1 : i32
      %select_n3A_691 = arith.select %eq3A_689, %jit3A_690, %jit3A_687 : i32
      %rem3A_692 = arith.remsi %add3A_686, %select_n3A_691 : i32
      %ne3A_693 = arith.constant 0 : i32
      %ne3A_694 = arith.cmpi ne, %rem3A_692, %ne3A_693 : i32
      %lt3A_695 = arith.constant 0 : i32
      %lt3A_696 = arith.cmpi slt, %rem3A_692, %lt3A_695 : i32
      %lt3A_697 = arith.constant 0 : i32
      %lt3A_698 = arith.cmpi slt, %select_n3A_691, %lt3A_697 : i32
      %ne3A_699 = arith.xori %lt3A_696, %lt3A_698 : i1
      %and3A_700 = arith.andi %ne3A_699, %ne3A_694 : i1
      %add3A_701 = arith.addi %rem3A_692, %select_n3A_691 : i32
      %select_n3A_702 = arith.select %and3A_700, %add3A_701, %rem3A_692 : i32
      %dma_wait3A_703 = arith.constant 0 : i32
      %dma_wait3A_704 = arith.constant 1 : i32
      %dma_wait3A_705 = arith.constant 1 : i32
      %dma_wait3A_706 = arith.constant 0 : i32
      %dma_wait3A_707 = arith.constant 0 : i32
      %dma_wait3A_708 = tpu.memref_slice %arg10[%dma_wait3A_704, %dma_wait3A_706, %dma_wait3A_707] : memref<4x64x128xf32, #tpu.memory_space<vmem>> -> memref<1x64x128xf32, #tpu.memory_space<vmem>>
      %dma_wait3A_709 = tpu.memref_squeeze %dma_wait3A_708 : memref<1x64x128xf32, #tpu.memory_space<vmem>> -> memref<64x128xf32, #tpu.memory_space<vmem>>
      %dma_wait3A_710 = arith.constant 0 : i32
      %dma_wait3A_711 = arith.constant 0 : i32
      %dma_wait3A_712 = tpu.memref_slice %arg9[%select_n3A_702, %dma_wait3A_710, %dma_wait3A_711] : memref<8x2x64xi32, #tpu.memory_space<vmem>> -> memref<1x2x64xi32, #tpu.memory_space<vmem>>
      %dma_wait3A_713 = tpu.memref_squeeze %dma_wait3A_712 : memref<1x2x64xi32, #tpu.memory_space<vmem>> -> memref<2x64xi32, #tpu.memory_space<vmem>>
      %dma_wait3A_714 = arith.constant 0 : i32
      %dma_wait3A_715 = tpu.memref_slice %dma_wait3A_713[%dma_wait3A_703, %dma_wait3A_714] : memref<2x64xi32, #tpu.memory_space<vmem>> -> memref<1x64xi32, #tpu.memory_space<vmem>>
      %dma_wait3A_716 = tpu.memref_squeeze %dma_wait3A_715 : memref<1x64xi32, #tpu.memory_space<vmem>> -> memref<64xi32, #tpu.memory_space<vmem>>
      %dma_wait3A_717 = arith.constant 0 : i32
      %dma_wait3A_718 = arith.constant 0 : i32
      %dma_wait3A_719 = tpu.memref_slice %arg2[%dma_wait3A_717, %dma_wait3A_718] : memref<10000x128xf32, #tpu.memory_space<hbm>> -> memref<10000x128xf32, #tpu.memory_space<hbm>>
      %dma_wait3A_720 = tpu.memref_slice %arg13[%dma_wait3A_705] : memref<4x!tpu.dma_semaphore, #tpu.memory_space<semaphore_mem>> -> memref<1x!tpu.dma_semaphore, #tpu.memory_space<semaphore_mem>>
      %dma_wait3A_721 = tpu.memref_squeeze %dma_wait3A_720 : memref<1x!tpu.dma_semaphore, #tpu.memory_space<semaphore_mem>> -> memref<!tpu.dma_semaphore, #tpu.memory_space<semaphore_mem>>
      tpu.wait_indirect_dma semaphore(%dma_wait3A_721 : memref<!tpu.dma_semaphore, #tpu.memory_space<semaphore_mem>>) src(%dma_wait3A_719 : memref<10000x128xf32, #tpu.memory_space<hbm>>) dst(%dma_wait3A_709 : memref<64x128xf32, #tpu.memory_space<vmem>>)
      %dma_start3A_722 = arith.constant 1 : i32
      %dma_start3A_723 = arith.constant 1 : i32
      %dma_start3A_724 = arith.constant 1 : i32
      %dma_start3A_725 = arith.constant 0 : i32
      %dma_start3A_726 = arith.constant 0 : i32
      %dma_start3A_727 = tpu.memref_slice %arg10[%dma_start3A_722, %dma_start3A_725, %dma_start3A_726] : memref<4x64x128xf32, #tpu.memory_space<vmem>> -> memref<1x64x128xf32, #tpu.memory_space<vmem>>
      %dma_start3A_728 = tpu.memref_squeeze %dma_start3A_727 : memref<1x64x128xf32, #tpu.memory_space<vmem>> -> memref<64x128xf32, #tpu.memory_space<vmem>>
      %dma_start3A_729 = arith.constant 0 : i32
      %dma_start3A_730 = arith.constant 0 : i32
      %dma_start3A_731 = tpu.memref_slice %arg9[%select_n3A_702, %dma_start3A_729, %dma_start3A_730] : memref<8x2x64xi32, #tpu.memory_space<vmem>> -> memref<1x2x64xi32, #tpu.memory_space<vmem>>
      %dma_start3A_732 = tpu.memref_squeeze %dma_start3A_731 : memref<1x2x64xi32, #tpu.memory_space<vmem>> -> memref<2x64xi32, #tpu.memory_space<vmem>>
      %dma_start3A_733 = arith.constant 0 : i32
      %dma_start3A_734 = tpu.memref_slice %dma_start3A_732[%dma_start3A_723, %dma_start3A_733] : memref<2x64xi32, #tpu.memory_space<vmem>> -> memref<1x64xi32, #tpu.memory_space<vmem>>
      %dma_start3A_735 = tpu.memref_squeeze %dma_start3A_734 : memref<1x64xi32, #tpu.memory_space<vmem>> -> memref<64xi32, #tpu.memory_space<vmem>>
      %dma_start3A_736 = arith.constant 0 : i32
      %dma_start3A_737 = arith.constant 0 : i32
      %dma_start3A_738 = tpu.memref_slice %arg11[%dma_start3A_736, %dma_start3A_737] : memref<10112x128xf32, #tpu.memory_space<vmem_shared>> -> memref<10112x128xf32, #tpu.memory_space<vmem_shared>>
      %dma_start3A_739 = tpu.memref_slice %arg14[%dma_start3A_724] : memref<4x!tpu.dma_semaphore, #tpu.memory_space<semaphore_mem>> -> memref<1x!tpu.dma_semaphore, #tpu.memory_space<semaphore_mem>>
      %dma_start3A_740 = tpu.memref_squeeze %dma_start3A_739 : memref<1x!tpu.dma_semaphore, #tpu.memory_space<semaphore_mem>> -> memref<!tpu.dma_semaphore, #tpu.memory_space<semaphore_mem>>
      tpu.enqueue_indirect_dma source(%dma_start3A_728 : memref<64x128xf32, #tpu.memory_space<vmem>>) target(%dma_start3A_738 : memref<10112x128xf32, #tpu.memory_space<vmem_shared>>) offsets(%dma_start3A_735 : memref<64xi32, #tpu.memory_space<vmem>>) semaphore(%dma_start3A_740 : memref<!tpu.dma_semaphore, #tpu.memory_space<semaphore_mem>>) {add = true}
      %dma_start3A_741 = arith.constant 1 : i32
      %dma_start3A_742 = arith.constant 1 : i32
      %dma_start3A_743 = arith.constant 0 : i32
      %dma_start3A_744 = arith.constant 0 : i32
      %dma_start3A_745 = tpu.memref_slice %arg9[%select_n3A_702, %dma_start3A_743, %dma_start3A_744] : memref<8x2x64xi32, #tpu.memory_space<vmem>> -> memref<1x2x64xi32, #tpu.memory_space<vmem>>
      %dma_start3A_746 = tpu.memref_squeeze %dma_start3A_745 : memref<1x2x64xi32, #tpu.memory_space<vmem>> -> memref<2x64xi32, #tpu.memory_space<vmem>>
      %dma_start3A_747 = arith.constant 0 : i32
      %dma_start3A_748 = tpu.memref_slice %dma_start3A_746[%dma_start3A_741, %dma_start3A_747] : memref<2x64xi32, #tpu.memory_space<vmem>> -> memref<1x64xi32, #tpu.memory_space<vmem>>
      %dma_start3A_749 = tpu.memref_squeeze %dma_start3A_748 : memref<1x64xi32, #tpu.memory_space<vmem>> -> memref<64xi32, #tpu.memory_space<vmem>>
      %dma_start3A_750 = arith.constant 0 : i32
      %dma_start3A_751 = arith.constant 0 : i32
      %dma_start3A_752 = tpu.memref_slice %arg16[%dma_start3A_750, %dma_start3A_751] : memref<10112x16xf32, #tpu.memory_space<vmem_shared>> -> memref<10112x16xf32, #tpu.memory_space<vmem_shared>>
      %dma_start3A_753 = tpu.memref_slice %arg17[%dma_start3A_742] : memref<4x!tpu.dma_semaphore, #tpu.memory_space<semaphore_mem>> -> memref<1x!tpu.dma_semaphore, #tpu.memory_space<semaphore_mem>>
      %dma_start3A_754 = tpu.memref_squeeze %dma_start3A_753 : memref<1x!tpu.dma_semaphore, #tpu.memory_space<semaphore_mem>> -> memref<!tpu.dma_semaphore, #tpu.memory_space<semaphore_mem>>
      tpu.enqueue_indirect_dma source(%arg15 : memref<64x16xf32, #tpu.memory_space<vmem>>) target(%dma_start3A_752 : memref<10112x16xf32, #tpu.memory_space<vmem_shared>>) offsets(%dma_start3A_749 : memref<64xi32, #tpu.memory_space<vmem>>) semaphore(%dma_start3A_754 : memref<!tpu.dma_semaphore, #tpu.memory_space<semaphore_mem>>) {add = true}
      %add3A_755 = arith.constant 4 : i32
      %add3A_756 = arith.addi %add3A_686, %add3A_755 : i32
      %lt3A_757 = arith.constant 160 : i32
      %lt3A_758 = arith.cmpi slt, %add3A_756, %lt3A_757 : i32
      %convert_element_type3A_759 = arith.extui %lt3A_758 : i1 to i32
      %cond3A_760 = arith.constant 0 : i32
      %cond3A_761 = arith.cmpi ne, %convert_element_type3A_759, %cond3A_760 : i32
      scf.if %cond3A_761 {
        %jit3A_941 = arith.constant 8 : i32
        %eq3A_942 = arith.constant 0 : i32
        %eq3A_943 = arith.cmpi eq, %jit3A_941, %eq3A_942 : i32
        %jit3A_944 = arith.constant 1 : i32
        %select_n3A_945 = arith.select %eq3A_943, %jit3A_944, %jit3A_941 : i32
        %rem3A_946 = arith.remsi %add3A_756, %select_n3A_945 : i32
        %ne3A_947 = arith.constant 0 : i32
        %ne3A_948 = arith.cmpi ne, %rem3A_946, %ne3A_947 : i32
        %lt3A_949 = arith.constant 0 : i32
        %lt3A_950 = arith.cmpi slt, %rem3A_946, %lt3A_949 : i32
        %lt3A_951 = arith.constant 0 : i32
        %lt3A_952 = arith.cmpi slt, %select_n3A_945, %lt3A_951 : i32
        %ne3A_953 = arith.xori %lt3A_950, %lt3A_952 : i1
        %and3A_954 = arith.andi %ne3A_953, %ne3A_948 : i1
        %add3A_955 = arith.addi %rem3A_946, %select_n3A_945 : i32
        %select_n3A_956 = arith.select %and3A_954, %add3A_955, %rem3A_946 : i32
        %dma_wait3A_957 = arith.constant 0 : i32
        %dma_wait3A_958 = arith.constant 0 : i32
        %dma_wait3A_959 = tpu.memref_slice %arg9[%select_n3A_956, %dma_wait3A_957, %dma_wait3A_958] : memref<8x2x64xi32, #tpu.memory_space<vmem>> -> memref<1x2x64xi32, #tpu.memory_space<vmem>>
        %dma_wait3A_960 = tpu.memref_squeeze %dma_wait3A_959 : memref<1x2x64xi32, #tpu.memory_space<vmem>> -> memref<2x64xi32, #tpu.memory_space<vmem>>
        %dma_wait3A_961 = arith.constant 0 : i32
        %dma_wait3A_962 = arith.constant 0 : i32
        %dma_wait3A_963 = arith.constant 0 : i32
        %dma_wait3A_964 = tpu.memref_slice %arg3[%add3A, %dma_wait3A_961, %dma_wait3A_962, %dma_wait3A_963] : memref<32x160x2x64xi32, #tpu.memory_space<hbm>> -> memref<1x160x2x64xi32, #tpu.memory_space<hbm>>
        %dma_wait3A_965 = tpu.memref_squeeze %dma_wait3A_964 : memref<1x160x2x64xi32, #tpu.memory_space<hbm>> -> memref<160x2x64xi32, #tpu.memory_space<hbm>>
        %dma_wait3A_966 = arith.constant 0 : i32
        %dma_wait3A_967 = arith.constant 0 : i32
        %dma_wait3A_968 = tpu.memref_slice %dma_wait3A_965[%add3A_756, %dma_wait3A_966, %dma_wait3A_967] : memref<160x2x64xi32, #tpu.memory_space<hbm>> -> memref<1x2x64xi32, #tpu.memory_space<hbm>>
        %dma_wait3A_969 = tpu.memref_squeeze %dma_wait3A_968 : memref<1x2x64xi32, #tpu.memory_space<hbm>> -> memref<2x64xi32, #tpu.memory_space<hbm>>
        %dma_wait3A_970 = tpu.memref_slice %arg12[%select_n3A_956] : memref<8x!tpu.dma_semaphore, #tpu.memory_space<semaphore_mem>> -> memref<1x!tpu.dma_semaphore, #tpu.memory_space<semaphore_mem>>
        %dma_wait3A_971 = tpu.memref_squeeze %dma_wait3A_970 : memref<1x!tpu.dma_semaphore, #tpu.memory_space<semaphore_mem>> -> memref<!tpu.dma_semaphore, #tpu.memory_space<semaphore_mem>>
        %dma_wait3A_972 = arith.constant 0 : i32
        %dma_wait3A_973 = arith.constant 0 : i32
        %dma_wait3A_974 = tpu.memref_slice %arg9[%select_n3A_956, %dma_wait3A_972, %dma_wait3A_973] : memref<8x2x64xi32, #tpu.memory_space<vmem>> -> memref<1x2x64xi32, #tpu.memory_space<vmem>>
        %dma_wait3A_975 = tpu.memref_squeeze %dma_wait3A_974 : memref<1x2x64xi32, #tpu.memory_space<vmem>> -> memref<2x64xi32, #tpu.memory_space<vmem>>
        %dma_wait3A_976 = arith.constant 0 : i32
        %dma_wait3A_977 = arith.constant 0 : i32
        %dma_wait3A_978 = arith.constant 0 : i32
        %dma_wait3A_979 = tpu.memref_slice %arg3[%add3A, %dma_wait3A_976, %dma_wait3A_977, %dma_wait3A_978] : memref<32x160x2x64xi32, #tpu.memory_space<hbm>> -> memref<1x160x2x64xi32, #tpu.memory_space<hbm>>
        %dma_wait3A_980 = tpu.memref_squeeze %dma_wait3A_979 : memref<1x160x2x64xi32, #tpu.memory_space<hbm>> -> memref<160x2x64xi32, #tpu.memory_space<hbm>>
        %dma_wait3A_981 = arith.constant 0 : i32
        %dma_wait3A_982 = arith.constant 0 : i32
        %dma_wait3A_983 = tpu.memref_slice %dma_wait3A_980[%add3A_756, %dma_wait3A_981, %dma_wait3A_982] : memref<160x2x64xi32, #tpu.memory_space<hbm>> -> memref<1x2x64xi32, #tpu.memory_space<hbm>>
        %dma_wait3A_984 = tpu.memref_squeeze %dma_wait3A_983 : memref<1x2x64xi32, #tpu.memory_space<hbm>> -> memref<2x64xi32, #tpu.memory_space<hbm>>
        tpu.wait_dma2 semaphore(%dma_wait3A_971 : memref<!tpu.dma_semaphore, #tpu.memory_space<semaphore_mem>>) src(%dma_wait3A_984 : memref<2x64xi32, #tpu.memory_space<hbm>>) dst(%dma_wait3A_975 : memref<2x64xi32, #tpu.memory_space<vmem>>)
        %dma_wait3A_985 = arith.constant 1 : i32
        %dma_wait3A_986 = arith.constant 1 : i32
        %dma_wait3A_987 = arith.constant 1 : i32
        %dma_wait3A_988 = arith.constant 0 : i32
        %dma_wait3A_989 = arith.constant 0 : i32
        %dma_wait3A_990 = tpu.memref_slice %arg10[%dma_wait3A_985, %dma_wait3A_988, %dma_wait3A_989] : memref<4x64x128xf32, #tpu.memory_space<vmem>> -> memref<1x64x128xf32, #tpu.memory_space<vmem>>
        %dma_wait3A_991 = tpu.memref_squeeze %dma_wait3A_990 : memref<1x64x128xf32, #tpu.memory_space<vmem>> -> memref<64x128xf32, #tpu.memory_space<vmem>>
        %dma_wait3A_992 = arith.constant 0 : i32
        %dma_wait3A_993 = arith.constant 0 : i32
        %dma_wait3A_994 = tpu.memref_slice %arg9[%select_n3A_702, %dma_wait3A_992, %dma_wait3A_993] : memref<8x2x64xi32, #tpu.memory_space<vmem>> -> memref<1x2x64xi32, #tpu.memory_space<vmem>>
        %dma_wait3A_995 = tpu.memref_squeeze %dma_wait3A_994 : memref<1x2x64xi32, #tpu.memory_space<vmem>> -> memref<2x64xi32, #tpu.memory_space<vmem>>
        %dma_wait3A_996 = arith.constant 0 : i32
        %dma_wait3A_997 = tpu.memref_slice %dma_wait3A_995[%dma_wait3A_986, %dma_wait3A_996] : memref<2x64xi32, #tpu.memory_space<vmem>> -> memref<1x64xi32, #tpu.memory_space<vmem>>
        %dma_wait3A_998 = tpu.memref_squeeze %dma_wait3A_997 : memref<1x64xi32, #tpu.memory_space<vmem>> -> memref<64xi32, #tpu.memory_space<vmem>>
        %dma_wait3A_999 = arith.constant 0 : i32
        %dma_wait3A_1000 = arith.constant 0 : i32
        %dma_wait3A_1001 = tpu.memref_slice %arg11[%dma_wait3A_999, %dma_wait3A_1000] : memref<10112x128xf32, #tpu.memory_space<vmem_shared>> -> memref<10112x128xf32, #tpu.memory_space<vmem_shared>>
        %dma_wait3A_1002 = tpu.memref_slice %arg14[%dma_wait3A_987] : memref<4x!tpu.dma_semaphore, #tpu.memory_space<semaphore_mem>> -> memref<1x!tpu.dma_semaphore, #tpu.memory_space<semaphore_mem>>
        %dma_wait3A_1003 = tpu.memref_squeeze %dma_wait3A_1002 : memref<1x!tpu.dma_semaphore, #tpu.memory_space<semaphore_mem>> -> memref<!tpu.dma_semaphore, #tpu.memory_space<semaphore_mem>>
        tpu.wait_indirect_dma semaphore(%dma_wait3A_1003 : memref<!tpu.dma_semaphore, #tpu.memory_space<semaphore_mem>>) src(%dma_wait3A_991 : memref<64x128xf32, #tpu.memory_space<vmem>>) dst(%dma_wait3A_1001 : memref<10112x128xf32, #tpu.memory_space<vmem_shared>>)
        %dma_wait3A_1004 = arith.constant 1 : i32
        %dma_wait3A_1005 = arith.constant 1 : i32
        %dma_wait3A_1006 = arith.constant 0 : i32
        %dma_wait3A_1007 = arith.constant 0 : i32
        %dma_wait3A_1008 = tpu.memref_slice %arg9[%select_n3A_702, %dma_wait3A_1006, %dma_wait3A_1007] : memref<8x2x64xi32, #tpu.memory_space<vmem>> -> memref<1x2x64xi32, #tpu.memory_space<vmem>>
        %dma_wait3A_1009 = tpu.memref_squeeze %dma_wait3A_1008 : memref<1x2x64xi32, #tpu.memory_space<vmem>> -> memref<2x64xi32, #tpu.memory_space<vmem>>
        %dma_wait3A_1010 = arith.constant 0 : i32
        %dma_wait3A_1011 = tpu.memref_slice %dma_wait3A_1009[%dma_wait3A_1004, %dma_wait3A_1010] : memref<2x64xi32, #tpu.memory_space<vmem>> -> memref<1x64xi32, #tpu.memory_space<vmem>>
        %dma_wait3A_1012 = tpu.memref_squeeze %dma_wait3A_1011 : memref<1x64xi32, #tpu.memory_space<vmem>> -> memref<64xi32, #tpu.memory_space<vmem>>
        %dma_wait3A_1013 = arith.constant 0 : i32
        %dma_wait3A_1014 = arith.constant 0 : i32
        %dma_wait3A_1015 = tpu.memref_slice %arg16[%dma_wait3A_1013, %dma_wait3A_1014] : memref<10112x16xf32, #tpu.memory_space<vmem_shared>> -> memref<10112x16xf32, #tpu.memory_space<vmem_shared>>
        %dma_wait3A_1016 = tpu.memref_slice %arg17[%dma_wait3A_1005] : memref<4x!tpu.dma_semaphore, #tpu.memory_space<semaphore_mem>> -> memref<1x!tpu.dma_semaphore, #tpu.memory_space<semaphore_mem>>
        %dma_wait3A_1017 = tpu.memref_squeeze %dma_wait3A_1016 : memref<1x!tpu.dma_semaphore, #tpu.memory_space<semaphore_mem>> -> memref<!tpu.dma_semaphore, #tpu.memory_space<semaphore_mem>>
        tpu.wait_indirect_dma semaphore(%dma_wait3A_1017 : memref<!tpu.dma_semaphore, #tpu.memory_space<semaphore_mem>>) src(%arg15 : memref<64x16xf32, #tpu.memory_space<vmem>>) dst(%dma_wait3A_1015 : memref<10112x16xf32, #tpu.memory_space<vmem_shared>>)
        %dma_start3A_1018 = arith.constant 0 : i32
        %dma_start3A_1019 = arith.constant 1 : i32
        %dma_start3A_1020 = arith.constant 1 : i32
        %dma_start3A_1021 = arith.constant 0 : i32
        %dma_start3A_1022 = arith.constant 0 : i32
        %dma_start3A_1023 = tpu.memref_slice %arg10[%dma_start3A_1019, %dma_start3A_1021, %dma_start3A_1022] : memref<4x64x128xf32, #tpu.memory_space<vmem>> -> memref<1x64x128xf32, #tpu.memory_space<vmem>>
        %dma_start3A_1024 = tpu.memref_squeeze %dma_start3A_1023 : memref<1x64x128xf32, #tpu.memory_space<vmem>> -> memref<64x128xf32, #tpu.memory_space<vmem>>
        %dma_start3A_1025 = arith.constant 0 : i32
        %dma_start3A_1026 = arith.constant 0 : i32
        %dma_start3A_1027 = tpu.memref_slice %arg9[%select_n3A_956, %dma_start3A_1025, %dma_start3A_1026] : memref<8x2x64xi32, #tpu.memory_space<vmem>> -> memref<1x2x64xi32, #tpu.memory_space<vmem>>
        %dma_start3A_1028 = tpu.memref_squeeze %dma_start3A_1027 : memref<1x2x64xi32, #tpu.memory_space<vmem>> -> memref<2x64xi32, #tpu.memory_space<vmem>>
        %dma_start3A_1029 = arith.constant 0 : i32
        %dma_start3A_1030 = tpu.memref_slice %dma_start3A_1028[%dma_start3A_1018, %dma_start3A_1029] : memref<2x64xi32, #tpu.memory_space<vmem>> -> memref<1x64xi32, #tpu.memory_space<vmem>>
        %dma_start3A_1031 = tpu.memref_squeeze %dma_start3A_1030 : memref<1x64xi32, #tpu.memory_space<vmem>> -> memref<64xi32, #tpu.memory_space<vmem>>
        %dma_start3A_1032 = arith.constant 0 : i32
        %dma_start3A_1033 = arith.constant 0 : i32
        %dma_start3A_1034 = tpu.memref_slice %arg2[%dma_start3A_1032, %dma_start3A_1033] : memref<10000x128xf32, #tpu.memory_space<hbm>> -> memref<10000x128xf32, #tpu.memory_space<hbm>>
        %dma_start3A_1035 = tpu.memref_slice %arg13[%dma_start3A_1020] : memref<4x!tpu.dma_semaphore, #tpu.memory_space<semaphore_mem>> -> memref<1x!tpu.dma_semaphore, #tpu.memory_space<semaphore_mem>>
        %dma_start3A_1036 = tpu.memref_squeeze %dma_start3A_1035 : memref<1x!tpu.dma_semaphore, #tpu.memory_space<semaphore_mem>> -> memref<!tpu.dma_semaphore, #tpu.memory_space<semaphore_mem>>
        tpu.enqueue_indirect_dma source(%dma_start3A_1034 : memref<10000x128xf32, #tpu.memory_space<hbm>>) target(%dma_start3A_1024 : memref<64x128xf32, #tpu.memory_space<vmem>>) offsets(%dma_start3A_1031 : memref<64xi32, #tpu.memory_space<vmem>>) semaphore(%dma_start3A_1036 : memref<!tpu.dma_semaphore, #tpu.memory_space<semaphore_mem>>)
      } else {
      }
      %add3A_762 = arith.constant 8 : i32
      %add3A_763 = arith.addi %add3A_686, %add3A_762 : i32
      %lt3A_764 = arith.constant 160 : i32
      %lt3A_765 = arith.cmpi slt, %add3A_763, %lt3A_764 : i32
      %convert_element_type3A_766 = arith.extui %lt3A_765 : i1 to i32
      %cond3A_767 = arith.constant 0 : i32
      %cond3A_768 = arith.cmpi ne, %convert_element_type3A_766, %cond3A_767 : i32
      scf.if %cond3A_768 {
        %dma_start3A_941 = arith.constant 0 : i32
        %dma_start3A_942 = arith.constant 0 : i32
        %dma_start3A_943 = tpu.memref_slice %arg9[%select_n3A_702, %dma_start3A_941, %dma_start3A_942] : memref<8x2x64xi32, #tpu.memory_space<vmem>> -> memref<1x2x64xi32, #tpu.memory_space<vmem>>
        %dma_start3A_944 = tpu.memref_squeeze %dma_start3A_943 : memref<1x2x64xi32, #tpu.memory_space<vmem>> -> memref<2x64xi32, #tpu.memory_space<vmem>>
        %dma_start3A_945 = arith.constant 0 : i32
        %dma_start3A_946 = arith.constant 0 : i32
        %dma_start3A_947 = arith.constant 0 : i32
        %dma_start3A_948 = tpu.memref_slice %arg3[%add3A, %dma_start3A_945, %dma_start3A_946, %dma_start3A_947] : memref<32x160x2x64xi32, #tpu.memory_space<hbm>> -> memref<1x160x2x64xi32, #tpu.memory_space<hbm>>
        %dma_start3A_949 = tpu.memref_squeeze %dma_start3A_948 : memref<1x160x2x64xi32, #tpu.memory_space<hbm>> -> memref<160x2x64xi32, #tpu.memory_space<hbm>>
        %dma_start3A_950 = arith.constant 0 : i32
        %dma_start3A_951 = arith.constant 0 : i32
        %dma_start3A_952 = tpu.memref_slice %dma_start3A_949[%add3A_763, %dma_start3A_950, %dma_start3A_951] : memref<160x2x64xi32, #tpu.memory_space<hbm>> -> memref<1x2x64xi32, #tpu.memory_space<hbm>>
        %dma_start3A_953 = tpu.memref_squeeze %dma_start3A_952 : memref<1x2x64xi32, #tpu.memory_space<hbm>> -> memref<2x64xi32, #tpu.memory_space<hbm>>
        %dma_start3A_954 = tpu.memref_slice %arg12[%select_n3A_702] : memref<8x!tpu.dma_semaphore, #tpu.memory_space<semaphore_mem>> -> memref<1x!tpu.dma_semaphore, #tpu.memory_space<semaphore_mem>>
        %dma_start3A_955 = tpu.memref_squeeze %dma_start3A_954 : memref<1x!tpu.dma_semaphore, #tpu.memory_space<semaphore_mem>> -> memref<!tpu.dma_semaphore, #tpu.memory_space<semaphore_mem>>
        %dma_start3A_956 = arith.constant 0 : i32
        %dma_start3A_957 = arith.constant 0 : i32
        %dma_start3A_958 = tpu.memref_slice %arg9[%select_n3A_702, %dma_start3A_956, %dma_start3A_957] : memref<8x2x64xi32, #tpu.memory_space<vmem>> -> memref<1x2x64xi32, #tpu.memory_space<vmem>>
        %dma_start3A_959 = tpu.memref_squeeze %dma_start3A_958 : memref<1x2x64xi32, #tpu.memory_space<vmem>> -> memref<2x64xi32, #tpu.memory_space<vmem>>
        %dma_start3A_960 = arith.constant 0 : i32
        %dma_start3A_961 = arith.constant 0 : i32
        %dma_start3A_962 = arith.constant 0 : i32
        %dma_start3A_963 = tpu.memref_slice %arg3[%add3A, %dma_start3A_960, %dma_start3A_961, %dma_start3A_962] : memref<32x160x2x64xi32, #tpu.memory_space<hbm>> -> memref<1x160x2x64xi32, #tpu.memory_space<hbm>>
        %dma_start3A_964 = tpu.memref_squeeze %dma_start3A_963 : memref<1x160x2x64xi32, #tpu.memory_space<hbm>> -> memref<160x2x64xi32, #tpu.memory_space<hbm>>
        %dma_start3A_965 = arith.constant 0 : i32
        %dma_start3A_966 = arith.constant 0 : i32
        %dma_start3A_967 = tpu.memref_slice %dma_start3A_964[%add3A_763, %dma_start3A_965, %dma_start3A_966] : memref<160x2x64xi32, #tpu.memory_space<hbm>> -> memref<1x2x64xi32, #tpu.memory_space<hbm>>
        %dma_start3A_968 = tpu.memref_squeeze %dma_start3A_967 : memref<1x2x64xi32, #tpu.memory_space<hbm>> -> memref<2x64xi32, #tpu.memory_space<hbm>>
        tpu.enqueue_dma source(%dma_start3A_968 : memref<2x64xi32, #tpu.memory_space<hbm>>) target(%dma_start3A_959 : memref<2x64xi32, #tpu.memory_space<vmem>>) target_semaphore(%dma_start3A_955 : memref<!tpu.dma_semaphore, #tpu.memory_space<semaphore_mem>>)
      } else {
      }
      %mul3A_769 = arith.constant 4 : i32
      %mul3A_770 = arith.muli %mul3A_769, %add3A_605 : i32
      %add3A_771 = arith.constant 2 : i32
      %add3A_772 = arith.addi %mul3A_770, %add3A_771 : i32
      %jit3A_773 = arith.constant 8 : i32
      %eq3A_774 = arith.constant 0 : i32
      %eq3A_775 = arith.cmpi eq, %jit3A_773, %eq3A_774 : i32
      %jit3A_776 = arith.constant 1 : i32
      %select_n3A_777 = arith.select %eq3A_775, %jit3A_776, %jit3A_773 : i32
      %rem3A_778 = arith.remsi %add3A_772, %select_n3A_777 : i32
      %ne3A_779 = arith.constant 0 : i32
      %ne3A_780 = arith.cmpi ne, %rem3A_778, %ne3A_779 : i32
      %lt3A_781 = arith.constant 0 : i32
      %lt3A_782 = arith.cmpi slt, %rem3A_778, %lt3A_781 : i32
      %lt3A_783 = arith.constant 0 : i32
      %lt3A_784 = arith.cmpi slt, %select_n3A_777, %lt3A_783 : i32
      %ne3A_785 = arith.xori %lt3A_782, %lt3A_784 : i1
      %and3A_786 = arith.andi %ne3A_785, %ne3A_780 : i1
      %add3A_787 = arith.addi %rem3A_778, %select_n3A_777 : i32
      %select_n3A_788 = arith.select %and3A_786, %add3A_787, %rem3A_778 : i32
      %dma_wait3A_789 = arith.constant 0 : i32
      %dma_wait3A_790 = arith.constant 2 : i32
      %dma_wait3A_791 = arith.constant 2 : i32
      %dma_wait3A_792 = arith.constant 0 : i32
      %dma_wait3A_793 = arith.constant 0 : i32
      %dma_wait3A_794 = tpu.memref_slice %arg10[%dma_wait3A_790, %dma_wait3A_792, %dma_wait3A_793] : memref<4x64x128xf32, #tpu.memory_space<vmem>> -> memref<1x64x128xf32, #tpu.memory_space<vmem>>
      %dma_wait3A_795 = tpu.memref_squeeze %dma_wait3A_794 : memref<1x64x128xf32, #tpu.memory_space<vmem>> -> memref<64x128xf32, #tpu.memory_space<vmem>>
      %dma_wait3A_796 = arith.constant 0 : i32
      %dma_wait3A_797 = arith.constant 0 : i32
      %dma_wait3A_798 = tpu.memref_slice %arg9[%select_n3A_788, %dma_wait3A_796, %dma_wait3A_797] : memref<8x2x64xi32, #tpu.memory_space<vmem>> -> memref<1x2x64xi32, #tpu.memory_space<vmem>>
      %dma_wait3A_799 = tpu.memref_squeeze %dma_wait3A_798 : memref<1x2x64xi32, #tpu.memory_space<vmem>> -> memref<2x64xi32, #tpu.memory_space<vmem>>
      %dma_wait3A_800 = arith.constant 0 : i32
      %dma_wait3A_801 = tpu.memref_slice %dma_wait3A_799[%dma_wait3A_789, %dma_wait3A_800] : memref<2x64xi32, #tpu.memory_space<vmem>> -> memref<1x64xi32, #tpu.memory_space<vmem>>
      %dma_wait3A_802 = tpu.memref_squeeze %dma_wait3A_801 : memref<1x64xi32, #tpu.memory_space<vmem>> -> memref<64xi32, #tpu.memory_space<vmem>>
      %dma_wait3A_803 = arith.constant 0 : i32
      %dma_wait3A_804 = arith.constant 0 : i32
      %dma_wait3A_805 = tpu.memref_slice %arg2[%dma_wait3A_803, %dma_wait3A_804] : memref<10000x128xf32, #tpu.memory_space<hbm>> -> memref<10000x128xf32, #tpu.memory_space<hbm>>
      %dma_wait3A_806 = tpu.memref_slice %arg13[%dma_wait3A_791] : memref<4x!tpu.dma_semaphore, #tpu.memory_space<semaphore_mem>> -> memref<1x!tpu.dma_semaphore, #tpu.memory_space<semaphore_mem>>
      %dma_wait3A_807 = tpu.memref_squeeze %dma_wait3A_806 : memref<1x!tpu.dma_semaphore, #tpu.memory_space<semaphore_mem>> -> memref<!tpu.dma_semaphore, #tpu.memory_space<semaphore_mem>>
      tpu.wait_indirect_dma semaphore(%dma_wait3A_807 : memref<!tpu.dma_semaphore, #tpu.memory_space<semaphore_mem>>) src(%dma_wait3A_805 : memref<10000x128xf32, #tpu.memory_space<hbm>>) dst(%dma_wait3A_795 : memref<64x128xf32, #tpu.memory_space<vmem>>)
      %dma_start3A_808 = arith.constant 2 : i32
      %dma_start3A_809 = arith.constant 1 : i32
      %dma_start3A_810 = arith.constant 2 : i32
      %dma_start3A_811 = arith.constant 0 : i32
      %dma_start3A_812 = arith.constant 0 : i32
      %dma_start3A_813 = tpu.memref_slice %arg10[%dma_start3A_808, %dma_start3A_811, %dma_start3A_812] : memref<4x64x128xf32, #tpu.memory_space<vmem>> -> memref<1x64x128xf32, #tpu.memory_space<vmem>>
      %dma_start3A_814 = tpu.memref_squeeze %dma_start3A_813 : memref<1x64x128xf32, #tpu.memory_space<vmem>> -> memref<64x128xf32, #tpu.memory_space<vmem>>
      %dma_start3A_815 = arith.constant 0 : i32
      %dma_start3A_816 = arith.constant 0 : i32
      %dma_start3A_817 = tpu.memref_slice %arg9[%select_n3A_788, %dma_start3A_815, %dma_start3A_816] : memref<8x2x64xi32, #tpu.memory_space<vmem>> -> memref<1x2x64xi32, #tpu.memory_space<vmem>>
      %dma_start3A_818 = tpu.memref_squeeze %dma_start3A_817 : memref<1x2x64xi32, #tpu.memory_space<vmem>> -> memref<2x64xi32, #tpu.memory_space<vmem>>
      %dma_start3A_819 = arith.constant 0 : i32
      %dma_start3A_820 = tpu.memref_slice %dma_start3A_818[%dma_start3A_809, %dma_start3A_819] : memref<2x64xi32, #tpu.memory_space<vmem>> -> memref<1x64xi32, #tpu.memory_space<vmem>>
      %dma_start3A_821 = tpu.memref_squeeze %dma_start3A_820 : memref<1x64xi32, #tpu.memory_space<vmem>> -> memref<64xi32, #tpu.memory_space<vmem>>
      %dma_start3A_822 = arith.constant 0 : i32
      %dma_start3A_823 = arith.constant 0 : i32
      %dma_start3A_824 = tpu.memref_slice %arg11[%dma_start3A_822, %dma_start3A_823] : memref<10112x128xf32, #tpu.memory_space<vmem_shared>> -> memref<10112x128xf32, #tpu.memory_space<vmem_shared>>
      %dma_start3A_825 = tpu.memref_slice %arg14[%dma_start3A_810] : memref<4x!tpu.dma_semaphore, #tpu.memory_space<semaphore_mem>> -> memref<1x!tpu.dma_semaphore, #tpu.memory_space<semaphore_mem>>
      %dma_start3A_826 = tpu.memref_squeeze %dma_start3A_825 : memref<1x!tpu.dma_semaphore, #tpu.memory_space<semaphore_mem>> -> memref<!tpu.dma_semaphore, #tpu.memory_space<semaphore_mem>>
      tpu.enqueue_indirect_dma source(%dma_start3A_814 : memref<64x128xf32, #tpu.memory_space<vmem>>) target(%dma_start3A_824 : memref<10112x128xf32, #tpu.memory_space<vmem_shared>>) offsets(%dma_start3A_821 : memref<64xi32, #tpu.memory_space<vmem>>) semaphore(%dma_start3A_826 : memref<!tpu.dma_semaphore, #tpu.memory_space<semaphore_mem>>) {add = true}
      %dma_start3A_827 = arith.constant 1 : i32
      %dma_start3A_828 = arith.constant 2 : i32
      %dma_start3A_829 = arith.constant 0 : i32
      %dma_start3A_830 = arith.constant 0 : i32
      %dma_start3A_831 = tpu.memref_slice %arg9[%select_n3A_788, %dma_start3A_829, %dma_start3A_830] : memref<8x2x64xi32, #tpu.memory_space<vmem>> -> memref<1x2x64xi32, #tpu.memory_space<vmem>>
      %dma_start3A_832 = tpu.memref_squeeze %dma_start3A_831 : memref<1x2x64xi32, #tpu.memory_space<vmem>> -> memref<2x64xi32, #tpu.memory_space<vmem>>
      %dma_start3A_833 = arith.constant 0 : i32
      %dma_start3A_834 = tpu.memref_slice %dma_start3A_832[%dma_start3A_827, %dma_start3A_833] : memref<2x64xi32, #tpu.memory_space<vmem>> -> memref<1x64xi32, #tpu.memory_space<vmem>>
      %dma_start3A_835 = tpu.memref_squeeze %dma_start3A_834 : memref<1x64xi32, #tpu.memory_space<vmem>> -> memref<64xi32, #tpu.memory_space<vmem>>
      %dma_start3A_836 = arith.constant 0 : i32
      %dma_start3A_837 = arith.constant 0 : i32
      %dma_start3A_838 = tpu.memref_slice %arg16[%dma_start3A_836, %dma_start3A_837] : memref<10112x16xf32, #tpu.memory_space<vmem_shared>> -> memref<10112x16xf32, #tpu.memory_space<vmem_shared>>
      %dma_start3A_839 = tpu.memref_slice %arg17[%dma_start3A_828] : memref<4x!tpu.dma_semaphore, #tpu.memory_space<semaphore_mem>> -> memref<1x!tpu.dma_semaphore, #tpu.memory_space<semaphore_mem>>
      %dma_start3A_840 = tpu.memref_squeeze %dma_start3A_839 : memref<1x!tpu.dma_semaphore, #tpu.memory_space<semaphore_mem>> -> memref<!tpu.dma_semaphore, #tpu.memory_space<semaphore_mem>>
      tpu.enqueue_indirect_dma source(%arg15 : memref<64x16xf32, #tpu.memory_space<vmem>>) target(%dma_start3A_838 : memref<10112x16xf32, #tpu.memory_space<vmem_shared>>) offsets(%dma_start3A_835 : memref<64xi32, #tpu.memory_space<vmem>>) semaphore(%dma_start3A_840 : memref<!tpu.dma_semaphore, #tpu.memory_space<semaphore_mem>>) {add = true}
      %add3A_841 = arith.constant 4 : i32
      %add3A_842 = arith.addi %add3A_772, %add3A_841 : i32
      %lt3A_843 = arith.constant 160 : i32
      %lt3A_844 = arith.cmpi slt, %add3A_842, %lt3A_843 : i32
      %convert_element_type3A_845 = arith.extui %lt3A_844 : i1 to i32
      %cond3A_846 = arith.constant 0 : i32
      %cond3A_847 = arith.cmpi ne, %convert_element_type3A_845, %cond3A_846 : i32
      scf.if %cond3A_847 {
        %jit3A_941 = arith.constant 8 : i32
        %eq3A_942 = arith.constant 0 : i32
        %eq3A_943 = arith.cmpi eq, %jit3A_941, %eq3A_942 : i32
        %jit3A_944 = arith.constant 1 : i32
        %select_n3A_945 = arith.select %eq3A_943, %jit3A_944, %jit3A_941 : i32
        %rem3A_946 = arith.remsi %add3A_842, %select_n3A_945 : i32
        %ne3A_947 = arith.constant 0 : i32
        %ne3A_948 = arith.cmpi ne, %rem3A_946, %ne3A_947 : i32
        %lt3A_949 = arith.constant 0 : i32
        %lt3A_950 = arith.cmpi slt, %rem3A_946, %lt3A_949 : i32
        %lt3A_951 = arith.constant 0 : i32
        %lt3A_952 = arith.cmpi slt, %select_n3A_945, %lt3A_951 : i32
        %ne3A_953 = arith.xori %lt3A_950, %lt3A_952 : i1
        %and3A_954 = arith.andi %ne3A_953, %ne3A_948 : i1
        %add3A_955 = arith.addi %rem3A_946, %select_n3A_945 : i32
        %select_n3A_956 = arith.select %and3A_954, %add3A_955, %rem3A_946 : i32
        %dma_wait3A_957 = arith.constant 0 : i32
        %dma_wait3A_958 = arith.constant 0 : i32
        %dma_wait3A_959 = tpu.memref_slice %arg9[%select_n3A_956, %dma_wait3A_957, %dma_wait3A_958] : memref<8x2x64xi32, #tpu.memory_space<vmem>> -> memref<1x2x64xi32, #tpu.memory_space<vmem>>
        %dma_wait3A_960 = tpu.memref_squeeze %dma_wait3A_959 : memref<1x2x64xi32, #tpu.memory_space<vmem>> -> memref<2x64xi32, #tpu.memory_space<vmem>>
        %dma_wait3A_961 = arith.constant 0 : i32
        %dma_wait3A_962 = arith.constant 0 : i32
        %dma_wait3A_963 = arith.constant 0 : i32
        %dma_wait3A_964 = tpu.memref_slice %arg3[%add3A, %dma_wait3A_961, %dma_wait3A_962, %dma_wait3A_963] : memref<32x160x2x64xi32, #tpu.memory_space<hbm>> -> memref<1x160x2x64xi32, #tpu.memory_space<hbm>>
        %dma_wait3A_965 = tpu.memref_squeeze %dma_wait3A_964 : memref<1x160x2x64xi32, #tpu.memory_space<hbm>> -> memref<160x2x64xi32, #tpu.memory_space<hbm>>
        %dma_wait3A_966 = arith.constant 0 : i32
        %dma_wait3A_967 = arith.constant 0 : i32
        %dma_wait3A_968 = tpu.memref_slice %dma_wait3A_965[%add3A_842, %dma_wait3A_966, %dma_wait3A_967] : memref<160x2x64xi32, #tpu.memory_space<hbm>> -> memref<1x2x64xi32, #tpu.memory_space<hbm>>
        %dma_wait3A_969 = tpu.memref_squeeze %dma_wait3A_968 : memref<1x2x64xi32, #tpu.memory_space<hbm>> -> memref<2x64xi32, #tpu.memory_space<hbm>>
        %dma_wait3A_970 = tpu.memref_slice %arg12[%select_n3A_956] : memref<8x!tpu.dma_semaphore, #tpu.memory_space<semaphore_mem>> -> memref<1x!tpu.dma_semaphore, #tpu.memory_space<semaphore_mem>>
        %dma_wait3A_971 = tpu.memref_squeeze %dma_wait3A_970 : memref<1x!tpu.dma_semaphore, #tpu.memory_space<semaphore_mem>> -> memref<!tpu.dma_semaphore, #tpu.memory_space<semaphore_mem>>
        %dma_wait3A_972 = arith.constant 0 : i32
        %dma_wait3A_973 = arith.constant 0 : i32
        %dma_wait3A_974 = tpu.memref_slice %arg9[%select_n3A_956, %dma_wait3A_972, %dma_wait3A_973] : memref<8x2x64xi32, #tpu.memory_space<vmem>> -> memref<1x2x64xi32, #tpu.memory_space<vmem>>
        %dma_wait3A_975 = tpu.memref_squeeze %dma_wait3A_974 : memref<1x2x64xi32, #tpu.memory_space<vmem>> -> memref<2x64xi32, #tpu.memory_space<vmem>>
        %dma_wait3A_976 = arith.constant 0 : i32
        %dma_wait3A_977 = arith.constant 0 : i32
        %dma_wait3A_978 = arith.constant 0 : i32
        %dma_wait3A_979 = tpu.memref_slice %arg3[%add3A, %dma_wait3A_976, %dma_wait3A_977, %dma_wait3A_978] : memref<32x160x2x64xi32, #tpu.memory_space<hbm>> -> memref<1x160x2x64xi32, #tpu.memory_space<hbm>>
        %dma_wait3A_980 = tpu.memref_squeeze %dma_wait3A_979 : memref<1x160x2x64xi32, #tpu.memory_space<hbm>> -> memref<160x2x64xi32, #tpu.memory_space<hbm>>
        %dma_wait3A_981 = arith.constant 0 : i32
        %dma_wait3A_982 = arith.constant 0 : i32
        %dma_wait3A_983 = tpu.memref_slice %dma_wait3A_980[%add3A_842, %dma_wait3A_981, %dma_wait3A_982] : memref<160x2x64xi32, #tpu.memory_space<hbm>> -> memref<1x2x64xi32, #tpu.memory_space<hbm>>
        %dma_wait3A_984 = tpu.memref_squeeze %dma_wait3A_983 : memref<1x2x64xi32, #tpu.memory_space<hbm>> -> memref<2x64xi32, #tpu.memory_space<hbm>>
        tpu.wait_dma2 semaphore(%dma_wait3A_971 : memref<!tpu.dma_semaphore, #tpu.memory_space<semaphore_mem>>) src(%dma_wait3A_984 : memref<2x64xi32, #tpu.memory_space<hbm>>) dst(%dma_wait3A_975 : memref<2x64xi32, #tpu.memory_space<vmem>>)
        %dma_wait3A_985 = arith.constant 2 : i32
        %dma_wait3A_986 = arith.constant 1 : i32
        %dma_wait3A_987 = arith.constant 2 : i32
        %dma_wait3A_988 = arith.constant 0 : i32
        %dma_wait3A_989 = arith.constant 0 : i32
        %dma_wait3A_990 = tpu.memref_slice %arg10[%dma_wait3A_985, %dma_wait3A_988, %dma_wait3A_989] : memref<4x64x128xf32, #tpu.memory_space<vmem>> -> memref<1x64x128xf32, #tpu.memory_space<vmem>>
        %dma_wait3A_991 = tpu.memref_squeeze %dma_wait3A_990 : memref<1x64x128xf32, #tpu.memory_space<vmem>> -> memref<64x128xf32, #tpu.memory_space<vmem>>
        %dma_wait3A_992 = arith.constant 0 : i32
        %dma_wait3A_993 = arith.constant 0 : i32
        %dma_wait3A_994 = tpu.memref_slice %arg9[%select_n3A_788, %dma_wait3A_992, %dma_wait3A_993] : memref<8x2x64xi32, #tpu.memory_space<vmem>> -> memref<1x2x64xi32, #tpu.memory_space<vmem>>
        %dma_wait3A_995 = tpu.memref_squeeze %dma_wait3A_994 : memref<1x2x64xi32, #tpu.memory_space<vmem>> -> memref<2x64xi32, #tpu.memory_space<vmem>>
        %dma_wait3A_996 = arith.constant 0 : i32
        %dma_wait3A_997 = tpu.memref_slice %dma_wait3A_995[%dma_wait3A_986, %dma_wait3A_996] : memref<2x64xi32, #tpu.memory_space<vmem>> -> memref<1x64xi32, #tpu.memory_space<vmem>>
        %dma_wait3A_998 = tpu.memref_squeeze %dma_wait3A_997 : memref<1x64xi32, #tpu.memory_space<vmem>> -> memref<64xi32, #tpu.memory_space<vmem>>
        %dma_wait3A_999 = arith.constant 0 : i32
        %dma_wait3A_1000 = arith.constant 0 : i32
        %dma_wait3A_1001 = tpu.memref_slice %arg11[%dma_wait3A_999, %dma_wait3A_1000] : memref<10112x128xf32, #tpu.memory_space<vmem_shared>> -> memref<10112x128xf32, #tpu.memory_space<vmem_shared>>
        %dma_wait3A_1002 = tpu.memref_slice %arg14[%dma_wait3A_987] : memref<4x!tpu.dma_semaphore, #tpu.memory_space<semaphore_mem>> -> memref<1x!tpu.dma_semaphore, #tpu.memory_space<semaphore_mem>>
        %dma_wait3A_1003 = tpu.memref_squeeze %dma_wait3A_1002 : memref<1x!tpu.dma_semaphore, #tpu.memory_space<semaphore_mem>> -> memref<!tpu.dma_semaphore, #tpu.memory_space<semaphore_mem>>
        tpu.wait_indirect_dma semaphore(%dma_wait3A_1003 : memref<!tpu.dma_semaphore, #tpu.memory_space<semaphore_mem>>) src(%dma_wait3A_991 : memref<64x128xf32, #tpu.memory_space<vmem>>) dst(%dma_wait3A_1001 : memref<10112x128xf32, #tpu.memory_space<vmem_shared>>)
        %dma_wait3A_1004 = arith.constant 1 : i32
        %dma_wait3A_1005 = arith.constant 2 : i32
        %dma_wait3A_1006 = arith.constant 0 : i32
        %dma_wait3A_1007 = arith.constant 0 : i32
        %dma_wait3A_1008 = tpu.memref_slice %arg9[%select_n3A_788, %dma_wait3A_1006, %dma_wait3A_1007] : memref<8x2x64xi32, #tpu.memory_space<vmem>> -> memref<1x2x64xi32, #tpu.memory_space<vmem>>
        %dma_wait3A_1009 = tpu.memref_squeeze %dma_wait3A_1008 : memref<1x2x64xi32, #tpu.memory_space<vmem>> -> memref<2x64xi32, #tpu.memory_space<vmem>>
        %dma_wait3A_1010 = arith.constant 0 : i32
        %dma_wait3A_1011 = tpu.memref_slice %dma_wait3A_1009[%dma_wait3A_1004, %dma_wait3A_1010] : memref<2x64xi32, #tpu.memory_space<vmem>> -> memref<1x64xi32, #tpu.memory_space<vmem>>
        %dma_wait3A_1012 = tpu.memref_squeeze %dma_wait3A_1011 : memref<1x64xi32, #tpu.memory_space<vmem>> -> memref<64xi32, #tpu.memory_space<vmem>>
        %dma_wait3A_1013 = arith.constant 0 : i32
        %dma_wait3A_1014 = arith.constant 0 : i32
        %dma_wait3A_1015 = tpu.memref_slice %arg16[%dma_wait3A_1013, %dma_wait3A_1014] : memref<10112x16xf32, #tpu.memory_space<vmem_shared>> -> memref<10112x16xf32, #tpu.memory_space<vmem_shared>>
        %dma_wait3A_1016 = tpu.memref_slice %arg17[%dma_wait3A_1005] : memref<4x!tpu.dma_semaphore, #tpu.memory_space<semaphore_mem>> -> memref<1x!tpu.dma_semaphore, #tpu.memory_space<semaphore_mem>>
        %dma_wait3A_1017 = tpu.memref_squeeze %dma_wait3A_1016 : memref<1x!tpu.dma_semaphore, #tpu.memory_space<semaphore_mem>> -> memref<!tpu.dma_semaphore, #tpu.memory_space<semaphore_mem>>
        tpu.wait_indirect_dma semaphore(%dma_wait3A_1017 : memref<!tpu.dma_semaphore, #tpu.memory_space<semaphore_mem>>) src(%arg15 : memref<64x16xf32, #tpu.memory_space<vmem>>) dst(%dma_wait3A_1015 : memref<10112x16xf32, #tpu.memory_space<vmem_shared>>)
        %dma_start3A_1018 = arith.constant 0 : i32
        %dma_start3A_1019 = arith.constant 2 : i32
        %dma_start3A_1020 = arith.constant 2 : i32
        %dma_start3A_1021 = arith.constant 0 : i32
        %dma_start3A_1022 = arith.constant 0 : i32
        %dma_start3A_1023 = tpu.memref_slice %arg10[%dma_start3A_1019, %dma_start3A_1021, %dma_start3A_1022] : memref<4x64x128xf32, #tpu.memory_space<vmem>> -> memref<1x64x128xf32, #tpu.memory_space<vmem>>
        %dma_start3A_1024 = tpu.memref_squeeze %dma_start3A_1023 : memref<1x64x128xf32, #tpu.memory_space<vmem>> -> memref<64x128xf32, #tpu.memory_space<vmem>>
        %dma_start3A_1025 = arith.constant 0 : i32
        %dma_start3A_1026 = arith.constant 0 : i32
        %dma_start3A_1027 = tpu.memref_slice %arg9[%select_n3A_956, %dma_start3A_1025, %dma_start3A_1026] : memref<8x2x64xi32, #tpu.memory_space<vmem>> -> memref<1x2x64xi32, #tpu.memory_space<vmem>>
        %dma_start3A_1028 = tpu.memref_squeeze %dma_start3A_1027 : memref<1x2x64xi32, #tpu.memory_space<vmem>> -> memref<2x64xi32, #tpu.memory_space<vmem>>
        %dma_start3A_1029 = arith.constant 0 : i32
        %dma_start3A_1030 = tpu.memref_slice %dma_start3A_1028[%dma_start3A_1018, %dma_start3A_1029] : memref<2x64xi32, #tpu.memory_space<vmem>> -> memref<1x64xi32, #tpu.memory_space<vmem>>
        %dma_start3A_1031 = tpu.memref_squeeze %dma_start3A_1030 : memref<1x64xi32, #tpu.memory_space<vmem>> -> memref<64xi32, #tpu.memory_space<vmem>>
        %dma_start3A_1032 = arith.constant 0 : i32
        %dma_start3A_1033 = arith.constant 0 : i32
        %dma_start3A_1034 = tpu.memref_slice %arg2[%dma_start3A_1032, %dma_start3A_1033] : memref<10000x128xf32, #tpu.memory_space<hbm>> -> memref<10000x128xf32, #tpu.memory_space<hbm>>
        %dma_start3A_1035 = tpu.memref_slice %arg13[%dma_start3A_1020] : memref<4x!tpu.dma_semaphore, #tpu.memory_space<semaphore_mem>> -> memref<1x!tpu.dma_semaphore, #tpu.memory_space<semaphore_mem>>
        %dma_start3A_1036 = tpu.memref_squeeze %dma_start3A_1035 : memref<1x!tpu.dma_semaphore, #tpu.memory_space<semaphore_mem>> -> memref<!tpu.dma_semaphore, #tpu.memory_space<semaphore_mem>>
        tpu.enqueue_indirect_dma source(%dma_start3A_1034 : memref<10000x128xf32, #tpu.memory_space<hbm>>) target(%dma_start3A_1024 : memref<64x128xf32, #tpu.memory_space<vmem>>) offsets(%dma_start3A_1031 : memref<64xi32, #tpu.memory_space<vmem>>) semaphore(%dma_start3A_1036 : memref<!tpu.dma_semaphore, #tpu.memory_space<semaphore_mem>>)
      } else {
      }
      %add3A_848 = arith.constant 8 : i32
      %add3A_849 = arith.addi %add3A_772, %add3A_848 : i32
      %lt3A_850 = arith.constant 160 : i32
      %lt3A_851 = arith.cmpi slt, %add3A_849, %lt3A_850 : i32
      %convert_element_type3A_852 = arith.extui %lt3A_851 : i1 to i32
      %cond3A_853 = arith.constant 0 : i32
      %cond3A_854 = arith.cmpi ne, %convert_element_type3A_852, %cond3A_853 : i32
      scf.if %cond3A_854 {
        %dma_start3A_941 = arith.constant 0 : i32
        %dma_start3A_942 = arith.constant 0 : i32
        %dma_start3A_943 = tpu.memref_slice %arg9[%select_n3A_788, %dma_start3A_941, %dma_start3A_942] : memref<8x2x64xi32, #tpu.memory_space<vmem>> -> memref<1x2x64xi32, #tpu.memory_space<vmem>>
        %dma_start3A_944 = tpu.memref_squeeze %dma_start3A_943 : memref<1x2x64xi32, #tpu.memory_space<vmem>> -> memref<2x64xi32, #tpu.memory_space<vmem>>
        %dma_start3A_945 = arith.constant 0 : i32
        %dma_start3A_946 = arith.constant 0 : i32
        %dma_start3A_947 = arith.constant 0 : i32
        %dma_start3A_948 = tpu.memref_slice %arg3[%add3A, %dma_start3A_945, %dma_start3A_946, %dma_start3A_947] : memref<32x160x2x64xi32, #tpu.memory_space<hbm>> -> memref<1x160x2x64xi32, #tpu.memory_space<hbm>>
        %dma_start3A_949 = tpu.memref_squeeze %dma_start3A_948 : memref<1x160x2x64xi32, #tpu.memory_space<hbm>> -> memref<160x2x64xi32, #tpu.memory_space<hbm>>
        %dma_start3A_950 = arith.constant 0 : i32
        %dma_start3A_951 = arith.constant 0 : i32
        %dma_start3A_952 = tpu.memref_slice %dma_start3A_949[%add3A_849, %dma_start3A_950, %dma_start3A_951] : memref<160x2x64xi32, #tpu.memory_space<hbm>> -> memref<1x2x64xi32, #tpu.memory_space<hbm>>
        %dma_start3A_953 = tpu.memref_squeeze %dma_start3A_952 : memref<1x2x64xi32, #tpu.memory_space<hbm>> -> memref<2x64xi32, #tpu.memory_space<hbm>>
        %dma_start3A_954 = tpu.memref_slice %arg12[%select_n3A_788] : memref<8x!tpu.dma_semaphore, #tpu.memory_space<semaphore_mem>> -> memref<1x!tpu.dma_semaphore, #tpu.memory_space<semaphore_mem>>
        %dma_start3A_955 = tpu.memref_squeeze %dma_start3A_954 : memref<1x!tpu.dma_semaphore, #tpu.memory_space<semaphore_mem>> -> memref<!tpu.dma_semaphore, #tpu.memory_space<semaphore_mem>>
        %dma_start3A_956 = arith.constant 0 : i32
        %dma_start3A_957 = arith.constant 0 : i32
        %dma_start3A_958 = tpu.memref_slice %arg9[%select_n3A_788, %dma_start3A_956, %dma_start3A_957] : memref<8x2x64xi32, #tpu.memory_space<vmem>> -> memref<1x2x64xi32, #tpu.memory_space<vmem>>
        %dma_start3A_959 = tpu.memref_squeeze %dma_start3A_958 : memref<1x2x64xi32, #tpu.memory_space<vmem>> -> memref<2x64xi32, #tpu.memory_space<vmem>>
        %dma_start3A_960 = arith.constant 0 : i32
        %dma_start3A_961 = arith.constant 0 : i32
        %dma_start3A_962 = arith.constant 0 : i32
        %dma_start3A_963 = tpu.memref_slice %arg3[%add3A, %dma_start3A_960, %dma_start3A_961, %dma_start3A_962] : memref<32x160x2x64xi32, #tpu.memory_space<hbm>> -> memref<1x160x2x64xi32, #tpu.memory_space<hbm>>
        %dma_start3A_964 = tpu.memref_squeeze %dma_start3A_963 : memref<1x160x2x64xi32, #tpu.memory_space<hbm>> -> memref<160x2x64xi32, #tpu.memory_space<hbm>>
        %dma_start3A_965 = arith.constant 0 : i32
        %dma_start3A_966 = arith.constant 0 : i32
        %dma_start3A_967 = tpu.memref_slice %dma_start3A_964[%add3A_849, %dma_start3A_965, %dma_start3A_966] : memref<160x2x64xi32, #tpu.memory_space<hbm>> -> memref<1x2x64xi32, #tpu.memory_space<hbm>>
        %dma_start3A_968 = tpu.memref_squeeze %dma_start3A_967 : memref<1x2x64xi32, #tpu.memory_space<hbm>> -> memref<2x64xi32, #tpu.memory_space<hbm>>
        tpu.enqueue_dma source(%dma_start3A_968 : memref<2x64xi32, #tpu.memory_space<hbm>>) target(%dma_start3A_959 : memref<2x64xi32, #tpu.memory_space<vmem>>) target_semaphore(%dma_start3A_955 : memref<!tpu.dma_semaphore, #tpu.memory_space<semaphore_mem>>)
      } else {
      }
      %mul3A_855 = arith.constant 4 : i32
      %mul3A_856 = arith.muli %mul3A_855, %add3A_605 : i32
      %add3A_857 = arith.constant 3 : i32
      %add3A_858 = arith.addi %mul3A_856, %add3A_857 : i32
      %jit3A_859 = arith.constant 8 : i32
      %eq3A_860 = arith.constant 0 : i32
      %eq3A_861 = arith.cmpi eq, %jit3A_859, %eq3A_860 : i32
      %jit3A_862 = arith.constant 1 : i32
      %select_n3A_863 = arith.select %eq3A_861, %jit3A_862, %jit3A_859 : i32
      %rem3A_864 = arith.remsi %add3A_858, %select_n3A_863 : i32
      %ne3A_865 = arith.constant 0 : i32
      %ne3A_866 = arith.cmpi ne, %rem3A_864, %ne3A_865 : i32
      %lt3A_867 = arith.constant 0 : i32
      %lt3A_868 = arith.cmpi slt, %rem3A_864, %lt3A_867 : i32
      %lt3A_869 = arith.constant 0 : i32
      %lt3A_870 = arith.cmpi slt, %select_n3A_863, %lt3A_869 : i32
      %ne3A_871 = arith.xori %lt3A_868, %lt3A_870 : i1
      %and3A_872 = arith.andi %ne3A_871, %ne3A_866 : i1
      %add3A_873 = arith.addi %rem3A_864, %select_n3A_863 : i32
      %select_n3A_874 = arith.select %and3A_872, %add3A_873, %rem3A_864 : i32
      %dma_wait3A_875 = arith.constant 0 : i32
      %dma_wait3A_876 = arith.constant 3 : i32
      %dma_wait3A_877 = arith.constant 3 : i32
      %dma_wait3A_878 = arith.constant 0 : i32
      %dma_wait3A_879 = arith.constant 0 : i32
      %dma_wait3A_880 = tpu.memref_slice %arg10[%dma_wait3A_876, %dma_wait3A_878, %dma_wait3A_879] : memref<4x64x128xf32, #tpu.memory_space<vmem>> -> memref<1x64x128xf32, #tpu.memory_space<vmem>>
      %dma_wait3A_881 = tpu.memref_squeeze %dma_wait3A_880 : memref<1x64x128xf32, #tpu.memory_space<vmem>> -> memref<64x128xf32, #tpu.memory_space<vmem>>
      %dma_wait3A_882 = arith.constant 0 : i32
      %dma_wait3A_883 = arith.constant 0 : i32
      %dma_wait3A_884 = tpu.memref_slice %arg9[%select_n3A_874, %dma_wait3A_882, %dma_wait3A_883] : memref<8x2x64xi32, #tpu.memory_space<vmem>> -> memref<1x2x64xi32, #tpu.memory_space<vmem>>
      %dma_wait3A_885 = tpu.memref_squeeze %dma_wait3A_884 : memref<1x2x64xi32, #tpu.memory_space<vmem>> -> memref<2x64xi32, #tpu.memory_space<vmem>>
      %dma_wait3A_886 = arith.constant 0 : i32
      %dma_wait3A_887 = tpu.memref_slice %dma_wait3A_885[%dma_wait3A_875, %dma_wait3A_886] : memref<2x64xi32, #tpu.memory_space<vmem>> -> memref<1x64xi32, #tpu.memory_space<vmem>>
      %dma_wait3A_888 = tpu.memref_squeeze %dma_wait3A_887 : memref<1x64xi32, #tpu.memory_space<vmem>> -> memref<64xi32, #tpu.memory_space<vmem>>
      %dma_wait3A_889 = arith.constant 0 : i32
      %dma_wait3A_890 = arith.constant 0 : i32
      %dma_wait3A_891 = tpu.memref_slice %arg2[%dma_wait3A_889, %dma_wait3A_890] : memref<10000x128xf32, #tpu.memory_space<hbm>> -> memref<10000x128xf32, #tpu.memory_space<hbm>>
      %dma_wait3A_892 = tpu.memref_slice %arg13[%dma_wait3A_877] : memref<4x!tpu.dma_semaphore, #tpu.memory_space<semaphore_mem>> -> memref<1x!tpu.dma_semaphore, #tpu.memory_space<semaphore_mem>>
      %dma_wait3A_893 = tpu.memref_squeeze %dma_wait3A_892 : memref<1x!tpu.dma_semaphore, #tpu.memory_space<semaphore_mem>> -> memref<!tpu.dma_semaphore, #tpu.memory_space<semaphore_mem>>
      tpu.wait_indirect_dma semaphore(%dma_wait3A_893 : memref<!tpu.dma_semaphore, #tpu.memory_space<semaphore_mem>>) src(%dma_wait3A_891 : memref<10000x128xf32, #tpu.memory_space<hbm>>) dst(%dma_wait3A_881 : memref<64x128xf32, #tpu.memory_space<vmem>>)
      %dma_start3A_894 = arith.constant 3 : i32
      %dma_start3A_895 = arith.constant 1 : i32
      %dma_start3A_896 = arith.constant 3 : i32
      %dma_start3A_897 = arith.constant 0 : i32
      %dma_start3A_898 = arith.constant 0 : i32
      %dma_start3A_899 = tpu.memref_slice %arg10[%dma_start3A_894, %dma_start3A_897, %dma_start3A_898] : memref<4x64x128xf32, #tpu.memory_space<vmem>> -> memref<1x64x128xf32, #tpu.memory_space<vmem>>
      %dma_start3A_900 = tpu.memref_squeeze %dma_start3A_899 : memref<1x64x128xf32, #tpu.memory_space<vmem>> -> memref<64x128xf32, #tpu.memory_space<vmem>>
      %dma_start3A_901 = arith.constant 0 : i32
      %dma_start3A_902 = arith.constant 0 : i32
      %dma_start3A_903 = tpu.memref_slice %arg9[%select_n3A_874, %dma_start3A_901, %dma_start3A_902] : memref<8x2x64xi32, #tpu.memory_space<vmem>> -> memref<1x2x64xi32, #tpu.memory_space<vmem>>
      %dma_start3A_904 = tpu.memref_squeeze %dma_start3A_903 : memref<1x2x64xi32, #tpu.memory_space<vmem>> -> memref<2x64xi32, #tpu.memory_space<vmem>>
      %dma_start3A_905 = arith.constant 0 : i32
      %dma_start3A_906 = tpu.memref_slice %dma_start3A_904[%dma_start3A_895, %dma_start3A_905] : memref<2x64xi32, #tpu.memory_space<vmem>> -> memref<1x64xi32, #tpu.memory_space<vmem>>
      %dma_start3A_907 = tpu.memref_squeeze %dma_start3A_906 : memref<1x64xi32, #tpu.memory_space<vmem>> -> memref<64xi32, #tpu.memory_space<vmem>>
      %dma_start3A_908 = arith.constant 0 : i32
      %dma_start3A_909 = arith.constant 0 : i32
      %dma_start3A_910 = tpu.memref_slice %arg11[%dma_start3A_908, %dma_start3A_909] : memref<10112x128xf32, #tpu.memory_space<vmem_shared>> -> memref<10112x128xf32, #tpu.memory_space<vmem_shared>>
      %dma_start3A_911 = tpu.memref_slice %arg14[%dma_start3A_896] : memref<4x!tpu.dma_semaphore, #tpu.memory_space<semaphore_mem>> -> memref<1x!tpu.dma_semaphore, #tpu.memory_space<semaphore_mem>>
      %dma_start3A_912 = tpu.memref_squeeze %dma_start3A_911 : memref<1x!tpu.dma_semaphore, #tpu.memory_space<semaphore_mem>> -> memref<!tpu.dma_semaphore, #tpu.memory_space<semaphore_mem>>
      tpu.enqueue_indirect_dma source(%dma_start3A_900 : memref<64x128xf32, #tpu.memory_space<vmem>>) target(%dma_start3A_910 : memref<10112x128xf32, #tpu.memory_space<vmem_shared>>) offsets(%dma_start3A_907 : memref<64xi32, #tpu.memory_space<vmem>>) semaphore(%dma_start3A_912 : memref<!tpu.dma_semaphore, #tpu.memory_space<semaphore_mem>>) {add = true}
      %dma_start3A_913 = arith.constant 1 : i32
      %dma_start3A_914 = arith.constant 3 : i32
      %dma_start3A_915 = arith.constant 0 : i32
      %dma_start3A_916 = arith.constant 0 : i32
      %dma_start3A_917 = tpu.memref_slice %arg9[%select_n3A_874, %dma_start3A_915, %dma_start3A_916] : memref<8x2x64xi32, #tpu.memory_space<vmem>> -> memref<1x2x64xi32, #tpu.memory_space<vmem>>
      %dma_start3A_918 = tpu.memref_squeeze %dma_start3A_917 : memref<1x2x64xi32, #tpu.memory_space<vmem>> -> memref<2x64xi32, #tpu.memory_space<vmem>>
      %dma_start3A_919 = arith.constant 0 : i32
      %dma_start3A_920 = tpu.memref_slice %dma_start3A_918[%dma_start3A_913, %dma_start3A_919] : memref<2x64xi32, #tpu.memory_space<vmem>> -> memref<1x64xi32, #tpu.memory_space<vmem>>
      %dma_start3A_921 = tpu.memref_squeeze %dma_start3A_920 : memref<1x64xi32, #tpu.memory_space<vmem>> -> memref<64xi32, #tpu.memory_space<vmem>>
      %dma_start3A_922 = arith.constant 0 : i32
      %dma_start3A_923 = arith.constant 0 : i32
      %dma_start3A_924 = tpu.memref_slice %arg16[%dma_start3A_922, %dma_start3A_923] : memref<10112x16xf32, #tpu.memory_space<vmem_shared>> -> memref<10112x16xf32, #tpu.memory_space<vmem_shared>>
      %dma_start3A_925 = tpu.memref_slice %arg17[%dma_start3A_914] : memref<4x!tpu.dma_semaphore, #tpu.memory_space<semaphore_mem>> -> memref<1x!tpu.dma_semaphore, #tpu.memory_space<semaphore_mem>>
      %dma_start3A_926 = tpu.memref_squeeze %dma_start3A_925 : memref<1x!tpu.dma_semaphore, #tpu.memory_space<semaphore_mem>> -> memref<!tpu.dma_semaphore, #tpu.memory_space<semaphore_mem>>
      tpu.enqueue_indirect_dma source(%arg15 : memref<64x16xf32, #tpu.memory_space<vmem>>) target(%dma_start3A_924 : memref<10112x16xf32, #tpu.memory_space<vmem_shared>>) offsets(%dma_start3A_921 : memref<64xi32, #tpu.memory_space<vmem>>) semaphore(%dma_start3A_926 : memref<!tpu.dma_semaphore, #tpu.memory_space<semaphore_mem>>) {add = true}
      %add3A_927 = arith.constant 4 : i32
      %add3A_928 = arith.addi %add3A_858, %add3A_927 : i32
      %lt3A_929 = arith.constant 160 : i32
      %lt3A_930 = arith.cmpi slt, %add3A_928, %lt3A_929 : i32
      %convert_element_type3A_931 = arith.extui %lt3A_930 : i1 to i32
      %cond3A_932 = arith.constant 0 : i32
      %cond3A_933 = arith.cmpi ne, %convert_element_type3A_931, %cond3A_932 : i32
      scf.if %cond3A_933 {
        %jit3A_941 = arith.constant 8 : i32
        %eq3A_942 = arith.constant 0 : i32
        %eq3A_943 = arith.cmpi eq, %jit3A_941, %eq3A_942 : i32
        %jit3A_944 = arith.constant 1 : i32
        %select_n3A_945 = arith.select %eq3A_943, %jit3A_944, %jit3A_941 : i32
        %rem3A_946 = arith.remsi %add3A_928, %select_n3A_945 : i32
        %ne3A_947 = arith.constant 0 : i32
        %ne3A_948 = arith.cmpi ne, %rem3A_946, %ne3A_947 : i32
        %lt3A_949 = arith.constant 0 : i32
        %lt3A_950 = arith.cmpi slt, %rem3A_946, %lt3A_949 : i32
        %lt3A_951 = arith.constant 0 : i32
        %lt3A_952 = arith.cmpi slt, %select_n3A_945, %lt3A_951 : i32
        %ne3A_953 = arith.xori %lt3A_950, %lt3A_952 : i1
        %and3A_954 = arith.andi %ne3A_953, %ne3A_948 : i1
        %add3A_955 = arith.addi %rem3A_946, %select_n3A_945 : i32
        %select_n3A_956 = arith.select %and3A_954, %add3A_955, %rem3A_946 : i32
        %dma_wait3A_957 = arith.constant 0 : i32
        %dma_wait3A_958 = arith.constant 0 : i32
        %dma_wait3A_959 = tpu.memref_slice %arg9[%select_n3A_956, %dma_wait3A_957, %dma_wait3A_958] : memref<8x2x64xi32, #tpu.memory_space<vmem>> -> memref<1x2x64xi32, #tpu.memory_space<vmem>>
        %dma_wait3A_960 = tpu.memref_squeeze %dma_wait3A_959 : memref<1x2x64xi32, #tpu.memory_space<vmem>> -> memref<2x64xi32, #tpu.memory_space<vmem>>
        %dma_wait3A_961 = arith.constant 0 : i32
        %dma_wait3A_962 = arith.constant 0 : i32
        %dma_wait3A_963 = arith.constant 0 : i32
        %dma_wait3A_964 = tpu.memref_slice %arg3[%add3A, %dma_wait3A_961, %dma_wait3A_962, %dma_wait3A_963] : memref<32x160x2x64xi32, #tpu.memory_space<hbm>> -> memref<1x160x2x64xi32, #tpu.memory_space<hbm>>
        %dma_wait3A_965 = tpu.memref_squeeze %dma_wait3A_964 : memref<1x160x2x64xi32, #tpu.memory_space<hbm>> -> memref<160x2x64xi32, #tpu.memory_space<hbm>>
        %dma_wait3A_966 = arith.constant 0 : i32
        %dma_wait3A_967 = arith.constant 0 : i32
        %dma_wait3A_968 = tpu.memref_slice %dma_wait3A_965[%add3A_928, %dma_wait3A_966, %dma_wait3A_967] : memref<160x2x64xi32, #tpu.memory_space<hbm>> -> memref<1x2x64xi32, #tpu.memory_space<hbm>>
        %dma_wait3A_969 = tpu.memref_squeeze %dma_wait3A_968 : memref<1x2x64xi32, #tpu.memory_space<hbm>> -> memref<2x64xi32, #tpu.memory_space<hbm>>
        %dma_wait3A_970 = tpu.memref_slice %arg12[%select_n3A_956] : memref<8x!tpu.dma_semaphore, #tpu.memory_space<semaphore_mem>> -> memref<1x!tpu.dma_semaphore, #tpu.memory_space<semaphore_mem>>
        %dma_wait3A_971 = tpu.memref_squeeze %dma_wait3A_970 : memref<1x!tpu.dma_semaphore, #tpu.memory_space<semaphore_mem>> -> memref<!tpu.dma_semaphore, #tpu.memory_space<semaphore_mem>>
        %dma_wait3A_972 = arith.constant 0 : i32
        %dma_wait3A_973 = arith.constant 0 : i32
        %dma_wait3A_974 = tpu.memref_slice %arg9[%select_n3A_956, %dma_wait3A_972, %dma_wait3A_973] : memref<8x2x64xi32, #tpu.memory_space<vmem>> -> memref<1x2x64xi32, #tpu.memory_space<vmem>>
        %dma_wait3A_975 = tpu.memref_squeeze %dma_wait3A_974 : memref<1x2x64xi32, #tpu.memory_space<vmem>> -> memref<2x64xi32, #tpu.memory_space<vmem>>
        %dma_wait3A_976 = arith.constant 0 : i32
        %dma_wait3A_977 = arith.constant 0 : i32
        %dma_wait3A_978 = arith.constant 0 : i32
        %dma_wait3A_979 = tpu.memref_slice %arg3[%add3A, %dma_wait3A_976, %dma_wait3A_977, %dma_wait3A_978] : memref<32x160x2x64xi32, #tpu.memory_space<hbm>> -> memref<1x160x2x64xi32, #tpu.memory_space<hbm>>
        %dma_wait3A_980 = tpu.memref_squeeze %dma_wait3A_979 : memref<1x160x2x64xi32, #tpu.memory_space<hbm>> -> memref<160x2x64xi32, #tpu.memory_space<hbm>>
        %dma_wait3A_981 = arith.constant 0 : i32
        %dma_wait3A_982 = arith.constant 0 : i32
        %dma_wait3A_983 = tpu.memref_slice %dma_wait3A_980[%add3A_928, %dma_wait3A_981, %dma_wait3A_982] : memref<160x2x64xi32, #tpu.memory_space<hbm>> -> memref<1x2x64xi32, #tpu.memory_space<hbm>>
        %dma_wait3A_984 = tpu.memref_squeeze %dma_wait3A_983 : memref<1x2x64xi32, #tpu.memory_space<hbm>> -> memref<2x64xi32, #tpu.memory_space<hbm>>
        tpu.wait_dma2 semaphore(%dma_wait3A_971 : memref<!tpu.dma_semaphore, #tpu.memory_space<semaphore_mem>>) src(%dma_wait3A_984 : memref<2x64xi32, #tpu.memory_space<hbm>>) dst(%dma_wait3A_975 : memref<2x64xi32, #tpu.memory_space<vmem>>)
        %dma_wait3A_985 = arith.constant 3 : i32
        %dma_wait3A_986 = arith.constant 1 : i32
        %dma_wait3A_987 = arith.constant 3 : i32
        %dma_wait3A_988 = arith.constant 0 : i32
        %dma_wait3A_989 = arith.constant 0 : i32
        %dma_wait3A_990 = tpu.memref_slice %arg10[%dma_wait3A_985, %dma_wait3A_988, %dma_wait3A_989] : memref<4x64x128xf32, #tpu.memory_space<vmem>> -> memref<1x64x128xf32, #tpu.memory_space<vmem>>
        %dma_wait3A_991 = tpu.memref_squeeze %dma_wait3A_990 : memref<1x64x128xf32, #tpu.memory_space<vmem>> -> memref<64x128xf32, #tpu.memory_space<vmem>>
        %dma_wait3A_992 = arith.constant 0 : i32
        %dma_wait3A_993 = arith.constant 0 : i32
        %dma_wait3A_994 = tpu.memref_slice %arg9[%select_n3A_874, %dma_wait3A_992, %dma_wait3A_993] : memref<8x2x64xi32, #tpu.memory_space<vmem>> -> memref<1x2x64xi32, #tpu.memory_space<vmem>>
        %dma_wait3A_995 = tpu.memref_squeeze %dma_wait3A_994 : memref<1x2x64xi32, #tpu.memory_space<vmem>> -> memref<2x64xi32, #tpu.memory_space<vmem>>
        %dma_wait3A_996 = arith.constant 0 : i32
        %dma_wait3A_997 = tpu.memref_slice %dma_wait3A_995[%dma_wait3A_986, %dma_wait3A_996] : memref<2x64xi32, #tpu.memory_space<vmem>> -> memref<1x64xi32, #tpu.memory_space<vmem>>
        %dma_wait3A_998 = tpu.memref_squeeze %dma_wait3A_997 : memref<1x64xi32, #tpu.memory_space<vmem>> -> memref<64xi32, #tpu.memory_space<vmem>>
        %dma_wait3A_999 = arith.constant 0 : i32
        %dma_wait3A_1000 = arith.constant 0 : i32
        %dma_wait3A_1001 = tpu.memref_slice %arg11[%dma_wait3A_999, %dma_wait3A_1000] : memref<10112x128xf32, #tpu.memory_space<vmem_shared>> -> memref<10112x128xf32, #tpu.memory_space<vmem_shared>>
        %dma_wait3A_1002 = tpu.memref_slice %arg14[%dma_wait3A_987] : memref<4x!tpu.dma_semaphore, #tpu.memory_space<semaphore_mem>> -> memref<1x!tpu.dma_semaphore, #tpu.memory_space<semaphore_mem>>
        %dma_wait3A_1003 = tpu.memref_squeeze %dma_wait3A_1002 : memref<1x!tpu.dma_semaphore, #tpu.memory_space<semaphore_mem>> -> memref<!tpu.dma_semaphore, #tpu.memory_space<semaphore_mem>>
        tpu.wait_indirect_dma semaphore(%dma_wait3A_1003 : memref<!tpu.dma_semaphore, #tpu.memory_space<semaphore_mem>>) src(%dma_wait3A_991 : memref<64x128xf32, #tpu.memory_space<vmem>>) dst(%dma_wait3A_1001 : memref<10112x128xf32, #tpu.memory_space<vmem_shared>>)
        %dma_wait3A_1004 = arith.constant 1 : i32
        %dma_wait3A_1005 = arith.constant 3 : i32
        %dma_wait3A_1006 = arith.constant 0 : i32
        %dma_wait3A_1007 = arith.constant 0 : i32
        %dma_wait3A_1008 = tpu.memref_slice %arg9[%select_n3A_874, %dma_wait3A_1006, %dma_wait3A_1007] : memref<8x2x64xi32, #tpu.memory_space<vmem>> -> memref<1x2x64xi32, #tpu.memory_space<vmem>>
        %dma_wait3A_1009 = tpu.memref_squeeze %dma_wait3A_1008 : memref<1x2x64xi32, #tpu.memory_space<vmem>> -> memref<2x64xi32, #tpu.memory_space<vmem>>
        %dma_wait3A_1010 = arith.constant 0 : i32
        %dma_wait3A_1011 = tpu.memref_slice %dma_wait3A_1009[%dma_wait3A_1004, %dma_wait3A_1010] : memref<2x64xi32, #tpu.memory_space<vmem>> -> memref<1x64xi32, #tpu.memory_space<vmem>>
        %dma_wait3A_1012 = tpu.memref_squeeze %dma_wait3A_1011 : memref<1x64xi32, #tpu.memory_space<vmem>> -> memref<64xi32, #tpu.memory_space<vmem>>
        %dma_wait3A_1013 = arith.constant 0 : i32
        %dma_wait3A_1014 = arith.constant 0 : i32
        %dma_wait3A_1015 = tpu.memref_slice %arg16[%dma_wait3A_1013, %dma_wait3A_1014] : memref<10112x16xf32, #tpu.memory_space<vmem_shared>> -> memref<10112x16xf32, #tpu.memory_space<vmem_shared>>
        %dma_wait3A_1016 = tpu.memref_slice %arg17[%dma_wait3A_1005] : memref<4x!tpu.dma_semaphore, #tpu.memory_space<semaphore_mem>> -> memref<1x!tpu.dma_semaphore, #tpu.memory_space<semaphore_mem>>
        %dma_wait3A_1017 = tpu.memref_squeeze %dma_wait3A_1016 : memref<1x!tpu.dma_semaphore, #tpu.memory_space<semaphore_mem>> -> memref<!tpu.dma_semaphore, #tpu.memory_space<semaphore_mem>>
        tpu.wait_indirect_dma semaphore(%dma_wait3A_1017 : memref<!tpu.dma_semaphore, #tpu.memory_space<semaphore_mem>>) src(%arg15 : memref<64x16xf32, #tpu.memory_space<vmem>>) dst(%dma_wait3A_1015 : memref<10112x16xf32, #tpu.memory_space<vmem_shared>>)
        %dma_start3A_1018 = arith.constant 0 : i32
        %dma_start3A_1019 = arith.constant 3 : i32
        %dma_start3A_1020 = arith.constant 3 : i32
        %dma_start3A_1021 = arith.constant 0 : i32
        %dma_start3A_1022 = arith.constant 0 : i32
        %dma_start3A_1023 = tpu.memref_slice %arg10[%dma_start3A_1019, %dma_start3A_1021, %dma_start3A_1022] : memref<4x64x128xf32, #tpu.memory_space<vmem>> -> memref<1x64x128xf32, #tpu.memory_space<vmem>>
        %dma_start3A_1024 = tpu.memref_squeeze %dma_start3A_1023 : memref<1x64x128xf32, #tpu.memory_space<vmem>> -> memref<64x128xf32, #tpu.memory_space<vmem>>
        %dma_start3A_1025 = arith.constant 0 : i32
        %dma_start3A_1026 = arith.constant 0 : i32
        %dma_start3A_1027 = tpu.memref_slice %arg9[%select_n3A_956, %dma_start3A_1025, %dma_start3A_1026] : memref<8x2x64xi32, #tpu.memory_space<vmem>> -> memref<1x2x64xi32, #tpu.memory_space<vmem>>
        %dma_start3A_1028 = tpu.memref_squeeze %dma_start3A_1027 : memref<1x2x64xi32, #tpu.memory_space<vmem>> -> memref<2x64xi32, #tpu.memory_space<vmem>>
        %dma_start3A_1029 = arith.constant 0 : i32
        %dma_start3A_1030 = tpu.memref_slice %dma_start3A_1028[%dma_start3A_1018, %dma_start3A_1029] : memref<2x64xi32, #tpu.memory_space<vmem>> -> memref<1x64xi32, #tpu.memory_space<vmem>>
        %dma_start3A_1031 = tpu.memref_squeeze %dma_start3A_1030 : memref<1x64xi32, #tpu.memory_space<vmem>> -> memref<64xi32, #tpu.memory_space<vmem>>
        %dma_start3A_1032 = arith.constant 0 : i32
        %dma_start3A_1033 = arith.constant 0 : i32
        %dma_start3A_1034 = tpu.memref_slice %arg2[%dma_start3A_1032, %dma_start3A_1033] : memref<10000x128xf32, #tpu.memory_space<hbm>> -> memref<10000x128xf32, #tpu.memory_space<hbm>>
        %dma_start3A_1035 = tpu.memref_slice %arg13[%dma_start3A_1020] : memref<4x!tpu.dma_semaphore, #tpu.memory_space<semaphore_mem>> -> memref<1x!tpu.dma_semaphore, #tpu.memory_space<semaphore_mem>>
        %dma_start3A_1036 = tpu.memref_squeeze %dma_start3A_1035 : memref<1x!tpu.dma_semaphore, #tpu.memory_space<semaphore_mem>> -> memref<!tpu.dma_semaphore, #tpu.memory_space<semaphore_mem>>
        tpu.enqueue_indirect_dma source(%dma_start3A_1034 : memref<10000x128xf32, #tpu.memory_space<hbm>>) target(%dma_start3A_1024 : memref<64x128xf32, #tpu.memory_space<vmem>>) offsets(%dma_start3A_1031 : memref<64xi32, #tpu.memory_space<vmem>>) semaphore(%dma_start3A_1036 : memref<!tpu.dma_semaphore, #tpu.memory_space<semaphore_mem>>)
      } else {
      }
      %add3A_934 = arith.constant 8 : i32
      %add3A_935 = arith.addi %add3A_858, %add3A_934 : i32
      %lt3A_936 = arith.constant 160 : i32
      %lt3A_937 = arith.cmpi slt, %add3A_935, %lt3A_936 : i32
      %convert_element_type3A_938 = arith.extui %lt3A_937 : i1 to i32
      %cond3A_939 = arith.constant 0 : i32
      %cond3A_940 = arith.cmpi ne, %convert_element_type3A_938, %cond3A_939 : i32
      scf.if %cond3A_940 {
        %dma_start3A_941 = arith.constant 0 : i32
        %dma_start3A_942 = arith.constant 0 : i32
        %dma_start3A_943 = tpu.memref_slice %arg9[%select_n3A_874, %dma_start3A_941, %dma_start3A_942] : memref<8x2x64xi32, #tpu.memory_space<vmem>> -> memref<1x2x64xi32, #tpu.memory_space<vmem>>
        %dma_start3A_944 = tpu.memref_squeeze %dma_start3A_943 : memref<1x2x64xi32, #tpu.memory_space<vmem>> -> memref<2x64xi32, #tpu.memory_space<vmem>>
        %dma_start3A_945 = arith.constant 0 : i32
        %dma_start3A_946 = arith.constant 0 : i32
        %dma_start3A_947 = arith.constant 0 : i32
        %dma_start3A_948 = tpu.memref_slice %arg3[%add3A, %dma_start3A_945, %dma_start3A_946, %dma_start3A_947] : memref<32x160x2x64xi32, #tpu.memory_space<hbm>> -> memref<1x160x2x64xi32, #tpu.memory_space<hbm>>
        %dma_start3A_949 = tpu.memref_squeeze %dma_start3A_948 : memref<1x160x2x64xi32, #tpu.memory_space<hbm>> -> memref<160x2x64xi32, #tpu.memory_space<hbm>>
        %dma_start3A_950 = arith.constant 0 : i32
        %dma_start3A_951 = arith.constant 0 : i32
        %dma_start3A_952 = tpu.memref_slice %dma_start3A_949[%add3A_935, %dma_start3A_950, %dma_start3A_951] : memref<160x2x64xi32, #tpu.memory_space<hbm>> -> memref<1x2x64xi32, #tpu.memory_space<hbm>>
        %dma_start3A_953 = tpu.memref_squeeze %dma_start3A_952 : memref<1x2x64xi32, #tpu.memory_space<hbm>> -> memref<2x64xi32, #tpu.memory_space<hbm>>
        %dma_start3A_954 = tpu.memref_slice %arg12[%select_n3A_874] : memref<8x!tpu.dma_semaphore, #tpu.memory_space<semaphore_mem>> -> memref<1x!tpu.dma_semaphore, #tpu.memory_space<semaphore_mem>>
        %dma_start3A_955 = tpu.memref_squeeze %dma_start3A_954 : memref<1x!tpu.dma_semaphore, #tpu.memory_space<semaphore_mem>> -> memref<!tpu.dma_semaphore, #tpu.memory_space<semaphore_mem>>
        %dma_start3A_956 = arith.constant 0 : i32
        %dma_start3A_957 = arith.constant 0 : i32
        %dma_start3A_958 = tpu.memref_slice %arg9[%select_n3A_874, %dma_start3A_956, %dma_start3A_957] : memref<8x2x64xi32, #tpu.memory_space<vmem>> -> memref<1x2x64xi32, #tpu.memory_space<vmem>>
        %dma_start3A_959 = tpu.memref_squeeze %dma_start3A_958 : memref<1x2x64xi32, #tpu.memory_space<vmem>> -> memref<2x64xi32, #tpu.memory_space<vmem>>
        %dma_start3A_960 = arith.constant 0 : i32
        %dma_start3A_961 = arith.constant 0 : i32
        %dma_start3A_962 = arith.constant 0 : i32
        %dma_start3A_963 = tpu.memref_slice %arg3[%add3A, %dma_start3A_960, %dma_start3A_961, %dma_start3A_962] : memref<32x160x2x64xi32, #tpu.memory_space<hbm>> -> memref<1x160x2x64xi32, #tpu.memory_space<hbm>>
        %dma_start3A_964 = tpu.memref_squeeze %dma_start3A_963 : memref<1x160x2x64xi32, #tpu.memory_space<hbm>> -> memref<160x2x64xi32, #tpu.memory_space<hbm>>
        %dma_start3A_965 = arith.constant 0 : i32
        %dma_start3A_966 = arith.constant 0 : i32
        %dma_start3A_967 = tpu.memref_slice %dma_start3A_964[%add3A_935, %dma_start3A_965, %dma_start3A_966] : memref<160x2x64xi32, #tpu.memory_space<hbm>> -> memref<1x2x64xi32, #tpu.memory_space<hbm>>
        %dma_start3A_968 = tpu.memref_squeeze %dma_start3A_967 : memref<1x2x64xi32, #tpu.memory_space<hbm>> -> memref<2x64xi32, #tpu.memory_space<hbm>>
        tpu.enqueue_dma source(%dma_start3A_968 : memref<2x64xi32, #tpu.memory_space<hbm>>) target(%dma_start3A_959 : memref<2x64xi32, #tpu.memory_space<vmem>>) target_semaphore(%dma_start3A_955 : memref<!tpu.dma_semaphore, #tpu.memory_space<semaphore_mem>>)
      } else {
      }
    }
    %scan3A_456 = arith.constant 40 : i32
    %dma_wait3A_457 = arith.constant 0 : i32
    %dma_wait3A_458 = arith.constant 4 : i32
    %dma_wait3A_459 = arith.constant 1 : i32
    %dma_wait3A_460 = arith.constant 0 : i32
    %dma_wait3A_461 = arith.constant 0 : i32
    %dma_wait3A_462 = arith.constant 0 : i32
    %dma_wait3A_463 = tpu.memref_slice %arg10[%dma_wait3A_457, %dma_wait3A_461, %dma_wait3A_462] : memref<4x64x128xf32, #tpu.memory_space<vmem>> -> memref<1x64x128xf32, #tpu.memory_space<vmem>>
    %dma_wait3A_464 = tpu.memref_squeeze %dma_wait3A_463 : memref<1x64x128xf32, #tpu.memory_space<vmem>> -> memref<64x128xf32, #tpu.memory_space<vmem>>
    %dma_wait3A_465 = arith.constant 0 : i32
    %dma_wait3A_466 = arith.constant 0 : i32
    %dma_wait3A_467 = tpu.memref_slice %arg9[%dma_wait3A_458, %dma_wait3A_465, %dma_wait3A_466] : memref<8x2x64xi32, #tpu.memory_space<vmem>> -> memref<1x2x64xi32, #tpu.memory_space<vmem>>
    %dma_wait3A_468 = tpu.memref_squeeze %dma_wait3A_467 : memref<1x2x64xi32, #tpu.memory_space<vmem>> -> memref<2x64xi32, #tpu.memory_space<vmem>>
    %dma_wait3A_469 = arith.constant 0 : i32
    %dma_wait3A_470 = tpu.memref_slice %dma_wait3A_468[%dma_wait3A_459, %dma_wait3A_469] : memref<2x64xi32, #tpu.memory_space<vmem>> -> memref<1x64xi32, #tpu.memory_space<vmem>>
    %dma_wait3A_471 = tpu.memref_squeeze %dma_wait3A_470 : memref<1x64xi32, #tpu.memory_space<vmem>> -> memref<64xi32, #tpu.memory_space<vmem>>
    %dma_wait3A_472 = arith.constant 0 : i32
    %dma_wait3A_473 = arith.constant 0 : i32
    %dma_wait3A_474 = tpu.memref_slice %arg11[%dma_wait3A_472, %dma_wait3A_473] : memref<10112x128xf32, #tpu.memory_space<vmem_shared>> -> memref<10112x128xf32, #tpu.memory_space<vmem_shared>>
    %dma_wait3A_475 = tpu.memref_slice %arg14[%dma_wait3A_460] : memref<4x!tpu.dma_semaphore, #tpu.memory_space<semaphore_mem>> -> memref<1x!tpu.dma_semaphore, #tpu.memory_space<semaphore_mem>>
    %dma_wait3A_476 = tpu.memref_squeeze %dma_wait3A_475 : memref<1x!tpu.dma_semaphore, #tpu.memory_space<semaphore_mem>> -> memref<!tpu.dma_semaphore, #tpu.memory_space<semaphore_mem>>
    tpu.wait_indirect_dma semaphore(%dma_wait3A_476 : memref<!tpu.dma_semaphore, #tpu.memory_space<semaphore_mem>>) src(%dma_wait3A_464 : memref<64x128xf32, #tpu.memory_space<vmem>>) dst(%dma_wait3A_474 : memref<10112x128xf32, #tpu.memory_space<vmem_shared>>)
    %dma_wait3A_477 = arith.constant 4 : i32
    %dma_wait3A_478 = arith.constant 1 : i32
    %dma_wait3A_479 = arith.constant 0 : i32
    %dma_wait3A_480 = arith.constant 0 : i32
    %dma_wait3A_481 = arith.constant 0 : i32
    %dma_wait3A_482 = tpu.memref_slice %arg9[%dma_wait3A_477, %dma_wait3A_480, %dma_wait3A_481] : memref<8x2x64xi32, #tpu.memory_space<vmem>> -> memref<1x2x64xi32, #tpu.memory_space<vmem>>
    %dma_wait3A_483 = tpu.memref_squeeze %dma_wait3A_482 : memref<1x2x64xi32, #tpu.memory_space<vmem>> -> memref<2x64xi32, #tpu.memory_space<vmem>>
    %dma_wait3A_484 = arith.constant 0 : i32
    %dma_wait3A_485 = tpu.memref_slice %dma_wait3A_483[%dma_wait3A_478, %dma_wait3A_484] : memref<2x64xi32, #tpu.memory_space<vmem>> -> memref<1x64xi32, #tpu.memory_space<vmem>>
    %dma_wait3A_486 = tpu.memref_squeeze %dma_wait3A_485 : memref<1x64xi32, #tpu.memory_space<vmem>> -> memref<64xi32, #tpu.memory_space<vmem>>
    %dma_wait3A_487 = arith.constant 0 : i32
    %dma_wait3A_488 = arith.constant 0 : i32
    %dma_wait3A_489 = tpu.memref_slice %arg16[%dma_wait3A_487, %dma_wait3A_488] : memref<10112x16xf32, #tpu.memory_space<vmem_shared>> -> memref<10112x16xf32, #tpu.memory_space<vmem_shared>>
    %dma_wait3A_490 = tpu.memref_slice %arg17[%dma_wait3A_479] : memref<4x!tpu.dma_semaphore, #tpu.memory_space<semaphore_mem>> -> memref<1x!tpu.dma_semaphore, #tpu.memory_space<semaphore_mem>>
    %dma_wait3A_491 = tpu.memref_squeeze %dma_wait3A_490 : memref<1x!tpu.dma_semaphore, #tpu.memory_space<semaphore_mem>> -> memref<!tpu.dma_semaphore, #tpu.memory_space<semaphore_mem>>
    tpu.wait_indirect_dma semaphore(%dma_wait3A_491 : memref<!tpu.dma_semaphore, #tpu.memory_space<semaphore_mem>>) src(%arg15 : memref<64x16xf32, #tpu.memory_space<vmem>>) dst(%dma_wait3A_489 : memref<10112x16xf32, #tpu.memory_space<vmem_shared>>)
    %dma_wait3A_492 = arith.constant 1 : i32
    %dma_wait3A_493 = arith.constant 5 : i32
    %dma_wait3A_494 = arith.constant 1 : i32
    %dma_wait3A_495 = arith.constant 1 : i32
    %dma_wait3A_496 = arith.constant 0 : i32
    %dma_wait3A_497 = arith.constant 0 : i32
    %dma_wait3A_498 = tpu.memref_slice %arg10[%dma_wait3A_492, %dma_wait3A_496, %dma_wait3A_497] : memref<4x64x128xf32, #tpu.memory_space<vmem>> -> memref<1x64x128xf32, #tpu.memory_space<vmem>>
    %dma_wait3A_499 = tpu.memref_squeeze %dma_wait3A_498 : memref<1x64x128xf32, #tpu.memory_space<vmem>> -> memref<64x128xf32, #tpu.memory_space<vmem>>
    %dma_wait3A_500 = arith.constant 0 : i32
    %dma_wait3A_501 = arith.constant 0 : i32
    %dma_wait3A_502 = tpu.memref_slice %arg9[%dma_wait3A_493, %dma_wait3A_500, %dma_wait3A_501] : memref<8x2x64xi32, #tpu.memory_space<vmem>> -> memref<1x2x64xi32, #tpu.memory_space<vmem>>
    %dma_wait3A_503 = tpu.memref_squeeze %dma_wait3A_502 : memref<1x2x64xi32, #tpu.memory_space<vmem>> -> memref<2x64xi32, #tpu.memory_space<vmem>>
    %dma_wait3A_504 = arith.constant 0 : i32
    %dma_wait3A_505 = tpu.memref_slice %dma_wait3A_503[%dma_wait3A_494, %dma_wait3A_504] : memref<2x64xi32, #tpu.memory_space<vmem>> -> memref<1x64xi32, #tpu.memory_space<vmem>>
    %dma_wait3A_506 = tpu.memref_squeeze %dma_wait3A_505 : memref<1x64xi32, #tpu.memory_space<vmem>> -> memref<64xi32, #tpu.memory_space<vmem>>
    %dma_wait3A_507 = arith.constant 0 : i32
    %dma_wait3A_508 = arith.constant 0 : i32
    %dma_wait3A_509 = tpu.memref_slice %arg11[%dma_wait3A_507, %dma_wait3A_508] : memref<10112x128xf32, #tpu.memory_space<vmem_shared>> -> memref<10112x128xf32, #tpu.memory_space<vmem_shared>>
    %dma_wait3A_510 = tpu.memref_slice %arg14[%dma_wait3A_495] : memref<4x!tpu.dma_semaphore, #tpu.memory_space<semaphore_mem>> -> memref<1x!tpu.dma_semaphore, #tpu.memory_space<semaphore_mem>>
    %dma_wait3A_511 = tpu.memref_squeeze %dma_wait3A_510 : memref<1x!tpu.dma_semaphore, #tpu.memory_space<semaphore_mem>> -> memref<!tpu.dma_semaphore, #tpu.memory_space<semaphore_mem>>
    tpu.wait_indirect_dma semaphore(%dma_wait3A_511 : memref<!tpu.dma_semaphore, #tpu.memory_space<semaphore_mem>>) src(%dma_wait3A_499 : memref<64x128xf32, #tpu.memory_space<vmem>>) dst(%dma_wait3A_509 : memref<10112x128xf32, #tpu.memory_space<vmem_shared>>)
    %dma_wait3A_512 = arith.constant 5 : i32
    %dma_wait3A_513 = arith.constant 1 : i32
    %dma_wait3A_514 = arith.constant 1 : i32
    %dma_wait3A_515 = arith.constant 0 : i32
    %dma_wait3A_516 = arith.constant 0 : i32
    %dma_wait3A_517 = tpu.memref_slice %arg9[%dma_wait3A_512, %dma_wait3A_515, %dma_wait3A_516] : memref<8x2x64xi32, #tpu.memory_space<vmem>> -> memref<1x2x64xi32, #tpu.memory_space<vmem>>
    %dma_wait3A_518 = tpu.memref_squeeze %dma_wait3A_517 : memref<1x2x64xi32, #tpu.memory_space<vmem>> -> memref<2x64xi32, #tpu.memory_space<vmem>>
    %dma_wait3A_519 = arith.constant 0 : i32
    %dma_wait3A_520 = tpu.memref_slice %dma_wait3A_518[%dma_wait3A_513, %dma_wait3A_519] : memref<2x64xi32, #tpu.memory_space<vmem>> -> memref<1x64xi32, #tpu.memory_space<vmem>>
    %dma_wait3A_521 = tpu.memref_squeeze %dma_wait3A_520 : memref<1x64xi32, #tpu.memory_space<vmem>> -> memref<64xi32, #tpu.memory_space<vmem>>
    %dma_wait3A_522 = arith.constant 0 : i32
    %dma_wait3A_523 = arith.constant 0 : i32
    %dma_wait3A_524 = tpu.memref_slice %arg16[%dma_wait3A_522, %dma_wait3A_523] : memref<10112x16xf32, #tpu.memory_space<vmem_shared>> -> memref<10112x16xf32, #tpu.memory_space<vmem_shared>>
    %dma_wait3A_525 = tpu.memref_slice %arg17[%dma_wait3A_514] : memref<4x!tpu.dma_semaphore, #tpu.memory_space<semaphore_mem>> -> memref<1x!tpu.dma_semaphore, #tpu.memory_space<semaphore_mem>>
    %dma_wait3A_526 = tpu.memref_squeeze %dma_wait3A_525 : memref<1x!tpu.dma_semaphore, #tpu.memory_space<semaphore_mem>> -> memref<!tpu.dma_semaphore, #tpu.memory_space<semaphore_mem>>
    tpu.wait_indirect_dma semaphore(%dma_wait3A_526 : memref<!tpu.dma_semaphore, #tpu.memory_space<semaphore_mem>>) src(%arg15 : memref<64x16xf32, #tpu.memory_space<vmem>>) dst(%dma_wait3A_524 : memref<10112x16xf32, #tpu.memory_space<vmem_shared>>)
    %dma_wait3A_527 = arith.constant 2 : i32
    %dma_wait3A_528 = arith.constant 6 : i32
    %dma_wait3A_529 = arith.constant 1 : i32
    %dma_wait3A_530 = arith.constant 2 : i32
    %dma_wait3A_531 = arith.constant 0 : i32
    %dma_wait3A_532 = arith.constant 0 : i32
    %dma_wait3A_533 = tpu.memref_slice %arg10[%dma_wait3A_527, %dma_wait3A_531, %dma_wait3A_532] : memref<4x64x128xf32, #tpu.memory_space<vmem>> -> memref<1x64x128xf32, #tpu.memory_space<vmem>>
    %dma_wait3A_534 = tpu.memref_squeeze %dma_wait3A_533 : memref<1x64x128xf32, #tpu.memory_space<vmem>> -> memref<64x128xf32, #tpu.memory_space<vmem>>
    %dma_wait3A_535 = arith.constant 0 : i32
    %dma_wait3A_536 = arith.constant 0 : i32
    %dma_wait3A_537 = tpu.memref_slice %arg9[%dma_wait3A_528, %dma_wait3A_535, %dma_wait3A_536] : memref<8x2x64xi32, #tpu.memory_space<vmem>> -> memref<1x2x64xi32, #tpu.memory_space<vmem>>
    %dma_wait3A_538 = tpu.memref_squeeze %dma_wait3A_537 : memref<1x2x64xi32, #tpu.memory_space<vmem>> -> memref<2x64xi32, #tpu.memory_space<vmem>>
    %dma_wait3A_539 = arith.constant 0 : i32
    %dma_wait3A_540 = tpu.memref_slice %dma_wait3A_538[%dma_wait3A_529, %dma_wait3A_539] : memref<2x64xi32, #tpu.memory_space<vmem>> -> memref<1x64xi32, #tpu.memory_space<vmem>>
    %dma_wait3A_541 = tpu.memref_squeeze %dma_wait3A_540 : memref<1x64xi32, #tpu.memory_space<vmem>> -> memref<64xi32, #tpu.memory_space<vmem>>
    %dma_wait3A_542 = arith.constant 0 : i32
    %dma_wait3A_543 = arith.constant 0 : i32
    %dma_wait3A_544 = tpu.memref_slice %arg11[%dma_wait3A_542, %dma_wait3A_543] : memref<10112x128xf32, #tpu.memory_space<vmem_shared>> -> memref<10112x128xf32, #tpu.memory_space<vmem_shared>>
    %dma_wait3A_545 = tpu.memref_slice %arg14[%dma_wait3A_530] : memref<4x!tpu.dma_semaphore, #tpu.memory_space<semaphore_mem>> -> memref<1x!tpu.dma_semaphore, #tpu.memory_space<semaphore_mem>>
    %dma_wait3A_546 = tpu.memref_squeeze %dma_wait3A_545 : memref<1x!tpu.dma_semaphore, #tpu.memory_space<semaphore_mem>> -> memref<!tpu.dma_semaphore, #tpu.memory_space<semaphore_mem>>
    tpu.wait_indirect_dma semaphore(%dma_wait3A_546 : memref<!tpu.dma_semaphore, #tpu.memory_space<semaphore_mem>>) src(%dma_wait3A_534 : memref<64x128xf32, #tpu.memory_space<vmem>>) dst(%dma_wait3A_544 : memref<10112x128xf32, #tpu.memory_space<vmem_shared>>)
    %dma_wait3A_547 = arith.constant 6 : i32
    %dma_wait3A_548 = arith.constant 1 : i32
    %dma_wait3A_549 = arith.constant 2 : i32
    %dma_wait3A_550 = arith.constant 0 : i32
    %dma_wait3A_551 = arith.constant 0 : i32
    %dma_wait3A_552 = tpu.memref_slice %arg9[%dma_wait3A_547, %dma_wait3A_550, %dma_wait3A_551] : memref<8x2x64xi32, #tpu.memory_space<vmem>> -> memref<1x2x64xi32, #tpu.memory_space<vmem>>
    %dma_wait3A_553 = tpu.memref_squeeze %dma_wait3A_552 : memref<1x2x64xi32, #tpu.memory_space<vmem>> -> memref<2x64xi32, #tpu.memory_space<vmem>>
    %dma_wait3A_554 = arith.constant 0 : i32
    %dma_wait3A_555 = tpu.memref_slice %dma_wait3A_553[%dma_wait3A_548, %dma_wait3A_554] : memref<2x64xi32, #tpu.memory_space<vmem>> -> memref<1x64xi32, #tpu.memory_space<vmem>>
    %dma_wait3A_556 = tpu.memref_squeeze %dma_wait3A_555 : memref<1x64xi32, #tpu.memory_space<vmem>> -> memref<64xi32, #tpu.memory_space<vmem>>
    %dma_wait3A_557 = arith.constant 0 : i32
    %dma_wait3A_558 = arith.constant 0 : i32
    %dma_wait3A_559 = tpu.memref_slice %arg16[%dma_wait3A_557, %dma_wait3A_558] : memref<10112x16xf32, #tpu.memory_space<vmem_shared>> -> memref<10112x16xf32, #tpu.memory_space<vmem_shared>>
    %dma_wait3A_560 = tpu.memref_slice %arg17[%dma_wait3A_549] : memref<4x!tpu.dma_semaphore, #tpu.memory_space<semaphore_mem>> -> memref<1x!tpu.dma_semaphore, #tpu.memory_space<semaphore_mem>>
    %dma_wait3A_561 = tpu.memref_squeeze %dma_wait3A_560 : memref<1x!tpu.dma_semaphore, #tpu.memory_space<semaphore_mem>> -> memref<!tpu.dma_semaphore, #tpu.memory_space<semaphore_mem>>
    tpu.wait_indirect_dma semaphore(%dma_wait3A_561 : memref<!tpu.dma_semaphore, #tpu.memory_space<semaphore_mem>>) src(%arg15 : memref<64x16xf32, #tpu.memory_space<vmem>>) dst(%dma_wait3A_559 : memref<10112x16xf32, #tpu.memory_space<vmem_shared>>)
    %dma_wait3A_562 = arith.constant 3 : i32
    %dma_wait3A_563 = arith.constant 7 : i32
    %dma_wait3A_564 = arith.constant 1 : i32
    %dma_wait3A_565 = arith.constant 3 : i32
    %dma_wait3A_566 = arith.constant 0 : i32
    %dma_wait3A_567 = arith.constant 0 : i32
    %dma_wait3A_568 = tpu.memref_slice %arg10[%dma_wait3A_562, %dma_wait3A_566, %dma_wait3A_567] : memref<4x64x128xf32, #tpu.memory_space<vmem>> -> memref<1x64x128xf32, #tpu.memory_space<vmem>>
    %dma_wait3A_569 = tpu.memref_squeeze %dma_wait3A_568 : memref<1x64x128xf32, #tpu.memory_space<vmem>> -> memref<64x128xf32, #tpu.memory_space<vmem>>
    %dma_wait3A_570 = arith.constant 0 : i32
    %dma_wait3A_571 = arith.constant 0 : i32
    %dma_wait3A_572 = tpu.memref_slice %arg9[%dma_wait3A_563, %dma_wait3A_570, %dma_wait3A_571] : memref<8x2x64xi32, #tpu.memory_space<vmem>> -> memref<1x2x64xi32, #tpu.memory_space<vmem>>
    %dma_wait3A_573 = tpu.memref_squeeze %dma_wait3A_572 : memref<1x2x64xi32, #tpu.memory_space<vmem>> -> memref<2x64xi32, #tpu.memory_space<vmem>>
    %dma_wait3A_574 = arith.constant 0 : i32
    %dma_wait3A_575 = tpu.memref_slice %dma_wait3A_573[%dma_wait3A_564, %dma_wait3A_574] : memref<2x64xi32, #tpu.memory_space<vmem>> -> memref<1x64xi32, #tpu.memory_space<vmem>>
    %dma_wait3A_576 = tpu.memref_squeeze %dma_wait3A_575 : memref<1x64xi32, #tpu.memory_space<vmem>> -> memref<64xi32, #tpu.memory_space<vmem>>
    %dma_wait3A_577 = arith.constant 0 : i32
    %dma_wait3A_578 = arith.constant 0 : i32
    %dma_wait3A_579 = tpu.memref_slice %arg11[%dma_wait3A_577, %dma_wait3A_578] : memref<10112x128xf32, #tpu.memory_space<vmem_shared>> -> memref<10112x128xf32, #tpu.memory_space<vmem_shared>>
    %dma_wait3A_580 = tpu.memref_slice %arg14[%dma_wait3A_565] : memref<4x!tpu.dma_semaphore, #tpu.memory_space<semaphore_mem>> -> memref<1x!tpu.dma_semaphore, #tpu.memory_space<semaphore_mem>>
    %dma_wait3A_581 = tpu.memref_squeeze %dma_wait3A_580 : memref<1x!tpu.dma_semaphore, #tpu.memory_space<semaphore_mem>> -> memref<!tpu.dma_semaphore, #tpu.memory_space<semaphore_mem>>
    tpu.wait_indirect_dma semaphore(%dma_wait3A_581 : memref<!tpu.dma_semaphore, #tpu.memory_space<semaphore_mem>>) src(%dma_wait3A_569 : memref<64x128xf32, #tpu.memory_space<vmem>>) dst(%dma_wait3A_579 : memref<10112x128xf32, #tpu.memory_space<vmem_shared>>)
    %dma_wait3A_582 = arith.constant 7 : i32
    %dma_wait3A_583 = arith.constant 1 : i32
    %dma_wait3A_584 = arith.constant 3 : i32
    %dma_wait3A_585 = arith.constant 0 : i32
    %dma_wait3A_586 = arith.constant 0 : i32
    %dma_wait3A_587 = tpu.memref_slice %arg9[%dma_wait3A_582, %dma_wait3A_585, %dma_wait3A_586] : memref<8x2x64xi32, #tpu.memory_space<vmem>> -> memref<1x2x64xi32, #tpu.memory_space<vmem>>
    %dma_wait3A_588 = tpu.memref_squeeze %dma_wait3A_587 : memref<1x2x64xi32, #tpu.memory_space<vmem>> -> memref<2x64xi32, #tpu.memory_space<vmem>>
    %dma_wait3A_589 = arith.constant 0 : i32
    %dma_wait3A_590 = tpu.memref_slice %dma_wait3A_588[%dma_wait3A_583, %dma_wait3A_589] : memref<2x64xi32, #tpu.memory_space<vmem>> -> memref<1x64xi32, #tpu.memory_space<vmem>>
    %dma_wait3A_591 = tpu.memref_squeeze %dma_wait3A_590 : memref<1x64xi32, #tpu.memory_space<vmem>> -> memref<64xi32, #tpu.memory_space<vmem>>
    %dma_wait3A_592 = arith.constant 0 : i32
    %dma_wait3A_593 = arith.constant 0 : i32
    %dma_wait3A_594 = tpu.memref_slice %arg16[%dma_wait3A_592, %dma_wait3A_593] : memref<10112x16xf32, #tpu.memory_space<vmem_shared>> -> memref<10112x16xf32, #tpu.memory_space<vmem_shared>>
    %dma_wait3A_595 = tpu.memref_slice %arg17[%dma_wait3A_584] : memref<4x!tpu.dma_semaphore, #tpu.memory_space<semaphore_mem>> -> memref<1x!tpu.dma_semaphore, #tpu.memory_space<semaphore_mem>>
    %dma_wait3A_596 = tpu.memref_squeeze %dma_wait3A_595 : memref<1x!tpu.dma_semaphore, #tpu.memory_space<semaphore_mem>> -> memref<!tpu.dma_semaphore, #tpu.memory_space<semaphore_mem>>
    tpu.wait_indirect_dma semaphore(%dma_wait3A_596 : memref<!tpu.dma_semaphore, #tpu.memory_space<semaphore_mem>>) src(%arg15 : memref<64x16xf32, #tpu.memory_space<vmem>>) dst(%dma_wait3A_594 : memref<10112x16xf32, #tpu.memory_space<vmem_shared>>)
    %barrier3A_597 = arith.constant 0 : index
    tpu.barrier barrier_id(%barrier3A_597)
    %mul3A_598 = arith.constant 10112 : i32
    %mul3A_599 = arith.muli %arg0, %mul3A_598 : i32
    %add3A_600 = arith.addi %mul3A_599, %mul3A_2 : i32
    "tpu.region"() ({
      %run_scoped3A = tpu.sem_alloc : memref<!tpu.dma_semaphore, #tpu.memory_space<semaphore_mem>>
      %dma_start3A_601 = arith.constant 0 : i32
      %dma_start3A_602 = tpu.memref_slice %arg7[%add3A_600, %dma_start3A_601] : memref<20224x128xf32, #tpu.memory_space<hbm>> -> memref<632x128xf32, #tpu.memory_space<hbm>>
      %dma_start3A_603 = arith.constant 0 : i32
      %dma_start3A_604 = tpu.memref_slice %arg11[%mul3A_2, %dma_start3A_603] : memref<10112x128xf32, #tpu.memory_space<vmem_shared>> -> memref<632x128xf32, #tpu.memory_space<vmem_shared>>
      tpu.enqueue_dma source(%dma_start3A_604 : memref<632x128xf32, #tpu.memory_space<vmem_shared>>) target(%dma_start3A_602 : memref<632x128xf32, #tpu.memory_space<hbm>>) target_semaphore(%run_scoped3A : memref<!tpu.dma_semaphore, #tpu.memory_space<semaphore_mem>>)
      %dma_wait3A_605 = arith.constant 0 : i32
      %dma_wait3A_606 = tpu.memref_slice %arg7[%add3A_600, %dma_wait3A_605] : memref<20224x128xf32, #tpu.memory_space<hbm>> -> memref<632x128xf32, #tpu.memory_space<hbm>>
      %dma_wait3A_607 = arith.constant 0 : i32
      %dma_wait3A_608 = tpu.memref_slice %arg11[%mul3A_2, %dma_wait3A_607] : memref<10112x128xf32, #tpu.memory_space<vmem_shared>> -> memref<632x128xf32, #tpu.memory_space<vmem_shared>>
      tpu.wait_dma2 semaphore(%run_scoped3A : memref<!tpu.dma_semaphore, #tpu.memory_space<semaphore_mem>>) src(%dma_wait3A_608 : memref<632x128xf32, #tpu.memory_space<vmem_shared>>) dst(%dma_wait3A_606 : memref<632x128xf32, #tpu.memory_space<hbm>>)
      tpu.yield
    }) : () -> ()
    "tpu.region"() ({
      %run_scoped3A = tpu.sem_alloc : memref<!tpu.dma_semaphore, #tpu.memory_space<semaphore_mem>>
      %dma_start3A_601 = arith.constant 0 : i32
      %dma_start3A_602 = tpu.memref_slice %arg8[%add3A_600, %dma_start3A_601] : memref<20224x16xf32, #tpu.memory_space<hbm>> -> memref<632x16xf32, #tpu.memory_space<hbm>>
      %dma_start3A_603 = arith.constant 0 : i32
      %dma_start3A_604 = tpu.memref_slice %arg16[%mul3A_2, %dma_start3A_603] : memref<10112x16xf32, #tpu.memory_space<vmem_shared>> -> memref<632x16xf32, #tpu.memory_space<vmem_shared>>
      tpu.enqueue_dma source(%dma_start3A_604 : memref<632x16xf32, #tpu.memory_space<vmem_shared>>) target(%dma_start3A_602 : memref<632x16xf32, #tpu.memory_space<hbm>>) target_semaphore(%run_scoped3A : memref<!tpu.dma_semaphore, #tpu.memory_space<semaphore_mem>>)
      %dma_wait3A_605 = arith.constant 0 : i32
      %dma_wait3A_606 = tpu.memref_slice %arg8[%add3A_600, %dma_wait3A_605] : memref<20224x16xf32, #tpu.memory_space<hbm>> -> memref<632x16xf32, #tpu.memory_space<hbm>>
      %dma_wait3A_607 = arith.constant 0 : i32
      %dma_wait3A_608 = tpu.memref_slice %arg16[%mul3A_2, %dma_wait3A_607] : memref<10112x16xf32, #tpu.memory_space<vmem_shared>> -> memref<632x16xf32, #tpu.memory_space<vmem_shared>>
      tpu.wait_dma2 semaphore(%run_scoped3A : memref<!tpu.dma_semaphore, #tpu.memory_space<semaphore_mem>>) src(%dma_wait3A_608 : memref<632x16xf32, #tpu.memory_space<vmem_shared>>) dst(%dma_wait3A_606 : memref<632x16xf32, #tpu.memory_space<hbm>>)
      tpu.yield
    }) : () -> ()
    return
  }
}

#map = affine_map<(d0, d1) -> (0, 0)>
#map1 = affine_map<(d0, d1) -> (0, 0, 0, 0)>
module attributes {stable_mosaic.version = 14 : i64} {
  func.func @body(%arg0: i32, %arg1: i32, %arg2: memref<10000x128xf32, #tpu.memory_space<hbm>>, %arg3: memref<32x160x2x64xi32, #tpu.memory_space<hbm>>, %arg4: memref<10112x128xf32, #tpu.memory_space<hbm>>, %arg5: memref<20224x128xf32, #tpu.memory_space<hbm>>, %arg6: memref<8x2x64xi32, #tpu.memory_space<vmem>>, %arg7: memref<4x64x128xf32, #tpu.memory_space<vmem>>, %arg8: memref<10112x128xf32, #tpu.memory_space<vmem_shared>>, %arg9: memref<8x!tpu.dma_semaphore, #tpu.memory_space<semaphore_mem>>, %arg10: memref<4x!tpu.dma_semaphore, #tpu.memory_space<semaphore_mem>>, %arg11: memref<4x!tpu.dma_semaphore, #tpu.memory_space<semaphore_mem>>) attributes {dimension_semantics = [#tpu.dimension_semantics<core_parallel>, #tpu.dimension_semantics<subcore_parallel>], iteration_bounds = array<i64: 2, 16>, scalar_prefetch = 0 : i64, scratch_operands = 6 : i64, tpu.core_type = #tpu.core_type<sc_vector_subcore>, window_params = [{transform_indices = #map}, {transform_indices = #map1}, {transform_indices = #map}, {transform_indices = #map}]} {
    %mul3A = arith.constant 16 : i32
    %mul3A_0 = arith.muli %arg0, %mul3A : i32
    %add3A = arith.addi %mul3A_0, %arg1 : i32
    %mul3A_1 = arith.constant 632 : i32
    %mul3A_2 = arith.muli %arg1, %mul3A_1 : i32
    "tpu.region"() ({
      %run_scoped3A = tpu.sem_alloc : memref<!tpu.dma_semaphore, #tpu.memory_space<semaphore_mem>>
      %dma_start3A_541 = arith.constant 0 : i32
      %dma_start3A_542 = tpu.memref_slice %arg8[%mul3A_2, %dma_start3A_541] : memref<10112x128xf32, #tpu.memory_space<vmem_shared>> -> memref<632x128xf32, #tpu.memory_space<vmem_shared>>
      %dma_start3A_543 = arith.constant 0 : i32
      %dma_start3A_544 = tpu.memref_slice %arg4[%mul3A_2, %dma_start3A_543] : memref<10112x128xf32, #tpu.memory_space<hbm>> -> memref<632x128xf32, #tpu.memory_space<hbm>>
      tpu.enqueue_dma source(%dma_start3A_544 : memref<632x128xf32, #tpu.memory_space<hbm>>) target(%dma_start3A_542 : memref<632x128xf32, #tpu.memory_space<vmem_shared>>) target_semaphore(%run_scoped3A : memref<!tpu.dma_semaphore, #tpu.memory_space<semaphore_mem>>)
      %dma_wait3A_545 = arith.constant 0 : i32
      %dma_wait3A_546 = tpu.memref_slice %arg8[%mul3A_2, %dma_wait3A_545] : memref<10112x128xf32, #tpu.memory_space<vmem_shared>> -> memref<632x128xf32, #tpu.memory_space<vmem_shared>>
      %dma_wait3A_547 = arith.constant 0 : i32
      %dma_wait3A_548 = tpu.memref_slice %arg4[%mul3A_2, %dma_wait3A_547] : memref<10112x128xf32, #tpu.memory_space<hbm>> -> memref<632x128xf32, #tpu.memory_space<hbm>>
      tpu.wait_dma2 semaphore(%run_scoped3A : memref<!tpu.dma_semaphore, #tpu.memory_space<semaphore_mem>>) src(%dma_wait3A_548 : memref<632x128xf32, #tpu.memory_space<hbm>>) dst(%dma_wait3A_546 : memref<632x128xf32, #tpu.memory_space<vmem_shared>>)
      tpu.yield
    }) : () -> ()
    %barrier3A = arith.constant 0 : index
    tpu.barrier barrier_id(%barrier3A)
    %dma_start3A = arith.constant 0 : i32
    %dma_start3A_3 = arith.constant 0 : i32
    %dma_start3A_4 = arith.constant 0 : i32
    %dma_start3A_5 = arith.constant 0 : i32
    %dma_start3A_6 = arith.constant 0 : i32
    %dma_start3A_7 = tpu.memref_slice %arg6[%dma_start3A_3, %dma_start3A_5, %dma_start3A_6] : memref<8x2x64xi32, #tpu.memory_space<vmem>> -> memref<1x2x64xi32, #tpu.memory_space<vmem>>
    %dma_start3A_8 = tpu.memref_squeeze %dma_start3A_7 : memref<1x2x64xi32, #tpu.memory_space<vmem>> -> memref<2x64xi32, #tpu.memory_space<vmem>>
    %dma_start3A_9 = arith.constant 0 : i32
    %dma_start3A_10 = arith.constant 0 : i32
    %dma_start3A_11 = arith.constant 0 : i32
    %dma_start3A_12 = tpu.memref_slice %arg3[%add3A, %dma_start3A_9, %dma_start3A_10, %dma_start3A_11] : memref<32x160x2x64xi32, #tpu.memory_space<hbm>> -> memref<1x160x2x64xi32, #tpu.memory_space<hbm>>
    %dma_start3A_13 = tpu.memref_squeeze %dma_start3A_12 : memref<1x160x2x64xi32, #tpu.memory_space<hbm>> -> memref<160x2x64xi32, #tpu.memory_space<hbm>>
    %dma_start3A_14 = arith.constant 0 : i32
    %dma_start3A_15 = arith.constant 0 : i32
    %dma_start3A_16 = tpu.memref_slice %dma_start3A_13[%dma_start3A, %dma_start3A_14, %dma_start3A_15] : memref<160x2x64xi32, #tpu.memory_space<hbm>> -> memref<1x2x64xi32, #tpu.memory_space<hbm>>
    %dma_start3A_17 = tpu.memref_squeeze %dma_start3A_16 : memref<1x2x64xi32, #tpu.memory_space<hbm>> -> memref<2x64xi32, #tpu.memory_space<hbm>>
    %dma_start3A_18 = tpu.memref_slice %arg9[%dma_start3A_4] : memref<8x!tpu.dma_semaphore, #tpu.memory_space<semaphore_mem>> -> memref<1x!tpu.dma_semaphore, #tpu.memory_space<semaphore_mem>>
    %dma_start3A_19 = tpu.memref_squeeze %dma_start3A_18 : memref<1x!tpu.dma_semaphore, #tpu.memory_space<semaphore_mem>> -> memref<!tpu.dma_semaphore, #tpu.memory_space<semaphore_mem>>
    %dma_start3A_20 = arith.constant 0 : i32
    %dma_start3A_21 = arith.constant 0 : i32
    %dma_start3A_22 = tpu.memref_slice %arg6[%dma_start3A_3, %dma_start3A_20, %dma_start3A_21] : memref<8x2x64xi32, #tpu.memory_space<vmem>> -> memref<1x2x64xi32, #tpu.memory_space<vmem>>
    %dma_start3A_23 = tpu.memref_squeeze %dma_start3A_22 : memref<1x2x64xi32, #tpu.memory_space<vmem>> -> memref<2x64xi32, #tpu.memory_space<vmem>>
    %dma_start3A_24 = arith.constant 0 : i32
    %dma_start3A_25 = arith.constant 0 : i32
    %dma_start3A_26 = arith.constant 0 : i32
    %dma_start3A_27 = tpu.memref_slice %arg3[%add3A, %dma_start3A_24, %dma_start3A_25, %dma_start3A_26] : memref<32x160x2x64xi32, #tpu.memory_space<hbm>> -> memref<1x160x2x64xi32, #tpu.memory_space<hbm>>
    %dma_start3A_28 = tpu.memref_squeeze %dma_start3A_27 : memref<1x160x2x64xi32, #tpu.memory_space<hbm>> -> memref<160x2x64xi32, #tpu.memory_space<hbm>>
    %dma_start3A_29 = arith.constant 0 : i32
    %dma_start3A_30 = arith.constant 0 : i32
    %dma_start3A_31 = tpu.memref_slice %dma_start3A_28[%dma_start3A, %dma_start3A_29, %dma_start3A_30] : memref<160x2x64xi32, #tpu.memory_space<hbm>> -> memref<1x2x64xi32, #tpu.memory_space<hbm>>
    %dma_start3A_32 = tpu.memref_squeeze %dma_start3A_31 : memref<1x2x64xi32, #tpu.memory_space<hbm>> -> memref<2x64xi32, #tpu.memory_space<hbm>>
    tpu.enqueue_dma source(%dma_start3A_32 : memref<2x64xi32, #tpu.memory_space<hbm>>) target(%dma_start3A_23 : memref<2x64xi32, #tpu.memory_space<vmem>>) target_semaphore(%dma_start3A_19 : memref<!tpu.dma_semaphore, #tpu.memory_space<semaphore_mem>>)
    %dma_start3A_33 = arith.constant 1 : i32
    %dma_start3A_34 = arith.constant 1 : i32
    %dma_start3A_35 = arith.constant 1 : i32
    %dma_start3A_36 = arith.constant 0 : i32
    %dma_start3A_37 = arith.constant 0 : i32
    %dma_start3A_38 = tpu.memref_slice %arg6[%dma_start3A_34, %dma_start3A_36, %dma_start3A_37] : memref<8x2x64xi32, #tpu.memory_space<vmem>> -> memref<1x2x64xi32, #tpu.memory_space<vmem>>
    %dma_start3A_39 = tpu.memref_squeeze %dma_start3A_38 : memref<1x2x64xi32, #tpu.memory_space<vmem>> -> memref<2x64xi32, #tpu.memory_space<vmem>>
    %dma_start3A_40 = arith.constant 0 : i32
    %dma_start3A_41 = arith.constant 0 : i32
    %dma_start3A_42 = arith.constant 0 : i32
    %dma_start3A_43 = tpu.memref_slice %arg3[%add3A, %dma_start3A_40, %dma_start3A_41, %dma_start3A_42] : memref<32x160x2x64xi32, #tpu.memory_space<hbm>> -> memref<1x160x2x64xi32, #tpu.memory_space<hbm>>
    %dma_start3A_44 = tpu.memref_squeeze %dma_start3A_43 : memref<1x160x2x64xi32, #tpu.memory_space<hbm>> -> memref<160x2x64xi32, #tpu.memory_space<hbm>>
    %dma_start3A_45 = arith.constant 0 : i32
    %dma_start3A_46 = arith.constant 0 : i32
    %dma_start3A_47 = tpu.memref_slice %dma_start3A_44[%dma_start3A_33, %dma_start3A_45, %dma_start3A_46] : memref<160x2x64xi32, #tpu.memory_space<hbm>> -> memref<1x2x64xi32, #tpu.memory_space<hbm>>
    %dma_start3A_48 = tpu.memref_squeeze %dma_start3A_47 : memref<1x2x64xi32, #tpu.memory_space<hbm>> -> memref<2x64xi32, #tpu.memory_space<hbm>>
    %dma_start3A_49 = tpu.memref_slice %arg9[%dma_start3A_35] : memref<8x!tpu.dma_semaphore, #tpu.memory_space<semaphore_mem>> -> memref<1x!tpu.dma_semaphore, #tpu.memory_space<semaphore_mem>>
    %dma_start3A_50 = tpu.memref_squeeze %dma_start3A_49 : memref<1x!tpu.dma_semaphore, #tpu.memory_space<semaphore_mem>> -> memref<!tpu.dma_semaphore, #tpu.memory_space<semaphore_mem>>
    %dma_start3A_51 = arith.constant 0 : i32
    %dma_start3A_52 = arith.constant 0 : i32
    %dma_start3A_53 = tpu.memref_slice %arg6[%dma_start3A_34, %dma_start3A_51, %dma_start3A_52] : memref<8x2x64xi32, #tpu.memory_space<vmem>> -> memref<1x2x64xi32, #tpu.memory_space<vmem>>
    %dma_start3A_54 = tpu.memref_squeeze %dma_start3A_53 : memref<1x2x64xi32, #tpu.memory_space<vmem>> -> memref<2x64xi32, #tpu.memory_space<vmem>>
    %dma_start3A_55 = arith.constant 0 : i32
    %dma_start3A_56 = arith.constant 0 : i32
    %dma_start3A_57 = arith.constant 0 : i32
    %dma_start3A_58 = tpu.memref_slice %arg3[%add3A, %dma_start3A_55, %dma_start3A_56, %dma_start3A_57] : memref<32x160x2x64xi32, #tpu.memory_space<hbm>> -> memref<1x160x2x64xi32, #tpu.memory_space<hbm>>
    %dma_start3A_59 = tpu.memref_squeeze %dma_start3A_58 : memref<1x160x2x64xi32, #tpu.memory_space<hbm>> -> memref<160x2x64xi32, #tpu.memory_space<hbm>>
    %dma_start3A_60 = arith.constant 0 : i32
    %dma_start3A_61 = arith.constant 0 : i32
    %dma_start3A_62 = tpu.memref_slice %dma_start3A_59[%dma_start3A_33, %dma_start3A_60, %dma_start3A_61] : memref<160x2x64xi32, #tpu.memory_space<hbm>> -> memref<1x2x64xi32, #tpu.memory_space<hbm>>
    %dma_start3A_63 = tpu.memref_squeeze %dma_start3A_62 : memref<1x2x64xi32, #tpu.memory_space<hbm>> -> memref<2x64xi32, #tpu.memory_space<hbm>>
    tpu.enqueue_dma source(%dma_start3A_63 : memref<2x64xi32, #tpu.memory_space<hbm>>) target(%dma_start3A_54 : memref<2x64xi32, #tpu.memory_space<vmem>>) target_semaphore(%dma_start3A_50 : memref<!tpu.dma_semaphore, #tpu.memory_space<semaphore_mem>>)
    %dma_start3A_64 = arith.constant 2 : i32
    %dma_start3A_65 = arith.constant 2 : i32
    %dma_start3A_66 = arith.constant 2 : i32
    %dma_start3A_67 = arith.constant 0 : i32
    %dma_start3A_68 = arith.constant 0 : i32
    %dma_start3A_69 = tpu.memref_slice %arg6[%dma_start3A_65, %dma_start3A_67, %dma_start3A_68] : memref<8x2x64xi32, #tpu.memory_space<vmem>> -> memref<1x2x64xi32, #tpu.memory_space<vmem>>
    %dma_start3A_70 = tpu.memref_squeeze %dma_start3A_69 : memref<1x2x64xi32, #tpu.memory_space<vmem>> -> memref<2x64xi32, #tpu.memory_space<vmem>>
    %dma_start3A_71 = arith.constant 0 : i32
    %dma_start3A_72 = arith.constant 0 : i32
    %dma_start3A_73 = arith.constant 0 : i32
    %dma_start3A_74 = tpu.memref_slice %arg3[%add3A, %dma_start3A_71, %dma_start3A_72, %dma_start3A_73] : memref<32x160x2x64xi32, #tpu.memory_space<hbm>> -> memref<1x160x2x64xi32, #tpu.memory_space<hbm>>
    %dma_start3A_75 = tpu.memref_squeeze %dma_start3A_74 : memref<1x160x2x64xi32, #tpu.memory_space<hbm>> -> memref<160x2x64xi32, #tpu.memory_space<hbm>>
    %dma_start3A_76 = arith.constant 0 : i32
    %dma_start3A_77 = arith.constant 0 : i32
    %dma_start3A_78 = tpu.memref_slice %dma_start3A_75[%dma_start3A_64, %dma_start3A_76, %dma_start3A_77] : memref<160x2x64xi32, #tpu.memory_space<hbm>> -> memref<1x2x64xi32, #tpu.memory_space<hbm>>
    %dma_start3A_79 = tpu.memref_squeeze %dma_start3A_78 : memref<1x2x64xi32, #tpu.memory_space<hbm>> -> memref<2x64xi32, #tpu.memory_space<hbm>>
    %dma_start3A_80 = tpu.memref_slice %arg9[%dma_start3A_66] : memref<8x!tpu.dma_semaphore, #tpu.memory_space<semaphore_mem>> -> memref<1x!tpu.dma_semaphore, #tpu.memory_space<semaphore_mem>>
    %dma_start3A_81 = tpu.memref_squeeze %dma_start3A_80 : memref<1x!tpu.dma_semaphore, #tpu.memory_space<semaphore_mem>> -> memref<!tpu.dma_semaphore, #tpu.memory_space<semaphore_mem>>
    %dma_start3A_82 = arith.constant 0 : i32
    %dma_start3A_83 = arith.constant 0 : i32
    %dma_start3A_84 = tpu.memref_slice %arg6[%dma_start3A_65, %dma_start3A_82, %dma_start3A_83] : memref<8x2x64xi32, #tpu.memory_space<vmem>> -> memref<1x2x64xi32, #tpu.memory_space<vmem>>
    %dma_start3A_85 = tpu.memref_squeeze %dma_start3A_84 : memref<1x2x64xi32, #tpu.memory_space<vmem>> -> memref<2x64xi32, #tpu.memory_space<vmem>>
    %dma_start3A_86 = arith.constant 0 : i32
    %dma_start3A_87 = arith.constant 0 : i32
    %dma_start3A_88 = arith.constant 0 : i32
    %dma_start3A_89 = tpu.memref_slice %arg3[%add3A, %dma_start3A_86, %dma_start3A_87, %dma_start3A_88] : memref<32x160x2x64xi32, #tpu.memory_space<hbm>> -> memref<1x160x2x64xi32, #tpu.memory_space<hbm>>
    %dma_start3A_90 = tpu.memref_squeeze %dma_start3A_89 : memref<1x160x2x64xi32, #tpu.memory_space<hbm>> -> memref<160x2x64xi32, #tpu.memory_space<hbm>>
    %dma_start3A_91 = arith.constant 0 : i32
    %dma_start3A_92 = arith.constant 0 : i32
    %dma_start3A_93 = tpu.memref_slice %dma_start3A_90[%dma_start3A_64, %dma_start3A_91, %dma_start3A_92] : memref<160x2x64xi32, #tpu.memory_space<hbm>> -> memref<1x2x64xi32, #tpu.memory_space<hbm>>
    %dma_start3A_94 = tpu.memref_squeeze %dma_start3A_93 : memref<1x2x64xi32, #tpu.memory_space<hbm>> -> memref<2x64xi32, #tpu.memory_space<hbm>>
    tpu.enqueue_dma source(%dma_start3A_94 : memref<2x64xi32, #tpu.memory_space<hbm>>) target(%dma_start3A_85 : memref<2x64xi32, #tpu.memory_space<vmem>>) target_semaphore(%dma_start3A_81 : memref<!tpu.dma_semaphore, #tpu.memory_space<semaphore_mem>>)
    %dma_start3A_95 = arith.constant 3 : i32
    %dma_start3A_96 = arith.constant 3 : i32
    %dma_start3A_97 = arith.constant 3 : i32
    %dma_start3A_98 = arith.constant 0 : i32
    %dma_start3A_99 = arith.constant 0 : i32
    %dma_start3A_100 = tpu.memref_slice %arg6[%dma_start3A_96, %dma_start3A_98, %dma_start3A_99] : memref<8x2x64xi32, #tpu.memory_space<vmem>> -> memref<1x2x64xi32, #tpu.memory_space<vmem>>
    %dma_start3A_101 = tpu.memref_squeeze %dma_start3A_100 : memref<1x2x64xi32, #tpu.memory_space<vmem>> -> memref<2x64xi32, #tpu.memory_space<vmem>>
    %dma_start3A_102 = arith.constant 0 : i32
    %dma_start3A_103 = arith.constant 0 : i32
    %dma_start3A_104 = arith.constant 0 : i32
    %dma_start3A_105 = tpu.memref_slice %arg3[%add3A, %dma_start3A_102, %dma_start3A_103, %dma_start3A_104] : memref<32x160x2x64xi32, #tpu.memory_space<hbm>> -> memref<1x160x2x64xi32, #tpu.memory_space<hbm>>
    %dma_start3A_106 = tpu.memref_squeeze %dma_start3A_105 : memref<1x160x2x64xi32, #tpu.memory_space<hbm>> -> memref<160x2x64xi32, #tpu.memory_space<hbm>>
    %dma_start3A_107 = arith.constant 0 : i32
    %dma_start3A_108 = arith.constant 0 : i32
    %dma_start3A_109 = tpu.memref_slice %dma_start3A_106[%dma_start3A_95, %dma_start3A_107, %dma_start3A_108] : memref<160x2x64xi32, #tpu.memory_space<hbm>> -> memref<1x2x64xi32, #tpu.memory_space<hbm>>
    %dma_start3A_110 = tpu.memref_squeeze %dma_start3A_109 : memref<1x2x64xi32, #tpu.memory_space<hbm>> -> memref<2x64xi32, #tpu.memory_space<hbm>>
    %dma_start3A_111 = tpu.memref_slice %arg9[%dma_start3A_97] : memref<8x!tpu.dma_semaphore, #tpu.memory_space<semaphore_mem>> -> memref<1x!tpu.dma_semaphore, #tpu.memory_space<semaphore_mem>>
    %dma_start3A_112 = tpu.memref_squeeze %dma_start3A_111 : memref<1x!tpu.dma_semaphore, #tpu.memory_space<semaphore_mem>> -> memref<!tpu.dma_semaphore, #tpu.memory_space<semaphore_mem>>
    %dma_start3A_113 = arith.constant 0 : i32
    %dma_start3A_114 = arith.constant 0 : i32
    %dma_start3A_115 = tpu.memref_slice %arg6[%dma_start3A_96, %dma_start3A_113, %dma_start3A_114] : memref<8x2x64xi32, #tpu.memory_space<vmem>> -> memref<1x2x64xi32, #tpu.memory_space<vmem>>
    %dma_start3A_116 = tpu.memref_squeeze %dma_start3A_115 : memref<1x2x64xi32, #tpu.memory_space<vmem>> -> memref<2x64xi32, #tpu.memory_space<vmem>>
    %dma_start3A_117 = arith.constant 0 : i32
    %dma_start3A_118 = arith.constant 0 : i32
    %dma_start3A_119 = arith.constant 0 : i32
    %dma_start3A_120 = tpu.memref_slice %arg3[%add3A, %dma_start3A_117, %dma_start3A_118, %dma_start3A_119] : memref<32x160x2x64xi32, #tpu.memory_space<hbm>> -> memref<1x160x2x64xi32, #tpu.memory_space<hbm>>
    %dma_start3A_121 = tpu.memref_squeeze %dma_start3A_120 : memref<1x160x2x64xi32, #tpu.memory_space<hbm>> -> memref<160x2x64xi32, #tpu.memory_space<hbm>>
    %dma_start3A_122 = arith.constant 0 : i32
    %dma_start3A_123 = arith.constant 0 : i32
    %dma_start3A_124 = tpu.memref_slice %dma_start3A_121[%dma_start3A_95, %dma_start3A_122, %dma_start3A_123] : memref<160x2x64xi32, #tpu.memory_space<hbm>> -> memref<1x2x64xi32, #tpu.memory_space<hbm>>
    %dma_start3A_125 = tpu.memref_squeeze %dma_start3A_124 : memref<1x2x64xi32, #tpu.memory_space<hbm>> -> memref<2x64xi32, #tpu.memory_space<hbm>>
    tpu.enqueue_dma source(%dma_start3A_125 : memref<2x64xi32, #tpu.memory_space<hbm>>) target(%dma_start3A_116 : memref<2x64xi32, #tpu.memory_space<vmem>>) target_semaphore(%dma_start3A_112 : memref<!tpu.dma_semaphore, #tpu.memory_space<semaphore_mem>>)
    %dma_start3A_126 = arith.constant 4 : i32
    %dma_start3A_127 = arith.constant 4 : i32
    %dma_start3A_128 = arith.constant 4 : i32
    %dma_start3A_129 = arith.constant 0 : i32
    %dma_start3A_130 = arith.constant 0 : i32
    %dma_start3A_131 = tpu.memref_slice %arg6[%dma_start3A_127, %dma_start3A_129, %dma_start3A_130] : memref<8x2x64xi32, #tpu.memory_space<vmem>> -> memref<1x2x64xi32, #tpu.memory_space<vmem>>
    %dma_start3A_132 = tpu.memref_squeeze %dma_start3A_131 : memref<1x2x64xi32, #tpu.memory_space<vmem>> -> memref<2x64xi32, #tpu.memory_space<vmem>>
    %dma_start3A_133 = arith.constant 0 : i32
    %dma_start3A_134 = arith.constant 0 : i32
    %dma_start3A_135 = arith.constant 0 : i32
    %dma_start3A_136 = tpu.memref_slice %arg3[%add3A, %dma_start3A_133, %dma_start3A_134, %dma_start3A_135] : memref<32x160x2x64xi32, #tpu.memory_space<hbm>> -> memref<1x160x2x64xi32, #tpu.memory_space<hbm>>
    %dma_start3A_137 = tpu.memref_squeeze %dma_start3A_136 : memref<1x160x2x64xi32, #tpu.memory_space<hbm>> -> memref<160x2x64xi32, #tpu.memory_space<hbm>>
    %dma_start3A_138 = arith.constant 0 : i32
    %dma_start3A_139 = arith.constant 0 : i32
    %dma_start3A_140 = tpu.memref_slice %dma_start3A_137[%dma_start3A_126, %dma_start3A_138, %dma_start3A_139] : memref<160x2x64xi32, #tpu.memory_space<hbm>> -> memref<1x2x64xi32, #tpu.memory_space<hbm>>
    %dma_start3A_141 = tpu.memref_squeeze %dma_start3A_140 : memref<1x2x64xi32, #tpu.memory_space<hbm>> -> memref<2x64xi32, #tpu.memory_space<hbm>>
    %dma_start3A_142 = tpu.memref_slice %arg9[%dma_start3A_128] : memref<8x!tpu.dma_semaphore, #tpu.memory_space<semaphore_mem>> -> memref<1x!tpu.dma_semaphore, #tpu.memory_space<semaphore_mem>>
    %dma_start3A_143 = tpu.memref_squeeze %dma_start3A_142 : memref<1x!tpu.dma_semaphore, #tpu.memory_space<semaphore_mem>> -> memref<!tpu.dma_semaphore, #tpu.memory_space<semaphore_mem>>
    %dma_start3A_144 = arith.constant 0 : i32
    %dma_start3A_145 = arith.constant 0 : i32
    %dma_start3A_146 = tpu.memref_slice %arg6[%dma_start3A_127, %dma_start3A_144, %dma_start3A_145] : memref<8x2x64xi32, #tpu.memory_space<vmem>> -> memref<1x2x64xi32, #tpu.memory_space<vmem>>
    %dma_start3A_147 = tpu.memref_squeeze %dma_start3A_146 : memref<1x2x64xi32, #tpu.memory_space<vmem>> -> memref<2x64xi32, #tpu.memory_space<vmem>>
    %dma_start3A_148 = arith.constant 0 : i32
    %dma_start3A_149 = arith.constant 0 : i32
    %dma_start3A_150 = arith.constant 0 : i32
    %dma_start3A_151 = tpu.memref_slice %arg3[%add3A, %dma_start3A_148, %dma_start3A_149, %dma_start3A_150] : memref<32x160x2x64xi32, #tpu.memory_space<hbm>> -> memref<1x160x2x64xi32, #tpu.memory_space<hbm>>
    %dma_start3A_152 = tpu.memref_squeeze %dma_start3A_151 : memref<1x160x2x64xi32, #tpu.memory_space<hbm>> -> memref<160x2x64xi32, #tpu.memory_space<hbm>>
    %dma_start3A_153 = arith.constant 0 : i32
    %dma_start3A_154 = arith.constant 0 : i32
    %dma_start3A_155 = tpu.memref_slice %dma_start3A_152[%dma_start3A_126, %dma_start3A_153, %dma_start3A_154] : memref<160x2x64xi32, #tpu.memory_space<hbm>> -> memref<1x2x64xi32, #tpu.memory_space<hbm>>
    %dma_start3A_156 = tpu.memref_squeeze %dma_start3A_155 : memref<1x2x64xi32, #tpu.memory_space<hbm>> -> memref<2x64xi32, #tpu.memory_space<hbm>>
    tpu.enqueue_dma source(%dma_start3A_156 : memref<2x64xi32, #tpu.memory_space<hbm>>) target(%dma_start3A_147 : memref<2x64xi32, #tpu.memory_space<vmem>>) target_semaphore(%dma_start3A_143 : memref<!tpu.dma_semaphore, #tpu.memory_space<semaphore_mem>>)
    %dma_start3A_157 = arith.constant 5 : i32
    %dma_start3A_158 = arith.constant 5 : i32
    %dma_start3A_159 = arith.constant 5 : i32
    %dma_start3A_160 = arith.constant 0 : i32
    %dma_start3A_161 = arith.constant 0 : i32
    %dma_start3A_162 = tpu.memref_slice %arg6[%dma_start3A_158, %dma_start3A_160, %dma_start3A_161] : memref<8x2x64xi32, #tpu.memory_space<vmem>> -> memref<1x2x64xi32, #tpu.memory_space<vmem>>
    %dma_start3A_163 = tpu.memref_squeeze %dma_start3A_162 : memref<1x2x64xi32, #tpu.memory_space<vmem>> -> memref<2x64xi32, #tpu.memory_space<vmem>>
    %dma_start3A_164 = arith.constant 0 : i32
    %dma_start3A_165 = arith.constant 0 : i32
    %dma_start3A_166 = arith.constant 0 : i32
    %dma_start3A_167 = tpu.memref_slice %arg3[%add3A, %dma_start3A_164, %dma_start3A_165, %dma_start3A_166] : memref<32x160x2x64xi32, #tpu.memory_space<hbm>> -> memref<1x160x2x64xi32, #tpu.memory_space<hbm>>
    %dma_start3A_168 = tpu.memref_squeeze %dma_start3A_167 : memref<1x160x2x64xi32, #tpu.memory_space<hbm>> -> memref<160x2x64xi32, #tpu.memory_space<hbm>>
    %dma_start3A_169 = arith.constant 0 : i32
    %dma_start3A_170 = arith.constant 0 : i32
    %dma_start3A_171 = tpu.memref_slice %dma_start3A_168[%dma_start3A_157, %dma_start3A_169, %dma_start3A_170] : memref<160x2x64xi32, #tpu.memory_space<hbm>> -> memref<1x2x64xi32, #tpu.memory_space<hbm>>
    %dma_start3A_172 = tpu.memref_squeeze %dma_start3A_171 : memref<1x2x64xi32, #tpu.memory_space<hbm>> -> memref<2x64xi32, #tpu.memory_space<hbm>>
    %dma_start3A_173 = tpu.memref_slice %arg9[%dma_start3A_159] : memref<8x!tpu.dma_semaphore, #tpu.memory_space<semaphore_mem>> -> memref<1x!tpu.dma_semaphore, #tpu.memory_space<semaphore_mem>>
    %dma_start3A_174 = tpu.memref_squeeze %dma_start3A_173 : memref<1x!tpu.dma_semaphore, #tpu.memory_space<semaphore_mem>> -> memref<!tpu.dma_semaphore, #tpu.memory_space<semaphore_mem>>
    %dma_start3A_175 = arith.constant 0 : i32
    %dma_start3A_176 = arith.constant 0 : i32
    %dma_start3A_177 = tpu.memref_slice %arg6[%dma_start3A_158, %dma_start3A_175, %dma_start3A_176] : memref<8x2x64xi32, #tpu.memory_space<vmem>> -> memref<1x2x64xi32, #tpu.memory_space<vmem>>
    %dma_start3A_178 = tpu.memref_squeeze %dma_start3A_177 : memref<1x2x64xi32, #tpu.memory_space<vmem>> -> memref<2x64xi32, #tpu.memory_space<vmem>>
    %dma_start3A_179 = arith.constant 0 : i32
    %dma_start3A_180 = arith.constant 0 : i32
    %dma_start3A_181 = arith.constant 0 : i32
    %dma_start3A_182 = tpu.memref_slice %arg3[%add3A, %dma_start3A_179, %dma_start3A_180, %dma_start3A_181] : memref<32x160x2x64xi32, #tpu.memory_space<hbm>> -> memref<1x160x2x64xi32, #tpu.memory_space<hbm>>
    %dma_start3A_183 = tpu.memref_squeeze %dma_start3A_182 : memref<1x160x2x64xi32, #tpu.memory_space<hbm>> -> memref<160x2x64xi32, #tpu.memory_space<hbm>>
    %dma_start3A_184 = arith.constant 0 : i32
    %dma_start3A_185 = arith.constant 0 : i32
    %dma_start3A_186 = tpu.memref_slice %dma_start3A_183[%dma_start3A_157, %dma_start3A_184, %dma_start3A_185] : memref<160x2x64xi32, #tpu.memory_space<hbm>> -> memref<1x2x64xi32, #tpu.memory_space<hbm>>
    %dma_start3A_187 = tpu.memref_squeeze %dma_start3A_186 : memref<1x2x64xi32, #tpu.memory_space<hbm>> -> memref<2x64xi32, #tpu.memory_space<hbm>>
    tpu.enqueue_dma source(%dma_start3A_187 : memref<2x64xi32, #tpu.memory_space<hbm>>) target(%dma_start3A_178 : memref<2x64xi32, #tpu.memory_space<vmem>>) target_semaphore(%dma_start3A_174 : memref<!tpu.dma_semaphore, #tpu.memory_space<semaphore_mem>>)
    %dma_start3A_188 = arith.constant 6 : i32
    %dma_start3A_189 = arith.constant 6 : i32
    %dma_start3A_190 = arith.constant 6 : i32
    %dma_start3A_191 = arith.constant 0 : i32
    %dma_start3A_192 = arith.constant 0 : i32
    %dma_start3A_193 = tpu.memref_slice %arg6[%dma_start3A_189, %dma_start3A_191, %dma_start3A_192] : memref<8x2x64xi32, #tpu.memory_space<vmem>> -> memref<1x2x64xi32, #tpu.memory_space<vmem>>
    %dma_start3A_194 = tpu.memref_squeeze %dma_start3A_193 : memref<1x2x64xi32, #tpu.memory_space<vmem>> -> memref<2x64xi32, #tpu.memory_space<vmem>>
    %dma_start3A_195 = arith.constant 0 : i32
    %dma_start3A_196 = arith.constant 0 : i32
    %dma_start3A_197 = arith.constant 0 : i32
    %dma_start3A_198 = tpu.memref_slice %arg3[%add3A, %dma_start3A_195, %dma_start3A_196, %dma_start3A_197] : memref<32x160x2x64xi32, #tpu.memory_space<hbm>> -> memref<1x160x2x64xi32, #tpu.memory_space<hbm>>
    %dma_start3A_199 = tpu.memref_squeeze %dma_start3A_198 : memref<1x160x2x64xi32, #tpu.memory_space<hbm>> -> memref<160x2x64xi32, #tpu.memory_space<hbm>>
    %dma_start3A_200 = arith.constant 0 : i32
    %dma_start3A_201 = arith.constant 0 : i32
    %dma_start3A_202 = tpu.memref_slice %dma_start3A_199[%dma_start3A_188, %dma_start3A_200, %dma_start3A_201] : memref<160x2x64xi32, #tpu.memory_space<hbm>> -> memref<1x2x64xi32, #tpu.memory_space<hbm>>
    %dma_start3A_203 = tpu.memref_squeeze %dma_start3A_202 : memref<1x2x64xi32, #tpu.memory_space<hbm>> -> memref<2x64xi32, #tpu.memory_space<hbm>>
    %dma_start3A_204 = tpu.memref_slice %arg9[%dma_start3A_190] : memref<8x!tpu.dma_semaphore, #tpu.memory_space<semaphore_mem>> -> memref<1x!tpu.dma_semaphore, #tpu.memory_space<semaphore_mem>>
    %dma_start3A_205 = tpu.memref_squeeze %dma_start3A_204 : memref<1x!tpu.dma_semaphore, #tpu.memory_space<semaphore_mem>> -> memref<!tpu.dma_semaphore, #tpu.memory_space<semaphore_mem>>
    %dma_start3A_206 = arith.constant 0 : i32
    %dma_start3A_207 = arith.constant 0 : i32
    %dma_start3A_208 = tpu.memref_slice %arg6[%dma_start3A_189, %dma_start3A_206, %dma_start3A_207] : memref<8x2x64xi32, #tpu.memory_space<vmem>> -> memref<1x2x64xi32, #tpu.memory_space<vmem>>
    %dma_start3A_209 = tpu.memref_squeeze %dma_start3A_208 : memref<1x2x64xi32, #tpu.memory_space<vmem>> -> memref<2x64xi32, #tpu.memory_space<vmem>>
    %dma_start3A_210 = arith.constant 0 : i32
    %dma_start3A_211 = arith.constant 0 : i32
    %dma_start3A_212 = arith.constant 0 : i32
    %dma_start3A_213 = tpu.memref_slice %arg3[%add3A, %dma_start3A_210, %dma_start3A_211, %dma_start3A_212] : memref<32x160x2x64xi32, #tpu.memory_space<hbm>> -> memref<1x160x2x64xi32, #tpu.memory_space<hbm>>
    %dma_start3A_214 = tpu.memref_squeeze %dma_start3A_213 : memref<1x160x2x64xi32, #tpu.memory_space<hbm>> -> memref<160x2x64xi32, #tpu.memory_space<hbm>>
    %dma_start3A_215 = arith.constant 0 : i32
    %dma_start3A_216 = arith.constant 0 : i32
    %dma_start3A_217 = tpu.memref_slice %dma_start3A_214[%dma_start3A_188, %dma_start3A_215, %dma_start3A_216] : memref<160x2x64xi32, #tpu.memory_space<hbm>> -> memref<1x2x64xi32, #tpu.memory_space<hbm>>
    %dma_start3A_218 = tpu.memref_squeeze %dma_start3A_217 : memref<1x2x64xi32, #tpu.memory_space<hbm>> -> memref<2x64xi32, #tpu.memory_space<hbm>>
    tpu.enqueue_dma source(%dma_start3A_218 : memref<2x64xi32, #tpu.memory_space<hbm>>) target(%dma_start3A_209 : memref<2x64xi32, #tpu.memory_space<vmem>>) target_semaphore(%dma_start3A_205 : memref<!tpu.dma_semaphore, #tpu.memory_space<semaphore_mem>>)
    %dma_start3A_219 = arith.constant 7 : i32
    %dma_start3A_220 = arith.constant 7 : i32
    %dma_start3A_221 = arith.constant 7 : i32
    %dma_start3A_222 = arith.constant 0 : i32
    %dma_start3A_223 = arith.constant 0 : i32
    %dma_start3A_224 = tpu.memref_slice %arg6[%dma_start3A_220, %dma_start3A_222, %dma_start3A_223] : memref<8x2x64xi32, #tpu.memory_space<vmem>> -> memref<1x2x64xi32, #tpu.memory_space<vmem>>
    %dma_start3A_225 = tpu.memref_squeeze %dma_start3A_224 : memref<1x2x64xi32, #tpu.memory_space<vmem>> -> memref<2x64xi32, #tpu.memory_space<vmem>>
    %dma_start3A_226 = arith.constant 0 : i32
    %dma_start3A_227 = arith.constant 0 : i32
    %dma_start3A_228 = arith.constant 0 : i32
    %dma_start3A_229 = tpu.memref_slice %arg3[%add3A, %dma_start3A_226, %dma_start3A_227, %dma_start3A_228] : memref<32x160x2x64xi32, #tpu.memory_space<hbm>> -> memref<1x160x2x64xi32, #tpu.memory_space<hbm>>
    %dma_start3A_230 = tpu.memref_squeeze %dma_start3A_229 : memref<1x160x2x64xi32, #tpu.memory_space<hbm>> -> memref<160x2x64xi32, #tpu.memory_space<hbm>>
    %dma_start3A_231 = arith.constant 0 : i32
    %dma_start3A_232 = arith.constant 0 : i32
    %dma_start3A_233 = tpu.memref_slice %dma_start3A_230[%dma_start3A_219, %dma_start3A_231, %dma_start3A_232] : memref<160x2x64xi32, #tpu.memory_space<hbm>> -> memref<1x2x64xi32, #tpu.memory_space<hbm>>
    %dma_start3A_234 = tpu.memref_squeeze %dma_start3A_233 : memref<1x2x64xi32, #tpu.memory_space<hbm>> -> memref<2x64xi32, #tpu.memory_space<hbm>>
    %dma_start3A_235 = tpu.memref_slice %arg9[%dma_start3A_221] : memref<8x!tpu.dma_semaphore, #tpu.memory_space<semaphore_mem>> -> memref<1x!tpu.dma_semaphore, #tpu.memory_space<semaphore_mem>>
    %dma_start3A_236 = tpu.memref_squeeze %dma_start3A_235 : memref<1x!tpu.dma_semaphore, #tpu.memory_space<semaphore_mem>> -> memref<!tpu.dma_semaphore, #tpu.memory_space<semaphore_mem>>
    %dma_start3A_237 = arith.constant 0 : i32
    %dma_start3A_238 = arith.constant 0 : i32
    %dma_start3A_239 = tpu.memref_slice %arg6[%dma_start3A_220, %dma_start3A_237, %dma_start3A_238] : memref<8x2x64xi32, #tpu.memory_space<vmem>> -> memref<1x2x64xi32, #tpu.memory_space<vmem>>
    %dma_start3A_240 = tpu.memref_squeeze %dma_start3A_239 : memref<1x2x64xi32, #tpu.memory_space<vmem>> -> memref<2x64xi32, #tpu.memory_space<vmem>>
    %dma_start3A_241 = arith.constant 0 : i32
    %dma_start3A_242 = arith.constant 0 : i32
    %dma_start3A_243 = arith.constant 0 : i32
    %dma_start3A_244 = tpu.memref_slice %arg3[%add3A, %dma_start3A_241, %dma_start3A_242, %dma_start3A_243] : memref<32x160x2x64xi32, #tpu.memory_space<hbm>> -> memref<1x160x2x64xi32, #tpu.memory_space<hbm>>
    %dma_start3A_245 = tpu.memref_squeeze %dma_start3A_244 : memref<1x160x2x64xi32, #tpu.memory_space<hbm>> -> memref<160x2x64xi32, #tpu.memory_space<hbm>>
    %dma_start3A_246 = arith.constant 0 : i32
    %dma_start3A_247 = arith.constant 0 : i32
    %dma_start3A_248 = tpu.memref_slice %dma_start3A_245[%dma_start3A_219, %dma_start3A_246, %dma_start3A_247] : memref<160x2x64xi32, #tpu.memory_space<hbm>> -> memref<1x2x64xi32, #tpu.memory_space<hbm>>
    %dma_start3A_249 = tpu.memref_squeeze %dma_start3A_248 : memref<1x2x64xi32, #tpu.memory_space<hbm>> -> memref<2x64xi32, #tpu.memory_space<hbm>>
    tpu.enqueue_dma source(%dma_start3A_249 : memref<2x64xi32, #tpu.memory_space<hbm>>) target(%dma_start3A_240 : memref<2x64xi32, #tpu.memory_space<vmem>>) target_semaphore(%dma_start3A_236 : memref<!tpu.dma_semaphore, #tpu.memory_space<semaphore_mem>>)
    %dma_wait3A = arith.constant 0 : i32
    %dma_wait3A_250 = arith.constant 0 : i32
    %dma_wait3A_251 = arith.constant 0 : i32
    %dma_wait3A_252 = arith.constant 0 : i32
    %dma_wait3A_253 = arith.constant 0 : i32
    %dma_wait3A_254 = tpu.memref_slice %arg6[%dma_wait3A_250, %dma_wait3A_252, %dma_wait3A_253] : memref<8x2x64xi32, #tpu.memory_space<vmem>> -> memref<1x2x64xi32, #tpu.memory_space<vmem>>
    %dma_wait3A_255 = tpu.memref_squeeze %dma_wait3A_254 : memref<1x2x64xi32, #tpu.memory_space<vmem>> -> memref<2x64xi32, #tpu.memory_space<vmem>>
    %dma_wait3A_256 = arith.constant 0 : i32
    %dma_wait3A_257 = arith.constant 0 : i32
    %dma_wait3A_258 = arith.constant 0 : i32
    %dma_wait3A_259 = tpu.memref_slice %arg3[%add3A, %dma_wait3A_256, %dma_wait3A_257, %dma_wait3A_258] : memref<32x160x2x64xi32, #tpu.memory_space<hbm>> -> memref<1x160x2x64xi32, #tpu.memory_space<hbm>>
    %dma_wait3A_260 = tpu.memref_squeeze %dma_wait3A_259 : memref<1x160x2x64xi32, #tpu.memory_space<hbm>> -> memref<160x2x64xi32, #tpu.memory_space<hbm>>
    %dma_wait3A_261 = arith.constant 0 : i32
    %dma_wait3A_262 = arith.constant 0 : i32
    %dma_wait3A_263 = tpu.memref_slice %dma_wait3A_260[%dma_wait3A, %dma_wait3A_261, %dma_wait3A_262] : memref<160x2x64xi32, #tpu.memory_space<hbm>> -> memref<1x2x64xi32, #tpu.memory_space<hbm>>
    %dma_wait3A_264 = tpu.memref_squeeze %dma_wait3A_263 : memref<1x2x64xi32, #tpu.memory_space<hbm>> -> memref<2x64xi32, #tpu.memory_space<hbm>>
    %dma_wait3A_265 = tpu.memref_slice %arg9[%dma_wait3A_251] : memref<8x!tpu.dma_semaphore, #tpu.memory_space<semaphore_mem>> -> memref<1x!tpu.dma_semaphore, #tpu.memory_space<semaphore_mem>>
    %dma_wait3A_266 = tpu.memref_squeeze %dma_wait3A_265 : memref<1x!tpu.dma_semaphore, #tpu.memory_space<semaphore_mem>> -> memref<!tpu.dma_semaphore, #tpu.memory_space<semaphore_mem>>
    %dma_wait3A_267 = arith.constant 0 : i32
    %dma_wait3A_268 = arith.constant 0 : i32
    %dma_wait3A_269 = tpu.memref_slice %arg6[%dma_wait3A_250, %dma_wait3A_267, %dma_wait3A_268] : memref<8x2x64xi32, #tpu.memory_space<vmem>> -> memref<1x2x64xi32, #tpu.memory_space<vmem>>
    %dma_wait3A_270 = tpu.memref_squeeze %dma_wait3A_269 : memref<1x2x64xi32, #tpu.memory_space<vmem>> -> memref<2x64xi32, #tpu.memory_space<vmem>>
    %dma_wait3A_271 = arith.constant 0 : i32
    %dma_wait3A_272 = arith.constant 0 : i32
    %dma_wait3A_273 = arith.constant 0 : i32
    %dma_wait3A_274 = tpu.memref_slice %arg3[%add3A, %dma_wait3A_271, %dma_wait3A_272, %dma_wait3A_273] : memref<32x160x2x64xi32, #tpu.memory_space<hbm>> -> memref<1x160x2x64xi32, #tpu.memory_space<hbm>>
    %dma_wait3A_275 = tpu.memref_squeeze %dma_wait3A_274 : memref<1x160x2x64xi32, #tpu.memory_space<hbm>> -> memref<160x2x64xi32, #tpu.memory_space<hbm>>
    %dma_wait3A_276 = arith.constant 0 : i32
    %dma_wait3A_277 = arith.constant 0 : i32
    %dma_wait3A_278 = tpu.memref_slice %dma_wait3A_275[%dma_wait3A, %dma_wait3A_276, %dma_wait3A_277] : memref<160x2x64xi32, #tpu.memory_space<hbm>> -> memref<1x2x64xi32, #tpu.memory_space<hbm>>
    %dma_wait3A_279 = tpu.memref_squeeze %dma_wait3A_278 : memref<1x2x64xi32, #tpu.memory_space<hbm>> -> memref<2x64xi32, #tpu.memory_space<hbm>>
    tpu.wait_dma2 semaphore(%dma_wait3A_266 : memref<!tpu.dma_semaphore, #tpu.memory_space<semaphore_mem>>) src(%dma_wait3A_279 : memref<2x64xi32, #tpu.memory_space<hbm>>) dst(%dma_wait3A_270 : memref<2x64xi32, #tpu.memory_space<vmem>>)
    %dma_start3A_280 = arith.constant 0 : i32
    %dma_start3A_281 = arith.constant 0 : i32
    %dma_start3A_282 = arith.constant 0 : i32
    %dma_start3A_283 = arith.constant 0 : i32
    %dma_start3A_284 = arith.constant 0 : i32
    %dma_start3A_285 = arith.constant 0 : i32
    %dma_start3A_286 = tpu.memref_slice %arg7[%dma_start3A_282, %dma_start3A_284, %dma_start3A_285] : memref<4x64x128xf32, #tpu.memory_space<vmem>> -> memref<1x64x128xf32, #tpu.memory_space<vmem>>
    %dma_start3A_287 = tpu.memref_squeeze %dma_start3A_286 : memref<1x64x128xf32, #tpu.memory_space<vmem>> -> memref<64x128xf32, #tpu.memory_space<vmem>>
    %dma_start3A_288 = arith.constant 0 : i32
    %dma_start3A_289 = arith.constant 0 : i32
    %dma_start3A_290 = tpu.memref_slice %arg6[%dma_start3A_280, %dma_start3A_288, %dma_start3A_289] : memref<8x2x64xi32, #tpu.memory_space<vmem>> -> memref<1x2x64xi32, #tpu.memory_space<vmem>>
    %dma_start3A_291 = tpu.memref_squeeze %dma_start3A_290 : memref<1x2x64xi32, #tpu.memory_space<vmem>> -> memref<2x64xi32, #tpu.memory_space<vmem>>
    %dma_start3A_292 = arith.constant 0 : i32
    %dma_start3A_293 = tpu.memref_slice %dma_start3A_291[%dma_start3A_281, %dma_start3A_292] : memref<2x64xi32, #tpu.memory_space<vmem>> -> memref<1x64xi32, #tpu.memory_space<vmem>>
    %dma_start3A_294 = tpu.memref_squeeze %dma_start3A_293 : memref<1x64xi32, #tpu.memory_space<vmem>> -> memref<64xi32, #tpu.memory_space<vmem>>
    %dma_start3A_295 = arith.constant 0 : i32
    %dma_start3A_296 = arith.constant 0 : i32
    %dma_start3A_297 = tpu.memref_slice %arg2[%dma_start3A_295, %dma_start3A_296] : memref<10000x128xf32, #tpu.memory_space<hbm>> -> memref<10000x128xf32, #tpu.memory_space<hbm>>
    %dma_start3A_298 = tpu.memref_slice %arg10[%dma_start3A_283] : memref<4x!tpu.dma_semaphore, #tpu.memory_space<semaphore_mem>> -> memref<1x!tpu.dma_semaphore, #tpu.memory_space<semaphore_mem>>
    %dma_start3A_299 = tpu.memref_squeeze %dma_start3A_298 : memref<1x!tpu.dma_semaphore, #tpu.memory_space<semaphore_mem>> -> memref<!tpu.dma_semaphore, #tpu.memory_space<semaphore_mem>>
    tpu.enqueue_indirect_dma source(%dma_start3A_297 : memref<10000x128xf32, #tpu.memory_space<hbm>>) target(%dma_start3A_287 : memref<64x128xf32, #tpu.memory_space<vmem>>) offsets(%dma_start3A_294 : memref<64xi32, #tpu.memory_space<vmem>>) semaphore(%dma_start3A_299 : memref<!tpu.dma_semaphore, #tpu.memory_space<semaphore_mem>>)
    %dma_wait3A_300 = arith.constant 1 : i32
    %dma_wait3A_301 = arith.constant 1 : i32
    %dma_wait3A_302 = arith.constant 1 : i32
    %dma_wait3A_303 = arith.constant 0 : i32
    %dma_wait3A_304 = arith.constant 0 : i32
    %dma_wait3A_305 = tpu.memref_slice %arg6[%dma_wait3A_301, %dma_wait3A_303, %dma_wait3A_304] : memref<8x2x64xi32, #tpu.memory_space<vmem>> -> memref<1x2x64xi32, #tpu.memory_space<vmem>>
    %dma_wait3A_306 = tpu.memref_squeeze %dma_wait3A_305 : memref<1x2x64xi32, #tpu.memory_space<vmem>> -> memref<2x64xi32, #tpu.memory_space<vmem>>
    %dma_wait3A_307 = arith.constant 0 : i32
    %dma_wait3A_308 = arith.constant 0 : i32
    %dma_wait3A_309 = arith.constant 0 : i32
    %dma_wait3A_310 = tpu.memref_slice %arg3[%add3A, %dma_wait3A_307, %dma_wait3A_308, %dma_wait3A_309] : memref<32x160x2x64xi32, #tpu.memory_space<hbm>> -> memref<1x160x2x64xi32, #tpu.memory_space<hbm>>
    %dma_wait3A_311 = tpu.memref_squeeze %dma_wait3A_310 : memref<1x160x2x64xi32, #tpu.memory_space<hbm>> -> memref<160x2x64xi32, #tpu.memory_space<hbm>>
    %dma_wait3A_312 = arith.constant 0 : i32
    %dma_wait3A_313 = arith.constant 0 : i32
    %dma_wait3A_314 = tpu.memref_slice %dma_wait3A_311[%dma_wait3A_300, %dma_wait3A_312, %dma_wait3A_313] : memref<160x2x64xi32, #tpu.memory_space<hbm>> -> memref<1x2x64xi32, #tpu.memory_space<hbm>>
    %dma_wait3A_315 = tpu.memref_squeeze %dma_wait3A_314 : memref<1x2x64xi32, #tpu.memory_space<hbm>> -> memref<2x64xi32, #tpu.memory_space<hbm>>
    %dma_wait3A_316 = tpu.memref_slice %arg9[%dma_wait3A_302] : memref<8x!tpu.dma_semaphore, #tpu.memory_space<semaphore_mem>> -> memref<1x!tpu.dma_semaphore, #tpu.memory_space<semaphore_mem>>
    %dma_wait3A_317 = tpu.memref_squeeze %dma_wait3A_316 : memref<1x!tpu.dma_semaphore, #tpu.memory_space<semaphore_mem>> -> memref<!tpu.dma_semaphore, #tpu.memory_space<semaphore_mem>>
    %dma_wait3A_318 = arith.constant 0 : i32
    %dma_wait3A_319 = arith.constant 0 : i32
    %dma_wait3A_320 = tpu.memref_slice %arg6[%dma_wait3A_301, %dma_wait3A_318, %dma_wait3A_319] : memref<8x2x64xi32, #tpu.memory_space<vmem>> -> memref<1x2x64xi32, #tpu.memory_space<vmem>>
    %dma_wait3A_321 = tpu.memref_squeeze %dma_wait3A_320 : memref<1x2x64xi32, #tpu.memory_space<vmem>> -> memref<2x64xi32, #tpu.memory_space<vmem>>
    %dma_wait3A_322 = arith.constant 0 : i32
    %dma_wait3A_323 = arith.constant 0 : i32
    %dma_wait3A_324 = arith.constant 0 : i32
    %dma_wait3A_325 = tpu.memref_slice %arg3[%add3A, %dma_wait3A_322, %dma_wait3A_323, %dma_wait3A_324] : memref<32x160x2x64xi32, #tpu.memory_space<hbm>> -> memref<1x160x2x64xi32, #tpu.memory_space<hbm>>
    %dma_wait3A_326 = tpu.memref_squeeze %dma_wait3A_325 : memref<1x160x2x64xi32, #tpu.memory_space<hbm>> -> memref<160x2x64xi32, #tpu.memory_space<hbm>>
    %dma_wait3A_327 = arith.constant 0 : i32
    %dma_wait3A_328 = arith.constant 0 : i32
    %dma_wait3A_329 = tpu.memref_slice %dma_wait3A_326[%dma_wait3A_300, %dma_wait3A_327, %dma_wait3A_328] : memref<160x2x64xi32, #tpu.memory_space<hbm>> -> memref<1x2x64xi32, #tpu.memory_space<hbm>>
    %dma_wait3A_330 = tpu.memref_squeeze %dma_wait3A_329 : memref<1x2x64xi32, #tpu.memory_space<hbm>> -> memref<2x64xi32, #tpu.memory_space<hbm>>
    tpu.wait_dma2 semaphore(%dma_wait3A_317 : memref<!tpu.dma_semaphore, #tpu.memory_space<semaphore_mem>>) src(%dma_wait3A_330 : memref<2x64xi32, #tpu.memory_space<hbm>>) dst(%dma_wait3A_321 : memref<2x64xi32, #tpu.memory_space<vmem>>)
    %dma_start3A_331 = arith.constant 1 : i32
    %dma_start3A_332 = arith.constant 0 : i32
    %dma_start3A_333 = arith.constant 1 : i32
    %dma_start3A_334 = arith.constant 1 : i32
    %dma_start3A_335 = arith.constant 0 : i32
    %dma_start3A_336 = arith.constant 0 : i32
    %dma_start3A_337 = tpu.memref_slice %arg7[%dma_start3A_333, %dma_start3A_335, %dma_start3A_336] : memref<4x64x128xf32, #tpu.memory_space<vmem>> -> memref<1x64x128xf32, #tpu.memory_space<vmem>>
    %dma_start3A_338 = tpu.memref_squeeze %dma_start3A_337 : memref<1x64x128xf32, #tpu.memory_space<vmem>> -> memref<64x128xf32, #tpu.memory_space<vmem>>
    %dma_start3A_339 = arith.constant 0 : i32
    %dma_start3A_340 = arith.constant 0 : i32
    %dma_start3A_341 = tpu.memref_slice %arg6[%dma_start3A_331, %dma_start3A_339, %dma_start3A_340] : memref<8x2x64xi32, #tpu.memory_space<vmem>> -> memref<1x2x64xi32, #tpu.memory_space<vmem>>
    %dma_start3A_342 = tpu.memref_squeeze %dma_start3A_341 : memref<1x2x64xi32, #tpu.memory_space<vmem>> -> memref<2x64xi32, #tpu.memory_space<vmem>>
    %dma_start3A_343 = arith.constant 0 : i32
    %dma_start3A_344 = tpu.memref_slice %dma_start3A_342[%dma_start3A_332, %dma_start3A_343] : memref<2x64xi32, #tpu.memory_space<vmem>> -> memref<1x64xi32, #tpu.memory_space<vmem>>
    %dma_start3A_345 = tpu.memref_squeeze %dma_start3A_344 : memref<1x64xi32, #tpu.memory_space<vmem>> -> memref<64xi32, #tpu.memory_space<vmem>>
    %dma_start3A_346 = arith.constant 0 : i32
    %dma_start3A_347 = arith.constant 0 : i32
    %dma_start3A_348 = tpu.memref_slice %arg2[%dma_start3A_346, %dma_start3A_347] : memref<10000x128xf32, #tpu.memory_space<hbm>> -> memref<10000x128xf32, #tpu.memory_space<hbm>>
    %dma_start3A_349 = tpu.memref_slice %arg10[%dma_start3A_334] : memref<4x!tpu.dma_semaphore, #tpu.memory_space<semaphore_mem>> -> memref<1x!tpu.dma_semaphore, #tpu.memory_space<semaphore_mem>>
    %dma_start3A_350 = tpu.memref_squeeze %dma_start3A_349 : memref<1x!tpu.dma_semaphore, #tpu.memory_space<semaphore_mem>> -> memref<!tpu.dma_semaphore, #tpu.memory_space<semaphore_mem>>
    tpu.enqueue_indirect_dma source(%dma_start3A_348 : memref<10000x128xf32, #tpu.memory_space<hbm>>) target(%dma_start3A_338 : memref<64x128xf32, #tpu.memory_space<vmem>>) offsets(%dma_start3A_345 : memref<64xi32, #tpu.memory_space<vmem>>) semaphore(%dma_start3A_350 : memref<!tpu.dma_semaphore, #tpu.memory_space<semaphore_mem>>)
    %dma_wait3A_351 = arith.constant 2 : i32
    %dma_wait3A_352 = arith.constant 2 : i32
    %dma_wait3A_353 = arith.constant 2 : i32
    %dma_wait3A_354 = arith.constant 0 : i32
    %dma_wait3A_355 = arith.constant 0 : i32
    %dma_wait3A_356 = tpu.memref_slice %arg6[%dma_wait3A_352, %dma_wait3A_354, %dma_wait3A_355] : memref<8x2x64xi32, #tpu.memory_space<vmem>> -> memref<1x2x64xi32, #tpu.memory_space<vmem>>
    %dma_wait3A_357 = tpu.memref_squeeze %dma_wait3A_356 : memref<1x2x64xi32, #tpu.memory_space<vmem>> -> memref<2x64xi32, #tpu.memory_space<vmem>>
    %dma_wait3A_358 = arith.constant 0 : i32
    %dma_wait3A_359 = arith.constant 0 : i32
    %dma_wait3A_360 = arith.constant 0 : i32
    %dma_wait3A_361 = tpu.memref_slice %arg3[%add3A, %dma_wait3A_358, %dma_wait3A_359, %dma_wait3A_360] : memref<32x160x2x64xi32, #tpu.memory_space<hbm>> -> memref<1x160x2x64xi32, #tpu.memory_space<hbm>>
    %dma_wait3A_362 = tpu.memref_squeeze %dma_wait3A_361 : memref<1x160x2x64xi32, #tpu.memory_space<hbm>> -> memref<160x2x64xi32, #tpu.memory_space<hbm>>
    %dma_wait3A_363 = arith.constant 0 : i32
    %dma_wait3A_364 = arith.constant 0 : i32
    %dma_wait3A_365 = tpu.memref_slice %dma_wait3A_362[%dma_wait3A_351, %dma_wait3A_363, %dma_wait3A_364] : memref<160x2x64xi32, #tpu.memory_space<hbm>> -> memref<1x2x64xi32, #tpu.memory_space<hbm>>
    %dma_wait3A_366 = tpu.memref_squeeze %dma_wait3A_365 : memref<1x2x64xi32, #tpu.memory_space<hbm>> -> memref<2x64xi32, #tpu.memory_space<hbm>>
    %dma_wait3A_367 = tpu.memref_slice %arg9[%dma_wait3A_353] : memref<8x!tpu.dma_semaphore, #tpu.memory_space<semaphore_mem>> -> memref<1x!tpu.dma_semaphore, #tpu.memory_space<semaphore_mem>>
    %dma_wait3A_368 = tpu.memref_squeeze %dma_wait3A_367 : memref<1x!tpu.dma_semaphore, #tpu.memory_space<semaphore_mem>> -> memref<!tpu.dma_semaphore, #tpu.memory_space<semaphore_mem>>
    %dma_wait3A_369 = arith.constant 0 : i32
    %dma_wait3A_370 = arith.constant 0 : i32
    %dma_wait3A_371 = tpu.memref_slice %arg6[%dma_wait3A_352, %dma_wait3A_369, %dma_wait3A_370] : memref<8x2x64xi32, #tpu.memory_space<vmem>> -> memref<1x2x64xi32, #tpu.memory_space<vmem>>
    %dma_wait3A_372 = tpu.memref_squeeze %dma_wait3A_371 : memref<1x2x64xi32, #tpu.memory_space<vmem>> -> memref<2x64xi32, #tpu.memory_space<vmem>>
    %dma_wait3A_373 = arith.constant 0 : i32
    %dma_wait3A_374 = arith.constant 0 : i32
    %dma_wait3A_375 = arith.constant 0 : i32
    %dma_wait3A_376 = tpu.memref_slice %arg3[%add3A, %dma_wait3A_373, %dma_wait3A_374, %dma_wait3A_375] : memref<32x160x2x64xi32, #tpu.memory_space<hbm>> -> memref<1x160x2x64xi32, #tpu.memory_space<hbm>>
    %dma_wait3A_377 = tpu.memref_squeeze %dma_wait3A_376 : memref<1x160x2x64xi32, #tpu.memory_space<hbm>> -> memref<160x2x64xi32, #tpu.memory_space<hbm>>
    %dma_wait3A_378 = arith.constant 0 : i32
    %dma_wait3A_379 = arith.constant 0 : i32
    %dma_wait3A_380 = tpu.memref_slice %dma_wait3A_377[%dma_wait3A_351, %dma_wait3A_378, %dma_wait3A_379] : memref<160x2x64xi32, #tpu.memory_space<hbm>> -> memref<1x2x64xi32, #tpu.memory_space<hbm>>
    %dma_wait3A_381 = tpu.memref_squeeze %dma_wait3A_380 : memref<1x2x64xi32, #tpu.memory_space<hbm>> -> memref<2x64xi32, #tpu.memory_space<hbm>>
    tpu.wait_dma2 semaphore(%dma_wait3A_368 : memref<!tpu.dma_semaphore, #tpu.memory_space<semaphore_mem>>) src(%dma_wait3A_381 : memref<2x64xi32, #tpu.memory_space<hbm>>) dst(%dma_wait3A_372 : memref<2x64xi32, #tpu.memory_space<vmem>>)
    %dma_start3A_382 = arith.constant 2 : i32
    %dma_start3A_383 = arith.constant 0 : i32
    %dma_start3A_384 = arith.constant 2 : i32
    %dma_start3A_385 = arith.constant 2 : i32
    %dma_start3A_386 = arith.constant 0 : i32
    %dma_start3A_387 = arith.constant 0 : i32
    %dma_start3A_388 = tpu.memref_slice %arg7[%dma_start3A_384, %dma_start3A_386, %dma_start3A_387] : memref<4x64x128xf32, #tpu.memory_space<vmem>> -> memref<1x64x128xf32, #tpu.memory_space<vmem>>
    %dma_start3A_389 = tpu.memref_squeeze %dma_start3A_388 : memref<1x64x128xf32, #tpu.memory_space<vmem>> -> memref<64x128xf32, #tpu.memory_space<vmem>>
    %dma_start3A_390 = arith.constant 0 : i32
    %dma_start3A_391 = arith.constant 0 : i32
    %dma_start3A_392 = tpu.memref_slice %arg6[%dma_start3A_382, %dma_start3A_390, %dma_start3A_391] : memref<8x2x64xi32, #tpu.memory_space<vmem>> -> memref<1x2x64xi32, #tpu.memory_space<vmem>>
    %dma_start3A_393 = tpu.memref_squeeze %dma_start3A_392 : memref<1x2x64xi32, #tpu.memory_space<vmem>> -> memref<2x64xi32, #tpu.memory_space<vmem>>
    %dma_start3A_394 = arith.constant 0 : i32
    %dma_start3A_395 = tpu.memref_slice %dma_start3A_393[%dma_start3A_383, %dma_start3A_394] : memref<2x64xi32, #tpu.memory_space<vmem>> -> memref<1x64xi32, #tpu.memory_space<vmem>>
    %dma_start3A_396 = tpu.memref_squeeze %dma_start3A_395 : memref<1x64xi32, #tpu.memory_space<vmem>> -> memref<64xi32, #tpu.memory_space<vmem>>
    %dma_start3A_397 = arith.constant 0 : i32
    %dma_start3A_398 = arith.constant 0 : i32
    %dma_start3A_399 = tpu.memref_slice %arg2[%dma_start3A_397, %dma_start3A_398] : memref<10000x128xf32, #tpu.memory_space<hbm>> -> memref<10000x128xf32, #tpu.memory_space<hbm>>
    %dma_start3A_400 = tpu.memref_slice %arg10[%dma_start3A_385] : memref<4x!tpu.dma_semaphore, #tpu.memory_space<semaphore_mem>> -> memref<1x!tpu.dma_semaphore, #tpu.memory_space<semaphore_mem>>
    %dma_start3A_401 = tpu.memref_squeeze %dma_start3A_400 : memref<1x!tpu.dma_semaphore, #tpu.memory_space<semaphore_mem>> -> memref<!tpu.dma_semaphore, #tpu.memory_space<semaphore_mem>>
    tpu.enqueue_indirect_dma source(%dma_start3A_399 : memref<10000x128xf32, #tpu.memory_space<hbm>>) target(%dma_start3A_389 : memref<64x128xf32, #tpu.memory_space<vmem>>) offsets(%dma_start3A_396 : memref<64xi32, #tpu.memory_space<vmem>>) semaphore(%dma_start3A_401 : memref<!tpu.dma_semaphore, #tpu.memory_space<semaphore_mem>>)
    %dma_wait3A_402 = arith.constant 3 : i32
    %dma_wait3A_403 = arith.constant 3 : i32
    %dma_wait3A_404 = arith.constant 3 : i32
    %dma_wait3A_405 = arith.constant 0 : i32
    %dma_wait3A_406 = arith.constant 0 : i32
    %dma_wait3A_407 = tpu.memref_slice %arg6[%dma_wait3A_403, %dma_wait3A_405, %dma_wait3A_406] : memref<8x2x64xi32, #tpu.memory_space<vmem>> -> memref<1x2x64xi32, #tpu.memory_space<vmem>>
    %dma_wait3A_408 = tpu.memref_squeeze %dma_wait3A_407 : memref<1x2x64xi32, #tpu.memory_space<vmem>> -> memref<2x64xi32, #tpu.memory_space<vmem>>
    %dma_wait3A_409 = arith.constant 0 : i32
    %dma_wait3A_410 = arith.constant 0 : i32
    %dma_wait3A_411 = arith.constant 0 : i32
    %dma_wait3A_412 = tpu.memref_slice %arg3[%add3A, %dma_wait3A_409, %dma_wait3A_410, %dma_wait3A_411] : memref<32x160x2x64xi32, #tpu.memory_space<hbm>> -> memref<1x160x2x64xi32, #tpu.memory_space<hbm>>
    %dma_wait3A_413 = tpu.memref_squeeze %dma_wait3A_412 : memref<1x160x2x64xi32, #tpu.memory_space<hbm>> -> memref<160x2x64xi32, #tpu.memory_space<hbm>>
    %dma_wait3A_414 = arith.constant 0 : i32
    %dma_wait3A_415 = arith.constant 0 : i32
    %dma_wait3A_416 = tpu.memref_slice %dma_wait3A_413[%dma_wait3A_402, %dma_wait3A_414, %dma_wait3A_415] : memref<160x2x64xi32, #tpu.memory_space<hbm>> -> memref<1x2x64xi32, #tpu.memory_space<hbm>>
    %dma_wait3A_417 = tpu.memref_squeeze %dma_wait3A_416 : memref<1x2x64xi32, #tpu.memory_space<hbm>> -> memref<2x64xi32, #tpu.memory_space<hbm>>
    %dma_wait3A_418 = tpu.memref_slice %arg9[%dma_wait3A_404] : memref<8x!tpu.dma_semaphore, #tpu.memory_space<semaphore_mem>> -> memref<1x!tpu.dma_semaphore, #tpu.memory_space<semaphore_mem>>
    %dma_wait3A_419 = tpu.memref_squeeze %dma_wait3A_418 : memref<1x!tpu.dma_semaphore, #tpu.memory_space<semaphore_mem>> -> memref<!tpu.dma_semaphore, #tpu.memory_space<semaphore_mem>>
    %dma_wait3A_420 = arith.constant 0 : i32
    %dma_wait3A_421 = arith.constant 0 : i32
    %dma_wait3A_422 = tpu.memref_slice %arg6[%dma_wait3A_403, %dma_wait3A_420, %dma_wait3A_421] : memref<8x2x64xi32, #tpu.memory_space<vmem>> -> memref<1x2x64xi32, #tpu.memory_space<vmem>>
    %dma_wait3A_423 = tpu.memref_squeeze %dma_wait3A_422 : memref<1x2x64xi32, #tpu.memory_space<vmem>> -> memref<2x64xi32, #tpu.memory_space<vmem>>
    %dma_wait3A_424 = arith.constant 0 : i32
    %dma_wait3A_425 = arith.constant 0 : i32
    %dma_wait3A_426 = arith.constant 0 : i32
    %dma_wait3A_427 = tpu.memref_slice %arg3[%add3A, %dma_wait3A_424, %dma_wait3A_425, %dma_wait3A_426] : memref<32x160x2x64xi32, #tpu.memory_space<hbm>> -> memref<1x160x2x64xi32, #tpu.memory_space<hbm>>
    %dma_wait3A_428 = tpu.memref_squeeze %dma_wait3A_427 : memref<1x160x2x64xi32, #tpu.memory_space<hbm>> -> memref<160x2x64xi32, #tpu.memory_space<hbm>>
    %dma_wait3A_429 = arith.constant 0 : i32
    %dma_wait3A_430 = arith.constant 0 : i32
    %dma_wait3A_431 = tpu.memref_slice %dma_wait3A_428[%dma_wait3A_402, %dma_wait3A_429, %dma_wait3A_430] : memref<160x2x64xi32, #tpu.memory_space<hbm>> -> memref<1x2x64xi32, #tpu.memory_space<hbm>>
    %dma_wait3A_432 = tpu.memref_squeeze %dma_wait3A_431 : memref<1x2x64xi32, #tpu.memory_space<hbm>> -> memref<2x64xi32, #tpu.memory_space<hbm>>
    tpu.wait_dma2 semaphore(%dma_wait3A_419 : memref<!tpu.dma_semaphore, #tpu.memory_space<semaphore_mem>>) src(%dma_wait3A_432 : memref<2x64xi32, #tpu.memory_space<hbm>>) dst(%dma_wait3A_423 : memref<2x64xi32, #tpu.memory_space<vmem>>)
    %dma_start3A_433 = arith.constant 3 : i32
    %dma_start3A_434 = arith.constant 0 : i32
    %dma_start3A_435 = arith.constant 3 : i32
    %dma_start3A_436 = arith.constant 3 : i32
    %dma_start3A_437 = arith.constant 0 : i32
    %dma_start3A_438 = arith.constant 0 : i32
    %dma_start3A_439 = tpu.memref_slice %arg7[%dma_start3A_435, %dma_start3A_437, %dma_start3A_438] : memref<4x64x128xf32, #tpu.memory_space<vmem>> -> memref<1x64x128xf32, #tpu.memory_space<vmem>>
    %dma_start3A_440 = tpu.memref_squeeze %dma_start3A_439 : memref<1x64x128xf32, #tpu.memory_space<vmem>> -> memref<64x128xf32, #tpu.memory_space<vmem>>
    %dma_start3A_441 = arith.constant 0 : i32
    %dma_start3A_442 = arith.constant 0 : i32
    %dma_start3A_443 = tpu.memref_slice %arg6[%dma_start3A_433, %dma_start3A_441, %dma_start3A_442] : memref<8x2x64xi32, #tpu.memory_space<vmem>> -> memref<1x2x64xi32, #tpu.memory_space<vmem>>
    %dma_start3A_444 = tpu.memref_squeeze %dma_start3A_443 : memref<1x2x64xi32, #tpu.memory_space<vmem>> -> memref<2x64xi32, #tpu.memory_space<vmem>>
    %dma_start3A_445 = arith.constant 0 : i32
    %dma_start3A_446 = tpu.memref_slice %dma_start3A_444[%dma_start3A_434, %dma_start3A_445] : memref<2x64xi32, #tpu.memory_space<vmem>> -> memref<1x64xi32, #tpu.memory_space<vmem>>
    %dma_start3A_447 = tpu.memref_squeeze %dma_start3A_446 : memref<1x64xi32, #tpu.memory_space<vmem>> -> memref<64xi32, #tpu.memory_space<vmem>>
    %dma_start3A_448 = arith.constant 0 : i32
    %dma_start3A_449 = arith.constant 0 : i32
    %dma_start3A_450 = tpu.memref_slice %arg2[%dma_start3A_448, %dma_start3A_449] : memref<10000x128xf32, #tpu.memory_space<hbm>> -> memref<10000x128xf32, #tpu.memory_space<hbm>>
    %dma_start3A_451 = tpu.memref_slice %arg10[%dma_start3A_436] : memref<4x!tpu.dma_semaphore, #tpu.memory_space<semaphore_mem>> -> memref<1x!tpu.dma_semaphore, #tpu.memory_space<semaphore_mem>>
    %dma_start3A_452 = tpu.memref_squeeze %dma_start3A_451 : memref<1x!tpu.dma_semaphore, #tpu.memory_space<semaphore_mem>> -> memref<!tpu.dma_semaphore, #tpu.memory_space<semaphore_mem>>
    tpu.enqueue_indirect_dma source(%dma_start3A_450 : memref<10000x128xf32, #tpu.memory_space<hbm>>) target(%dma_start3A_440 : memref<64x128xf32, #tpu.memory_space<vmem>>) offsets(%dma_start3A_447 : memref<64xi32, #tpu.memory_space<vmem>>) semaphore(%dma_start3A_452 : memref<!tpu.dma_semaphore, #tpu.memory_space<semaphore_mem>>)
    %scan3A = arith.constant 0 : i32
    %scan3A_453 = arith.constant 40 : i32
    %scan3A_454 = arith.addi %scan3A, %scan3A_453 : i32
    %scan3A_455 = arith.constant 1 : i32
    scf.for %scan3A_541 = %scan3A to %scan3A_454 step %scan3A_455  : i32 {
      %mul3A_542 = arith.constant 1 : i32
      %mul3A_543 = arith.muli %scan3A_541, %mul3A_542 : i32
      %add3A_544 = arith.constant 0 : i32
      %add3A_545 = arith.addi %add3A_544, %mul3A_543 : i32
      %mul3A_546 = arith.constant 4 : i32
      %mul3A_547 = arith.muli %mul3A_546, %add3A_545 : i32
      %add3A_548 = arith.constant 0 : i32
      %add3A_549 = arith.addi %mul3A_547, %add3A_548 : i32
      %jit3A = arith.constant 8 : i32
      %eq3A = arith.constant 0 : i32
      %eq3A_550 = arith.cmpi eq, %jit3A, %eq3A : i32
      %jit3A_551 = arith.constant 1 : i32
      %select_n3A = arith.select %eq3A_550, %jit3A_551, %jit3A : i32
      %rem3A = arith.remsi %add3A_549, %select_n3A : i32
      %ne3A = arith.constant 0 : i32
      %ne3A_552 = arith.cmpi ne, %rem3A, %ne3A : i32
      %lt3A = arith.constant 0 : i32
      %lt3A_553 = arith.cmpi slt, %rem3A, %lt3A : i32
      %lt3A_554 = arith.constant 0 : i32
      %lt3A_555 = arith.cmpi slt, %select_n3A, %lt3A_554 : i32
      %ne3A_556 = arith.xori %lt3A_553, %lt3A_555 : i1
      %and3A = arith.andi %ne3A_556, %ne3A_552 : i1
      %add3A_557 = arith.addi %rem3A, %select_n3A : i32
      %select_n3A_558 = arith.select %and3A, %add3A_557, %rem3A : i32
      %dma_wait3A_559 = arith.constant 0 : i32
      %dma_wait3A_560 = arith.constant 0 : i32
      %dma_wait3A_561 = arith.constant 0 : i32
      %dma_wait3A_562 = arith.constant 0 : i32
      %dma_wait3A_563 = arith.constant 0 : i32
      %dma_wait3A_564 = tpu.memref_slice %arg7[%dma_wait3A_560, %dma_wait3A_562, %dma_wait3A_563] : memref<4x64x128xf32, #tpu.memory_space<vmem>> -> memref<1x64x128xf32, #tpu.memory_space<vmem>>
      %dma_wait3A_565 = tpu.memref_squeeze %dma_wait3A_564 : memref<1x64x128xf32, #tpu.memory_space<vmem>> -> memref<64x128xf32, #tpu.memory_space<vmem>>
      %dma_wait3A_566 = arith.constant 0 : i32
      %dma_wait3A_567 = arith.constant 0 : i32
      %dma_wait3A_568 = tpu.memref_slice %arg6[%select_n3A_558, %dma_wait3A_566, %dma_wait3A_567] : memref<8x2x64xi32, #tpu.memory_space<vmem>> -> memref<1x2x64xi32, #tpu.memory_space<vmem>>
      %dma_wait3A_569 = tpu.memref_squeeze %dma_wait3A_568 : memref<1x2x64xi32, #tpu.memory_space<vmem>> -> memref<2x64xi32, #tpu.memory_space<vmem>>
      %dma_wait3A_570 = arith.constant 0 : i32
      %dma_wait3A_571 = tpu.memref_slice %dma_wait3A_569[%dma_wait3A_559, %dma_wait3A_570] : memref<2x64xi32, #tpu.memory_space<vmem>> -> memref<1x64xi32, #tpu.memory_space<vmem>>
      %dma_wait3A_572 = tpu.memref_squeeze %dma_wait3A_571 : memref<1x64xi32, #tpu.memory_space<vmem>> -> memref<64xi32, #tpu.memory_space<vmem>>
      %dma_wait3A_573 = arith.constant 0 : i32
      %dma_wait3A_574 = arith.constant 0 : i32
      %dma_wait3A_575 = tpu.memref_slice %arg2[%dma_wait3A_573, %dma_wait3A_574] : memref<10000x128xf32, #tpu.memory_space<hbm>> -> memref<10000x128xf32, #tpu.memory_space<hbm>>
      %dma_wait3A_576 = tpu.memref_slice %arg10[%dma_wait3A_561] : memref<4x!tpu.dma_semaphore, #tpu.memory_space<semaphore_mem>> -> memref<1x!tpu.dma_semaphore, #tpu.memory_space<semaphore_mem>>
      %dma_wait3A_577 = tpu.memref_squeeze %dma_wait3A_576 : memref<1x!tpu.dma_semaphore, #tpu.memory_space<semaphore_mem>> -> memref<!tpu.dma_semaphore, #tpu.memory_space<semaphore_mem>>
      tpu.wait_indirect_dma semaphore(%dma_wait3A_577 : memref<!tpu.dma_semaphore, #tpu.memory_space<semaphore_mem>>) src(%dma_wait3A_575 : memref<10000x128xf32, #tpu.memory_space<hbm>>) dst(%dma_wait3A_565 : memref<64x128xf32, #tpu.memory_space<vmem>>)
      %dma_start3A_578 = arith.constant 0 : i32
      %dma_start3A_579 = arith.constant 1 : i32
      %dma_start3A_580 = arith.constant 0 : i32
      %dma_start3A_581 = arith.constant 0 : i32
      %dma_start3A_582 = arith.constant 0 : i32
      %dma_start3A_583 = tpu.memref_slice %arg7[%dma_start3A_578, %dma_start3A_581, %dma_start3A_582] : memref<4x64x128xf32, #tpu.memory_space<vmem>> -> memref<1x64x128xf32, #tpu.memory_space<vmem>>
      %dma_start3A_584 = tpu.memref_squeeze %dma_start3A_583 : memref<1x64x128xf32, #tpu.memory_space<vmem>> -> memref<64x128xf32, #tpu.memory_space<vmem>>
      %dma_start3A_585 = arith.constant 0 : i32
      %dma_start3A_586 = arith.constant 0 : i32
      %dma_start3A_587 = tpu.memref_slice %arg6[%select_n3A_558, %dma_start3A_585, %dma_start3A_586] : memref<8x2x64xi32, #tpu.memory_space<vmem>> -> memref<1x2x64xi32, #tpu.memory_space<vmem>>
      %dma_start3A_588 = tpu.memref_squeeze %dma_start3A_587 : memref<1x2x64xi32, #tpu.memory_space<vmem>> -> memref<2x64xi32, #tpu.memory_space<vmem>>
      %dma_start3A_589 = arith.constant 0 : i32
      %dma_start3A_590 = tpu.memref_slice %dma_start3A_588[%dma_start3A_579, %dma_start3A_589] : memref<2x64xi32, #tpu.memory_space<vmem>> -> memref<1x64xi32, #tpu.memory_space<vmem>>
      %dma_start3A_591 = tpu.memref_squeeze %dma_start3A_590 : memref<1x64xi32, #tpu.memory_space<vmem>> -> memref<64xi32, #tpu.memory_space<vmem>>
      %dma_start3A_592 = arith.constant 0 : i32
      %dma_start3A_593 = arith.constant 0 : i32
      %dma_start3A_594 = tpu.memref_slice %arg8[%dma_start3A_592, %dma_start3A_593] : memref<10112x128xf32, #tpu.memory_space<vmem_shared>> -> memref<10112x128xf32, #tpu.memory_space<vmem_shared>>
      %dma_start3A_595 = tpu.memref_slice %arg11[%dma_start3A_580] : memref<4x!tpu.dma_semaphore, #tpu.memory_space<semaphore_mem>> -> memref<1x!tpu.dma_semaphore, #tpu.memory_space<semaphore_mem>>
      %dma_start3A_596 = tpu.memref_squeeze %dma_start3A_595 : memref<1x!tpu.dma_semaphore, #tpu.memory_space<semaphore_mem>> -> memref<!tpu.dma_semaphore, #tpu.memory_space<semaphore_mem>>
      tpu.enqueue_indirect_dma source(%dma_start3A_584 : memref<64x128xf32, #tpu.memory_space<vmem>>) target(%dma_start3A_594 : memref<10112x128xf32, #tpu.memory_space<vmem_shared>>) offsets(%dma_start3A_591 : memref<64xi32, #tpu.memory_space<vmem>>) semaphore(%dma_start3A_596 : memref<!tpu.dma_semaphore, #tpu.memory_space<semaphore_mem>>) {add = true}
      %add3A_597 = arith.constant 4 : i32
      %add3A_598 = arith.addi %add3A_549, %add3A_597 : i32
      %lt3A_599 = arith.constant 160 : i32
      %lt3A_600 = arith.cmpi slt, %add3A_598, %lt3A_599 : i32
      %convert_element_type3A = arith.extui %lt3A_600 : i1 to i32
      %cond3A = arith.constant 0 : i32
      %cond3A_601 = arith.cmpi ne, %convert_element_type3A, %cond3A : i32
      scf.if %cond3A_601 {
        %jit3A_825 = arith.constant 8 : i32
        %eq3A_826 = arith.constant 0 : i32
        %eq3A_827 = arith.cmpi eq, %jit3A_825, %eq3A_826 : i32
        %jit3A_828 = arith.constant 1 : i32
        %select_n3A_829 = arith.select %eq3A_827, %jit3A_828, %jit3A_825 : i32
        %rem3A_830 = arith.remsi %add3A_598, %select_n3A_829 : i32
        %ne3A_831 = arith.constant 0 : i32
        %ne3A_832 = arith.cmpi ne, %rem3A_830, %ne3A_831 : i32
        %lt3A_833 = arith.constant 0 : i32
        %lt3A_834 = arith.cmpi slt, %rem3A_830, %lt3A_833 : i32
        %lt3A_835 = arith.constant 0 : i32
        %lt3A_836 = arith.cmpi slt, %select_n3A_829, %lt3A_835 : i32
        %ne3A_837 = arith.xori %lt3A_834, %lt3A_836 : i1
        %and3A_838 = arith.andi %ne3A_837, %ne3A_832 : i1
        %add3A_839 = arith.addi %rem3A_830, %select_n3A_829 : i32
        %select_n3A_840 = arith.select %and3A_838, %add3A_839, %rem3A_830 : i32
        %dma_wait3A_841 = arith.constant 0 : i32
        %dma_wait3A_842 = arith.constant 0 : i32
        %dma_wait3A_843 = tpu.memref_slice %arg6[%select_n3A_840, %dma_wait3A_841, %dma_wait3A_842] : memref<8x2x64xi32, #tpu.memory_space<vmem>> -> memref<1x2x64xi32, #tpu.memory_space<vmem>>
        %dma_wait3A_844 = tpu.memref_squeeze %dma_wait3A_843 : memref<1x2x64xi32, #tpu.memory_space<vmem>> -> memref<2x64xi32, #tpu.memory_space<vmem>>
        %dma_wait3A_845 = arith.constant 0 : i32
        %dma_wait3A_846 = arith.constant 0 : i32
        %dma_wait3A_847 = arith.constant 0 : i32
        %dma_wait3A_848 = tpu.memref_slice %arg3[%add3A, %dma_wait3A_845, %dma_wait3A_846, %dma_wait3A_847] : memref<32x160x2x64xi32, #tpu.memory_space<hbm>> -> memref<1x160x2x64xi32, #tpu.memory_space<hbm>>
        %dma_wait3A_849 = tpu.memref_squeeze %dma_wait3A_848 : memref<1x160x2x64xi32, #tpu.memory_space<hbm>> -> memref<160x2x64xi32, #tpu.memory_space<hbm>>
        %dma_wait3A_850 = arith.constant 0 : i32
        %dma_wait3A_851 = arith.constant 0 : i32
        %dma_wait3A_852 = tpu.memref_slice %dma_wait3A_849[%add3A_598, %dma_wait3A_850, %dma_wait3A_851] : memref<160x2x64xi32, #tpu.memory_space<hbm>> -> memref<1x2x64xi32, #tpu.memory_space<hbm>>
        %dma_wait3A_853 = tpu.memref_squeeze %dma_wait3A_852 : memref<1x2x64xi32, #tpu.memory_space<hbm>> -> memref<2x64xi32, #tpu.memory_space<hbm>>
        %dma_wait3A_854 = tpu.memref_slice %arg9[%select_n3A_840] : memref<8x!tpu.dma_semaphore, #tpu.memory_space<semaphore_mem>> -> memref<1x!tpu.dma_semaphore, #tpu.memory_space<semaphore_mem>>
        %dma_wait3A_855 = tpu.memref_squeeze %dma_wait3A_854 : memref<1x!tpu.dma_semaphore, #tpu.memory_space<semaphore_mem>> -> memref<!tpu.dma_semaphore, #tpu.memory_space<semaphore_mem>>
        %dma_wait3A_856 = arith.constant 0 : i32
        %dma_wait3A_857 = arith.constant 0 : i32
        %dma_wait3A_858 = tpu.memref_slice %arg6[%select_n3A_840, %dma_wait3A_856, %dma_wait3A_857] : memref<8x2x64xi32, #tpu.memory_space<vmem>> -> memref<1x2x64xi32, #tpu.memory_space<vmem>>
        %dma_wait3A_859 = tpu.memref_squeeze %dma_wait3A_858 : memref<1x2x64xi32, #tpu.memory_space<vmem>> -> memref<2x64xi32, #tpu.memory_space<vmem>>
        %dma_wait3A_860 = arith.constant 0 : i32
        %dma_wait3A_861 = arith.constant 0 : i32
        %dma_wait3A_862 = arith.constant 0 : i32
        %dma_wait3A_863 = tpu.memref_slice %arg3[%add3A, %dma_wait3A_860, %dma_wait3A_861, %dma_wait3A_862] : memref<32x160x2x64xi32, #tpu.memory_space<hbm>> -> memref<1x160x2x64xi32, #tpu.memory_space<hbm>>
        %dma_wait3A_864 = tpu.memref_squeeze %dma_wait3A_863 : memref<1x160x2x64xi32, #tpu.memory_space<hbm>> -> memref<160x2x64xi32, #tpu.memory_space<hbm>>
        %dma_wait3A_865 = arith.constant 0 : i32
        %dma_wait3A_866 = arith.constant 0 : i32
        %dma_wait3A_867 = tpu.memref_slice %dma_wait3A_864[%add3A_598, %dma_wait3A_865, %dma_wait3A_866] : memref<160x2x64xi32, #tpu.memory_space<hbm>> -> memref<1x2x64xi32, #tpu.memory_space<hbm>>
        %dma_wait3A_868 = tpu.memref_squeeze %dma_wait3A_867 : memref<1x2x64xi32, #tpu.memory_space<hbm>> -> memref<2x64xi32, #tpu.memory_space<hbm>>
        tpu.wait_dma2 semaphore(%dma_wait3A_855 : memref<!tpu.dma_semaphore, #tpu.memory_space<semaphore_mem>>) src(%dma_wait3A_868 : memref<2x64xi32, #tpu.memory_space<hbm>>) dst(%dma_wait3A_859 : memref<2x64xi32, #tpu.memory_space<vmem>>)
        %dma_wait3A_869 = arith.constant 0 : i32
        %dma_wait3A_870 = arith.constant 1 : i32
        %dma_wait3A_871 = arith.constant 0 : i32
        %dma_wait3A_872 = arith.constant 0 : i32
        %dma_wait3A_873 = arith.constant 0 : i32
        %dma_wait3A_874 = tpu.memref_slice %arg7[%dma_wait3A_869, %dma_wait3A_872, %dma_wait3A_873] : memref<4x64x128xf32, #tpu.memory_space<vmem>> -> memref<1x64x128xf32, #tpu.memory_space<vmem>>
        %dma_wait3A_875 = tpu.memref_squeeze %dma_wait3A_874 : memref<1x64x128xf32, #tpu.memory_space<vmem>> -> memref<64x128xf32, #tpu.memory_space<vmem>>
        %dma_wait3A_876 = arith.constant 0 : i32
        %dma_wait3A_877 = arith.constant 0 : i32
        %dma_wait3A_878 = tpu.memref_slice %arg6[%select_n3A_558, %dma_wait3A_876, %dma_wait3A_877] : memref<8x2x64xi32, #tpu.memory_space<vmem>> -> memref<1x2x64xi32, #tpu.memory_space<vmem>>
        %dma_wait3A_879 = tpu.memref_squeeze %dma_wait3A_878 : memref<1x2x64xi32, #tpu.memory_space<vmem>> -> memref<2x64xi32, #tpu.memory_space<vmem>>
        %dma_wait3A_880 = arith.constant 0 : i32
        %dma_wait3A_881 = tpu.memref_slice %dma_wait3A_879[%dma_wait3A_870, %dma_wait3A_880] : memref<2x64xi32, #tpu.memory_space<vmem>> -> memref<1x64xi32, #tpu.memory_space<vmem>>
        %dma_wait3A_882 = tpu.memref_squeeze %dma_wait3A_881 : memref<1x64xi32, #tpu.memory_space<vmem>> -> memref<64xi32, #tpu.memory_space<vmem>>
        %dma_wait3A_883 = arith.constant 0 : i32
        %dma_wait3A_884 = arith.constant 0 : i32
        %dma_wait3A_885 = tpu.memref_slice %arg8[%dma_wait3A_883, %dma_wait3A_884] : memref<10112x128xf32, #tpu.memory_space<vmem_shared>> -> memref<10112x128xf32, #tpu.memory_space<vmem_shared>>
        %dma_wait3A_886 = tpu.memref_slice %arg11[%dma_wait3A_871] : memref<4x!tpu.dma_semaphore, #tpu.memory_space<semaphore_mem>> -> memref<1x!tpu.dma_semaphore, #tpu.memory_space<semaphore_mem>>
        %dma_wait3A_887 = tpu.memref_squeeze %dma_wait3A_886 : memref<1x!tpu.dma_semaphore, #tpu.memory_space<semaphore_mem>> -> memref<!tpu.dma_semaphore, #tpu.memory_space<semaphore_mem>>
        tpu.wait_indirect_dma semaphore(%dma_wait3A_887 : memref<!tpu.dma_semaphore, #tpu.memory_space<semaphore_mem>>) src(%dma_wait3A_875 : memref<64x128xf32, #tpu.memory_space<vmem>>) dst(%dma_wait3A_885 : memref<10112x128xf32, #tpu.memory_space<vmem_shared>>)
        %dma_start3A_888 = arith.constant 0 : i32
        %dma_start3A_889 = arith.constant 0 : i32
        %dma_start3A_890 = arith.constant 0 : i32
        %dma_start3A_891 = arith.constant 0 : i32
        %dma_start3A_892 = arith.constant 0 : i32
        %dma_start3A_893 = tpu.memref_slice %arg7[%dma_start3A_889, %dma_start3A_891, %dma_start3A_892] : memref<4x64x128xf32, #tpu.memory_space<vmem>> -> memref<1x64x128xf32, #tpu.memory_space<vmem>>
        %dma_start3A_894 = tpu.memref_squeeze %dma_start3A_893 : memref<1x64x128xf32, #tpu.memory_space<vmem>> -> memref<64x128xf32, #tpu.memory_space<vmem>>
        %dma_start3A_895 = arith.constant 0 : i32
        %dma_start3A_896 = arith.constant 0 : i32
        %dma_start3A_897 = tpu.memref_slice %arg6[%select_n3A_840, %dma_start3A_895, %dma_start3A_896] : memref<8x2x64xi32, #tpu.memory_space<vmem>> -> memref<1x2x64xi32, #tpu.memory_space<vmem>>
        %dma_start3A_898 = tpu.memref_squeeze %dma_start3A_897 : memref<1x2x64xi32, #tpu.memory_space<vmem>> -> memref<2x64xi32, #tpu.memory_space<vmem>>
        %dma_start3A_899 = arith.constant 0 : i32
        %dma_start3A_900 = tpu.memref_slice %dma_start3A_898[%dma_start3A_888, %dma_start3A_899] : memref<2x64xi32, #tpu.memory_space<vmem>> -> memref<1x64xi32, #tpu.memory_space<vmem>>
        %dma_start3A_901 = tpu.memref_squeeze %dma_start3A_900 : memref<1x64xi32, #tpu.memory_space<vmem>> -> memref<64xi32, #tpu.memory_space<vmem>>
        %dma_start3A_902 = arith.constant 0 : i32
        %dma_start3A_903 = arith.constant 0 : i32
        %dma_start3A_904 = tpu.memref_slice %arg2[%dma_start3A_902, %dma_start3A_903] : memref<10000x128xf32, #tpu.memory_space<hbm>> -> memref<10000x128xf32, #tpu.memory_space<hbm>>
        %dma_start3A_905 = tpu.memref_slice %arg10[%dma_start3A_890] : memref<4x!tpu.dma_semaphore, #tpu.memory_space<semaphore_mem>> -> memref<1x!tpu.dma_semaphore, #tpu.memory_space<semaphore_mem>>
        %dma_start3A_906 = tpu.memref_squeeze %dma_start3A_905 : memref<1x!tpu.dma_semaphore, #tpu.memory_space<semaphore_mem>> -> memref<!tpu.dma_semaphore, #tpu.memory_space<semaphore_mem>>
        tpu.enqueue_indirect_dma source(%dma_start3A_904 : memref<10000x128xf32, #tpu.memory_space<hbm>>) target(%dma_start3A_894 : memref<64x128xf32, #tpu.memory_space<vmem>>) offsets(%dma_start3A_901 : memref<64xi32, #tpu.memory_space<vmem>>) semaphore(%dma_start3A_906 : memref<!tpu.dma_semaphore, #tpu.memory_space<semaphore_mem>>)
      } else {
      }
      %add3A_602 = arith.constant 8 : i32
      %add3A_603 = arith.addi %add3A_549, %add3A_602 : i32
      %lt3A_604 = arith.constant 160 : i32
      %lt3A_605 = arith.cmpi slt, %add3A_603, %lt3A_604 : i32
      %convert_element_type3A_606 = arith.extui %lt3A_605 : i1 to i32
      %cond3A_607 = arith.constant 0 : i32
      %cond3A_608 = arith.cmpi ne, %convert_element_type3A_606, %cond3A_607 : i32
      scf.if %cond3A_608 {
        %dma_start3A_825 = arith.constant 0 : i32
        %dma_start3A_826 = arith.constant 0 : i32
        %dma_start3A_827 = tpu.memref_slice %arg6[%select_n3A_558, %dma_start3A_825, %dma_start3A_826] : memref<8x2x64xi32, #tpu.memory_space<vmem>> -> memref<1x2x64xi32, #tpu.memory_space<vmem>>
        %dma_start3A_828 = tpu.memref_squeeze %dma_start3A_827 : memref<1x2x64xi32, #tpu.memory_space<vmem>> -> memref<2x64xi32, #tpu.memory_space<vmem>>
        %dma_start3A_829 = arith.constant 0 : i32
        %dma_start3A_830 = arith.constant 0 : i32
        %dma_start3A_831 = arith.constant 0 : i32
        %dma_start3A_832 = tpu.memref_slice %arg3[%add3A, %dma_start3A_829, %dma_start3A_830, %dma_start3A_831] : memref<32x160x2x64xi32, #tpu.memory_space<hbm>> -> memref<1x160x2x64xi32, #tpu.memory_space<hbm>>
        %dma_start3A_833 = tpu.memref_squeeze %dma_start3A_832 : memref<1x160x2x64xi32, #tpu.memory_space<hbm>> -> memref<160x2x64xi32, #tpu.memory_space<hbm>>
        %dma_start3A_834 = arith.constant 0 : i32
        %dma_start3A_835 = arith.constant 0 : i32
        %dma_start3A_836 = tpu.memref_slice %dma_start3A_833[%add3A_603, %dma_start3A_834, %dma_start3A_835] : memref<160x2x64xi32, #tpu.memory_space<hbm>> -> memref<1x2x64xi32, #tpu.memory_space<hbm>>
        %dma_start3A_837 = tpu.memref_squeeze %dma_start3A_836 : memref<1x2x64xi32, #tpu.memory_space<hbm>> -> memref<2x64xi32, #tpu.memory_space<hbm>>
        %dma_start3A_838 = tpu.memref_slice %arg9[%select_n3A_558] : memref<8x!tpu.dma_semaphore, #tpu.memory_space<semaphore_mem>> -> memref<1x!tpu.dma_semaphore, #tpu.memory_space<semaphore_mem>>
        %dma_start3A_839 = tpu.memref_squeeze %dma_start3A_838 : memref<1x!tpu.dma_semaphore, #tpu.memory_space<semaphore_mem>> -> memref<!tpu.dma_semaphore, #tpu.memory_space<semaphore_mem>>
        %dma_start3A_840 = arith.constant 0 : i32
        %dma_start3A_841 = arith.constant 0 : i32
        %dma_start3A_842 = tpu.memref_slice %arg6[%select_n3A_558, %dma_start3A_840, %dma_start3A_841] : memref<8x2x64xi32, #tpu.memory_space<vmem>> -> memref<1x2x64xi32, #tpu.memory_space<vmem>>
        %dma_start3A_843 = tpu.memref_squeeze %dma_start3A_842 : memref<1x2x64xi32, #tpu.memory_space<vmem>> -> memref<2x64xi32, #tpu.memory_space<vmem>>
        %dma_start3A_844 = arith.constant 0 : i32
        %dma_start3A_845 = arith.constant 0 : i32
        %dma_start3A_846 = arith.constant 0 : i32
        %dma_start3A_847 = tpu.memref_slice %arg3[%add3A, %dma_start3A_844, %dma_start3A_845, %dma_start3A_846] : memref<32x160x2x64xi32, #tpu.memory_space<hbm>> -> memref<1x160x2x64xi32, #tpu.memory_space<hbm>>
        %dma_start3A_848 = tpu.memref_squeeze %dma_start3A_847 : memref<1x160x2x64xi32, #tpu.memory_space<hbm>> -> memref<160x2x64xi32, #tpu.memory_space<hbm>>
        %dma_start3A_849 = arith.constant 0 : i32
        %dma_start3A_850 = arith.constant 0 : i32
        %dma_start3A_851 = tpu.memref_slice %dma_start3A_848[%add3A_603, %dma_start3A_849, %dma_start3A_850] : memref<160x2x64xi32, #tpu.memory_space<hbm>> -> memref<1x2x64xi32, #tpu.memory_space<hbm>>
        %dma_start3A_852 = tpu.memref_squeeze %dma_start3A_851 : memref<1x2x64xi32, #tpu.memory_space<hbm>> -> memref<2x64xi32, #tpu.memory_space<hbm>>
        tpu.enqueue_dma source(%dma_start3A_852 : memref<2x64xi32, #tpu.memory_space<hbm>>) target(%dma_start3A_843 : memref<2x64xi32, #tpu.memory_space<vmem>>) target_semaphore(%dma_start3A_839 : memref<!tpu.dma_semaphore, #tpu.memory_space<semaphore_mem>>)
      } else {
      }
      %mul3A_609 = arith.constant 4 : i32
      %mul3A_610 = arith.muli %mul3A_609, %add3A_545 : i32
      %add3A_611 = arith.constant 1 : i32
      %add3A_612 = arith.addi %mul3A_610, %add3A_611 : i32
      %jit3A_613 = arith.constant 8 : i32
      %eq3A_614 = arith.constant 0 : i32
      %eq3A_615 = arith.cmpi eq, %jit3A_613, %eq3A_614 : i32
      %jit3A_616 = arith.constant 1 : i32
      %select_n3A_617 = arith.select %eq3A_615, %jit3A_616, %jit3A_613 : i32
      %rem3A_618 = arith.remsi %add3A_612, %select_n3A_617 : i32
      %ne3A_619 = arith.constant 0 : i32
      %ne3A_620 = arith.cmpi ne, %rem3A_618, %ne3A_619 : i32
      %lt3A_621 = arith.constant 0 : i32
      %lt3A_622 = arith.cmpi slt, %rem3A_618, %lt3A_621 : i32
      %lt3A_623 = arith.constant 0 : i32
      %lt3A_624 = arith.cmpi slt, %select_n3A_617, %lt3A_623 : i32
      %ne3A_625 = arith.xori %lt3A_622, %lt3A_624 : i1
      %and3A_626 = arith.andi %ne3A_625, %ne3A_620 : i1
      %add3A_627 = arith.addi %rem3A_618, %select_n3A_617 : i32
      %select_n3A_628 = arith.select %and3A_626, %add3A_627, %rem3A_618 : i32
      %dma_wait3A_629 = arith.constant 0 : i32
      %dma_wait3A_630 = arith.constant 1 : i32
      %dma_wait3A_631 = arith.constant 1 : i32
      %dma_wait3A_632 = arith.constant 0 : i32
      %dma_wait3A_633 = arith.constant 0 : i32
      %dma_wait3A_634 = tpu.memref_slice %arg7[%dma_wait3A_630, %dma_wait3A_632, %dma_wait3A_633] : memref<4x64x128xf32, #tpu.memory_space<vmem>> -> memref<1x64x128xf32, #tpu.memory_space<vmem>>
      %dma_wait3A_635 = tpu.memref_squeeze %dma_wait3A_634 : memref<1x64x128xf32, #tpu.memory_space<vmem>> -> memref<64x128xf32, #tpu.memory_space<vmem>>
      %dma_wait3A_636 = arith.constant 0 : i32
      %dma_wait3A_637 = arith.constant 0 : i32
      %dma_wait3A_638 = tpu.memref_slice %arg6[%select_n3A_628, %dma_wait3A_636, %dma_wait3A_637] : memref<8x2x64xi32, #tpu.memory_space<vmem>> -> memref<1x2x64xi32, #tpu.memory_space<vmem>>
      %dma_wait3A_639 = tpu.memref_squeeze %dma_wait3A_638 : memref<1x2x64xi32, #tpu.memory_space<vmem>> -> memref<2x64xi32, #tpu.memory_space<vmem>>
      %dma_wait3A_640 = arith.constant 0 : i32
      %dma_wait3A_641 = tpu.memref_slice %dma_wait3A_639[%dma_wait3A_629, %dma_wait3A_640] : memref<2x64xi32, #tpu.memory_space<vmem>> -> memref<1x64xi32, #tpu.memory_space<vmem>>
      %dma_wait3A_642 = tpu.memref_squeeze %dma_wait3A_641 : memref<1x64xi32, #tpu.memory_space<vmem>> -> memref<64xi32, #tpu.memory_space<vmem>>
      %dma_wait3A_643 = arith.constant 0 : i32
      %dma_wait3A_644 = arith.constant 0 : i32
      %dma_wait3A_645 = tpu.memref_slice %arg2[%dma_wait3A_643, %dma_wait3A_644] : memref<10000x128xf32, #tpu.memory_space<hbm>> -> memref<10000x128xf32, #tpu.memory_space<hbm>>
      %dma_wait3A_646 = tpu.memref_slice %arg10[%dma_wait3A_631] : memref<4x!tpu.dma_semaphore, #tpu.memory_space<semaphore_mem>> -> memref<1x!tpu.dma_semaphore, #tpu.memory_space<semaphore_mem>>
      %dma_wait3A_647 = tpu.memref_squeeze %dma_wait3A_646 : memref<1x!tpu.dma_semaphore, #tpu.memory_space<semaphore_mem>> -> memref<!tpu.dma_semaphore, #tpu.memory_space<semaphore_mem>>
      tpu.wait_indirect_dma semaphore(%dma_wait3A_647 : memref<!tpu.dma_semaphore, #tpu.memory_space<semaphore_mem>>) src(%dma_wait3A_645 : memref<10000x128xf32, #tpu.memory_space<hbm>>) dst(%dma_wait3A_635 : memref<64x128xf32, #tpu.memory_space<vmem>>)
      %dma_start3A_648 = arith.constant 1 : i32
      %dma_start3A_649 = arith.constant 1 : i32
      %dma_start3A_650 = arith.constant 1 : i32
      %dma_start3A_651 = arith.constant 0 : i32
      %dma_start3A_652 = arith.constant 0 : i32
      %dma_start3A_653 = tpu.memref_slice %arg7[%dma_start3A_648, %dma_start3A_651, %dma_start3A_652] : memref<4x64x128xf32, #tpu.memory_space<vmem>> -> memref<1x64x128xf32, #tpu.memory_space<vmem>>
      %dma_start3A_654 = tpu.memref_squeeze %dma_start3A_653 : memref<1x64x128xf32, #tpu.memory_space<vmem>> -> memref<64x128xf32, #tpu.memory_space<vmem>>
      %dma_start3A_655 = arith.constant 0 : i32
      %dma_start3A_656 = arith.constant 0 : i32
      %dma_start3A_657 = tpu.memref_slice %arg6[%select_n3A_628, %dma_start3A_655, %dma_start3A_656] : memref<8x2x64xi32, #tpu.memory_space<vmem>> -> memref<1x2x64xi32, #tpu.memory_space<vmem>>
      %dma_start3A_658 = tpu.memref_squeeze %dma_start3A_657 : memref<1x2x64xi32, #tpu.memory_space<vmem>> -> memref<2x64xi32, #tpu.memory_space<vmem>>
      %dma_start3A_659 = arith.constant 0 : i32
      %dma_start3A_660 = tpu.memref_slice %dma_start3A_658[%dma_start3A_649, %dma_start3A_659] : memref<2x64xi32, #tpu.memory_space<vmem>> -> memref<1x64xi32, #tpu.memory_space<vmem>>
      %dma_start3A_661 = tpu.memref_squeeze %dma_start3A_660 : memref<1x64xi32, #tpu.memory_space<vmem>> -> memref<64xi32, #tpu.memory_space<vmem>>
      %dma_start3A_662 = arith.constant 0 : i32
      %dma_start3A_663 = arith.constant 0 : i32
      %dma_start3A_664 = tpu.memref_slice %arg8[%dma_start3A_662, %dma_start3A_663] : memref<10112x128xf32, #tpu.memory_space<vmem_shared>> -> memref<10112x128xf32, #tpu.memory_space<vmem_shared>>
      %dma_start3A_665 = tpu.memref_slice %arg11[%dma_start3A_650] : memref<4x!tpu.dma_semaphore, #tpu.memory_space<semaphore_mem>> -> memref<1x!tpu.dma_semaphore, #tpu.memory_space<semaphore_mem>>
      %dma_start3A_666 = tpu.memref_squeeze %dma_start3A_665 : memref<1x!tpu.dma_semaphore, #tpu.memory_space<semaphore_mem>> -> memref<!tpu.dma_semaphore, #tpu.memory_space<semaphore_mem>>
      tpu.enqueue_indirect_dma source(%dma_start3A_654 : memref<64x128xf32, #tpu.memory_space<vmem>>) target(%dma_start3A_664 : memref<10112x128xf32, #tpu.memory_space<vmem_shared>>) offsets(%dma_start3A_661 : memref<64xi32, #tpu.memory_space<vmem>>) semaphore(%dma_start3A_666 : memref<!tpu.dma_semaphore, #tpu.memory_space<semaphore_mem>>) {add = true}
      %add3A_667 = arith.constant 4 : i32
      %add3A_668 = arith.addi %add3A_612, %add3A_667 : i32
      %lt3A_669 = arith.constant 160 : i32
      %lt3A_670 = arith.cmpi slt, %add3A_668, %lt3A_669 : i32
      %convert_element_type3A_671 = arith.extui %lt3A_670 : i1 to i32
      %cond3A_672 = arith.constant 0 : i32
      %cond3A_673 = arith.cmpi ne, %convert_element_type3A_671, %cond3A_672 : i32
      scf.if %cond3A_673 {
        %jit3A_825 = arith.constant 8 : i32
        %eq3A_826 = arith.constant 0 : i32
        %eq3A_827 = arith.cmpi eq, %jit3A_825, %eq3A_826 : i32
        %jit3A_828 = arith.constant 1 : i32
        %select_n3A_829 = arith.select %eq3A_827, %jit3A_828, %jit3A_825 : i32
        %rem3A_830 = arith.remsi %add3A_668, %select_n3A_829 : i32
        %ne3A_831 = arith.constant 0 : i32
        %ne3A_832 = arith.cmpi ne, %rem3A_830, %ne3A_831 : i32
        %lt3A_833 = arith.constant 0 : i32
        %lt3A_834 = arith.cmpi slt, %rem3A_830, %lt3A_833 : i32
        %lt3A_835 = arith.constant 0 : i32
        %lt3A_836 = arith.cmpi slt, %select_n3A_829, %lt3A_835 : i32
        %ne3A_837 = arith.xori %lt3A_834, %lt3A_836 : i1
        %and3A_838 = arith.andi %ne3A_837, %ne3A_832 : i1
        %add3A_839 = arith.addi %rem3A_830, %select_n3A_829 : i32
        %select_n3A_840 = arith.select %and3A_838, %add3A_839, %rem3A_830 : i32
        %dma_wait3A_841 = arith.constant 0 : i32
        %dma_wait3A_842 = arith.constant 0 : i32
        %dma_wait3A_843 = tpu.memref_slice %arg6[%select_n3A_840, %dma_wait3A_841, %dma_wait3A_842] : memref<8x2x64xi32, #tpu.memory_space<vmem>> -> memref<1x2x64xi32, #tpu.memory_space<vmem>>
        %dma_wait3A_844 = tpu.memref_squeeze %dma_wait3A_843 : memref<1x2x64xi32, #tpu.memory_space<vmem>> -> memref<2x64xi32, #tpu.memory_space<vmem>>
        %dma_wait3A_845 = arith.constant 0 : i32
        %dma_wait3A_846 = arith.constant 0 : i32
        %dma_wait3A_847 = arith.constant 0 : i32
        %dma_wait3A_848 = tpu.memref_slice %arg3[%add3A, %dma_wait3A_845, %dma_wait3A_846, %dma_wait3A_847] : memref<32x160x2x64xi32, #tpu.memory_space<hbm>> -> memref<1x160x2x64xi32, #tpu.memory_space<hbm>>
        %dma_wait3A_849 = tpu.memref_squeeze %dma_wait3A_848 : memref<1x160x2x64xi32, #tpu.memory_space<hbm>> -> memref<160x2x64xi32, #tpu.memory_space<hbm>>
        %dma_wait3A_850 = arith.constant 0 : i32
        %dma_wait3A_851 = arith.constant 0 : i32
        %dma_wait3A_852 = tpu.memref_slice %dma_wait3A_849[%add3A_668, %dma_wait3A_850, %dma_wait3A_851] : memref<160x2x64xi32, #tpu.memory_space<hbm>> -> memref<1x2x64xi32, #tpu.memory_space<hbm>>
        %dma_wait3A_853 = tpu.memref_squeeze %dma_wait3A_852 : memref<1x2x64xi32, #tpu.memory_space<hbm>> -> memref<2x64xi32, #tpu.memory_space<hbm>>
        %dma_wait3A_854 = tpu.memref_slice %arg9[%select_n3A_840] : memref<8x!tpu.dma_semaphore, #tpu.memory_space<semaphore_mem>> -> memref<1x!tpu.dma_semaphore, #tpu.memory_space<semaphore_mem>>
        %dma_wait3A_855 = tpu.memref_squeeze %dma_wait3A_854 : memref<1x!tpu.dma_semaphore, #tpu.memory_space<semaphore_mem>> -> memref<!tpu.dma_semaphore, #tpu.memory_space<semaphore_mem>>
        %dma_wait3A_856 = arith.constant 0 : i32
        %dma_wait3A_857 = arith.constant 0 : i32
        %dma_wait3A_858 = tpu.memref_slice %arg6[%select_n3A_840, %dma_wait3A_856, %dma_wait3A_857] : memref<8x2x64xi32, #tpu.memory_space<vmem>> -> memref<1x2x64xi32, #tpu.memory_space<vmem>>
        %dma_wait3A_859 = tpu.memref_squeeze %dma_wait3A_858 : memref<1x2x64xi32, #tpu.memory_space<vmem>> -> memref<2x64xi32, #tpu.memory_space<vmem>>
        %dma_wait3A_860 = arith.constant 0 : i32
        %dma_wait3A_861 = arith.constant 0 : i32
        %dma_wait3A_862 = arith.constant 0 : i32
        %dma_wait3A_863 = tpu.memref_slice %arg3[%add3A, %dma_wait3A_860, %dma_wait3A_861, %dma_wait3A_862] : memref<32x160x2x64xi32, #tpu.memory_space<hbm>> -> memref<1x160x2x64xi32, #tpu.memory_space<hbm>>
        %dma_wait3A_864 = tpu.memref_squeeze %dma_wait3A_863 : memref<1x160x2x64xi32, #tpu.memory_space<hbm>> -> memref<160x2x64xi32, #tpu.memory_space<hbm>>
        %dma_wait3A_865 = arith.constant 0 : i32
        %dma_wait3A_866 = arith.constant 0 : i32
        %dma_wait3A_867 = tpu.memref_slice %dma_wait3A_864[%add3A_668, %dma_wait3A_865, %dma_wait3A_866] : memref<160x2x64xi32, #tpu.memory_space<hbm>> -> memref<1x2x64xi32, #tpu.memory_space<hbm>>
        %dma_wait3A_868 = tpu.memref_squeeze %dma_wait3A_867 : memref<1x2x64xi32, #tpu.memory_space<hbm>> -> memref<2x64xi32, #tpu.memory_space<hbm>>
        tpu.wait_dma2 semaphore(%dma_wait3A_855 : memref<!tpu.dma_semaphore, #tpu.memory_space<semaphore_mem>>) src(%dma_wait3A_868 : memref<2x64xi32, #tpu.memory_space<hbm>>) dst(%dma_wait3A_859 : memref<2x64xi32, #tpu.memory_space<vmem>>)
        %dma_wait3A_869 = arith.constant 1 : i32
        %dma_wait3A_870 = arith.constant 1 : i32
        %dma_wait3A_871 = arith.constant 1 : i32
        %dma_wait3A_872 = arith.constant 0 : i32
        %dma_wait3A_873 = arith.constant 0 : i32
        %dma_wait3A_874 = tpu.memref_slice %arg7[%dma_wait3A_869, %dma_wait3A_872, %dma_wait3A_873] : memref<4x64x128xf32, #tpu.memory_space<vmem>> -> memref<1x64x128xf32, #tpu.memory_space<vmem>>
        %dma_wait3A_875 = tpu.memref_squeeze %dma_wait3A_874 : memref<1x64x128xf32, #tpu.memory_space<vmem>> -> memref<64x128xf32, #tpu.memory_space<vmem>>
        %dma_wait3A_876 = arith.constant 0 : i32
        %dma_wait3A_877 = arith.constant 0 : i32
        %dma_wait3A_878 = tpu.memref_slice %arg6[%select_n3A_628, %dma_wait3A_876, %dma_wait3A_877] : memref<8x2x64xi32, #tpu.memory_space<vmem>> -> memref<1x2x64xi32, #tpu.memory_space<vmem>>
        %dma_wait3A_879 = tpu.memref_squeeze %dma_wait3A_878 : memref<1x2x64xi32, #tpu.memory_space<vmem>> -> memref<2x64xi32, #tpu.memory_space<vmem>>
        %dma_wait3A_880 = arith.constant 0 : i32
        %dma_wait3A_881 = tpu.memref_slice %dma_wait3A_879[%dma_wait3A_870, %dma_wait3A_880] : memref<2x64xi32, #tpu.memory_space<vmem>> -> memref<1x64xi32, #tpu.memory_space<vmem>>
        %dma_wait3A_882 = tpu.memref_squeeze %dma_wait3A_881 : memref<1x64xi32, #tpu.memory_space<vmem>> -> memref<64xi32, #tpu.memory_space<vmem>>
        %dma_wait3A_883 = arith.constant 0 : i32
        %dma_wait3A_884 = arith.constant 0 : i32
        %dma_wait3A_885 = tpu.memref_slice %arg8[%dma_wait3A_883, %dma_wait3A_884] : memref<10112x128xf32, #tpu.memory_space<vmem_shared>> -> memref<10112x128xf32, #tpu.memory_space<vmem_shared>>
        %dma_wait3A_886 = tpu.memref_slice %arg11[%dma_wait3A_871] : memref<4x!tpu.dma_semaphore, #tpu.memory_space<semaphore_mem>> -> memref<1x!tpu.dma_semaphore, #tpu.memory_space<semaphore_mem>>
        %dma_wait3A_887 = tpu.memref_squeeze %dma_wait3A_886 : memref<1x!tpu.dma_semaphore, #tpu.memory_space<semaphore_mem>> -> memref<!tpu.dma_semaphore, #tpu.memory_space<semaphore_mem>>
        tpu.wait_indirect_dma semaphore(%dma_wait3A_887 : memref<!tpu.dma_semaphore, #tpu.memory_space<semaphore_mem>>) src(%dma_wait3A_875 : memref<64x128xf32, #tpu.memory_space<vmem>>) dst(%dma_wait3A_885 : memref<10112x128xf32, #tpu.memory_space<vmem_shared>>)
        %dma_start3A_888 = arith.constant 0 : i32
        %dma_start3A_889 = arith.constant 1 : i32
        %dma_start3A_890 = arith.constant 1 : i32
        %dma_start3A_891 = arith.constant 0 : i32
        %dma_start3A_892 = arith.constant 0 : i32
        %dma_start3A_893 = tpu.memref_slice %arg7[%dma_start3A_889, %dma_start3A_891, %dma_start3A_892] : memref<4x64x128xf32, #tpu.memory_space<vmem>> -> memref<1x64x128xf32, #tpu.memory_space<vmem>>
        %dma_start3A_894 = tpu.memref_squeeze %dma_start3A_893 : memref<1x64x128xf32, #tpu.memory_space<vmem>> -> memref<64x128xf32, #tpu.memory_space<vmem>>
        %dma_start3A_895 = arith.constant 0 : i32
        %dma_start3A_896 = arith.constant 0 : i32
        %dma_start3A_897 = tpu.memref_slice %arg6[%select_n3A_840, %dma_start3A_895, %dma_start3A_896] : memref<8x2x64xi32, #tpu.memory_space<vmem>> -> memref<1x2x64xi32, #tpu.memory_space<vmem>>
        %dma_start3A_898 = tpu.memref_squeeze %dma_start3A_897 : memref<1x2x64xi32, #tpu.memory_space<vmem>> -> memref<2x64xi32, #tpu.memory_space<vmem>>
        %dma_start3A_899 = arith.constant 0 : i32
        %dma_start3A_900 = tpu.memref_slice %dma_start3A_898[%dma_start3A_888, %dma_start3A_899] : memref<2x64xi32, #tpu.memory_space<vmem>> -> memref<1x64xi32, #tpu.memory_space<vmem>>
        %dma_start3A_901 = tpu.memref_squeeze %dma_start3A_900 : memref<1x64xi32, #tpu.memory_space<vmem>> -> memref<64xi32, #tpu.memory_space<vmem>>
        %dma_start3A_902 = arith.constant 0 : i32
        %dma_start3A_903 = arith.constant 0 : i32
        %dma_start3A_904 = tpu.memref_slice %arg2[%dma_start3A_902, %dma_start3A_903] : memref<10000x128xf32, #tpu.memory_space<hbm>> -> memref<10000x128xf32, #tpu.memory_space<hbm>>
        %dma_start3A_905 = tpu.memref_slice %arg10[%dma_start3A_890] : memref<4x!tpu.dma_semaphore, #tpu.memory_space<semaphore_mem>> -> memref<1x!tpu.dma_semaphore, #tpu.memory_space<semaphore_mem>>
        %dma_start3A_906 = tpu.memref_squeeze %dma_start3A_905 : memref<1x!tpu.dma_semaphore, #tpu.memory_space<semaphore_mem>> -> memref<!tpu.dma_semaphore, #tpu.memory_space<semaphore_mem>>
        tpu.enqueue_indirect_dma source(%dma_start3A_904 : memref<10000x128xf32, #tpu.memory_space<hbm>>) target(%dma_start3A_894 : memref<64x128xf32, #tpu.memory_space<vmem>>) offsets(%dma_start3A_901 : memref<64xi32, #tpu.memory_space<vmem>>) semaphore(%dma_start3A_906 : memref<!tpu.dma_semaphore, #tpu.memory_space<semaphore_mem>>)
      } else {
      }
      %add3A_674 = arith.constant 8 : i32
      %add3A_675 = arith.addi %add3A_612, %add3A_674 : i32
      %lt3A_676 = arith.constant 160 : i32
      %lt3A_677 = arith.cmpi slt, %add3A_675, %lt3A_676 : i32
      %convert_element_type3A_678 = arith.extui %lt3A_677 : i1 to i32
      %cond3A_679 = arith.constant 0 : i32
      %cond3A_680 = arith.cmpi ne, %convert_element_type3A_678, %cond3A_679 : i32
      scf.if %cond3A_680 {
        %dma_start3A_825 = arith.constant 0 : i32
        %dma_start3A_826 = arith.constant 0 : i32
        %dma_start3A_827 = tpu.memref_slice %arg6[%select_n3A_628, %dma_start3A_825, %dma_start3A_826] : memref<8x2x64xi32, #tpu.memory_space<vmem>> -> memref<1x2x64xi32, #tpu.memory_space<vmem>>
        %dma_start3A_828 = tpu.memref_squeeze %dma_start3A_827 : memref<1x2x64xi32, #tpu.memory_space<vmem>> -> memref<2x64xi32, #tpu.memory_space<vmem>>
        %dma_start3A_829 = arith.constant 0 : i32
        %dma_start3A_830 = arith.constant 0 : i32
        %dma_start3A_831 = arith.constant 0 : i32
        %dma_start3A_832 = tpu.memref_slice %arg3[%add3A, %dma_start3A_829, %dma_start3A_830, %dma_start3A_831] : memref<32x160x2x64xi32, #tpu.memory_space<hbm>> -> memref<1x160x2x64xi32, #tpu.memory_space<hbm>>
        %dma_start3A_833 = tpu.memref_squeeze %dma_start3A_832 : memref<1x160x2x64xi32, #tpu.memory_space<hbm>> -> memref<160x2x64xi32, #tpu.memory_space<hbm>>
        %dma_start3A_834 = arith.constant 0 : i32
        %dma_start3A_835 = arith.constant 0 : i32
        %dma_start3A_836 = tpu.memref_slice %dma_start3A_833[%add3A_675, %dma_start3A_834, %dma_start3A_835] : memref<160x2x64xi32, #tpu.memory_space<hbm>> -> memref<1x2x64xi32, #tpu.memory_space<hbm>>
        %dma_start3A_837 = tpu.memref_squeeze %dma_start3A_836 : memref<1x2x64xi32, #tpu.memory_space<hbm>> -> memref<2x64xi32, #tpu.memory_space<hbm>>
        %dma_start3A_838 = tpu.memref_slice %arg9[%select_n3A_628] : memref<8x!tpu.dma_semaphore, #tpu.memory_space<semaphore_mem>> -> memref<1x!tpu.dma_semaphore, #tpu.memory_space<semaphore_mem>>
        %dma_start3A_839 = tpu.memref_squeeze %dma_start3A_838 : memref<1x!tpu.dma_semaphore, #tpu.memory_space<semaphore_mem>> -> memref<!tpu.dma_semaphore, #tpu.memory_space<semaphore_mem>>
        %dma_start3A_840 = arith.constant 0 : i32
        %dma_start3A_841 = arith.constant 0 : i32
        %dma_start3A_842 = tpu.memref_slice %arg6[%select_n3A_628, %dma_start3A_840, %dma_start3A_841] : memref<8x2x64xi32, #tpu.memory_space<vmem>> -> memref<1x2x64xi32, #tpu.memory_space<vmem>>
        %dma_start3A_843 = tpu.memref_squeeze %dma_start3A_842 : memref<1x2x64xi32, #tpu.memory_space<vmem>> -> memref<2x64xi32, #tpu.memory_space<vmem>>
        %dma_start3A_844 = arith.constant 0 : i32
        %dma_start3A_845 = arith.constant 0 : i32
        %dma_start3A_846 = arith.constant 0 : i32
        %dma_start3A_847 = tpu.memref_slice %arg3[%add3A, %dma_start3A_844, %dma_start3A_845, %dma_start3A_846] : memref<32x160x2x64xi32, #tpu.memory_space<hbm>> -> memref<1x160x2x64xi32, #tpu.memory_space<hbm>>
        %dma_start3A_848 = tpu.memref_squeeze %dma_start3A_847 : memref<1x160x2x64xi32, #tpu.memory_space<hbm>> -> memref<160x2x64xi32, #tpu.memory_space<hbm>>
        %dma_start3A_849 = arith.constant 0 : i32
        %dma_start3A_850 = arith.constant 0 : i32
        %dma_start3A_851 = tpu.memref_slice %dma_start3A_848[%add3A_675, %dma_start3A_849, %dma_start3A_850] : memref<160x2x64xi32, #tpu.memory_space<hbm>> -> memref<1x2x64xi32, #tpu.memory_space<hbm>>
        %dma_start3A_852 = tpu.memref_squeeze %dma_start3A_851 : memref<1x2x64xi32, #tpu.memory_space<hbm>> -> memref<2x64xi32, #tpu.memory_space<hbm>>
        tpu.enqueue_dma source(%dma_start3A_852 : memref<2x64xi32, #tpu.memory_space<hbm>>) target(%dma_start3A_843 : memref<2x64xi32, #tpu.memory_space<vmem>>) target_semaphore(%dma_start3A_839 : memref<!tpu.dma_semaphore, #tpu.memory_space<semaphore_mem>>)
      } else {
      }
      %mul3A_681 = arith.constant 4 : i32
      %mul3A_682 = arith.muli %mul3A_681, %add3A_545 : i32
      %add3A_683 = arith.constant 2 : i32
      %add3A_684 = arith.addi %mul3A_682, %add3A_683 : i32
      %jit3A_685 = arith.constant 8 : i32
      %eq3A_686 = arith.constant 0 : i32
      %eq3A_687 = arith.cmpi eq, %jit3A_685, %eq3A_686 : i32
      %jit3A_688 = arith.constant 1 : i32
      %select_n3A_689 = arith.select %eq3A_687, %jit3A_688, %jit3A_685 : i32
      %rem3A_690 = arith.remsi %add3A_684, %select_n3A_689 : i32
      %ne3A_691 = arith.constant 0 : i32
      %ne3A_692 = arith.cmpi ne, %rem3A_690, %ne3A_691 : i32
      %lt3A_693 = arith.constant 0 : i32
      %lt3A_694 = arith.cmpi slt, %rem3A_690, %lt3A_693 : i32
      %lt3A_695 = arith.constant 0 : i32
      %lt3A_696 = arith.cmpi slt, %select_n3A_689, %lt3A_695 : i32
      %ne3A_697 = arith.xori %lt3A_694, %lt3A_696 : i1
      %and3A_698 = arith.andi %ne3A_697, %ne3A_692 : i1
      %add3A_699 = arith.addi %rem3A_690, %select_n3A_689 : i32
      %select_n3A_700 = arith.select %and3A_698, %add3A_699, %rem3A_690 : i32
      %dma_wait3A_701 = arith.constant 0 : i32
      %dma_wait3A_702 = arith.constant 2 : i32
      %dma_wait3A_703 = arith.constant 2 : i32
      %dma_wait3A_704 = arith.constant 0 : i32
      %dma_wait3A_705 = arith.constant 0 : i32
      %dma_wait3A_706 = tpu.memref_slice %arg7[%dma_wait3A_702, %dma_wait3A_704, %dma_wait3A_705] : memref<4x64x128xf32, #tpu.memory_space<vmem>> -> memref<1x64x128xf32, #tpu.memory_space<vmem>>
      %dma_wait3A_707 = tpu.memref_squeeze %dma_wait3A_706 : memref<1x64x128xf32, #tpu.memory_space<vmem>> -> memref<64x128xf32, #tpu.memory_space<vmem>>
      %dma_wait3A_708 = arith.constant 0 : i32
      %dma_wait3A_709 = arith.constant 0 : i32
      %dma_wait3A_710 = tpu.memref_slice %arg6[%select_n3A_700, %dma_wait3A_708, %dma_wait3A_709] : memref<8x2x64xi32, #tpu.memory_space<vmem>> -> memref<1x2x64xi32, #tpu.memory_space<vmem>>
      %dma_wait3A_711 = tpu.memref_squeeze %dma_wait3A_710 : memref<1x2x64xi32, #tpu.memory_space<vmem>> -> memref<2x64xi32, #tpu.memory_space<vmem>>
      %dma_wait3A_712 = arith.constant 0 : i32
      %dma_wait3A_713 = tpu.memref_slice %dma_wait3A_711[%dma_wait3A_701, %dma_wait3A_712] : memref<2x64xi32, #tpu.memory_space<vmem>> -> memref<1x64xi32, #tpu.memory_space<vmem>>
      %dma_wait3A_714 = tpu.memref_squeeze %dma_wait3A_713 : memref<1x64xi32, #tpu.memory_space<vmem>> -> memref<64xi32, #tpu.memory_space<vmem>>
      %dma_wait3A_715 = arith.constant 0 : i32
      %dma_wait3A_716 = arith.constant 0 : i32
      %dma_wait3A_717 = tpu.memref_slice %arg2[%dma_wait3A_715, %dma_wait3A_716] : memref<10000x128xf32, #tpu.memory_space<hbm>> -> memref<10000x128xf32, #tpu.memory_space<hbm>>
      %dma_wait3A_718 = tpu.memref_slice %arg10[%dma_wait3A_703] : memref<4x!tpu.dma_semaphore, #tpu.memory_space<semaphore_mem>> -> memref<1x!tpu.dma_semaphore, #tpu.memory_space<semaphore_mem>>
      %dma_wait3A_719 = tpu.memref_squeeze %dma_wait3A_718 : memref<1x!tpu.dma_semaphore, #tpu.memory_space<semaphore_mem>> -> memref<!tpu.dma_semaphore, #tpu.memory_space<semaphore_mem>>
      tpu.wait_indirect_dma semaphore(%dma_wait3A_719 : memref<!tpu.dma_semaphore, #tpu.memory_space<semaphore_mem>>) src(%dma_wait3A_717 : memref<10000x128xf32, #tpu.memory_space<hbm>>) dst(%dma_wait3A_707 : memref<64x128xf32, #tpu.memory_space<vmem>>)
      %dma_start3A_720 = arith.constant 2 : i32
      %dma_start3A_721 = arith.constant 1 : i32
      %dma_start3A_722 = arith.constant 2 : i32
      %dma_start3A_723 = arith.constant 0 : i32
      %dma_start3A_724 = arith.constant 0 : i32
      %dma_start3A_725 = tpu.memref_slice %arg7[%dma_start3A_720, %dma_start3A_723, %dma_start3A_724] : memref<4x64x128xf32, #tpu.memory_space<vmem>> -> memref<1x64x128xf32, #tpu.memory_space<vmem>>
      %dma_start3A_726 = tpu.memref_squeeze %dma_start3A_725 : memref<1x64x128xf32, #tpu.memory_space<vmem>> -> memref<64x128xf32, #tpu.memory_space<vmem>>
      %dma_start3A_727 = arith.constant 0 : i32
      %dma_start3A_728 = arith.constant 0 : i32
      %dma_start3A_729 = tpu.memref_slice %arg6[%select_n3A_700, %dma_start3A_727, %dma_start3A_728] : memref<8x2x64xi32, #tpu.memory_space<vmem>> -> memref<1x2x64xi32, #tpu.memory_space<vmem>>
      %dma_start3A_730 = tpu.memref_squeeze %dma_start3A_729 : memref<1x2x64xi32, #tpu.memory_space<vmem>> -> memref<2x64xi32, #tpu.memory_space<vmem>>
      %dma_start3A_731 = arith.constant 0 : i32
      %dma_start3A_732 = tpu.memref_slice %dma_start3A_730[%dma_start3A_721, %dma_start3A_731] : memref<2x64xi32, #tpu.memory_space<vmem>> -> memref<1x64xi32, #tpu.memory_space<vmem>>
      %dma_start3A_733 = tpu.memref_squeeze %dma_start3A_732 : memref<1x64xi32, #tpu.memory_space<vmem>> -> memref<64xi32, #tpu.memory_space<vmem>>
      %dma_start3A_734 = arith.constant 0 : i32
      %dma_start3A_735 = arith.constant 0 : i32
      %dma_start3A_736 = tpu.memref_slice %arg8[%dma_start3A_734, %dma_start3A_735] : memref<10112x128xf32, #tpu.memory_space<vmem_shared>> -> memref<10112x128xf32, #tpu.memory_space<vmem_shared>>
      %dma_start3A_737 = tpu.memref_slice %arg11[%dma_start3A_722] : memref<4x!tpu.dma_semaphore, #tpu.memory_space<semaphore_mem>> -> memref<1x!tpu.dma_semaphore, #tpu.memory_space<semaphore_mem>>
      %dma_start3A_738 = tpu.memref_squeeze %dma_start3A_737 : memref<1x!tpu.dma_semaphore, #tpu.memory_space<semaphore_mem>> -> memref<!tpu.dma_semaphore, #tpu.memory_space<semaphore_mem>>
      tpu.enqueue_indirect_dma source(%dma_start3A_726 : memref<64x128xf32, #tpu.memory_space<vmem>>) target(%dma_start3A_736 : memref<10112x128xf32, #tpu.memory_space<vmem_shared>>) offsets(%dma_start3A_733 : memref<64xi32, #tpu.memory_space<vmem>>) semaphore(%dma_start3A_738 : memref<!tpu.dma_semaphore, #tpu.memory_space<semaphore_mem>>) {add = true}
      %add3A_739 = arith.constant 4 : i32
      %add3A_740 = arith.addi %add3A_684, %add3A_739 : i32
      %lt3A_741 = arith.constant 160 : i32
      %lt3A_742 = arith.cmpi slt, %add3A_740, %lt3A_741 : i32
      %convert_element_type3A_743 = arith.extui %lt3A_742 : i1 to i32
      %cond3A_744 = arith.constant 0 : i32
      %cond3A_745 = arith.cmpi ne, %convert_element_type3A_743, %cond3A_744 : i32
      scf.if %cond3A_745 {
        %jit3A_825 = arith.constant 8 : i32
        %eq3A_826 = arith.constant 0 : i32
        %eq3A_827 = arith.cmpi eq, %jit3A_825, %eq3A_826 : i32
        %jit3A_828 = arith.constant 1 : i32
        %select_n3A_829 = arith.select %eq3A_827, %jit3A_828, %jit3A_825 : i32
        %rem3A_830 = arith.remsi %add3A_740, %select_n3A_829 : i32
        %ne3A_831 = arith.constant 0 : i32
        %ne3A_832 = arith.cmpi ne, %rem3A_830, %ne3A_831 : i32
        %lt3A_833 = arith.constant 0 : i32
        %lt3A_834 = arith.cmpi slt, %rem3A_830, %lt3A_833 : i32
        %lt3A_835 = arith.constant 0 : i32
        %lt3A_836 = arith.cmpi slt, %select_n3A_829, %lt3A_835 : i32
        %ne3A_837 = arith.xori %lt3A_834, %lt3A_836 : i1
        %and3A_838 = arith.andi %ne3A_837, %ne3A_832 : i1
        %add3A_839 = arith.addi %rem3A_830, %select_n3A_829 : i32
        %select_n3A_840 = arith.select %and3A_838, %add3A_839, %rem3A_830 : i32
        %dma_wait3A_841 = arith.constant 0 : i32
        %dma_wait3A_842 = arith.constant 0 : i32
        %dma_wait3A_843 = tpu.memref_slice %arg6[%select_n3A_840, %dma_wait3A_841, %dma_wait3A_842] : memref<8x2x64xi32, #tpu.memory_space<vmem>> -> memref<1x2x64xi32, #tpu.memory_space<vmem>>
        %dma_wait3A_844 = tpu.memref_squeeze %dma_wait3A_843 : memref<1x2x64xi32, #tpu.memory_space<vmem>> -> memref<2x64xi32, #tpu.memory_space<vmem>>
        %dma_wait3A_845 = arith.constant 0 : i32
        %dma_wait3A_846 = arith.constant 0 : i32
        %dma_wait3A_847 = arith.constant 0 : i32
        %dma_wait3A_848 = tpu.memref_slice %arg3[%add3A, %dma_wait3A_845, %dma_wait3A_846, %dma_wait3A_847] : memref<32x160x2x64xi32, #tpu.memory_space<hbm>> -> memref<1x160x2x64xi32, #tpu.memory_space<hbm>>
        %dma_wait3A_849 = tpu.memref_squeeze %dma_wait3A_848 : memref<1x160x2x64xi32, #tpu.memory_space<hbm>> -> memref<160x2x64xi32, #tpu.memory_space<hbm>>
        %dma_wait3A_850 = arith.constant 0 : i32
        %dma_wait3A_851 = arith.constant 0 : i32
        %dma_wait3A_852 = tpu.memref_slice %dma_wait3A_849[%add3A_740, %dma_wait3A_850, %dma_wait3A_851] : memref<160x2x64xi32, #tpu.memory_space<hbm>> -> memref<1x2x64xi32, #tpu.memory_space<hbm>>
        %dma_wait3A_853 = tpu.memref_squeeze %dma_wait3A_852 : memref<1x2x64xi32, #tpu.memory_space<hbm>> -> memref<2x64xi32, #tpu.memory_space<hbm>>
        %dma_wait3A_854 = tpu.memref_slice %arg9[%select_n3A_840] : memref<8x!tpu.dma_semaphore, #tpu.memory_space<semaphore_mem>> -> memref<1x!tpu.dma_semaphore, #tpu.memory_space<semaphore_mem>>
        %dma_wait3A_855 = tpu.memref_squeeze %dma_wait3A_854 : memref<1x!tpu.dma_semaphore, #tpu.memory_space<semaphore_mem>> -> memref<!tpu.dma_semaphore, #tpu.memory_space<semaphore_mem>>
        %dma_wait3A_856 = arith.constant 0 : i32
        %dma_wait3A_857 = arith.constant 0 : i32
        %dma_wait3A_858 = tpu.memref_slice %arg6[%select_n3A_840, %dma_wait3A_856, %dma_wait3A_857] : memref<8x2x64xi32, #tpu.memory_space<vmem>> -> memref<1x2x64xi32, #tpu.memory_space<vmem>>
        %dma_wait3A_859 = tpu.memref_squeeze %dma_wait3A_858 : memref<1x2x64xi32, #tpu.memory_space<vmem>> -> memref<2x64xi32, #tpu.memory_space<vmem>>
        %dma_wait3A_860 = arith.constant 0 : i32
        %dma_wait3A_861 = arith.constant 0 : i32
        %dma_wait3A_862 = arith.constant 0 : i32
        %dma_wait3A_863 = tpu.memref_slice %arg3[%add3A, %dma_wait3A_860, %dma_wait3A_861, %dma_wait3A_862] : memref<32x160x2x64xi32, #tpu.memory_space<hbm>> -> memref<1x160x2x64xi32, #tpu.memory_space<hbm>>
        %dma_wait3A_864 = tpu.memref_squeeze %dma_wait3A_863 : memref<1x160x2x64xi32, #tpu.memory_space<hbm>> -> memref<160x2x64xi32, #tpu.memory_space<hbm>>
        %dma_wait3A_865 = arith.constant 0 : i32
        %dma_wait3A_866 = arith.constant 0 : i32
        %dma_wait3A_867 = tpu.memref_slice %dma_wait3A_864[%add3A_740, %dma_wait3A_865, %dma_wait3A_866] : memref<160x2x64xi32, #tpu.memory_space<hbm>> -> memref<1x2x64xi32, #tpu.memory_space<hbm>>
        %dma_wait3A_868 = tpu.memref_squeeze %dma_wait3A_867 : memref<1x2x64xi32, #tpu.memory_space<hbm>> -> memref<2x64xi32, #tpu.memory_space<hbm>>
        tpu.wait_dma2 semaphore(%dma_wait3A_855 : memref<!tpu.dma_semaphore, #tpu.memory_space<semaphore_mem>>) src(%dma_wait3A_868 : memref<2x64xi32, #tpu.memory_space<hbm>>) dst(%dma_wait3A_859 : memref<2x64xi32, #tpu.memory_space<vmem>>)
        %dma_wait3A_869 = arith.constant 2 : i32
        %dma_wait3A_870 = arith.constant 1 : i32
        %dma_wait3A_871 = arith.constant 2 : i32
        %dma_wait3A_872 = arith.constant 0 : i32
        %dma_wait3A_873 = arith.constant 0 : i32
        %dma_wait3A_874 = tpu.memref_slice %arg7[%dma_wait3A_869, %dma_wait3A_872, %dma_wait3A_873] : memref<4x64x128xf32, #tpu.memory_space<vmem>> -> memref<1x64x128xf32, #tpu.memory_space<vmem>>
        %dma_wait3A_875 = tpu.memref_squeeze %dma_wait3A_874 : memref<1x64x128xf32, #tpu.memory_space<vmem>> -> memref<64x128xf32, #tpu.memory_space<vmem>>
        %dma_wait3A_876 = arith.constant 0 : i32
        %dma_wait3A_877 = arith.constant 0 : i32
        %dma_wait3A_878 = tpu.memref_slice %arg6[%select_n3A_700, %dma_wait3A_876, %dma_wait3A_877] : memref<8x2x64xi32, #tpu.memory_space<vmem>> -> memref<1x2x64xi32, #tpu.memory_space<vmem>>
        %dma_wait3A_879 = tpu.memref_squeeze %dma_wait3A_878 : memref<1x2x64xi32, #tpu.memory_space<vmem>> -> memref<2x64xi32, #tpu.memory_space<vmem>>
        %dma_wait3A_880 = arith.constant 0 : i32
        %dma_wait3A_881 = tpu.memref_slice %dma_wait3A_879[%dma_wait3A_870, %dma_wait3A_880] : memref<2x64xi32, #tpu.memory_space<vmem>> -> memref<1x64xi32, #tpu.memory_space<vmem>>
        %dma_wait3A_882 = tpu.memref_squeeze %dma_wait3A_881 : memref<1x64xi32, #tpu.memory_space<vmem>> -> memref<64xi32, #tpu.memory_space<vmem>>
        %dma_wait3A_883 = arith.constant 0 : i32
        %dma_wait3A_884 = arith.constant 0 : i32
        %dma_wait3A_885 = tpu.memref_slice %arg8[%dma_wait3A_883, %dma_wait3A_884] : memref<10112x128xf32, #tpu.memory_space<vmem_shared>> -> memref<10112x128xf32, #tpu.memory_space<vmem_shared>>
        %dma_wait3A_886 = tpu.memref_slice %arg11[%dma_wait3A_871] : memref<4x!tpu.dma_semaphore, #tpu.memory_space<semaphore_mem>> -> memref<1x!tpu.dma_semaphore, #tpu.memory_space<semaphore_mem>>
        %dma_wait3A_887 = tpu.memref_squeeze %dma_wait3A_886 : memref<1x!tpu.dma_semaphore, #tpu.memory_space<semaphore_mem>> -> memref<!tpu.dma_semaphore, #tpu.memory_space<semaphore_mem>>
        tpu.wait_indirect_dma semaphore(%dma_wait3A_887 : memref<!tpu.dma_semaphore, #tpu.memory_space<semaphore_mem>>) src(%dma_wait3A_875 : memref<64x128xf32, #tpu.memory_space<vmem>>) dst(%dma_wait3A_885 : memref<10112x128xf32, #tpu.memory_space<vmem_shared>>)
        %dma_start3A_888 = arith.constant 0 : i32
        %dma_start3A_889 = arith.constant 2 : i32
        %dma_start3A_890 = arith.constant 2 : i32
        %dma_start3A_891 = arith.constant 0 : i32
        %dma_start3A_892 = arith.constant 0 : i32
        %dma_start3A_893 = tpu.memref_slice %arg7[%dma_start3A_889, %dma_start3A_891, %dma_start3A_892] : memref<4x64x128xf32, #tpu.memory_space<vmem>> -> memref<1x64x128xf32, #tpu.memory_space<vmem>>
        %dma_start3A_894 = tpu.memref_squeeze %dma_start3A_893 : memref<1x64x128xf32, #tpu.memory_space<vmem>> -> memref<64x128xf32, #tpu.memory_space<vmem>>
        %dma_start3A_895 = arith.constant 0 : i32
        %dma_start3A_896 = arith.constant 0 : i32
        %dma_start3A_897 = tpu.memref_slice %arg6[%select_n3A_840, %dma_start3A_895, %dma_start3A_896] : memref<8x2x64xi32, #tpu.memory_space<vmem>> -> memref<1x2x64xi32, #tpu.memory_space<vmem>>
        %dma_start3A_898 = tpu.memref_squeeze %dma_start3A_897 : memref<1x2x64xi32, #tpu.memory_space<vmem>> -> memref<2x64xi32, #tpu.memory_space<vmem>>
        %dma_start3A_899 = arith.constant 0 : i32
        %dma_start3A_900 = tpu.memref_slice %dma_start3A_898[%dma_start3A_888, %dma_start3A_899] : memref<2x64xi32, #tpu.memory_space<vmem>> -> memref<1x64xi32, #tpu.memory_space<vmem>>
        %dma_start3A_901 = tpu.memref_squeeze %dma_start3A_900 : memref<1x64xi32, #tpu.memory_space<vmem>> -> memref<64xi32, #tpu.memory_space<vmem>>
        %dma_start3A_902 = arith.constant 0 : i32
        %dma_start3A_903 = arith.constant 0 : i32
        %dma_start3A_904 = tpu.memref_slice %arg2[%dma_start3A_902, %dma_start3A_903] : memref<10000x128xf32, #tpu.memory_space<hbm>> -> memref<10000x128xf32, #tpu.memory_space<hbm>>
        %dma_start3A_905 = tpu.memref_slice %arg10[%dma_start3A_890] : memref<4x!tpu.dma_semaphore, #tpu.memory_space<semaphore_mem>> -> memref<1x!tpu.dma_semaphore, #tpu.memory_space<semaphore_mem>>
        %dma_start3A_906 = tpu.memref_squeeze %dma_start3A_905 : memref<1x!tpu.dma_semaphore, #tpu.memory_space<semaphore_mem>> -> memref<!tpu.dma_semaphore, #tpu.memory_space<semaphore_mem>>
        tpu.enqueue_indirect_dma source(%dma_start3A_904 : memref<10000x128xf32, #tpu.memory_space<hbm>>) target(%dma_start3A_894 : memref<64x128xf32, #tpu.memory_space<vmem>>) offsets(%dma_start3A_901 : memref<64xi32, #tpu.memory_space<vmem>>) semaphore(%dma_start3A_906 : memref<!tpu.dma_semaphore, #tpu.memory_space<semaphore_mem>>)
      } else {
      }
      %add3A_746 = arith.constant 8 : i32
      %add3A_747 = arith.addi %add3A_684, %add3A_746 : i32
      %lt3A_748 = arith.constant 160 : i32
      %lt3A_749 = arith.cmpi slt, %add3A_747, %lt3A_748 : i32
      %convert_element_type3A_750 = arith.extui %lt3A_749 : i1 to i32
      %cond3A_751 = arith.constant 0 : i32
      %cond3A_752 = arith.cmpi ne, %convert_element_type3A_750, %cond3A_751 : i32
      scf.if %cond3A_752 {
        %dma_start3A_825 = arith.constant 0 : i32
        %dma_start3A_826 = arith.constant 0 : i32
        %dma_start3A_827 = tpu.memref_slice %arg6[%select_n3A_700, %dma_start3A_825, %dma_start3A_826] : memref<8x2x64xi32, #tpu.memory_space<vmem>> -> memref<1x2x64xi32, #tpu.memory_space<vmem>>
        %dma_start3A_828 = tpu.memref_squeeze %dma_start3A_827 : memref<1x2x64xi32, #tpu.memory_space<vmem>> -> memref<2x64xi32, #tpu.memory_space<vmem>>
        %dma_start3A_829 = arith.constant 0 : i32
        %dma_start3A_830 = arith.constant 0 : i32
        %dma_start3A_831 = arith.constant 0 : i32
        %dma_start3A_832 = tpu.memref_slice %arg3[%add3A, %dma_start3A_829, %dma_start3A_830, %dma_start3A_831] : memref<32x160x2x64xi32, #tpu.memory_space<hbm>> -> memref<1x160x2x64xi32, #tpu.memory_space<hbm>>
        %dma_start3A_833 = tpu.memref_squeeze %dma_start3A_832 : memref<1x160x2x64xi32, #tpu.memory_space<hbm>> -> memref<160x2x64xi32, #tpu.memory_space<hbm>>
        %dma_start3A_834 = arith.constant 0 : i32
        %dma_start3A_835 = arith.constant 0 : i32
        %dma_start3A_836 = tpu.memref_slice %dma_start3A_833[%add3A_747, %dma_start3A_834, %dma_start3A_835] : memref<160x2x64xi32, #tpu.memory_space<hbm>> -> memref<1x2x64xi32, #tpu.memory_space<hbm>>
        %dma_start3A_837 = tpu.memref_squeeze %dma_start3A_836 : memref<1x2x64xi32, #tpu.memory_space<hbm>> -> memref<2x64xi32, #tpu.memory_space<hbm>>
        %dma_start3A_838 = tpu.memref_slice %arg9[%select_n3A_700] : memref<8x!tpu.dma_semaphore, #tpu.memory_space<semaphore_mem>> -> memref<1x!tpu.dma_semaphore, #tpu.memory_space<semaphore_mem>>
        %dma_start3A_839 = tpu.memref_squeeze %dma_start3A_838 : memref<1x!tpu.dma_semaphore, #tpu.memory_space<semaphore_mem>> -> memref<!tpu.dma_semaphore, #tpu.memory_space<semaphore_mem>>
        %dma_start3A_840 = arith.constant 0 : i32
        %dma_start3A_841 = arith.constant 0 : i32
        %dma_start3A_842 = tpu.memref_slice %arg6[%select_n3A_700, %dma_start3A_840, %dma_start3A_841] : memref<8x2x64xi32, #tpu.memory_space<vmem>> -> memref<1x2x64xi32, #tpu.memory_space<vmem>>
        %dma_start3A_843 = tpu.memref_squeeze %dma_start3A_842 : memref<1x2x64xi32, #tpu.memory_space<vmem>> -> memref<2x64xi32, #tpu.memory_space<vmem>>
        %dma_start3A_844 = arith.constant 0 : i32
        %dma_start3A_845 = arith.constant 0 : i32
        %dma_start3A_846 = arith.constant 0 : i32
        %dma_start3A_847 = tpu.memref_slice %arg3[%add3A, %dma_start3A_844, %dma_start3A_845, %dma_start3A_846] : memref<32x160x2x64xi32, #tpu.memory_space<hbm>> -> memref<1x160x2x64xi32, #tpu.memory_space<hbm>>
        %dma_start3A_848 = tpu.memref_squeeze %dma_start3A_847 : memref<1x160x2x64xi32, #tpu.memory_space<hbm>> -> memref<160x2x64xi32, #tpu.memory_space<hbm>>
        %dma_start3A_849 = arith.constant 0 : i32
        %dma_start3A_850 = arith.constant 0 : i32
        %dma_start3A_851 = tpu.memref_slice %dma_start3A_848[%add3A_747, %dma_start3A_849, %dma_start3A_850] : memref<160x2x64xi32, #tpu.memory_space<hbm>> -> memref<1x2x64xi32, #tpu.memory_space<hbm>>
        %dma_start3A_852 = tpu.memref_squeeze %dma_start3A_851 : memref<1x2x64xi32, #tpu.memory_space<hbm>> -> memref<2x64xi32, #tpu.memory_space<hbm>>
        tpu.enqueue_dma source(%dma_start3A_852 : memref<2x64xi32, #tpu.memory_space<hbm>>) target(%dma_start3A_843 : memref<2x64xi32, #tpu.memory_space<vmem>>) target_semaphore(%dma_start3A_839 : memref<!tpu.dma_semaphore, #tpu.memory_space<semaphore_mem>>)
      } else {
      }
      %mul3A_753 = arith.constant 4 : i32
      %mul3A_754 = arith.muli %mul3A_753, %add3A_545 : i32
      %add3A_755 = arith.constant 3 : i32
      %add3A_756 = arith.addi %mul3A_754, %add3A_755 : i32
      %jit3A_757 = arith.constant 8 : i32
      %eq3A_758 = arith.constant 0 : i32
      %eq3A_759 = arith.cmpi eq, %jit3A_757, %eq3A_758 : i32
      %jit3A_760 = arith.constant 1 : i32
      %select_n3A_761 = arith.select %eq3A_759, %jit3A_760, %jit3A_757 : i32
      %rem3A_762 = arith.remsi %add3A_756, %select_n3A_761 : i32
      %ne3A_763 = arith.constant 0 : i32
      %ne3A_764 = arith.cmpi ne, %rem3A_762, %ne3A_763 : i32
      %lt3A_765 = arith.constant 0 : i32
      %lt3A_766 = arith.cmpi slt, %rem3A_762, %lt3A_765 : i32
      %lt3A_767 = arith.constant 0 : i32
      %lt3A_768 = arith.cmpi slt, %select_n3A_761, %lt3A_767 : i32
      %ne3A_769 = arith.xori %lt3A_766, %lt3A_768 : i1
      %and3A_770 = arith.andi %ne3A_769, %ne3A_764 : i1
      %add3A_771 = arith.addi %rem3A_762, %select_n3A_761 : i32
      %select_n3A_772 = arith.select %and3A_770, %add3A_771, %rem3A_762 : i32
      %dma_wait3A_773 = arith.constant 0 : i32
      %dma_wait3A_774 = arith.constant 3 : i32
      %dma_wait3A_775 = arith.constant 3 : i32
      %dma_wait3A_776 = arith.constant 0 : i32
      %dma_wait3A_777 = arith.constant 0 : i32
      %dma_wait3A_778 = tpu.memref_slice %arg7[%dma_wait3A_774, %dma_wait3A_776, %dma_wait3A_777] : memref<4x64x128xf32, #tpu.memory_space<vmem>> -> memref<1x64x128xf32, #tpu.memory_space<vmem>>
      %dma_wait3A_779 = tpu.memref_squeeze %dma_wait3A_778 : memref<1x64x128xf32, #tpu.memory_space<vmem>> -> memref<64x128xf32, #tpu.memory_space<vmem>>
      %dma_wait3A_780 = arith.constant 0 : i32
      %dma_wait3A_781 = arith.constant 0 : i32
      %dma_wait3A_782 = tpu.memref_slice %arg6[%select_n3A_772, %dma_wait3A_780, %dma_wait3A_781] : memref<8x2x64xi32, #tpu.memory_space<vmem>> -> memref<1x2x64xi32, #tpu.memory_space<vmem>>
      %dma_wait3A_783 = tpu.memref_squeeze %dma_wait3A_782 : memref<1x2x64xi32, #tpu.memory_space<vmem>> -> memref<2x64xi32, #tpu.memory_space<vmem>>
      %dma_wait3A_784 = arith.constant 0 : i32
      %dma_wait3A_785 = tpu.memref_slice %dma_wait3A_783[%dma_wait3A_773, %dma_wait3A_784] : memref<2x64xi32, #tpu.memory_space<vmem>> -> memref<1x64xi32, #tpu.memory_space<vmem>>
      %dma_wait3A_786 = tpu.memref_squeeze %dma_wait3A_785 : memref<1x64xi32, #tpu.memory_space<vmem>> -> memref<64xi32, #tpu.memory_space<vmem>>
      %dma_wait3A_787 = arith.constant 0 : i32
      %dma_wait3A_788 = arith.constant 0 : i32
      %dma_wait3A_789 = tpu.memref_slice %arg2[%dma_wait3A_787, %dma_wait3A_788] : memref<10000x128xf32, #tpu.memory_space<hbm>> -> memref<10000x128xf32, #tpu.memory_space<hbm>>
      %dma_wait3A_790 = tpu.memref_slice %arg10[%dma_wait3A_775] : memref<4x!tpu.dma_semaphore, #tpu.memory_space<semaphore_mem>> -> memref<1x!tpu.dma_semaphore, #tpu.memory_space<semaphore_mem>>
      %dma_wait3A_791 = tpu.memref_squeeze %dma_wait3A_790 : memref<1x!tpu.dma_semaphore, #tpu.memory_space<semaphore_mem>> -> memref<!tpu.dma_semaphore, #tpu.memory_space<semaphore_mem>>
      tpu.wait_indirect_dma semaphore(%dma_wait3A_791 : memref<!tpu.dma_semaphore, #tpu.memory_space<semaphore_mem>>) src(%dma_wait3A_789 : memref<10000x128xf32, #tpu.memory_space<hbm>>) dst(%dma_wait3A_779 : memref<64x128xf32, #tpu.memory_space<vmem>>)
      %dma_start3A_792 = arith.constant 3 : i32
      %dma_start3A_793 = arith.constant 1 : i32
      %dma_start3A_794 = arith.constant 3 : i32
      %dma_start3A_795 = arith.constant 0 : i32
      %dma_start3A_796 = arith.constant 0 : i32
      %dma_start3A_797 = tpu.memref_slice %arg7[%dma_start3A_792, %dma_start3A_795, %dma_start3A_796] : memref<4x64x128xf32, #tpu.memory_space<vmem>> -> memref<1x64x128xf32, #tpu.memory_space<vmem>>
      %dma_start3A_798 = tpu.memref_squeeze %dma_start3A_797 : memref<1x64x128xf32, #tpu.memory_space<vmem>> -> memref<64x128xf32, #tpu.memory_space<vmem>>
      %dma_start3A_799 = arith.constant 0 : i32
      %dma_start3A_800 = arith.constant 0 : i32
      %dma_start3A_801 = tpu.memref_slice %arg6[%select_n3A_772, %dma_start3A_799, %dma_start3A_800] : memref<8x2x64xi32, #tpu.memory_space<vmem>> -> memref<1x2x64xi32, #tpu.memory_space<vmem>>
      %dma_start3A_802 = tpu.memref_squeeze %dma_start3A_801 : memref<1x2x64xi32, #tpu.memory_space<vmem>> -> memref<2x64xi32, #tpu.memory_space<vmem>>
      %dma_start3A_803 = arith.constant 0 : i32
      %dma_start3A_804 = tpu.memref_slice %dma_start3A_802[%dma_start3A_793, %dma_start3A_803] : memref<2x64xi32, #tpu.memory_space<vmem>> -> memref<1x64xi32, #tpu.memory_space<vmem>>
      %dma_start3A_805 = tpu.memref_squeeze %dma_start3A_804 : memref<1x64xi32, #tpu.memory_space<vmem>> -> memref<64xi32, #tpu.memory_space<vmem>>
      %dma_start3A_806 = arith.constant 0 : i32
      %dma_start3A_807 = arith.constant 0 : i32
      %dma_start3A_808 = tpu.memref_slice %arg8[%dma_start3A_806, %dma_start3A_807] : memref<10112x128xf32, #tpu.memory_space<vmem_shared>> -> memref<10112x128xf32, #tpu.memory_space<vmem_shared>>
      %dma_start3A_809 = tpu.memref_slice %arg11[%dma_start3A_794] : memref<4x!tpu.dma_semaphore, #tpu.memory_space<semaphore_mem>> -> memref<1x!tpu.dma_semaphore, #tpu.memory_space<semaphore_mem>>
      %dma_start3A_810 = tpu.memref_squeeze %dma_start3A_809 : memref<1x!tpu.dma_semaphore, #tpu.memory_space<semaphore_mem>> -> memref<!tpu.dma_semaphore, #tpu.memory_space<semaphore_mem>>
      tpu.enqueue_indirect_dma source(%dma_start3A_798 : memref<64x128xf32, #tpu.memory_space<vmem>>) target(%dma_start3A_808 : memref<10112x128xf32, #tpu.memory_space<vmem_shared>>) offsets(%dma_start3A_805 : memref<64xi32, #tpu.memory_space<vmem>>) semaphore(%dma_start3A_810 : memref<!tpu.dma_semaphore, #tpu.memory_space<semaphore_mem>>) {add = true}
      %add3A_811 = arith.constant 4 : i32
      %add3A_812 = arith.addi %add3A_756, %add3A_811 : i32
      %lt3A_813 = arith.constant 160 : i32
      %lt3A_814 = arith.cmpi slt, %add3A_812, %lt3A_813 : i32
      %convert_element_type3A_815 = arith.extui %lt3A_814 : i1 to i32
      %cond3A_816 = arith.constant 0 : i32
      %cond3A_817 = arith.cmpi ne, %convert_element_type3A_815, %cond3A_816 : i32
      scf.if %cond3A_817 {
        %jit3A_825 = arith.constant 8 : i32
        %eq3A_826 = arith.constant 0 : i32
        %eq3A_827 = arith.cmpi eq, %jit3A_825, %eq3A_826 : i32
        %jit3A_828 = arith.constant 1 : i32
        %select_n3A_829 = arith.select %eq3A_827, %jit3A_828, %jit3A_825 : i32
        %rem3A_830 = arith.remsi %add3A_812, %select_n3A_829 : i32
        %ne3A_831 = arith.constant 0 : i32
        %ne3A_832 = arith.cmpi ne, %rem3A_830, %ne3A_831 : i32
        %lt3A_833 = arith.constant 0 : i32
        %lt3A_834 = arith.cmpi slt, %rem3A_830, %lt3A_833 : i32
        %lt3A_835 = arith.constant 0 : i32
        %lt3A_836 = arith.cmpi slt, %select_n3A_829, %lt3A_835 : i32
        %ne3A_837 = arith.xori %lt3A_834, %lt3A_836 : i1
        %and3A_838 = arith.andi %ne3A_837, %ne3A_832 : i1
        %add3A_839 = arith.addi %rem3A_830, %select_n3A_829 : i32
        %select_n3A_840 = arith.select %and3A_838, %add3A_839, %rem3A_830 : i32
        %dma_wait3A_841 = arith.constant 0 : i32
        %dma_wait3A_842 = arith.constant 0 : i32
        %dma_wait3A_843 = tpu.memref_slice %arg6[%select_n3A_840, %dma_wait3A_841, %dma_wait3A_842] : memref<8x2x64xi32, #tpu.memory_space<vmem>> -> memref<1x2x64xi32, #tpu.memory_space<vmem>>
        %dma_wait3A_844 = tpu.memref_squeeze %dma_wait3A_843 : memref<1x2x64xi32, #tpu.memory_space<vmem>> -> memref<2x64xi32, #tpu.memory_space<vmem>>
        %dma_wait3A_845 = arith.constant 0 : i32
        %dma_wait3A_846 = arith.constant 0 : i32
        %dma_wait3A_847 = arith.constant 0 : i32
        %dma_wait3A_848 = tpu.memref_slice %arg3[%add3A, %dma_wait3A_845, %dma_wait3A_846, %dma_wait3A_847] : memref<32x160x2x64xi32, #tpu.memory_space<hbm>> -> memref<1x160x2x64xi32, #tpu.memory_space<hbm>>
        %dma_wait3A_849 = tpu.memref_squeeze %dma_wait3A_848 : memref<1x160x2x64xi32, #tpu.memory_space<hbm>> -> memref<160x2x64xi32, #tpu.memory_space<hbm>>
        %dma_wait3A_850 = arith.constant 0 : i32
        %dma_wait3A_851 = arith.constant 0 : i32
        %dma_wait3A_852 = tpu.memref_slice %dma_wait3A_849[%add3A_812, %dma_wait3A_850, %dma_wait3A_851] : memref<160x2x64xi32, #tpu.memory_space<hbm>> -> memref<1x2x64xi32, #tpu.memory_space<hbm>>
        %dma_wait3A_853 = tpu.memref_squeeze %dma_wait3A_852 : memref<1x2x64xi32, #tpu.memory_space<hbm>> -> memref<2x64xi32, #tpu.memory_space<hbm>>
        %dma_wait3A_854 = tpu.memref_slice %arg9[%select_n3A_840] : memref<8x!tpu.dma_semaphore, #tpu.memory_space<semaphore_mem>> -> memref<1x!tpu.dma_semaphore, #tpu.memory_space<semaphore_mem>>
        %dma_wait3A_855 = tpu.memref_squeeze %dma_wait3A_854 : memref<1x!tpu.dma_semaphore, #tpu.memory_space<semaphore_mem>> -> memref<!tpu.dma_semaphore, #tpu.memory_space<semaphore_mem>>
        %dma_wait3A_856 = arith.constant 0 : i32
        %dma_wait3A_857 = arith.constant 0 : i32
        %dma_wait3A_858 = tpu.memref_slice %arg6[%select_n3A_840, %dma_wait3A_856, %dma_wait3A_857] : memref<8x2x64xi32, #tpu.memory_space<vmem>> -> memref<1x2x64xi32, #tpu.memory_space<vmem>>
        %dma_wait3A_859 = tpu.memref_squeeze %dma_wait3A_858 : memref<1x2x64xi32, #tpu.memory_space<vmem>> -> memref<2x64xi32, #tpu.memory_space<vmem>>
        %dma_wait3A_860 = arith.constant 0 : i32
        %dma_wait3A_861 = arith.constant 0 : i32
        %dma_wait3A_862 = arith.constant 0 : i32
        %dma_wait3A_863 = tpu.memref_slice %arg3[%add3A, %dma_wait3A_860, %dma_wait3A_861, %dma_wait3A_862] : memref<32x160x2x64xi32, #tpu.memory_space<hbm>> -> memref<1x160x2x64xi32, #tpu.memory_space<hbm>>
        %dma_wait3A_864 = tpu.memref_squeeze %dma_wait3A_863 : memref<1x160x2x64xi32, #tpu.memory_space<hbm>> -> memref<160x2x64xi32, #tpu.memory_space<hbm>>
        %dma_wait3A_865 = arith.constant 0 : i32
        %dma_wait3A_866 = arith.constant 0 : i32
        %dma_wait3A_867 = tpu.memref_slice %dma_wait3A_864[%add3A_812, %dma_wait3A_865, %dma_wait3A_866] : memref<160x2x64xi32, #tpu.memory_space<hbm>> -> memref<1x2x64xi32, #tpu.memory_space<hbm>>
        %dma_wait3A_868 = tpu.memref_squeeze %dma_wait3A_867 : memref<1x2x64xi32, #tpu.memory_space<hbm>> -> memref<2x64xi32, #tpu.memory_space<hbm>>
        tpu.wait_dma2 semaphore(%dma_wait3A_855 : memref<!tpu.dma_semaphore, #tpu.memory_space<semaphore_mem>>) src(%dma_wait3A_868 : memref<2x64xi32, #tpu.memory_space<hbm>>) dst(%dma_wait3A_859 : memref<2x64xi32, #tpu.memory_space<vmem>>)
        %dma_wait3A_869 = arith.constant 3 : i32
        %dma_wait3A_870 = arith.constant 1 : i32
        %dma_wait3A_871 = arith.constant 3 : i32
        %dma_wait3A_872 = arith.constant 0 : i32
        %dma_wait3A_873 = arith.constant 0 : i32
        %dma_wait3A_874 = tpu.memref_slice %arg7[%dma_wait3A_869, %dma_wait3A_872, %dma_wait3A_873] : memref<4x64x128xf32, #tpu.memory_space<vmem>> -> memref<1x64x128xf32, #tpu.memory_space<vmem>>
        %dma_wait3A_875 = tpu.memref_squeeze %dma_wait3A_874 : memref<1x64x128xf32, #tpu.memory_space<vmem>> -> memref<64x128xf32, #tpu.memory_space<vmem>>
        %dma_wait3A_876 = arith.constant 0 : i32
        %dma_wait3A_877 = arith.constant 0 : i32
        %dma_wait3A_878 = tpu.memref_slice %arg6[%select_n3A_772, %dma_wait3A_876, %dma_wait3A_877] : memref<8x2x64xi32, #tpu.memory_space<vmem>> -> memref<1x2x64xi32, #tpu.memory_space<vmem>>
        %dma_wait3A_879 = tpu.memref_squeeze %dma_wait3A_878 : memref<1x2x64xi32, #tpu.memory_space<vmem>> -> memref<2x64xi32, #tpu.memory_space<vmem>>
        %dma_wait3A_880 = arith.constant 0 : i32
        %dma_wait3A_881 = tpu.memref_slice %dma_wait3A_879[%dma_wait3A_870, %dma_wait3A_880] : memref<2x64xi32, #tpu.memory_space<vmem>> -> memref<1x64xi32, #tpu.memory_space<vmem>>
        %dma_wait3A_882 = tpu.memref_squeeze %dma_wait3A_881 : memref<1x64xi32, #tpu.memory_space<vmem>> -> memref<64xi32, #tpu.memory_space<vmem>>
        %dma_wait3A_883 = arith.constant 0 : i32
        %dma_wait3A_884 = arith.constant 0 : i32
        %dma_wait3A_885 = tpu.memref_slice %arg8[%dma_wait3A_883, %dma_wait3A_884] : memref<10112x128xf32, #tpu.memory_space<vmem_shared>> -> memref<10112x128xf32, #tpu.memory_space<vmem_shared>>
        %dma_wait3A_886 = tpu.memref_slice %arg11[%dma_wait3A_871] : memref<4x!tpu.dma_semaphore, #tpu.memory_space<semaphore_mem>> -> memref<1x!tpu.dma_semaphore, #tpu.memory_space<semaphore_mem>>
        %dma_wait3A_887 = tpu.memref_squeeze %dma_wait3A_886 : memref<1x!tpu.dma_semaphore, #tpu.memory_space<semaphore_mem>> -> memref<!tpu.dma_semaphore, #tpu.memory_space<semaphore_mem>>
        tpu.wait_indirect_dma semaphore(%dma_wait3A_887 : memref<!tpu.dma_semaphore, #tpu.memory_space<semaphore_mem>>) src(%dma_wait3A_875 : memref<64x128xf32, #tpu.memory_space<vmem>>) dst(%dma_wait3A_885 : memref<10112x128xf32, #tpu.memory_space<vmem_shared>>)
        %dma_start3A_888 = arith.constant 0 : i32
        %dma_start3A_889 = arith.constant 3 : i32
        %dma_start3A_890 = arith.constant 3 : i32
        %dma_start3A_891 = arith.constant 0 : i32
        %dma_start3A_892 = arith.constant 0 : i32
        %dma_start3A_893 = tpu.memref_slice %arg7[%dma_start3A_889, %dma_start3A_891, %dma_start3A_892] : memref<4x64x128xf32, #tpu.memory_space<vmem>> -> memref<1x64x128xf32, #tpu.memory_space<vmem>>
        %dma_start3A_894 = tpu.memref_squeeze %dma_start3A_893 : memref<1x64x128xf32, #tpu.memory_space<vmem>> -> memref<64x128xf32, #tpu.memory_space<vmem>>
        %dma_start3A_895 = arith.constant 0 : i32
        %dma_start3A_896 = arith.constant 0 : i32
        %dma_start3A_897 = tpu.memref_slice %arg6[%select_n3A_840, %dma_start3A_895, %dma_start3A_896] : memref<8x2x64xi32, #tpu.memory_space<vmem>> -> memref<1x2x64xi32, #tpu.memory_space<vmem>>
        %dma_start3A_898 = tpu.memref_squeeze %dma_start3A_897 : memref<1x2x64xi32, #tpu.memory_space<vmem>> -> memref<2x64xi32, #tpu.memory_space<vmem>>
        %dma_start3A_899 = arith.constant 0 : i32
        %dma_start3A_900 = tpu.memref_slice %dma_start3A_898[%dma_start3A_888, %dma_start3A_899] : memref<2x64xi32, #tpu.memory_space<vmem>> -> memref<1x64xi32, #tpu.memory_space<vmem>>
        %dma_start3A_901 = tpu.memref_squeeze %dma_start3A_900 : memref<1x64xi32, #tpu.memory_space<vmem>> -> memref<64xi32, #tpu.memory_space<vmem>>
        %dma_start3A_902 = arith.constant 0 : i32
        %dma_start3A_903 = arith.constant 0 : i32
        %dma_start3A_904 = tpu.memref_slice %arg2[%dma_start3A_902, %dma_start3A_903] : memref<10000x128xf32, #tpu.memory_space<hbm>> -> memref<10000x128xf32, #tpu.memory_space<hbm>>
        %dma_start3A_905 = tpu.memref_slice %arg10[%dma_start3A_890] : memref<4x!tpu.dma_semaphore, #tpu.memory_space<semaphore_mem>> -> memref<1x!tpu.dma_semaphore, #tpu.memory_space<semaphore_mem>>
        %dma_start3A_906 = tpu.memref_squeeze %dma_start3A_905 : memref<1x!tpu.dma_semaphore, #tpu.memory_space<semaphore_mem>> -> memref<!tpu.dma_semaphore, #tpu.memory_space<semaphore_mem>>
        tpu.enqueue_indirect_dma source(%dma_start3A_904 : memref<10000x128xf32, #tpu.memory_space<hbm>>) target(%dma_start3A_894 : memref<64x128xf32, #tpu.memory_space<vmem>>) offsets(%dma_start3A_901 : memref<64xi32, #tpu.memory_space<vmem>>) semaphore(%dma_start3A_906 : memref<!tpu.dma_semaphore, #tpu.memory_space<semaphore_mem>>)
      } else {
      }
      %add3A_818 = arith.constant 8 : i32
      %add3A_819 = arith.addi %add3A_756, %add3A_818 : i32
      %lt3A_820 = arith.constant 160 : i32
      %lt3A_821 = arith.cmpi slt, %add3A_819, %lt3A_820 : i32
      %convert_element_type3A_822 = arith.extui %lt3A_821 : i1 to i32
      %cond3A_823 = arith.constant 0 : i32
      %cond3A_824 = arith.cmpi ne, %convert_element_type3A_822, %cond3A_823 : i32
      scf.if %cond3A_824 {
        %dma_start3A_825 = arith.constant 0 : i32
        %dma_start3A_826 = arith.constant 0 : i32
        %dma_start3A_827 = tpu.memref_slice %arg6[%select_n3A_772, %dma_start3A_825, %dma_start3A_826] : memref<8x2x64xi32, #tpu.memory_space<vmem>> -> memref<1x2x64xi32, #tpu.memory_space<vmem>>
        %dma_start3A_828 = tpu.memref_squeeze %dma_start3A_827 : memref<1x2x64xi32, #tpu.memory_space<vmem>> -> memref<2x64xi32, #tpu.memory_space<vmem>>
        %dma_start3A_829 = arith.constant 0 : i32
        %dma_start3A_830 = arith.constant 0 : i32
        %dma_start3A_831 = arith.constant 0 : i32
        %dma_start3A_832 = tpu.memref_slice %arg3[%add3A, %dma_start3A_829, %dma_start3A_830, %dma_start3A_831] : memref<32x160x2x64xi32, #tpu.memory_space<hbm>> -> memref<1x160x2x64xi32, #tpu.memory_space<hbm>>
        %dma_start3A_833 = tpu.memref_squeeze %dma_start3A_832 : memref<1x160x2x64xi32, #tpu.memory_space<hbm>> -> memref<160x2x64xi32, #tpu.memory_space<hbm>>
        %dma_start3A_834 = arith.constant 0 : i32
        %dma_start3A_835 = arith.constant 0 : i32
        %dma_start3A_836 = tpu.memref_slice %dma_start3A_833[%add3A_819, %dma_start3A_834, %dma_start3A_835] : memref<160x2x64xi32, #tpu.memory_space<hbm>> -> memref<1x2x64xi32, #tpu.memory_space<hbm>>
        %dma_start3A_837 = tpu.memref_squeeze %dma_start3A_836 : memref<1x2x64xi32, #tpu.memory_space<hbm>> -> memref<2x64xi32, #tpu.memory_space<hbm>>
        %dma_start3A_838 = tpu.memref_slice %arg9[%select_n3A_772] : memref<8x!tpu.dma_semaphore, #tpu.memory_space<semaphore_mem>> -> memref<1x!tpu.dma_semaphore, #tpu.memory_space<semaphore_mem>>
        %dma_start3A_839 = tpu.memref_squeeze %dma_start3A_838 : memref<1x!tpu.dma_semaphore, #tpu.memory_space<semaphore_mem>> -> memref<!tpu.dma_semaphore, #tpu.memory_space<semaphore_mem>>
        %dma_start3A_840 = arith.constant 0 : i32
        %dma_start3A_841 = arith.constant 0 : i32
        %dma_start3A_842 = tpu.memref_slice %arg6[%select_n3A_772, %dma_start3A_840, %dma_start3A_841] : memref<8x2x64xi32, #tpu.memory_space<vmem>> -> memref<1x2x64xi32, #tpu.memory_space<vmem>>
        %dma_start3A_843 = tpu.memref_squeeze %dma_start3A_842 : memref<1x2x64xi32, #tpu.memory_space<vmem>> -> memref<2x64xi32, #tpu.memory_space<vmem>>
        %dma_start3A_844 = arith.constant 0 : i32
        %dma_start3A_845 = arith.constant 0 : i32
        %dma_start3A_846 = arith.constant 0 : i32
        %dma_start3A_847 = tpu.memref_slice %arg3[%add3A, %dma_start3A_844, %dma_start3A_845, %dma_start3A_846] : memref<32x160x2x64xi32, #tpu.memory_space<hbm>> -> memref<1x160x2x64xi32, #tpu.memory_space<hbm>>
        %dma_start3A_848 = tpu.memref_squeeze %dma_start3A_847 : memref<1x160x2x64xi32, #tpu.memory_space<hbm>> -> memref<160x2x64xi32, #tpu.memory_space<hbm>>
        %dma_start3A_849 = arith.constant 0 : i32
        %dma_start3A_850 = arith.constant 0 : i32
        %dma_start3A_851 = tpu.memref_slice %dma_start3A_848[%add3A_819, %dma_start3A_849, %dma_start3A_850] : memref<160x2x64xi32, #tpu.memory_space<hbm>> -> memref<1x2x64xi32, #tpu.memory_space<hbm>>
        %dma_start3A_852 = tpu.memref_squeeze %dma_start3A_851 : memref<1x2x64xi32, #tpu.memory_space<hbm>> -> memref<2x64xi32, #tpu.memory_space<hbm>>
        tpu.enqueue_dma source(%dma_start3A_852 : memref<2x64xi32, #tpu.memory_space<hbm>>) target(%dma_start3A_843 : memref<2x64xi32, #tpu.memory_space<vmem>>) target_semaphore(%dma_start3A_839 : memref<!tpu.dma_semaphore, #tpu.memory_space<semaphore_mem>>)
      } else {
      }
    }
    %scan3A_456 = arith.constant 40 : i32
    %dma_wait3A_457 = arith.constant 0 : i32
    %dma_wait3A_458 = arith.constant 4 : i32
    %dma_wait3A_459 = arith.constant 1 : i32
    %dma_wait3A_460 = arith.constant 0 : i32
    %dma_wait3A_461 = arith.constant 0 : i32
    %dma_wait3A_462 = arith.constant 0 : i32
    %dma_wait3A_463 = tpu.memref_slice %arg7[%dma_wait3A_457, %dma_wait3A_461, %dma_wait3A_462] : memref<4x64x128xf32, #tpu.memory_space<vmem>> -> memref<1x64x128xf32, #tpu.memory_space<vmem>>
    %dma_wait3A_464 = tpu.memref_squeeze %dma_wait3A_463 : memref<1x64x128xf32, #tpu.memory_space<vmem>> -> memref<64x128xf32, #tpu.memory_space<vmem>>
    %dma_wait3A_465 = arith.constant 0 : i32
    %dma_wait3A_466 = arith.constant 0 : i32
    %dma_wait3A_467 = tpu.memref_slice %arg6[%dma_wait3A_458, %dma_wait3A_465, %dma_wait3A_466] : memref<8x2x64xi32, #tpu.memory_space<vmem>> -> memref<1x2x64xi32, #tpu.memory_space<vmem>>
    %dma_wait3A_468 = tpu.memref_squeeze %dma_wait3A_467 : memref<1x2x64xi32, #tpu.memory_space<vmem>> -> memref<2x64xi32, #tpu.memory_space<vmem>>
    %dma_wait3A_469 = arith.constant 0 : i32
    %dma_wait3A_470 = tpu.memref_slice %dma_wait3A_468[%dma_wait3A_459, %dma_wait3A_469] : memref<2x64xi32, #tpu.memory_space<vmem>> -> memref<1x64xi32, #tpu.memory_space<vmem>>
    %dma_wait3A_471 = tpu.memref_squeeze %dma_wait3A_470 : memref<1x64xi32, #tpu.memory_space<vmem>> -> memref<64xi32, #tpu.memory_space<vmem>>
    %dma_wait3A_472 = arith.constant 0 : i32
    %dma_wait3A_473 = arith.constant 0 : i32
    %dma_wait3A_474 = tpu.memref_slice %arg8[%dma_wait3A_472, %dma_wait3A_473] : memref<10112x128xf32, #tpu.memory_space<vmem_shared>> -> memref<10112x128xf32, #tpu.memory_space<vmem_shared>>
    %dma_wait3A_475 = tpu.memref_slice %arg11[%dma_wait3A_460] : memref<4x!tpu.dma_semaphore, #tpu.memory_space<semaphore_mem>> -> memref<1x!tpu.dma_semaphore, #tpu.memory_space<semaphore_mem>>
    %dma_wait3A_476 = tpu.memref_squeeze %dma_wait3A_475 : memref<1x!tpu.dma_semaphore, #tpu.memory_space<semaphore_mem>> -> memref<!tpu.dma_semaphore, #tpu.memory_space<semaphore_mem>>
    tpu.wait_indirect_dma semaphore(%dma_wait3A_476 : memref<!tpu.dma_semaphore, #tpu.memory_space<semaphore_mem>>) src(%dma_wait3A_464 : memref<64x128xf32, #tpu.memory_space<vmem>>) dst(%dma_wait3A_474 : memref<10112x128xf32, #tpu.memory_space<vmem_shared>>)
    %dma_wait3A_477 = arith.constant 1 : i32
    %dma_wait3A_478 = arith.constant 5 : i32
    %dma_wait3A_479 = arith.constant 1 : i32
    %dma_wait3A_480 = arith.constant 1 : i32
    %dma_wait3A_481 = arith.constant 0 : i32
    %dma_wait3A_482 = arith.constant 0 : i32
    %dma_wait3A_483 = tpu.memref_slice %arg7[%dma_wait3A_477, %dma_wait3A_481, %dma_wait3A_482] : memref<4x64x128xf32, #tpu.memory_space<vmem>> -> memref<1x64x128xf32, #tpu.memory_space<vmem>>
    %dma_wait3A_484 = tpu.memref_squeeze %dma_wait3A_483 : memref<1x64x128xf32, #tpu.memory_space<vmem>> -> memref<64x128xf32, #tpu.memory_space<vmem>>
    %dma_wait3A_485 = arith.constant 0 : i32
    %dma_wait3A_486 = arith.constant 0 : i32
    %dma_wait3A_487 = tpu.memref_slice %arg6[%dma_wait3A_478, %dma_wait3A_485, %dma_wait3A_486] : memref<8x2x64xi32, #tpu.memory_space<vmem>> -> memref<1x2x64xi32, #tpu.memory_space<vmem>>
    %dma_wait3A_488 = tpu.memref_squeeze %dma_wait3A_487 : memref<1x2x64xi32, #tpu.memory_space<vmem>> -> memref<2x64xi32, #tpu.memory_space<vmem>>
    %dma_wait3A_489 = arith.constant 0 : i32
    %dma_wait3A_490 = tpu.memref_slice %dma_wait3A_488[%dma_wait3A_479, %dma_wait3A_489] : memref<2x64xi32, #tpu.memory_space<vmem>> -> memref<1x64xi32, #tpu.memory_space<vmem>>
    %dma_wait3A_491 = tpu.memref_squeeze %dma_wait3A_490 : memref<1x64xi32, #tpu.memory_space<vmem>> -> memref<64xi32, #tpu.memory_space<vmem>>
    %dma_wait3A_492 = arith.constant 0 : i32
    %dma_wait3A_493 = arith.constant 0 : i32
    %dma_wait3A_494 = tpu.memref_slice %arg8[%dma_wait3A_492, %dma_wait3A_493] : memref<10112x128xf32, #tpu.memory_space<vmem_shared>> -> memref<10112x128xf32, #tpu.memory_space<vmem_shared>>
    %dma_wait3A_495 = tpu.memref_slice %arg11[%dma_wait3A_480] : memref<4x!tpu.dma_semaphore, #tpu.memory_space<semaphore_mem>> -> memref<1x!tpu.dma_semaphore, #tpu.memory_space<semaphore_mem>>
    %dma_wait3A_496 = tpu.memref_squeeze %dma_wait3A_495 : memref<1x!tpu.dma_semaphore, #tpu.memory_space<semaphore_mem>> -> memref<!tpu.dma_semaphore, #tpu.memory_space<semaphore_mem>>
    tpu.wait_indirect_dma semaphore(%dma_wait3A_496 : memref<!tpu.dma_semaphore, #tpu.memory_space<semaphore_mem>>) src(%dma_wait3A_484 : memref<64x128xf32, #tpu.memory_space<vmem>>) dst(%dma_wait3A_494 : memref<10112x128xf32, #tpu.memory_space<vmem_shared>>)
    %dma_wait3A_497 = arith.constant 2 : i32
    %dma_wait3A_498 = arith.constant 6 : i32
    %dma_wait3A_499 = arith.constant 1 : i32
    %dma_wait3A_500 = arith.constant 2 : i32
    %dma_wait3A_501 = arith.constant 0 : i32
    %dma_wait3A_502 = arith.constant 0 : i32
    %dma_wait3A_503 = tpu.memref_slice %arg7[%dma_wait3A_497, %dma_wait3A_501, %dma_wait3A_502] : memref<4x64x128xf32, #tpu.memory_space<vmem>> -> memref<1x64x128xf32, #tpu.memory_space<vmem>>
    %dma_wait3A_504 = tpu.memref_squeeze %dma_wait3A_503 : memref<1x64x128xf32, #tpu.memory_space<vmem>> -> memref<64x128xf32, #tpu.memory_space<vmem>>
    %dma_wait3A_505 = arith.constant 0 : i32
    %dma_wait3A_506 = arith.constant 0 : i32
    %dma_wait3A_507 = tpu.memref_slice %arg6[%dma_wait3A_498, %dma_wait3A_505, %dma_wait3A_506] : memref<8x2x64xi32, #tpu.memory_space<vmem>> -> memref<1x2x64xi32, #tpu.memory_space<vmem>>
    %dma_wait3A_508 = tpu.memref_squeeze %dma_wait3A_507 : memref<1x2x64xi32, #tpu.memory_space<vmem>> -> memref<2x64xi32, #tpu.memory_space<vmem>>
    %dma_wait3A_509 = arith.constant 0 : i32
    %dma_wait3A_510 = tpu.memref_slice %dma_wait3A_508[%dma_wait3A_499, %dma_wait3A_509] : memref<2x64xi32, #tpu.memory_space<vmem>> -> memref<1x64xi32, #tpu.memory_space<vmem>>
    %dma_wait3A_511 = tpu.memref_squeeze %dma_wait3A_510 : memref<1x64xi32, #tpu.memory_space<vmem>> -> memref<64xi32, #tpu.memory_space<vmem>>
    %dma_wait3A_512 = arith.constant 0 : i32
    %dma_wait3A_513 = arith.constant 0 : i32
    %dma_wait3A_514 = tpu.memref_slice %arg8[%dma_wait3A_512, %dma_wait3A_513] : memref<10112x128xf32, #tpu.memory_space<vmem_shared>> -> memref<10112x128xf32, #tpu.memory_space<vmem_shared>>
    %dma_wait3A_515 = tpu.memref_slice %arg11[%dma_wait3A_500] : memref<4x!tpu.dma_semaphore, #tpu.memory_space<semaphore_mem>> -> memref<1x!tpu.dma_semaphore, #tpu.memory_space<semaphore_mem>>
    %dma_wait3A_516 = tpu.memref_squeeze %dma_wait3A_515 : memref<1x!tpu.dma_semaphore, #tpu.memory_space<semaphore_mem>> -> memref<!tpu.dma_semaphore, #tpu.memory_space<semaphore_mem>>
    tpu.wait_indirect_dma semaphore(%dma_wait3A_516 : memref<!tpu.dma_semaphore, #tpu.memory_space<semaphore_mem>>) src(%dma_wait3A_504 : memref<64x128xf32, #tpu.memory_space<vmem>>) dst(%dma_wait3A_514 : memref<10112x128xf32, #tpu.memory_space<vmem_shared>>)
    %dma_wait3A_517 = arith.constant 3 : i32
    %dma_wait3A_518 = arith.constant 7 : i32
    %dma_wait3A_519 = arith.constant 1 : i32
    %dma_wait3A_520 = arith.constant 3 : i32
    %dma_wait3A_521 = arith.constant 0 : i32
    %dma_wait3A_522 = arith.constant 0 : i32
    %dma_wait3A_523 = tpu.memref_slice %arg7[%dma_wait3A_517, %dma_wait3A_521, %dma_wait3A_522] : memref<4x64x128xf32, #tpu.memory_space<vmem>> -> memref<1x64x128xf32, #tpu.memory_space<vmem>>
    %dma_wait3A_524 = tpu.memref_squeeze %dma_wait3A_523 : memref<1x64x128xf32, #tpu.memory_space<vmem>> -> memref<64x128xf32, #tpu.memory_space<vmem>>
    %dma_wait3A_525 = arith.constant 0 : i32
    %dma_wait3A_526 = arith.constant 0 : i32
    %dma_wait3A_527 = tpu.memref_slice %arg6[%dma_wait3A_518, %dma_wait3A_525, %dma_wait3A_526] : memref<8x2x64xi32, #tpu.memory_space<vmem>> -> memref<1x2x64xi32, #tpu.memory_space<vmem>>
    %dma_wait3A_528 = tpu.memref_squeeze %dma_wait3A_527 : memref<1x2x64xi32, #tpu.memory_space<vmem>> -> memref<2x64xi32, #tpu.memory_space<vmem>>
    %dma_wait3A_529 = arith.constant 0 : i32
    %dma_wait3A_530 = tpu.memref_slice %dma_wait3A_528[%dma_wait3A_519, %dma_wait3A_529] : memref<2x64xi32, #tpu.memory_space<vmem>> -> memref<1x64xi32, #tpu.memory_space<vmem>>
    %dma_wait3A_531 = tpu.memref_squeeze %dma_wait3A_530 : memref<1x64xi32, #tpu.memory_space<vmem>> -> memref<64xi32, #tpu.memory_space<vmem>>
    %dma_wait3A_532 = arith.constant 0 : i32
    %dma_wait3A_533 = arith.constant 0 : i32
    %dma_wait3A_534 = tpu.memref_slice %arg8[%dma_wait3A_532, %dma_wait3A_533] : memref<10112x128xf32, #tpu.memory_space<vmem_shared>> -> memref<10112x128xf32, #tpu.memory_space<vmem_shared>>
    %dma_wait3A_535 = tpu.memref_slice %arg11[%dma_wait3A_520] : memref<4x!tpu.dma_semaphore, #tpu.memory_space<semaphore_mem>> -> memref<1x!tpu.dma_semaphore, #tpu.memory_space<semaphore_mem>>
    %dma_wait3A_536 = tpu.memref_squeeze %dma_wait3A_535 : memref<1x!tpu.dma_semaphore, #tpu.memory_space<semaphore_mem>> -> memref<!tpu.dma_semaphore, #tpu.memory_space<semaphore_mem>>
    tpu.wait_indirect_dma semaphore(%dma_wait3A_536 : memref<!tpu.dma_semaphore, #tpu.memory_space<semaphore_mem>>) src(%dma_wait3A_524 : memref<64x128xf32, #tpu.memory_space<vmem>>) dst(%dma_wait3A_534 : memref<10112x128xf32, #tpu.memory_space<vmem_shared>>)
    %barrier3A_537 = arith.constant 0 : index
    tpu.barrier barrier_id(%barrier3A_537)
    %mul3A_538 = arith.constant 10112 : i32
    %mul3A_539 = arith.muli %arg0, %mul3A_538 : i32
    %add3A_540 = arith.addi %mul3A_539, %mul3A_2 : i32
    "tpu.region"() ({
      %run_scoped3A = tpu.sem_alloc : memref<!tpu.dma_semaphore, #tpu.memory_space<semaphore_mem>>
      %dma_start3A_541 = arith.constant 0 : i32
      %dma_start3A_542 = tpu.memref_slice %arg5[%add3A_540, %dma_start3A_541] : memref<20224x128xf32, #tpu.memory_space<hbm>> -> memref<632x128xf32, #tpu.memory_space<hbm>>
      %dma_start3A_543 = arith.constant 0 : i32
      %dma_start3A_544 = tpu.memref_slice %arg8[%mul3A_2, %dma_start3A_543] : memref<10112x128xf32, #tpu.memory_space<vmem_shared>> -> memref<632x128xf32, #tpu.memory_space<vmem_shared>>
      tpu.enqueue_dma source(%dma_start3A_544 : memref<632x128xf32, #tpu.memory_space<vmem_shared>>) target(%dma_start3A_542 : memref<632x128xf32, #tpu.memory_space<hbm>>) target_semaphore(%run_scoped3A : memref<!tpu.dma_semaphore, #tpu.memory_space<semaphore_mem>>)
      %dma_wait3A_545 = arith.constant 0 : i32
      %dma_wait3A_546 = tpu.memref_slice %arg5[%add3A_540, %dma_wait3A_545] : memref<20224x128xf32, #tpu.memory_space<hbm>> -> memref<632x128xf32, #tpu.memory_space<hbm>>
      %dma_wait3A_547 = arith.constant 0 : i32
      %dma_wait3A_548 = tpu.memref_slice %arg8[%mul3A_2, %dma_wait3A_547] : memref<10112x128xf32, #tpu.memory_space<vmem_shared>> -> memref<632x128xf32, #tpu.memory_space<vmem_shared>>
      tpu.wait_dma2 semaphore(%run_scoped3A : memref<!tpu.dma_semaphore, #tpu.memory_space<semaphore_mem>>) src(%dma_wait3A_548 : memref<632x128xf32, #tpu.memory_space<vmem_shared>>) dst(%dma_wait3A_546 : memref<632x128xf32, #tpu.memory_space<hbm>>)
      tpu.yield
    }) : () -> ()
    return
  }
}

module attributes {stable_mosaic.version = 14 : i64} {
  func.func @_tc_xr_body(%arg0: i32, %arg1: memref<400x128xf32, #tpu.memory_space<vmem>>, %arg2: memref<128x128xf32, #tpu.memory_space<vmem>>, %arg3: memref<1x128xf32, #tpu.memory_space<vmem>>, %arg4: memref<400x128xf32, #tpu.memory_space<vmem>>) attributes {dimension_semantics = [#tpu.dimension_semantics<arbitrary>], iteration_bounds = array<i64: 25>, scalar_prefetch = 0 : i64, scratch_operands = 0 : i64, tpu.core_type = #tpu.core_type<tc>, window_params = [{transform_indices = @transform_0, window_bounds = array<i64: 400, 128>}, {pipeline_mode = #tpu.pipeline_mode<synchronous>, transform_indices = @transform_1, window_bounds = array<i64: 128, 128>}, {pipeline_mode = #tpu.pipeline_mode<synchronous>, transform_indices = @transform_2, window_bounds = array<i64: 1, 128>}, {transform_indices = @transform_3, window_bounds = array<i64: 400, 128>}]} {
    %get3A = arith.constant 0 : index
    %get3A_0 = arith.constant 0 : index
    %get3A_1 = vector.load %arg1[%get3A, %get3A_0] : memref<400x128xf32, #tpu.memory_space<vmem>>, vector<400x128xf32>
    %get3A_2 = arith.constant 0 : index
    %get3A_3 = arith.constant 0 : index
    %get3A_4 = vector.load %arg2[%get3A_2, %get3A_3] : memref<128x128xf32, #tpu.memory_space<vmem>>, vector<128x128xf32>
    %dot_general3A = arith.constant dense<0.000000e+00> : vector<400x128xf32>
    %dot_general3A_5 = tpu.matmul %get3A_1, %get3A_4, %dot_general3A {dimension_numbers = #tpu.dot_dimension_numbers<[1], [0], [0], [1], [0, 0, 1, 1], [], []>, precision = #tpu.contract_precision<fp32>, transpose_lhs_hint = false} : vector<400x128xf32>, vector<128x128xf32>, vector<400x128xf32> -> vector<400x128xf32>
    %get3A_6 = arith.constant 0 : index
    %get3A_7 = arith.constant 0 : index
    %get3A_8 = vector.load %arg3[%get3A_6, %get3A_7] : memref<1x128xf32, #tpu.memory_space<vmem>>, vector<1x128xf32>
    %add3A = vector.broadcast %get3A_8 : vector<1x128xf32> to vector<400x128xf32>
    %add3A_9 = arith.addf %dot_general3A_5, %add3A : vector<400x128xf32>
    %swap3A = arith.constant 0 : index
    %swap3A_10 = arith.constant 0 : index
    %swap3A_11 = vector.load %arg4[%swap3A, %swap3A_10] : memref<400x128xf32, #tpu.memory_space<vmem>>, vector<400x128xf32>
    tpu.vector_store %arg4[%swap3A, %swap3A_10], %add3A_9 {strides = array<i32>} : memref<400x128xf32, #tpu.memory_space<vmem>>, vector<400x128xf32>,
    return
  }
  func.func @transform_0(%arg0: i32) -> (i32, i32) {
    %c0_i32 = arith.constant 0 : i32
    %c0_i32_0 = arith.constant 0 : i32
    return %arg0, %c0_i32 : i32, i32
  }
  func.func @transform_1(%arg0: i32) -> (i32, i32) {
    %c0_i32 = arith.constant 0 : i32
    %c0_i32_0 = arith.constant 0 : i32
    %c0_i32_1 = arith.constant 0 : i32
    return %c0_i32, %c0_i32_0 : i32, i32
  }
  func.func @transform_2(%arg0: i32) -> (i32, i32) {
    %c0_i32 = arith.constant 0 : i32
    %c0_i32_0 = arith.constant 0 : i32
    %c0_i32_1 = arith.constant 0 : i32
    return %c0_i32, %c0_i32_0 : i32, i32
  }
  func.func @transform_3(%arg0: i32) -> (i32, i32) {
    %c0_i32 = arith.constant 0 : i32
    %c0_i32_0 = arith.constant 0 : i32
    return %arg0, %c0_i32 : i32, i32
  }
}

module attributes {stable_mosaic.version = 14 : i64} {
  func.func @_tc_body(%arg0: i32, %arg1: memref<400x128xf32, #tpu.memory_space<vmem>>, %arg2: memref<400x128xf32, #tpu.memory_space<vmem>>, %arg3: memref<400x16xf32, #tpu.memory_space<vmem>>, %arg4: memref<400x16xf32, #tpu.memory_space<vmem>>, %arg5: memref<400x128xf32, #tpu.memory_space<vmem>>, %arg6: memref<128x128xf32, #tpu.memory_space<vmem>>, %arg7: memref<400x128xf32, #tpu.memory_space<vmem>>) attributes {dimension_semantics = [#tpu.dimension_semantics<arbitrary>], iteration_bounds = array<i64: 25>, scalar_prefetch = 0 : i64, scratch_operands = 0 : i64, tpu.core_type = #tpu.core_type<tc>, window_params = [{transform_indices = @transform_0, window_bounds = array<i64: 400, 128>}, {transform_indices = @transform_1, window_bounds = array<i64: 400, 128>}, {transform_indices = @transform_2, window_bounds = array<i64: 400, 16>}, {transform_indices = @transform_3, window_bounds = array<i64: 400, 16>}, {transform_indices = @transform_4, window_bounds = array<i64: 400, 128>}, {pipeline_mode = #tpu.pipeline_mode<synchronous>, transform_indices = @transform_5, window_bounds = array<i64: 128, 128>}, {transform_indices = @transform_6, window_bounds = array<i64: 400, 128>}]} {
    %get3A = arith.constant 0 : index
    %get3A_0 = arith.constant 0 : index
    %get3A_1 = vector.load %arg3[%get3A, %get3A_0] : memref<400x16xf32, #tpu.memory_space<vmem>>, vector<400x1xf32>
    %get3A_2 = arith.constant 0 : index
    %get3A_3 = arith.constant 0 : index
    %get3A_4 = vector.load %arg4[%get3A_2, %get3A_3] : memref<400x16xf32, #tpu.memory_space<vmem>>, vector<400x1xf32>
    %add3A = arith.addf %get3A_1, %get3A_4 : vector<400x1xf32>
    %max3A = arith.constant 1.000000e+00 : f32
    %max3A_5 = vector.broadcast %max3A : f32 to vector<400x1xf32>
    %max3A_6 = arith.maximumf %add3A, %max3A_5 : vector<400x1xf32>
    %get3A_7 = arith.constant 0 : index
    %get3A_8 = arith.constant 0 : index
    %get3A_9 = vector.load %arg1[%get3A_7, %get3A_8] : memref<400x128xf32, #tpu.memory_space<vmem>>, vector<400x128xf32>
    %get3A_10 = arith.constant 0 : index
    %get3A_11 = arith.constant 0 : index
    %get3A_12 = vector.load %arg2[%get3A_10, %get3A_11] : memref<400x128xf32, #tpu.memory_space<vmem>>, vector<400x128xf32>
    %add3A_13 = arith.addf %get3A_9, %get3A_12 : vector<400x128xf32>
    %div3A = vector.broadcast %max3A_6 : vector<400x1xf32> to vector<400x128xf32>
    %div3A_14 = arith.divf %add3A_13, %div3A : vector<400x128xf32>
    %get3A_15 = arith.constant 0 : index
    %get3A_16 = arith.constant 0 : index
    %get3A_17 = vector.load %arg6[%get3A_15, %get3A_16] : memref<128x128xf32, #tpu.memory_space<vmem>>, vector<128x128xf32>
    %dot_general3A = arith.constant dense<0.000000e+00> : vector<400x128xf32>
    %dot_general3A_18 = tpu.matmul %div3A_14, %get3A_17, %dot_general3A {dimension_numbers = #tpu.dot_dimension_numbers<[1], [0], [0], [1], [0, 0, 1, 1], [], []>, precision = #tpu.contract_precision<fp32>, transpose_lhs_hint = false} : vector<400x128xf32>, vector<128x128xf32>, vector<400x128xf32> -> vector<400x128xf32>
    %get3A_19 = arith.constant 0 : index
    %get3A_20 = arith.constant 0 : index
    %get3A_21 = vector.load %arg5[%get3A_19, %get3A_20] : memref<400x128xf32, #tpu.memory_space<vmem>>, vector<400x128xf32>
    %add3A_22 = arith.addf %dot_general3A_18, %get3A_21 : vector<400x128xf32>
    %max3A_23 = arith.constant 0.000000e+00 : f32
    %max3A_24 = vector.broadcast %max3A_23 : f32 to vector<400x128xf32>
    %max3A_25 = arith.maximumf %add3A_22, %max3A_24 : vector<400x128xf32>
    %swap3A = arith.constant 0 : index
    %swap3A_26 = arith.constant 0 : index
    %swap3A_27 = vector.load %arg7[%swap3A, %swap3A_26] : memref<400x128xf32, #tpu.memory_space<vmem>>, vector<400x128xf32>
    tpu.vector_store %arg7[%swap3A, %swap3A_26], %max3A_25 {strides = array<i32>} : memref<400x128xf32, #tpu.memory_space<vmem>>, vector<400x128xf32>,
    return
  }
  func.func @transform_0(%arg0: i32) -> (i32, i32) {
    %c0_i32 = arith.constant 0 : i32
    %c0_i32_0 = arith.constant 0 : i32
    return %arg0, %c0_i32 : i32, i32
  }
  func.func @transform_1(%arg0: i32) -> (i32, i32) {
    %c0_i32 = arith.constant 0 : i32
    %c0_i32_0 = arith.constant 0 : i32
    return %arg0, %c0_i32 : i32, i32
  }
  func.func @transform_2(%arg0: i32) -> (i32, i32) {
    %c0_i32 = arith.constant 0 : i32
    %c0_i32_0 = arith.constant 0 : i32
    return %arg0, %c0_i32 : i32, i32
  }
  func.func @transform_3(%arg0: i32) -> (i32, i32) {
    %c0_i32 = arith.constant 0 : i32
    %c0_i32_0 = arith.constant 0 : i32
    return %arg0, %c0_i32 : i32, i32
  }
  func.func @transform_4(%arg0: i32) -> (i32, i32) {
    %c0_i32 = arith.constant 0 : i32
    %c0_i32_0 = arith.constant 0 : i32
    return %arg0, %c0_i32 : i32, i32
  }
  func.func @transform_5(%arg0: i32) -> (i32, i32) {
    %c0_i32 = arith.constant 0 : i32
    %c0_i32_0 = arith.constant 0 : i32
    %c0_i32_1 = arith.constant 0 : i32
    return %c0_i32, %c0_i32_0 : i32, i32
  }
  func.func @transform_6(%arg0: i32) -> (i32, i32) {
    %c0_i32 = arith.constant 0 : i32
    %c0_i32_0 = arith.constant 0 : i32
    return %arg0, %c0_i32 : i32, i32
  }
}

module attributes {stable_mosaic.version = 14 : i64} {
  func.func @_tc_body(%arg0: i32, %arg1: memref<400x128xf32, #tpu.memory_space<vmem>>, %arg2: memref<400x128xf32, #tpu.memory_space<vmem>>, %arg3: memref<400x16xf32, #tpu.memory_space<vmem>>, %arg4: memref<400x16xf32, #tpu.memory_space<vmem>>, %arg5: memref<400x128xf32, #tpu.memory_space<vmem>>, %arg6: memref<128x128xf32, #tpu.memory_space<vmem>>, %arg7: memref<400x128xf32, #tpu.memory_space<vmem>>) attributes {dimension_semantics = [#tpu.dimension_semantics<arbitrary>], iteration_bounds = array<i64: 25>, scalar_prefetch = 0 : i64, scratch_operands = 0 : i64, tpu.core_type = #tpu.core_type<tc>, window_params = [{transform_indices = @transform_0, window_bounds = array<i64: 400, 128>}, {transform_indices = @transform_1, window_bounds = array<i64: 400, 128>}, {transform_indices = @transform_2, window_bounds = array<i64: 400, 16>}, {transform_indices = @transform_3, window_bounds = array<i64: 400, 16>}, {transform_indices = @transform_4, window_bounds = array<i64: 400, 128>}, {pipeline_mode = #tpu.pipeline_mode<synchronous>, transform_indices = @transform_5, window_bounds = array<i64: 128, 128>}, {transform_indices = @transform_6, window_bounds = array<i64: 400, 128>}]} {
    %get3A = arith.constant 0 : index
    %get3A_0 = arith.constant 0 : index
    %get3A_1 = vector.load %arg3[%get3A, %get3A_0] : memref<400x16xf32, #tpu.memory_space<vmem>>, vector<400x1xf32>
    %get3A_2 = arith.constant 0 : index
    %get3A_3 = arith.constant 0 : index
    %get3A_4 = vector.load %arg4[%get3A_2, %get3A_3] : memref<400x16xf32, #tpu.memory_space<vmem>>, vector<400x1xf32>
    %add3A = arith.addf %get3A_1, %get3A_4 : vector<400x1xf32>
    %max3A = arith.constant 1.000000e+00 : f32
    %max3A_5 = vector.broadcast %max3A : f32 to vector<400x1xf32>
    %max3A_6 = arith.maximumf %add3A, %max3A_5 : vector<400x1xf32>
    %get3A_7 = arith.constant 0 : index
    %get3A_8 = arith.constant 0 : index
    %get3A_9 = vector.load %arg1[%get3A_7, %get3A_8] : memref<400x128xf32, #tpu.memory_space<vmem>>, vector<400x128xf32>
    %get3A_10 = arith.constant 0 : index
    %get3A_11 = arith.constant 0 : index
    %get3A_12 = vector.load %arg2[%get3A_10, %get3A_11] : memref<400x128xf32, #tpu.memory_space<vmem>>, vector<400x128xf32>
    %add3A_13 = arith.addf %get3A_9, %get3A_12 : vector<400x128xf32>
    %div3A = vector.broadcast %max3A_6 : vector<400x1xf32> to vector<400x128xf32>
    %div3A_14 = arith.divf %add3A_13, %div3A : vector<400x128xf32>
    %get3A_15 = arith.constant 0 : index
    %get3A_16 = arith.constant 0 : index
    %get3A_17 = vector.load %arg6[%get3A_15, %get3A_16] : memref<128x128xf32, #tpu.memory_space<vmem>>, vector<128x128xf32>
    %dot_general3A = arith.constant dense<0.000000e+00> : vector<400x128xf32>
    %dot_general3A_18 = tpu.matmul %div3A_14, %get3A_17, %dot_general3A {dimension_numbers = #tpu.dot_dimension_numbers<[1], [0], [0], [1], [0, 0, 1, 1], [], []>, precision = #tpu.contract_precision<fp32>, transpose_lhs_hint = false} : vector<400x128xf32>, vector<128x128xf32>, vector<400x128xf32> -> vector<400x128xf32>
    %get3A_19 = arith.constant 0 : index
    %get3A_20 = arith.constant 0 : index
    %get3A_21 = vector.load %arg5[%get3A_19, %get3A_20] : memref<400x128xf32, #tpu.memory_space<vmem>>, vector<400x128xf32>
    %add3A_22 = arith.addf %dot_general3A_18, %get3A_21 : vector<400x128xf32>
    %swap3A = arith.constant 0 : index
    %swap3A_23 = arith.constant 0 : index
    %swap3A_24 = vector.load %arg7[%swap3A, %swap3A_23] : memref<400x128xf32, #tpu.memory_space<vmem>>, vector<400x128xf32>
    tpu.vector_store %arg7[%swap3A, %swap3A_23], %add3A_22 {strides = array<i32>} : memref<400x128xf32, #tpu.memory_space<vmem>>, vector<400x128xf32>,
    return
  }
  func.func @transform_0(%arg0: i32) -> (i32, i32) {
    %c0_i32 = arith.constant 0 : i32
    %c0_i32_0 = arith.constant 0 : i32
    return %arg0, %c0_i32 : i32, i32
  }
  func.func @transform_1(%arg0: i32) -> (i32, i32) {
    %c0_i32 = arith.constant 0 : i32
    %c0_i32_0 = arith.constant 0 : i32
    return %arg0, %c0_i32 : i32, i32
  }
  func.func @transform_2(%arg0: i32) -> (i32, i32) {
    %c0_i32 = arith.constant 0 : i32
    %c0_i32_0 = arith.constant 0 : i32
    return %arg0, %c0_i32 : i32, i32
  }
  func.func @transform_3(%arg0: i32) -> (i32, i32) {
    %c0_i32 = arith.constant 0 : i32
    %c0_i32_0 = arith.constant 0 : i32
    return %arg0, %c0_i32 : i32, i32
  }
  func.func @transform_4(%arg0: i32) -> (i32, i32) {
    %c0_i32 = arith.constant 0 : i32
    %c0_i32_0 = arith.constant 0 : i32
    return %arg0, %c0_i32 : i32, i32
  }
  func.func @transform_5(%arg0: i32) -> (i32, i32) {
    %c0_i32 = arith.constant 0 : i32
    %c0_i32_0 = arith.constant 0 : i32
    %c0_i32_1 = arith.constant 0 : i32
    return %c0_i32, %c0_i32_0 : i32, i32
  }
  func.func @transform_6(%arg0: i32) -> (i32, i32) {
    %c0_i32 = arith.constant 0 : i32
    %c0_i32_0 = arith.constant 0 : i32
    return %arg0, %c0_i32 : i32, i32
  }
}

</mosaic_0001>

<sc_bundles>
// kernel: kernel.11.cloned.1.call-start
scs
__scs_entry_jumppad:
0x0: {  	(pc) =	sbr.rel $0x88, $3  }
0x1: {  	(tag) =	ssettag $0x0;
	lr =	simm.s32 $0x1  }
0x2: {  	[smem:$0x3F99] =	sst lr;
	_ =	strace $0xD0000000  }
0x3: {  	_ = 	snop  }
0x4: {  	_ = 	snop  }
0x5: {  	_ = 	snop  }
0x6: {  	_ = 	snop  }
0x7: {  	_ = 	snop  }
__scs_overlays_trampoline_lowered:
0x8: {  	[smem:$0x3FA8] =	sst s0  }
0x9: {  	[smem:$0x3FA9] =	sst s1  }
0xa: {  	[smem:$0x3FAA] =	sst s2  }
0xb: {  	[smem:$0x3FAB] =	sst s3  }
0xc: {  	[smem:$0x3FAC] =	sst s4  }
0xd: {  	[smem:$0x3FAD] =	sst s5  }
0xe: {  	[smem:$0x3FAE] =	sst s6  }
0xf: {  	[smem:$0x3FAF] =	sst s7  }
0x10: {  	[smem:$0x3FB0] =	sst s8  }
0x11: {  	[smem:$0x3FB1] =	sst s9;
	s0 =	simm.s32 @!p0 $0x0  }
0x12: {  	s1 =	sld [smem:$0x3F97];
	s0 =	simm.s32 @p0 $0x1  }
0x13: {  	[smem:$0x3FB2] =	sst s0;
	s0 =	simm.s32 @!p1 $0x0  }
0x14: {  	s2 =	sld [smem:$0x3F96];
	s0 =	simm.s32 @p1 $0x1  }
0x15: {  	[smem:$0x3FB3] =	sst s0;
	s0 =	simm.s32 @!p2 $0x0  }
0x16: {  	s3 =	sld [smem:$0x3FDB];
	s0 =	simm.s32 @p2 $0x1  }
0x17: {  	s4 =	simm.s32 $0x1BF5;
	[smem:$0x3FB5] =	sst s0  }
0x18: {  	s0 =	sld [smem:$0x3F98];
	_ =	swait.ge [sflag:s4], $0x0  }
0x19: {  	s7 =	sld [smem:$0x3F99]  }
0x1a: {  	s8 =	sadd.s32 $0xFFFFE003, lr  }
0x1b: {  	s9 =	sadd.s32 $0xFFFFFEF7, lr;
	s5 =	simm.s32 $0xFFFFFFFF;
	p2 =	slt.u32 s8, $0xFFFFF086  }
0x1c: {  	p1 =	slt.u32 s9, $0xF7A;
	s5 =	simm.s32 @!p2 $0x0  }
0x1d: {  	s5 =	simm.s32 @p1 $0x1;
	p0 =	seq.s32 s7, s2  }
0x1e: {  	s7 =	smul.u32 @!p0 $0xF7A, s2;
	p2 =	seq.s32 @!p0 s5, $0x0  }
0x1f: {  	s9 =	smul.u32 $0xF7A, s1;
	s8 =	simm.s32 @!p0 $0x1BF5;
	p2 =	por !p2, p0  }
0x20: {  	[sflag:s8] =	ssyncset.s32 @!p0 $0xFFFFF086;
	s6 =	sadd.s32 @!p0 s3, s7;
	s7 =	simm.s32 @!p0 $0x108  }
0x21: {  	s3 =	sadd.s32 s3, s9;
	s6 =	sadd.s32 @!p0 $0x88, s6;
	s7 =	simm.s32 @p2 $0x1082  }
0x22: {  	[simem:s7], [sflag:s8] =	dma.local @!p0 [hbm:s6], $0xF7A  }
0x23: {  	s9 =	sor.u32 $0xD0000000, s2;
	s6 =	simm.s32 $0x108;
	_ =	swait.ge @!p0 [sflag:s8], $0x0  }
0x24: {  	s3 =	sadd.s32 $0x88, s3;
	s6 =	simm.s32 @!p1 $0x1082;
	[sflag:s4] =	ssyncset.s32 $0xFFFFF086  }
0x25: {  	[simem:s6], [sflag:s4] =	dma.local [hbm:s3], $0xF7A  }
0x26: {  	[smem:$0x3F99] =	sst s1;
	(tag) =	ssettag s2;
	_ =	strace s9  }
0x27: {  	s1 =	sld [smem:$0x3FA9]  }
0x28: {  	s2 =	sld [smem:$0x3FAA]  }
0x29: {  	s4 =	sld [smem:$0x3FAC]  }
0x2a: {  	p0 =	seq.s32 s5, $0x0;
	s5 =	sld [smem:$0x3FAD]  }
0x2b: {  	s6 =	sld [smem:$0x3FAE]  }
0x2c: {  	s7 =	sld [smem:$0x3FAF]  }
0x2d: {  	s3 =	simm.s32 $0x108;
	s8 =	sld [smem:$0x3FB0]  }
0x2e: {  	s3 =	simm.s32 @!p0 $0x1082;
	s9 =	sld [smem:$0x3FB1]  }
0x2f: {  	lr =	sadd.s32 s0, s3;
	s0 =	sld [smem:$0x3FA8]  }
0x30: {  	s3 =	sld [smem:$0x3FAB]  }
0x31: {  	[smem:$0x3FB4] =	sst s10  }
0x32: {  	s10 =	sld [smem:$0x3FB2];
	_ =	sdelay $0x3  }
0x33: {  	p0 =	seq.s32 s10, $0x1;
	s10 =	sld [smem:$0x3FB4];
	_ =	sdelay $0x3  }
0x34: {  	[smem:$0x3FB4] =	sst s10  }
0x35: {  	s10 =	sld [smem:$0x3FB3];
	_ =	sdelay $0x3  }
0x36: {  	p1 =	seq.s32 s10, $0x1;
	s10 =	sld [smem:$0x3FB4];
	_ =	sdelay $0x3  }
0x37: {  	[smem:$0x3FB4] =	sst s10  }
0x38: {  	s10 =	sld [smem:$0x3FB5]  }
0x39: {  	_ = 	snop;
	(pc) =	sbr.ind lr, $3  }
0x3a: {  	_ = 	snop  }
0x3b: {  	_ = 	snop  }
0x3c: {  	p2 =	seq.s32 s10, $0x1;
	s10 =	sld [smem:$0x3FB4]  }
0x3d: {  	_ =	shalt  }
0x3e: {  	_ =	shalt  }
0x3f: {  	_ =	shalt  }
0x40: {  	_ =	shalt  }
0x41: {  	_ =	shalt  }
0x42: {  	_ =	shalt  }
0x43: {  	_ =	shalt  }
0x44: {  	_ =	shalt  }
0x45: {  	_ =	shalt  }
0x46: {  	_ =	shalt  }
0x47: {  	_ =	shalt  }
0x48: {  	_ =	shalt  }
0x49: {  	_ =	shalt  }
0x4a: {  	_ =	shalt  }
0x4b: {  	_ =	shalt  }
0x4c: {  	_ =	shalt  }
0x4d: {  	_ =	shalt  }
0x4e: {  	_ =	shalt  }
0x4f: {  	_ =	shalt  }
0x50: {  	_ =	shalt  }
0x51: {  	_ =	shalt  }
0x52: {  	_ =	shalt  }
0x53: {  	_ =	shalt  }
0x54: {  	_ =	shalt  }
0x55: {  	_ =	shalt  }
0x56: {  	_ =	shalt  }
0x57: {  	_ =	shalt  }
0x58: {  	_ =	shalt  }
0x59: {  	_ =	shalt  }
0x5a: {  	_ =	shalt  }
0x5b: {  	_ =	shalt  }
0x5c: {  	_ =	shalt  }
0x5d: {  	_ =	shalt  }
0x5e: {  	_ =	shalt  }
0x5f: {  	_ =	shalt  }
0x60: {  	_ =	shalt  }
0x61: {  	_ =	shalt  }
0x62: {  	_ =	shalt  }
0x63: {  	_ =	shalt  }
0x64: {  	_ =	shalt  }
0x65: {  	_ =	shalt  }
0x66: {  	_ =	shalt  }
0x67: {  	_ =	shalt  }
0x68: {  	_ =	shalt  }
0x69: {  	_ =	shalt  }
0x6a: {  	_ =	shalt  }
0x6b: {  	_ =	shalt  }
0x6c: {  	_ =	shalt  }
0x6d: {  	_ =	shalt  }
0x6e: {  	_ =	shalt  }
0x6f: {  	_ =	shalt  }
0x70: {  	_ =	shalt  }
0x71: {  	_ =	shalt  }
0x72: {  	_ =	shalt  }
0x73: {  	_ =	shalt  }
0x74: {  	_ =	shalt  }
0x75: {  	_ =	shalt  }
0x76: {  	_ =	shalt  }
0x77: {  	_ =	shalt  }
0x78: {  	_ =	shalt  }
0x79: {  	_ =	shalt  }
0x7a: {  	_ =	shalt  }
0x7b: {  	_ =	shalt  }
0x7c: {  	_ =	shalt  }
0x7d: {  	_ =	shalt  }
0x7e: {  	_ =	shalt  }
0x7f: {  	_ =	shalt  }
0x80: {  	_ =	shalt  }
0x81: {  	_ =	shalt  }
0x82: {  	_ =	shalt  }
0x83: {  	_ =	shalt  }
0x84: {  	_ =	shalt  }
0x85: {  	_ =	shalt  }
0x86: {  	_ =	shalt  }
0x87: {  	_ =	shalt  }
.Lfunc_end0:
.L_simem_size_0:
called_computation.1_lowered:
.L_overlay_start_0:
0x88: {  	s2 =	sld [smem:$0x3FD9]  }
0x89: {  	s3 =	sld [smem:$0x3FFE];
	_ =	sdelay $0x1  }
0x8a: {  	s1 =	srdreg.scid  }
0x8b: {  	s0 =	sand.u32 $0x1, s1  }
0x8c: {  	s16 =	sshll.u32 s0, $0xA;
	s2 =	sadd.s32 s3, s2  }
0x8d: {  	s2 =	sadd.s32 s2, s16  }
0x8e: {  	[smem:$0x3FC0] =	sst s2  }
0x8f: {  	_ = 	snop  }
0x90: {  	(tm) =	ssettm $0x1  }
0x91: {  	s17 =	sld [smem:$0x3FFB];
	_ =	sdelay $0x3  }
0x92: {  	_ =	strace s17  }
0x93: {  	s2 =	sld [smem:$0x3FFC];
	_ =	sdelay $0x3  }
0x94: {  	_ =	strace s2  }
0x95: {  	s2 =	sld [smem:$0x3FFD];
	_ =	sdelay $0x3  }
0x96: {  	_ =	strace s2  }
0x97: {  	_ =	strace $0x8FFFFFFF  }
0x98: {  	s18 =	sld [smem:$0x3FDB];
	_ =	sdelay $0x1  }
0x99: {  	s19 =	simm.s32 $_scs_section_size  }
0x9a: {  	s4 =	simm.s32 $_size__tile_overlayer_lowered;
	s5 =	simm.s32 $_tile_overlayer_lowered  }
0x9b: {  	s22 =	simm.s32 $0x1BFF;
	s21 =	sshll.u32 s5, $0x1;
	s2 =	sadd.s32 s19, s18  }
0x9c: {  	s6 =	simm.s32 $0x0;
	s20 =	sshll.u32 s4, $0x1;
	s4 =	sadd.s32 s21, s2  }
0x9d: {  	[timem:s6], [sflag:s22] =	dma.local [hbm:s4], s20  }
0x9e: {  	_ =	swait.ge [sflag:s22], s20  }
0x9f: {  	s3 =	ssub.s32 $0x0, s20;
	[sflag:s22] =	ssyncset.done $0x0  }
0xa0: {  	[sflag:s22] =	ssyncadd.s32 s3;
	_ =	sdelay $0x1  }
0xa1: {  	s23 =	simm.s32 $0x1B8B  }
0xa2: {  	_ =	swait.ge [sflag:s23], $0x1  }
0xa3: {  	[sflag:s23] =	ssyncset.done $0x0  }
0xa4: {  	s25 =	simm.s32 $0x1B8E;
	s24 =	sld [smem:$0x3FFE];
	[sflag:s23] =	ssyncadd.s32 $0xFFFFFFFF  }
0xa5: {  	s26 =	simm.s32 $execute0_lowered;
	[smem:$0x3FD2] =	sst s25  }
0xa6: {  	s4 =	sshll.u32 s26, $0x1;
	_ =	strace $0x80000049;
	[dreg:$0x1] =	wrdreg $0xFFFFFFFF  }
0xa7: {  	s28 =	simm.s32 $_size_execute0_lowered;
	s2 =	sadd.s32 s2, s4;
	[dreg:$0x0] =	wrdreg $0x0  }
0xa8: {  	s4 =	sshll.u32 s28, $0x1;
	[dreg:$0x2] =	wrdreg s2  }
0xa9: {  	[dreg:$0x3] =	wrdreg s4  }
0xaa: {  	[dreg:$0x4] =	wrdreg $0xC0  }
0xab: {  	_ =	task [dreg:s6], $0x5FFFF  }
0xac: {  	[dreg:$0x1] =	wrdreg $0xFFFFFFFF  }
0xad: {  	[dreg:$0x0] =	wrdreg $0x60  }
0xae: {  	[dreg:$0x2] =	wrdreg s24  }
0xaf: {  	[dreg:$0x3] =	wrdreg $0x84000  }
0xb0: {  	[dreg:$0x4] =	wrdreg $0x9  }
0xb1: {  	_ =	task.clear_ibuf [dreg:s6], $0x5FFFF;
	_ =	strace $0x90000049  }
0xb2: {  	s29 =	simm.s32 $0x9;
	_ =	strace $0x8000004B  }
0xb3: {  	_ =	swait.ge [sflag:s29], $0x1  }
0xb4: {  	[sflag:s29] =	ssyncadd.s32 $0xFFFFFFFF  }
0xb5: {  	_ =	strace $0x9000004B  }
0xb6: {  	_ =	sfence  }
0xb7: {  	s30 =	sld [smem:$0x0];
	_ =	sdelay $0x2  }
0xb8: {  	s31 =	sshll.u32 s1, $0xD;
	s1 =	sshrl.u32 s1, $0x2  }
0xb9: {  	s3 =	sand.u32 $0x4000, s31;
	s1 =	sadd.s32 s1, s30  }
0xba: {  	s0 =	sor.u32 s3, s0;
	s1 =	sshll.u32 s1, $0x11  }
0xbb: {  	s0 =	sor.u32 s1, s0  }
0xbc: {  	s0 =	sadd.s32 $0x8F2B, s0  }
0xbd: {  	[sflag:s0] =	ssyncadd.remote.s32 $0x1  }
0xbe: {  	_ =	sfence.sel $0xFFFF  }
0xbf: {  	[dreg:$0x0] =	wrdreg $0xFFFFFFFF;
	(pc) =	sbr.abs _section_cstart, $3  }
0xc0: {  	[dreg:$0x1] =	wrdreg $0xFFFFFFFF  }
0xc1: {  	_ =	task.clear_ibuf [dreg:s6], $0x2FFFF;
	_ =	strace $0x9FFFFFFF  }
0xc2: {  	(tm) =	ssettm $0x7FFFFFFF  }
0xc3: {  	_ =	shalt  }
tec
execute0_lowered:
.L_overlay_start_1:
0x0: {  	(tag) =	ssettag $0x1  }
0x1: {  	s0 =	srdreg.scid  }
0x2: {  	s10 =	stileid.u32;
	s5 =	rddreg [dreg:$0x0]  }
0x3: {  	s2 =	rddreg [dreg:$0x1];
	s3 =	simm.s32 $0x0;
	s6 =	smul.u32 $0x13C00, s10  }
0x4: {  	s11 =	simm.s32 $0x11;
	s0 =	sand.u32 $0x1, s0;
	s7 =	smul.u32 $0x2780, s10  }
0x5: {  	[smem:$0x7FF] =	sst s3;
	s4 =	sadd.s32 $0x3E800, s5;
	s1 =	sshll.u32 s0, $0x4  }
0x6: {  	s8 =	smul.u32 $0x27800, s0;
	_ =	strace $0x8000004A;
	s0 =	ssub.s32 $0x2, s0  }
0x7: {  	s1 =	sor.u32 s10, s1;
	s9 =	sshrl.u32 s6, $0x3;
	s15 =	sshrl.u32 s0, $0x1  }
0x8: {  	s1 =	smul.u32 $0xA00, s1;
	s14 =	sadd.s32 s9, s5;
	s0 =	ssub.s32 s0, s15  }
0x9: {  	s7 =	sadd.s32 s7, s8;
	s18 =	sadd.s32 $0x17000, s14;
	s0 =	smax.u32 s0, $0x1  }
0xa: {  	s1 =	sadd.s32 s1, s5;
	s5 =	sadd.s32 s7, s5;
	[dreg:$0x3] =	wrdreg s18  }
0xb: {  	s28 =	simm.s32 $0x40;
	[dreg:$0x5] =	wrdreg s0;
	s20 =	sadd.s32 $0x65A00, s5  }
0xc: {  	s29 =	simm.s32 $0x400;
	s19 =	sadd.s32 $0x3000, s1;
	[dreg:$0x4] =	wrdreg s20  }
0xd: {  	s31 =	simm.s32 $0x2400;
	s21 =	sadd.s32 $0x10, s19;
	[dreg:$0x6] =	wrdreg s19  }
0xe: {  	s13 =	simm.s32 $0xC;
	s22 =	sadd.s32 $0x20, s19;
	[dreg:$0x7] =	wrdreg s21  }
0xf: {  	s12 =	simm.s32 $0x0;
	s23 =	sadd.s32 $0x30, s19;
	[dreg:$0x8] =	wrdreg s22  }
0x10: {  	s17 =	sshll.u32 s10, $0x6;
	s24 =	sadd.s32 $0x40, s19;
	[dreg:$0x9] =	wrdreg s23  }
0x11: {  	s16 =	sadd.s32 s6, s2;
	s25 =	sadd.s32 $0x50, s19;
	[dreg:$0xa] =	wrdreg s24  }
0x12: {  	s6 =	sor.u32 $0x1C11, s17;
	s26 =	sadd.s32 $0x60, s19;
	[dreg:$0xb] =	wrdreg s25  }
0x13: {  	s8 =	sshrl.u32 s16, $0x3;
	s30 =	sadd.s32 $0x70, s19;
	[dreg:$0xc] =	wrdreg s26  }
0x14: {  	s0 =	simm.s32 $0x4400;
	s5 =	simm.s32 $0xB;
	[dreg:$0xd] =	wrdreg s30  }
0x15: {  	s21 =	simm.s32 $0x6400;
	s23 =	simm.s32 $0x9;
	s25 =	simm.s32 $0xA  }
.LBB2_1:
0x16: {  	s1 =	rddreg [dreg:$0x3]  }
0x17: {  	[spmem:s8], [sflag:s6] =	dma.local [hbm:s1], $0x2780  }
0x18: {  	_ =	swait.ge [sflag:s11], $0x2780  }
0x19: {  	[sflag:s11] =	ssyncset.done $0x0  }
0x1a: {  	[sflag:s11] =	ssyncadd.s32 $0xFFFFD880  }
0x1b: {  	[bflag:$0x0] =	sbarrier.arrive $0xFFFF  }
0x1c: {  	s1 =	rddreg [dreg:$0x6]  }
0x1d: {  	[tilespmem:s3], [sflag:$0x1] =	stream.linear.gather [hbm4b:s1+s3], $0x80, $0x38;
	[tilespmem:$0x1C000] =	vst v63  }
0x1e: {  	s7 =	smov.u32 s8;
	s8 =	simm.s32 $0x80;
	s15 =	rddreg [dreg:$0x7]  }
0x1f: {  	[tilespmem:s8], [sflag:$0x2] =	stream.linear.gather [hbm4b:s15+s3], $0x80, $0x38;
	[tilespmem:$0x1C000] =	vst v63  }
0x20: {  	s9 =	simm.s32 $0x100;
	s16 =	rddreg [dreg:$0x8]  }
0x21: {  	[tilespmem:s9], [sflag:$0x3] =	stream.linear.gather [hbm4b:s16+s3], $0x80, $0x38;
	[tilespmem:$0x1C000] =	vst v63  }
0x22: {  	s14 =	simm.s32 $0x180;
	s17 =	rddreg [dreg:$0x9]  }
0x23: {  	[tilespmem:s14], [sflag:$0x4] =	stream.linear.gather [hbm4b:s17+s3], $0x80, $0x38;
	[tilespmem:$0x1C000] =	vst v63  }
0x24: {  	s18 =	rddreg [dreg:$0xa];
	s15 =	simm.s32 $0x200  }
0x25: {  	[tilespmem:s15], [sflag:$0x5] =	stream.linear.gather [hbm4b:s18+s3], $0x80, $0x38;
	[tilespmem:$0x1C000] =	vst v63  }
0x26: {  	s20 =	simm.s32 $0x280;
	s19 =	rddreg [dreg:$0xb]  }
0x27: {  	[tilespmem:s20], [sflag:$0x6] =	stream.linear.gather [hbm4b:s19+s3], $0x80, $0x38;
	[tilespmem:$0x1C000] =	vst v63  }
0x28: {  	s24 =	simm.s32 $0x300;
	s22 =	rddreg [dreg:$0xc]  }
0x29: {  	[tilespmem:s24], [sflag:$0x7] =	stream.linear.gather [hbm4b:s22+s3], $0x80, $0x38;
	[tilespmem:$0x1C000] =	vst v63  }
0x2a: {  	s30 =	simm.s32 $0x380;
	s26 =	rddreg [dreg:$0xd];
	s15 =	simm.s32 $0x1  }
0x2b: {  	[tilespmem:s30], [sflag:$0x8] =	stream.linear.gather [hbm4b:s26+s3], $0x80, $0x38;
	[tilespmem:$0x1C000] =	vst v63  }
0x2c: {  	_ =	swait.ge [sflag:s15], $0x80  }
0x2d: {  	[sflag:s15] =	ssyncset.done $0x0  }
0x2e: {  	s16 =	simm.s32 $0x2;
	[sflag:s15] =	ssyncadd.s32 $0xFFFFFF80  }
0x2f: {  	[tilespmem:s29], [sflag:$0x9] =	stream.indirect.gather [hbm4b:s4+s28], $0x80, s3, s28, $0xb8;
	[tilespmem:$0x1C000] =	vst v63  }
0x30: {  	_ =	swait.ge [sflag:s16], $0x80  }
0x31: {  	[sflag:s16] =	ssyncset.done $0x0  }
0x32: {  	s17 =	simm.s32 $0x3;
	[sflag:s16] =	ssyncadd.s32 $0xFFFFFF80  }
0x33: {  	[tilespmem:s31], [sflag:$0xA] =	stream.indirect.gather [hbm4b:s4+s28], $0x80, s8, s28, $0xb8;
	[tilespmem:$0x1C000] =	vst v63  }
0x34: {  	_ =	swait.ge [sflag:s17], $0x80  }
0x35: {  	[sflag:s17] =	ssyncset.done $0x0  }
0x36: {  	s18 =	simm.s32 $0x4;
	[sflag:s17] =	ssyncadd.s32 $0xFFFFFF80  }
0x37: {  	[tilespmem:s0], [sflag:$0xB] =	stream.indirect.gather [hbm4b:s4+s28], $0x80, s9, s28, $0xb8;
	[tilespmem:$0x1C000] =	vst v63  }
0x38: {  	_ =	swait.ge [sflag:s18], $0x80  }
0x39: {  	[sflag:s18] =	ssyncset.done $0x0  }
0x3a: {  	[sflag:s18] =	ssyncadd.s32 $0xFFFFFF80  }
0x3b: {  	[tilespmem:s21], [sflag:$0xC] =	stream.indirect.gather [hbm4b:s4+s28], $0x80, s14, s28, $0xb8;
	[tilespmem:$0x1C000] =	vst v63  }
0x3c: {  	p0 =	por $0x0, $0x0;
	s14 =	sand.u32 $0x4, s3;
	_ =	swait.ge [sflag:s23], $0x2000  }
0x3d: {  	s20 =	sshll.u32 s14, $0x7;
	s16 =	sxor.u32 @!p0 $0x4, s14;
	[sflag:s23] =	ssyncset.done $0x0  }
0x3e: {  	s18 =	sor.u32 $0x40, s20;
	s22 =	sadd.s32 @!p0 $0x1, s16;
	[sflag:s23] =	ssyncadd.s32 $0xFFFFE000  }
0x3f: {  	[spmem:s2] =	stream.indirect.scatter.add.f32 [tilespmem:s29], [sflag:$0xD], $0x80, s18, s28, $0xb8;
	[tilespmem:$0x1C000] =	vst v63  }
0x40: {  	_ =	swait.ge @!p0 [sflag:s22], $0x80  }
0x41: {  	[sflag:s22] =	ssyncset.done @!p0 $0x0  }
0x42: {  	s18 =	simm.s32 @!p0 $0xD;
	[sflag:s22] =	ssyncadd.s32 @!p0 $0xFFFFFF80  }
0x43: {  	p1 =	por @!p0 $0x0, $0x0;
	_ =	swait.ge @!p0 [sflag:s18], $0x2000  }
0x44: {  	p2 =	por p1, p0;
	s22 =	sshll.u32 @!p0 s16, $0x7;
	[sflag:s18] =	ssyncset.done @!p0 $0x0  }
0x45: {  	s16 =	simm.s32 @!p0 $0x40;
	[sflag:s18] =	ssyncadd.s32 @!p0 $0xFFFFE000;
	s18 =	simm.s32 @!p0 $0x400  }
0x46: {  	[tilespmem:s18], [sflag:$0x9] =	stream.indirect.gather @!p0 [hbm4b:s4+s16], $0x80, s22, s16, $0xb8;
	[tilespmem:$0x1C000] =	vst v63  }
0x47: {  	s24 =	simm.s32 @!p2 $0x0;
	s18 =	sadd.s32 $0x80, s1;
	s22 =	sadd.s32 @!p2 $0x1, s14  }
0x48: {  	[tilespmem:s20], [sflag:s22] =	stream.linear.gather @!p2 [hbm4b:s18+s24], $0x80, $0x38;
	[tilespmem:$0x1C000] =	vst v63  }
0x49: {  	s20 =	sor.u32 $0x1, s14;
	s22 =	simm.s32 @!p0 $0x5;
	_ =	swait.ge [sflag:s25], $0x2000  }
0x4a: {  	s22 =	sand.u32 @!p0 $0x5, s22;
	s24 =	sshll.u32 s20, $0x7;
	[sflag:s25] =	ssyncset.done $0x0  }
0x4b: {  	s26 =	sor.u32 $0x40, s24;
	s30 =	sadd.s32 @!p0 $0x1, s22;
	[sflag:s25] =	ssyncadd.s32 $0xFFFFE000  }
0x4c: {  	[spmem:s2] =	stream.indirect.scatter.add.f32 [tilespmem:s31], [sflag:$0xE], $0x80, s26, s28, $0xb8;
	[tilespmem:$0x1C000] =	vst v63  }
0x4d: {  	_ =	swait.ge @!p0 [sflag:s30], $0x80  }
0x4e: {  	p3 =	por @!p0 $0x0, $0x0;
	p1 =	por !p1, p0;
	[sflag:s30] =	ssyncset.done @!p0 $0x0  }
0x4f: {  	p2 =	por @!p2 $0x1, $0x1;
	s26 =	simm.s32 @!p0 $0xE;
	[sflag:s30] =	ssyncadd.s32 @!p0 $0xFFFFFF80  }
0x50: {  	p2 =	por @!p1 p3, p3;
	_ =	swait.ge @!p0 [sflag:s26], $0x2000  }
0x51: {  	p1 =	por $0x0, $0x0;
	s22 =	sshll.u32 @!p0 s22, $0x7;
	[sflag:s26] =	ssyncset.done @!p0 $0x0  }
0x52: {  	p1 =	por @!p0 p2, p2;
	[sflag:s26] =	ssyncadd.s32 @!p0 $0xFFFFE000;
	s26 =	simm.s32 @!p0 $0x2400  }
0x53: {  	[tilespmem:s26], [sflag:$0xA] =	stream.indirect.gather @!p0 [hbm4b:s4+s16], $0x80, s22, s16, $0xb8;
	[tilespmem:$0x1C000] =	vst v63  }
0x54: {  	s20 =	sadd.s32 @p1 $0x1, s20;
	s26 =	sadd.s32 @p1 $0x10, s18;
	s22 =	simm.s32 @p1 $0x0  }
0x55: {  	[tilespmem:s24], [sflag:s20] =	stream.linear.gather @p1 [hbm4b:s26+s22], $0x80, $0x38;
	[tilespmem:$0x1C000] =	vst v63  }
0x56: {  	s20 =	sor.u32 $0x2, s14;
	s24 =	simm.s32 @!p0 $0x6;
	_ =	swait.ge [sflag:s5], $0x2000  }
0x57: {  	s26 =	sshll.u32 s20, $0x7;
	s24 =	sand.u32 @!p0 $0x6, s24;
	[sflag:s5] =	ssyncset.done $0x0  }
0x58: {  	s19 =	sor.u32 $0x40, s26;
	s30 =	sor.u32 @!p0 $0x1, s24;
	[sflag:s5] =	ssyncadd.s32 $0xFFFFE000  }
0x59: {  	[spmem:s2] =	stream.indirect.scatter.add.f32 [tilespmem:s0], [sflag:$0xF], $0x80, s19, s28, $0xb8;
	[tilespmem:$0x1C000] =	vst v63  }
0x5a: {  	_ =	swait.ge @!p0 [sflag:s30], $0x80  }
0x5b: {  	[sflag:s30] =	ssyncset.done @!p0 $0x0  }
0x5c: {  	[sflag:s30] =	ssyncadd.s32 @!p0 $0xFFFFFF80;
	s30 =	simm.s32 @!p0 $0xF  }
0x5d: {  	_ =	swait.ge @!p0 [sflag:s30], $0x2000  }
0x5e: {  	[sflag:s30] =	ssyncset.done @!p0 $0x0  }
0x5f: {  	s24 =	sshll.u32 @!p0 s24, $0x7;
	[sflag:s30] =	ssyncadd.s32 @!p0 $0xFFFFE000;
	s30 =	simm.s32 @!p0 $0x4400  }
0x60: {  	[tilespmem:s30], [sflag:$0xB] =	stream.indirect.gather @!p0 [hbm4b:s4+s16], $0x80, s24, s16, $0xb8;
	[tilespmem:$0x1C000] =	vst v63  }
0x61: {  	s20 =	sadd.s32 @p1 $0x1, s20;
	s24 =	sadd.s32 @p1 $0x20, s18  }
0x62: {  	[tilespmem:s26], [sflag:s20] =	stream.linear.gather @p1 [hbm4b:s24+s22], $0x80, $0x38;
	[tilespmem:$0x1C000] =	vst v63  }
0x63: {  	s24 =	sor.u32 $0x3, s14;
	s14 =	simm.s32 @!p0 $0xFFFFFFFF;
	_ =	swait.ge [sflag:s13], $0x2000  }
0x64: {  	s20 =	sshll.u32 s24, $0x7;
	s14 =	sand.u32 @!p0 $0x7, s14;
	[sflag:s13] =	ssyncset.done $0x0  }
0x65: {  	s30 =	sor.u32 $0x40, s20;
	s26 =	sadd.s32 @!p0 $0x1, s14;
	[sflag:s13] =	ssyncadd.s32 $0xFFFFE000  }
0x66: {  	[spmem:s2] =	stream.indirect.scatter.add.f32 [tilespmem:s21], [sflag:$0x10], $0x80, s30, s28, $0xb8;
	[tilespmem:$0x1C000] =	vst v63  }
0x67: {  	_ =	swait.ge @!p0 [sflag:s26], $0x80  }
0x68: {  	[sflag:s26] =	ssyncset.done @!p0 $0x0  }
0x69: {  	[sflag:s26] =	ssyncadd.s32 @!p0 $0xFFFFFF80;
	s26 =	simm.s32 @!p0 $0x10  }
0x6a: {  	_ =	swait.ge @!p0 [sflag:s26], $0x2000  }
0x6b: {  	[sflag:s26] =	ssyncset.done @!p0 $0x0  }
0x6c: {  	s14 =	sshll.u32 @!p0 s14, $0x7;
	[sflag:s26] =	ssyncadd.s32 @!p0 $0xFFFFE000;
	s26 =	simm.s32 @!p0 $0x6400  }
0x6d: {  	[tilespmem:s26], [sflag:$0xC] =	stream.indirect.gather @!p0 [hbm4b:s4+s16], $0x80, s14, s16, $0xb8;
	[tilespmem:$0x1C000] =	vst v63  }
0x6e: {  	s10 =	smov.u32 s6;
	s24 =	sadd.s32 @p1 $0x1, s24;
	s14 =	simm.s32 $0x4  }
0x6f: {  	s16 =	sadd.s32 $0x40, s18;
	s26 =	sadd.s32 @p1 $0x30, s18;
	s18 =	simm.s32 $0x1  }
.LBB2_2:
0x70: {  	[tilespmem:s20], [sflag:s24] =	stream.linear.gather @p1 [hbm4b:s26+s22], $0x80, $0x38;
	[tilespmem:$0x1C000] =	vst v63  }
0x71: {  	s20 =	sand.u32 $0x4, s14;
	p0 =	seq.s32 s14, $0x9C;
	_ =	swait.ge [sflag:s23], $0x2000  }
0x72: {  	s26 =	sshll.u32 s20, $0x7;
	s22 =	sxor.u32 @!p0 $0x4, s20;
	[sflag:s23] =	ssyncset.done $0x0  }
0x73: {  	s24 =	sor.u32 $0x40, s26;
	s30 =	sadd.s32 @!p0 $0x1, s22;
	[sflag:s23] =	ssyncadd.s32 $0xFFFFE000  }
0x74: {  	[spmem:s2] =	stream.indirect.scatter.add.f32 [tilespmem:s29], [sflag:$0xD], $0x80, s24, s28, $0xb8;
	[tilespmem:$0x1C000] =	vst v63  }
0x75: {  	p1 =	sgt.u32 @!p0 s18, $0x25;
	s1 =	sshll.u32 @!p0 s22, $0x7;
	_ =	swait.ge @!p0 [sflag:s30], $0x80  }
0x76: {  	p2 =	por p1, p0;
	s22 =	sor.u32 $0x1, s20;
	[sflag:s30] =	ssyncset.done @!p0 $0x0  }
0x77: {  	s24 =	simm.s32 @!p0 $0xD;
	[sflag:s30] =	ssyncadd.s32 @!p0 $0xFFFFFF80;
	s30 =	sadd.s32 @!p2 $0x1, s20  }
0x78: {  	s19 =	sadd.s32 @!p0 $0x5, s14;
	p3 =	por @!p2 $0x1, $0x1;
	_ =	swait.ge @!p0 [sflag:s24], $0x2000  }
0x79: {  	p1 =	por !p1, p0;
	s19 =	sand.u32 @!p0 $0x5, s19;
	[sflag:s24] =	ssyncset.done @!p0 $0x0  }
0x7a: {  	s8 =	simm.s32 @!p0 $0x400;
	[sflag:s24] =	ssyncadd.s32 @!p0 $0xFFFFE000;
	s24 =	simm.s32 @!p0 $0x40  }
0x7b: {  	[tilespmem:s8], [sflag:$0x9] =	stream.indirect.gather @!p0 [hbm4b:s4+s24], $0x80, s1, s24, $0xb8;
	[tilespmem:$0x1C000] =	vst v63  }
0x7c: {  	p4 =	por @!p0 $0x0, $0x0;
	s1 =	simm.s32 @!p2 $0x0;
	s8 =	sshll.u32 @!p0 s19, $0x7  }
0x7d: {  	[tilespmem:s26], [sflag:s30] =	stream.linear.gather @!p2 [hbm4b:s16+s1], $0x80, $0x38;
	[tilespmem:$0x1C000] =	vst v63  }
0x7e: {  	s1 =	sor.u32 $0x2, s20;
	s26 =	sadd.s32 @!p0 $0x6, s14;
	_ =	swait.ge [sflag:s25], $0x2000  }
0x7f: {  	s9 =	sshll.u32 s22, $0x7;
	s15 =	sand.u32 @!p0 $0x6, s26;
	[sflag:s25] =	ssyncset.done $0x0  }
0x80: {  	s19 =	sadd.s32 @!p0 $0x1, s19;
	s26 =	sor.u32 $0x40, s9;
	[sflag:s25] =	ssyncadd.s32 $0xFFFFE000  }
0x81: {  	[spmem:s2] =	stream.indirect.scatter.add.f32 [tilespmem:s31], [sflag:$0xE], $0x80, s26, s28, $0xb8;
	[tilespmem:$0x1C000] =	vst v63  }
0x82: {  	p3 =	por @!p1 p4, p4;
	s17 =	sshll.u32 @!p0 s15, $0x7;
	_ =	swait.ge @!p0 [sflag:s19], $0x80  }
0x83: {  	s26 =	sadd.s32 @!p0 $0xFFFFFFFF, s14;
	s14 =	sadd.s32 $0x4, s14;
	[sflag:s19] =	ssyncset.done @!p0 $0x0  }
0x84: {  	s6 =	sand.u32 @!p0 $0x7, s26;
	[sflag:s19] =	ssyncadd.s32 @!p0 $0xFFFFFF80;
	s19 =	simm.s32 @!p0 $0xE  }
0x85: {  	p2 =	sne.s32 s14, $0xA0;
	s26 =	sshll.u32 @!p0 s6, $0x7;
	_ =	swait.ge @!p0 [sflag:s19], $0x2000  }
0x86: {  	p1 =	por $0x0, $0x0;
	s30 =	smov.u32 s16;
	[sflag:s19] =	ssyncset.done @!p0 $0x0  }
0x87: {  	p1 =	por @!p0 p3, p3;
	[sflag:s19] =	ssyncadd.s32 @!p0 $0xFFFFE000;
	s19 =	simm.s32 @!p0 $0x2400  }
0x88: {  	[tilespmem:s19], [sflag:$0xA] =	stream.indirect.gather @!p0 [hbm4b:s4+s24], $0x80, s8, s24, $0xb8;
	[tilespmem:$0x1C000] =	vst v63  }
0x89: {  	s8 =	sadd.s32 @p1 $0x1, s22;
	s19 =	sadd.s32 @p1 $0x10, s16;
	s22 =	simm.s32 @p1 $0x0  }
0x8a: {  	[tilespmem:s9], [sflag:s8] =	stream.linear.gather @p1 [hbm4b:s19+s22], $0x80, $0x38;
	[tilespmem:$0x1C000] =	vst v63  }
0x8b: {  	s8 =	sadd.s32 @p1 $0x1, s1;
	_ =	swait.ge [sflag:s5], $0x2000  }
0x8c: {  	s1 =	sshll.u32 s1, $0x7;
	[sflag:s5] =	ssyncset.done $0x0  }
0x8d: {  	s15 =	sor.u32 @!p0 $0x1, s15;
	s9 =	sor.u32 $0x40, s1;
	[sflag:s5] =	ssyncadd.s32 $0xFFFFE000  }
0x8e: {  	[spmem:s2] =	stream.indirect.scatter.add.f32 [tilespmem:s0], [sflag:$0xF], $0x80, s9, s28, $0xb8;
	[tilespmem:$0x1C000] =	vst v63  }
0x8f: {  	_ =	swait.ge @!p0 [sflag:s15], $0x80  }
0x90: {  	[sflag:s15] =	ssyncset.done @!p0 $0x0  }
0x91: {  	s9 =	simm.s32 @!p0 $0xF;
	[sflag:s15] =	ssyncadd.s32 @!p0 $0xFFFFFF80  }
0x92: {  	_ =	swait.ge @!p0 [sflag:s9], $0x2000  }
0x93: {  	[sflag:s9] =	ssyncset.done @!p0 $0x0  }
0x94: {  	[sflag:s9] =	ssyncadd.s32 @!p0 $0xFFFFE000;
	s9 =	simm.s32 @!p0 $0x4400  }
0x95: {  	[tilespmem:s9], [sflag:$0xB] =	stream.indirect.gather @!p0 [hbm4b:s4+s24], $0x80, s17, s24, $0xb8;
	[tilespmem:$0x1C000] =	vst v63  }
0x96: {  	s9 =	sadd.s32 @p1 $0x20, s16  }
0x97: {  	[tilespmem:s1], [sflag:s8] =	stream.linear.gather @p1 [hbm4b:s9+s22], $0x80, $0x38;
	[tilespmem:$0x1C000] =	vst v63  }
0x98: {  	s1 =	sor.u32 $0x3, s20;
	_ =	swait.ge [sflag:s13], $0x2000  }
0x99: {  	s20 =	sshll.u32 s1, $0x7;
	[sflag:s13] =	ssyncset.done $0x0  }
0x9a: {  	s6 =	sadd.s32 @!p0 $0x1, s6;
	s8 =	sor.u32 $0x40, s20;
	[sflag:s13] =	ssyncadd.s32 $0xFFFFE000  }
0x9b: {  	[spmem:s2] =	stream.indirect.scatter.add.f32 [tilespmem:s21], [sflag:$0x10], $0x80, s8, s28, $0xb8;
	[tilespmem:$0x1C000] =	vst v63  }
0x9c: {  	_ =	swait.ge @!p0 [sflag:s6], $0x80  }
0x9d: {  	[sflag:s6] =	ssyncset.done @!p0 $0x0  }
0x9e: {  	[sflag:s6] =	ssyncadd.s32 @!p0 $0xFFFFFF80;
	s6 =	simm.s32 @!p0 $0x10  }
.Ltmp0:
0x9f: {  	_ =	swait.ge @!p0 [sflag:s6], $0x2000;
	(pc) =	sbr.rel @p2 .LBB2_2-.Ltmp0, $4  }
0xa0: {  	[sflag:s6] =	ssyncset.done @!p0 $0x0  }
0xa1: {  	s16 =	sadd.s32 $0x40, s16;
	[sflag:s6] =	ssyncadd.s32 @!p0 $0xFFFFE000;
	s6 =	simm.s32 @!p0 $0x6400  }
0xa2: {  	[tilespmem:s6], [sflag:$0xC] =	stream.indirect.gather @!p0 [hbm4b:s4+s24], $0x80, s26, s24, $0xb8;
	[tilespmem:$0x1C000] =	vst v63  }
0xa3: {  	s18 =	sadd.s32 $0x1, s18;
	s24 =	sadd.s32 @p1 $0x1, s1;
	s26 =	sadd.s32 @p1 $0x30, s30  }
0xa4: {  	[tilespmem:s20], [sflag:s24] =	stream.linear.gather @p1 [hbm4b:s26+s22], $0x80, $0x38;
	[tilespmem:$0x1C000] =	vst v63  }
0xa5: {  	s1 =	simm.s32 $0xD  }
0xa6: {  	_ =	swait.ge [sflag:s1], $0x2000  }
0xa7: {  	[sflag:s1] =	ssyncset.done $0x0  }
0xa8: {  	s20 =	simm.s32 $0xE;
	[sflag:s1] =	ssyncadd.s32 $0xFFFFE000  }
0xa9: {  	_ =	swait.ge [sflag:s20], $0x2000  }
0xaa: {  	[sflag:s20] =	ssyncset.done $0x0  }
0xab: {  	s22 =	simm.s32 $0xF;
	[sflag:s20] =	ssyncadd.s32 $0xFFFFE000  }
0xac: {  	_ =	swait.ge [sflag:s22], $0x2000  }
0xad: {  	[sflag:s22] =	ssyncset.done $0x0  }
0xae: {  	s24 =	simm.s32 $0x10;
	[sflag:s22] =	ssyncadd.s32 $0xFFFFE000  }
0xaf: {  	_ =	swait.ge [sflag:s24], $0x2000  }
0xb0: {  	[sflag:s24] =	ssyncset.done $0x0  }
0xb1: {  	[sflag:s24] =	ssyncadd.s32 $0xFFFFE000  }
0xb2: {  	[bflag:$0x0] =	sbarrier.arrive $0xFFFF  }
0xb3: {  	s26 =	rddreg [dreg:$0x4]  }
0xb4: {  	[hbm:s26], [sflag:s10] =	dma.local [spmem:s7], $0x2780  }
0xb5: {  	_ =	swait.ge [sflag:s11], $0x2780  }
0xb6: {  	s12 =	sadd.s32 $0x1, s12;
	s30 =	rddreg [dreg:$0x5]  }
0xb7: {  	p0 =	sne.s32 s12, s30  }
.Ltmp1:
0xb8: {  	_ = 	snop;
	(pc) =	sbr.rel @p0 .LBB2_1-.Ltmp1, $3  }
0xb9: {  	_ =	sdelay $0x1  }
0xba: {  	[sflag:s11] =	ssyncset.done $0x0  }
0xbb: {  	s6 =	smov.u32 s10;
	s8 =	smov.u32 s7;
	[sflag:s11] =	ssyncadd.s32 $0xFFFFD880  }
0xbc: {  	_ =	sfence.sel $0x180000  }
0xbd: {  	[bflag:$0x0] =	sbarrier.arrive $0xFFFF  }
0xbe: {  	_ =	strace $0x9000004A  }
0xbf: {  	s0 =	stileid.u32;
	[bflag:$0x2] =	sbarrier.arrive $0xFFFF  }
0xc0: {  	p0 =	sne.s32 s0, $0x0;
	s0 =	rddreg [dreg:$0x2]  }
0xc1: {  	s0 =	sadd.s32 @!p0 $0x100000, s0  }
0xc2: {  	[sflag:s0] =	ssyncadd.tile.s32 @!p0 $0x1;
	_ =	shalt  }
.Lfunc_end2:
_tile_overlayer_lowered:
.L_overlay_start_2:
0xc3: {  	(tag) =	ssettag $0x2  }
0xc4: {  	s0 =	rddreg [dreg:$0x0];
	s2 =	stileid.u32  }
0xc5: {  	s1 =	rddreg [dreg:$0x1];
	p0 =	sne.s32 s2, $0x0  }
0xc6: {  	s3 =	rddreg [dreg:$0x2];
	[bflag:$0x3] =	sbarrier.arrive $0xFFFF;
	s2 =	simm.s32 @!p0 $0x1C11  }
0xc7: {  	[timem:s3], [sflag:s2] =	dma.local @!p0 [hbm:s0], s1  }
0xc8: {  	s0 =	simm.s32 @!p0 $0x11  }
0xc9: {  	_ =	swait.ge @!p0 [sflag:s0], s1  }
0xca: {  	s1 =	ssub.s32 @!p0 $0x0, s1;
	[sflag:s0] =	ssyncset.done @!p0 $0x0  }
0xcb: {  	[sflag:s0] =	ssyncadd.s32 @!p0 s1  }
0xcc: {  	[bflag:$0x3] =	sbarrier.arrive $0xFFFF  }
0xcd: {  	_ =	shalt  }

// kernel: kernel.8.cloned.1.call-start
scs
__scs_entry_jumppad:
0x0: {  	(pc) =	sbr.rel $0x88, $3  }
0x1: {  	(tag) =	ssettag $0x0;
	lr =	simm.s32 $0x1  }
0x2: {  	[smem:$0x3F99] =	sst lr;
	_ =	strace $0xD0000000  }
0x3: {  	_ = 	snop  }
0x4: {  	_ = 	snop  }
0x5: {  	_ = 	snop  }
0x6: {  	_ = 	snop  }
0x7: {  	_ = 	snop  }
__scs_overlays_trampoline_lowered:
0x8: {  	[smem:$0x3FA8] =	sst s0  }
0x9: {  	[smem:$0x3FA9] =	sst s1  }
0xa: {  	[smem:$0x3FAA] =	sst s2  }
0xb: {  	[smem:$0x3FAB] =	sst s3  }
0xc: {  	[smem:$0x3FAC] =	sst s4  }
0xd: {  	[smem:$0x3FAD] =	sst s5  }
0xe: {  	[smem:$0x3FAE] =	sst s6  }
0xf: {  	[smem:$0x3FAF] =	sst s7  }
0x10: {  	[smem:$0x3FB0] =	sst s8  }
0x11: {  	[smem:$0x3FB1] =	sst s9;
	s0 =	simm.s32 @!p0 $0x0  }
0x12: {  	s1 =	sld [smem:$0x3F97];
	s0 =	simm.s32 @p0 $0x1  }
0x13: {  	[smem:$0x3FB2] =	sst s0;
	s0 =	simm.s32 @!p1 $0x0  }
0x14: {  	s2 =	sld [smem:$0x3F96];
	s0 =	simm.s32 @p1 $0x1  }
0x15: {  	[smem:$0x3FB3] =	sst s0;
	s0 =	simm.s32 @!p2 $0x0  }
0x16: {  	s3 =	sld [smem:$0x3FDB];
	s0 =	simm.s32 @p2 $0x1  }
0x17: {  	s4 =	simm.s32 $0x1BF5;
	[smem:$0x3FB5] =	sst s0  }
0x18: {  	s0 =	sld [smem:$0x3F98];
	_ =	swait.ge [sflag:s4], $0x0  }
0x19: {  	s7 =	sld [smem:$0x3F99]  }
0x1a: {  	s8 =	sadd.s32 $0xFFFFE003, lr  }
0x1b: {  	s9 =	sadd.s32 $0xFFFFFEF7, lr;
	s5 =	simm.s32 $0xFFFFFFFF;
	p2 =	slt.u32 s8, $0xFFFFF086  }
0x1c: {  	p1 =	slt.u32 s9, $0xF7A;
	s5 =	simm.s32 @!p2 $0x0  }
0x1d: {  	s5 =	simm.s32 @p1 $0x1;
	p0 =	seq.s32 s7, s2  }
0x1e: {  	s7 =	smul.u32 @!p0 $0xF7A, s2;
	p2 =	seq.s32 @!p0 s5, $0x0  }
0x1f: {  	s9 =	smul.u32 $0xF7A, s1;
	s8 =	simm.s32 @!p0 $0x1BF5;
	p2 =	por !p2, p0  }
0x20: {  	[sflag:s8] =	ssyncset.s32 @!p0 $0xFFFFF086;
	s6 =	sadd.s32 @!p0 s3, s7;
	s7 =	simm.s32 @!p0 $0x108  }
0x21: {  	s3 =	sadd.s32 s3, s9;
	s6 =	sadd.s32 @!p0 $0x88, s6;
	s7 =	simm.s32 @p2 $0x1082  }
0x22: {  	[simem:s7], [sflag:s8] =	dma.local @!p0 [hbm:s6], $0xF7A  }
0x23: {  	s9 =	sor.u32 $0xD0000000, s2;
	s6 =	simm.s32 $0x108;
	_ =	swait.ge @!p0 [sflag:s8], $0x0  }
0x24: {  	s3 =	sadd.s32 $0x88, s3;
	s6 =	simm.s32 @!p1 $0x1082;
	[sflag:s4] =	ssyncset.s32 $0xFFFFF086  }
0x25: {  	[simem:s6], [sflag:s4] =	dma.local [hbm:s3], $0xF7A  }
0x26: {  	[smem:$0x3F99] =	sst s1;
	(tag) =	ssettag s2;
	_ =	strace s9  }
0x27: {  	s1 =	sld [smem:$0x3FA9]  }
0x28: {  	s2 =	sld [smem:$0x3FAA]  }
0x29: {  	s4 =	sld [smem:$0x3FAC]  }
0x2a: {  	p0 =	seq.s32 s5, $0x0;
	s5 =	sld [smem:$0x3FAD]  }
0x2b: {  	s6 =	sld [smem:$0x3FAE]  }
0x2c: {  	s7 =	sld [smem:$0x3FAF]  }
0x2d: {  	s3 =	simm.s32 $0x108;
	s8 =	sld [smem:$0x3FB0]  }
0x2e: {  	s3 =	simm.s32 @!p0 $0x1082;
	s9 =	sld [smem:$0x3FB1]  }
0x2f: {  	lr =	sadd.s32 s0, s3;
	s0 =	sld [smem:$0x3FA8]  }
0x30: {  	s3 =	sld [smem:$0x3FAB]  }
0x31: {  	[smem:$0x3FB4] =	sst s10  }
0x32: {  	s10 =	sld [smem:$0x3FB2];
	_ =	sdelay $0x3  }
0x33: {  	p0 =	seq.s32 s10, $0x1;
	s10 =	sld [smem:$0x3FB4];
	_ =	sdelay $0x3  }
0x34: {  	[smem:$0x3FB4] =	sst s10  }
0x35: {  	s10 =	sld [smem:$0x3FB3];
	_ =	sdelay $0x3  }
0x36: {  	p1 =	seq.s32 s10, $0x1;
	s10 =	sld [smem:$0x3FB4];
	_ =	sdelay $0x3  }
0x37: {  	[smem:$0x3FB4] =	sst s10  }
0x38: {  	s10 =	sld [smem:$0x3FB5]  }
0x39: {  	_ = 	snop;
	(pc) =	sbr.ind lr, $3  }
0x3a: {  	_ = 	snop  }
0x3b: {  	_ = 	snop  }
0x3c: {  	p2 =	seq.s32 s10, $0x1;
	s10 =	sld [smem:$0x3FB4]  }
0x3d: {  	_ =	shalt  }
0x3e: {  	_ =	shalt  }
0x3f: {  	_ =	shalt  }
0x40: {  	_ =	shalt  }
0x41: {  	_ =	shalt  }
0x42: {  	_ =	shalt  }
0x43: {  	_ =	shalt  }
0x44: {  	_ =	shalt  }
0x45: {  	_ =	shalt  }
0x46: {  	_ =	shalt  }
0x47: {  	_ =	shalt  }
0x48: {  	_ =	shalt  }
0x49: {  	_ =	shalt  }
0x4a: {  	_ =	shalt  }
0x4b: {  	_ =	shalt  }
0x4c: {  	_ =	shalt  }
0x4d: {  	_ =	shalt  }
0x4e: {  	_ =	shalt  }
0x4f: {  	_ =	shalt  }
0x50: {  	_ =	shalt  }
0x51: {  	_ =	shalt  }
0x52: {  	_ =	shalt  }
0x53: {  	_ =	shalt  }
0x54: {  	_ =	shalt  }
0x55: {  	_ =	shalt  }
0x56: {  	_ =	shalt  }
0x57: {  	_ =	shalt  }
0x58: {  	_ =	shalt  }
0x59: {  	_ =	shalt  }
0x5a: {  	_ =	shalt  }
0x5b: {  	_ =	shalt  }
0x5c: {  	_ =	shalt  }
0x5d: {  	_ =	shalt  }
0x5e: {  	_ =	shalt  }
0x5f: {  	_ =	shalt  }
0x60: {  	_ =	shalt  }
0x61: {  	_ =	shalt  }
0x62: {  	_ =	shalt  }
0x63: {  	_ =	shalt  }
0x64: {  	_ =	shalt  }
0x65: {  	_ =	shalt  }
0x66: {  	_ =	shalt  }
0x67: {  	_ =	shalt  }
0x68: {  	_ =	shalt  }
0x69: {  	_ =	shalt  }
0x6a: {  	_ =	shalt  }
0x6b: {  	_ =	shalt  }
0x6c: {  	_ =	shalt  }
0x6d: {  	_ =	shalt  }
0x6e: {  	_ =	shalt  }
0x6f: {  	_ =	shalt  }
0x70: {  	_ =	shalt  }
0x71: {  	_ =	shalt  }
0x72: {  	_ =	shalt  }
0x73: {  	_ =	shalt  }
0x74: {  	_ =	shalt  }
0x75: {  	_ =	shalt  }
0x76: {  	_ =	shalt  }
0x77: {  	_ =	shalt  }
0x78: {  	_ =	shalt  }
0x79: {  	_ =	shalt  }
0x7a: {  	_ =	shalt  }
0x7b: {  	_ =	shalt  }
0x7c: {  	_ =	shalt  }
0x7d: {  	_ =	shalt  }
0x7e: {  	_ =	shalt  }
0x7f: {  	_ =	shalt  }
0x80: {  	_ =	shalt  }
0x81: {  	_ =	shalt  }
0x82: {  	_ =	shalt  }
0x83: {  	_ =	shalt  }
0x84: {  	_ =	shalt  }
0x85: {  	_ =	shalt  }
0x86: {  	_ =	shalt  }
0x87: {  	_ =	shalt  }
.Lfunc_end0:
.L_simem_size_0:
called_computation_lowered:
.L_overlay_start_0:
0x88: {  	s2 =	sld [smem:$0x3FD9]  }
0x89: {  	s3 =	sld [smem:$0x3FFE];
	_ =	sdelay $0x1  }
0x8a: {  	s1 =	srdreg.scid  }
0x8b: {  	s0 =	sand.u32 $0x1, s1  }
0x8c: {  	s17 =	sshll.u32 s0, $0xA;
	s2 =	sadd.s32 s3, s2  }
0x8d: {  	s2 =	sadd.s32 s2, s17  }
0x8e: {  	[smem:$0x3FC0] =	sst s2  }
0x8f: {  	_ = 	snop  }
0x90: {  	s2 =	sld [smem:$0x3FC9]  }
0x91: {  	s18 =	sld [smem:$0x3FD0];
	(tm) =	ssettm $0x1  }
0x92: {  	s4 =	sld [smem:$0x3FFB];
	_ =	sdelay $0x3  }
0x93: {  	_ =	strace s4  }
0x94: {  	s4 =	sld [smem:$0x3FFC];
	_ =	sdelay $0x3  }
0x95: {  	_ =	strace s4  }
0x96: {  	s4 =	sld [smem:$0x3FFD];
	_ =	sdelay $0x3  }
0x97: {  	_ =	strace s4  }
0x98: {  	_ =	strace $0x8FFFFFFF  }
0x99: {  	s19 =	sld [smem:$0x3FDB];
	_ =	sdelay $0x1  }
0x9a: {  	s5 =	simm.s32 $_scs_section_size  }
0x9b: {  	s6 =	simm.s32 $_size__tile_overlayer_lowered;
	s7 =	simm.s32 $_tile_overlayer_lowered  }
0x9c: {  	s22 =	simm.s32 $0x1BFF;
	s21 =	sshll.u32 s7, $0x1;
	s4 =	sadd.s32 s5, s19  }
0x9d: {  	s8 =	simm.s32 $0x0;
	s20 =	sshll.u32 s6, $0x1;
	s6 =	sadd.s32 s21, s4  }
0x9e: {  	[timem:s8], [sflag:s22] =	dma.local [hbm:s6], s20  }
0x9f: {  	_ =	swait.ge [sflag:s22], s20  }
0xa0: {  	s5 =	ssub.s32 $0x0, s20;
	[sflag:s22] =	ssyncset.done $0x0  }
0xa1: {  	[sflag:s22] =	ssyncadd.s32 s5;
	_ =	sdelay $0x1  }
0xa2: {  	s23 =	simm.s32 $0x1B8B  }
0xa3: {  	_ =	swait.ge [sflag:s23], $0x1  }
0xa4: {  	[sflag:s23] =	ssyncset.done $0x0  }
0xa5: {  	s25 =	simm.s32 $0x1B8E;
	s24 =	sld [smem:$0x3FFE];
	[sflag:s23] =	ssyncadd.s32 $0xFFFFFFFF  }
0xa6: {  	s26 =	simm.s32 $execute0_lowered;
	[smem:$0x3FD2] =	sst s25  }
0xa7: {  	s6 =	sshll.u32 s26, $0x1;
	_ =	strace $0x80000046;
	[dreg:$0x1] =	wrdreg $0xFFFFFFFF  }
0xa8: {  	s28 =	simm.s32 $_size_execute0_lowered;
	s4 =	sadd.s32 s4, s6;
	[dreg:$0x0] =	wrdreg $0x0  }
0xa9: {  	s6 =	sshll.u32 s28, $0x1;
	[dreg:$0x2] =	wrdreg s4  }
0xaa: {  	[dreg:$0x3] =	wrdreg s6  }
0xab: {  	[dreg:$0x4] =	wrdreg $0xC0  }
0xac: {  	_ =	task [dreg:s8], $0x5FFFF  }
0xad: {  	[dreg:$0x1] =	wrdreg $0xFFFFFFFF  }
0xae: {  	[dreg:$0x0] =	wrdreg $0x60  }
0xaf: {  	[dreg:$0x2] =	wrdreg s2  }
0xb0: {  	[dreg:$0x3] =	wrdreg s24  }
0xb1: {  	[dreg:$0x4] =	wrdreg s18  }
0xb2: {  	[dreg:$0x5] =	wrdreg $0x84000  }
0xb3: {  	[dreg:$0x6] =	wrdreg $0x1C4000  }
0xb4: {  	[dreg:$0x7] =	wrdreg $0x9  }
0xb5: {  	_ =	task.clear_ibuf [dreg:s8], $0x8FFFF;
	_ =	strace $0x90000046  }
0xb6: {  	s29 =	simm.s32 $0x9;
	_ =	strace $0x80000048  }
0xb7: {  	_ =	swait.ge [sflag:s29], $0x1  }
0xb8: {  	[sflag:s29] =	ssyncadd.s32 $0xFFFFFFFF  }
0xb9: {  	_ =	strace $0x90000048  }
0xba: {  	_ =	sfence  }
0xbb: {  	s30 =	sld [smem:$0x0];
	_ =	sdelay $0x2  }
0xbc: {  	s31 =	sshll.u32 s1, $0xD;
	s1 =	sshrl.u32 s1, $0x2  }
0xbd: {  	s3 =	sand.u32 $0x4000, s31;
	s1 =	sadd.s32 s1, s30  }
0xbe: {  	s0 =	sor.u32 s3, s0;
	s1 =	sshll.u32 s1, $0x11  }
0xbf: {  	s0 =	sor.u32 s1, s0  }
0xc0: {  	s0 =	sadd.s32 $0x8F2B, s0  }
0xc1: {  	[sflag:s0] =	ssyncadd.remote.s32 $0x1  }
0xc2: {  	_ =	sfence.sel $0xFFFF  }
0xc3: {  	[dreg:$0x0] =	wrdreg $0xFFFFFFFF;
	(pc) =	sbr.abs _section_cstart, $3  }
0xc4: {  	[dreg:$0x1] =	wrdreg $0xFFFFFFFF  }
0xc5: {  	_ =	task.clear_ibuf [dreg:s8], $0x2FFFF;
	_ =	strace $0x9FFFFFFF  }
0xc6: {  	(tm) =	ssettm $0x7FFFFFFF  }
0xc7: {  	_ =	shalt  }
tec
execute0_lowered:
.L_overlay_start_1:
0x0: {  	(tag) =	ssettag $0x1  }
0x1: {  	s1 =	rddreg [dreg:$0x0]  }
0x2: {  	s6 =	rddreg [dreg:$0x1]  }
0x3: {  	s7 =	rddreg [dreg:$0x2]  }
0x4: {  	s0 =	srdreg.scid;
	s3 =	rddreg [dreg:$0x3]  }
0x5: {  	s5 =	stileid.u32;
	s4 =	rddreg [dreg:$0x4]  }
0x6: {  	s11 =	simm.s32 $0x0;
	s30 =	simm.s32 $0x40;
	s8 =	smul.u32 $0x13C00, s5  }
0x7: {  	s31 =	simm.s32 $0x400;
	s28 =	simm.s32 $0x6400;
	s9 =	smul.u32 $0x2780, s5  }
0x8: {  	s29 =	simm.s32 $0x0;
	s0 =	sand.u32 $0x1, s0;
	s10 =	smul.u32 $0x278, s5  }
0x9: {  	[smem:$0x7FF] =	sst s11;
	s14 =	sadd.s32 $0x43800, s6;
	s20 =	sshll.u32 s5, $0x6  }
0xa: {  	s2 =	sshll.u32 s0, $0x4;
	s15 =	smul.u32 $0x2780, s0;
	_ =	strace $0x80000047  }
0xb: {  	s0 =	ssub.s32 $0x2, s0;
	[dreg:$0x6] =	wrdreg s14;
	s2 =	sor.u32 s5, s2  }
0xc: {  	s12 =	sshrl.u32 s8, $0x3;
	s13 =	sshrl.u32 s9, $0x3;
	s18 =	sshrl.u32 s0, $0x1  }
0xd: {  	s19 =	sadd.s32 s8, s3;
	s5 =	sor.u32 $0x1C15, s20;
	s9 =	sadd.s32 s9, s4  }
0xe: {  	s2 =	smul.u32 $0xA00, s2;
	s12 =	sadd.s32 s12, s6;
	s11 =	sadd.s32 s10, s15  }
0xf: {  	s16 =	sadd.s32 s13, s6;
	s0 =	ssub.s32 s0, s18;
	s8 =	sshrl.u32 s19, $0x3  }
0x10: {  	s15 =	simm.s32 $0x15;
	[dreg:$0x8] =	wrdreg s5;
	s17 =	sshll.u32 s11, $0x4  }
0x11: {  	s21 =	sadd.s32 $0x17000, s12;
	s22 =	sadd.s32 $0x3E800, s16;
	[dreg:$0xd] =	wrdreg s8  }
0x12: {  	s23 =	sshll.u32 s11, $0x1;
	s0 =	smax.u32 s0, $0x1;
	[dreg:$0x7] =	wrdreg s21  }
0x13: {  	s12 =	sshrl.u32 s9, $0x3;
	s9 =	simm.s32 $0xB;
	[dreg:$0x9] =	wrdreg s22  }
0x14: {  	s2 =	sadd.s32 s2, s6;
	s6 =	sadd.s32 s17, s6;
	[dreg:$0xc] =	wrdreg s0  }
0x15: {  	s11 =	simm.s32 $0xC;
	[dreg:$0xe] =	wrdreg s12;
	s6 =	sadd.s32 $0x43A00, s6  }
0x16: {  	s10 =	sadd.s32 $0x3000, s2;
	s2 =	sadd.s32 s7, s23;
	[dreg:$0xa] =	wrdreg s6  }
0x17: {  	s17 =	simm.s32 $0x1C000;
	[dreg:$0xb] =	wrdreg s2;
	s24 =	sadd.s32 $0x10, s10  }
0x18: {  	s0 =	simm.s32 $0x2400;
	s25 =	sadd.s32 $0x20, s10;
	[dreg:$0xf] =	wrdreg s24  }
0x19: {  	s7 =	simm.s32 $0xA;
	s26 =	sadd.s32 $0x30, s10;
	[dreg:$0x10] =	wrdreg s25  }
0x1a: {  	s6 =	simm.s32 $0x9;
	[dreg:$0x11] =	wrdreg s26;
	s25 =	simm.s32 $0x4400  }
.LBB2_1:
0x1b: {  	s2 =	rddreg [dreg:$0x7]  }
0x1c: {  	[spmem:s8], [sflag:s5] =	dma.local [hbm:s2], $0x2780  }
0x1d: {  	_ =	swait.ge [sflag:s15], $0x2780  }
0x1e: {  	[sflag:s15] =	ssyncset.done $0x0  }
0x1f: {  	s14 =	rddreg [dreg:$0x9];
	[sflag:s15] =	ssyncadd.s32 $0xFFFFD880  }
0x20: {  	[spmem:s12], [sflag:s5] =	dma.local [hbm:s14], $0x4F0  }
0x21: {  	_ =	swait.ge [sflag:s15], $0x4F0  }
0x22: {  	[sflag:s15] =	ssyncset.done $0x0  }
0x23: {  	s5 =	simm.s32 $0x0;
	s16 =	rddreg [dreg:$0x6];
	[sflag:s15] =	ssyncadd.s32 $0xFFFFFB10  }
0x24: {  	[tilespmem:s17], [sflag:$0x15] =	stream.linear.gather [hbm4b:s16+s5], $0x400, $0x38;
	[tilespmem:$0x1EB80] =	vst v63  }
0x25: {  	_ =	swait.ge [sflag:s15], $0x400  }
0x26: {  	[sflag:s15] =	ssyncset.done $0x0  }
0x27: {  	[sflag:s15] =	ssyncadd.s32 $0xFFFFFC00  }
0x28: {  	[bflag:$0x0] =	sbarrier.arrive $0xFFFF  }
0x29: {  	[tilespmem:s5], [sflag:$0x1] =	stream.linear.gather [hbm4b:s10+s5], $0x80, $0x38;
	[tilespmem:$0x1EB80] =	vst v63  }
0x2a: {  	s8 =	simm.s32 $0x80;
	s18 =	rddreg [dreg:$0xf]  }
0x2b: {  	[tilespmem:s8], [sflag:$0x2] =	stream.linear.gather [hbm4b:s18+s5], $0x80, $0x38;
	[tilespmem:$0x1EB80] =	vst v63  }
0x2c: {  	s12 =	simm.s32 $0x100;
	s19 =	rddreg [dreg:$0x10]  }
0x2d: {  	[tilespmem:s12], [sflag:$0x3] =	stream.linear.gather [hbm4b:s19+s5], $0x80, $0x38;
	[tilespmem:$0x1EB80] =	vst v63  }
0x2e: {  	s13 =	simm.s32 $0x180;
	s20 =	rddreg [dreg:$0x11]  }
0x2f: {  	[tilespmem:s13], [sflag:$0x4] =	stream.linear.gather [hbm4b:s20+s5], $0x80, $0x38;
	[tilespmem:$0x1EB80] =	vst v63  }
0x30: {  	s21 =	sadd.s32 $0x40, s10;
	s14 =	simm.s32 $0x200  }
0x31: {  	[tilespmem:s14], [sflag:$0x5] =	stream.linear.gather [hbm4b:s21+s5], $0x80, $0x38;
	[tilespmem:$0x1EB80] =	vst v63  }
0x32: {  	s22 =	sadd.s32 $0x50, s10;
	s23 =	simm.s32 $0x280  }
0x33: {  	[tilespmem:s23], [sflag:$0x6] =	stream.linear.gather [hbm4b:s22+s5], $0x80, $0x38;
	[tilespmem:$0x1EB80] =	vst v63  }
0x34: {  	s24 =	sadd.s32 $0x60, s10;
	s26 =	simm.s32 $0x300  }
0x35: {  	[tilespmem:s26], [sflag:$0x7] =	stream.linear.gather [hbm4b:s24+s5], $0x80, $0x38;
	[tilespmem:$0x1EB80] =	vst v63  }
0x36: {  	s16 =	sadd.s32 $0x70, s10;
	s18 =	simm.s32 $0x380;
	s19 =	simm.s32 $0x1  }
0x37: {  	[tilespmem:s18], [sflag:$0x8] =	stream.linear.gather [hbm4b:s16+s5], $0x80, $0x38;
	[tilespmem:$0x1EB80] =	vst v63  }
0x38: {  	_ =	swait.ge [sflag:s19], $0x80  }
0x39: {  	[sflag:s19] =	ssyncset.done $0x0  }
0x3a: {  	s20 =	simm.s32 $0x2;
	[sflag:s19] =	ssyncadd.s32 $0xFFFFFF80  }
0x3b: {  	[tilespmem:s31], [sflag:$0x9] =	stream.indirect.gather [hbm4b:s1+s30], $0x80, s5, s30, $0xb8;
	[tilespmem:$0x1EB80] =	vst v63  }
0x3c: {  	_ =	swait.ge [sflag:s20], $0x80  }
0x3d: {  	[sflag:s20] =	ssyncset.done $0x0  }
0x3e: {  	s21 =	simm.s32 $0x3;
	[sflag:s20] =	ssyncadd.s32 $0xFFFFFF80  }
0x3f: {  	[tilespmem:s0], [sflag:$0xA] =	stream.indirect.gather [hbm4b:s1+s30], $0x80, s8, s30, $0xb8;
	[tilespmem:$0x1EB80] =	vst v63  }
0x40: {  	_ =	swait.ge [sflag:s21], $0x80  }
0x41: {  	[sflag:s21] =	ssyncset.done $0x0  }
0x42: {  	s22 =	simm.s32 $0x4;
	[sflag:s21] =	ssyncadd.s32 $0xFFFFFF80  }
0x43: {  	[tilespmem:s25], [sflag:$0xB] =	stream.indirect.gather [hbm4b:s1+s30], $0x80, s12, s30, $0xb8;
	[tilespmem:$0x1EB80] =	vst v63  }
0x44: {  	_ =	swait.ge [sflag:s22], $0x80  }
0x45: {  	[sflag:s22] =	ssyncset.done $0x0  }
0x46: {  	[sflag:s22] =	ssyncadd.s32 $0xFFFFFF80  }
0x47: {  	[tilespmem:s28], [sflag:$0xC] =	stream.indirect.gather [hbm4b:s1+s30], $0x80, s13, s30, $0xb8;
	[tilespmem:$0x1EB80] =	vst v63  }
0x48: {  	s2 =	sand.u32 $0x4, s5;
	_ =	swait.ge [sflag:s6], $0x2000  }
0x49: {  	p0 =	por $0x0, $0x0;
	s12 =	sshll.u32 s2, $0x7;
	[sflag:s6] =	ssyncset.done $0x0  }
0x4a: {  	s18 =	sxor.u32 @!p0 $0x4, s2;
	s23 =	sor.u32 $0x40, s12;
	[sflag:s6] =	ssyncadd.s32 $0xFFFFE000  }
0x4b: {  	[spmem:s3] =	stream.indirect.scatter.add.f32 [tilespmem:s31], [sflag:$0xD], $0x80, s23, s30, $0xb8;
	[tilespmem:$0x1EB80] =	vst v63  }
0x4c: {  	s19 =	sadd.s32 @!p0 $0x1, s18  }
0x4d: {  	[spmem:s4] =	stream.indirect.scatter.add.f32 [tilespmem:s17], [sflag:$0x11], $0x10, s23, s30, $0xb8;
	[tilespmem:$0x1EB80] =	vst v63  }
0x4e: {  	_ =	swait.ge @!p0 [sflag:s19], $0x80  }
0x4f: {  	[sflag:s19] =	ssyncset.done @!p0 $0x0  }
0x50: {  	s13 =	simm.s32 @!p0 $0xD;
	[sflag:s19] =	ssyncadd.s32 @!p0 $0xFFFFFF80  }
0x51: {  	_ =	swait.ge @!p0 [sflag:s13], $0x2000  }
0x52: {  	[sflag:s13] =	ssyncset.done @!p0 $0x0  }
0x53: {  	[sflag:s13] =	ssyncadd.s32 @!p0 $0xFFFFE000;
	s13 =	simm.s32 @!p0 $0x11  }
0x54: {  	p1 =	por @!p0 $0x0, $0x0;
	_ =	swait.ge @!p0 [sflag:s13], $0x400  }
0x55: {  	p2 =	por p1, p0;
	s19 =	sshll.u32 @!p0 s18, $0x7;
	[sflag:s13] =	ssyncset.done @!p0 $0x0  }
0x56: {  	s18 =	simm.s32 @!p0 $0x40;
	[sflag:s13] =	ssyncadd.s32 @!p0 $0xFFFFFC00;
	s13 =	simm.s32 @!p0 $0x400  }
0x57: {  	[tilespmem:s13], [sflag:$0x9] =	stream.indirect.gather @!p0 [hbm4b:s1+s18], $0x80, s19, s18, $0xb8;
	[tilespmem:$0x1EB80] =	vst v63  }
0x58: {  	s20 =	simm.s32 @!p2 $0x0;
	s13 =	sadd.s32 $0x80, s10;
	s19 =	sadd.s32 @!p2 $0x1, s2  }
0x59: {  	[tilespmem:s12], [sflag:s19] =	stream.linear.gather @!p2 [hbm4b:s13+s20], $0x80, $0x38;
	[tilespmem:$0x1EB80] =	vst v63  }
0x5a: {  	s12 =	sor.u32 $0x1, s2;
	_ =	swait.ge [sflag:s7], $0x2000  }
0x5b: {  	s19 =	simm.s32 @!p0 $0x5;
	s20 =	sshll.u32 s12, $0x7;
	[sflag:s7] =	ssyncset.done $0x0  }
0x5c: {  	s19 =	sand.u32 @!p0 $0x5, s19;
	s21 =	sor.u32 $0x40, s20;
	[sflag:s7] =	ssyncadd.s32 $0xFFFFE000  }
0x5d: {  	[spmem:s3] =	stream.indirect.scatter.add.f32 [tilespmem:s0], [sflag:$0xE], $0x80, s21, s30, $0xb8;
	[tilespmem:$0x1EB80] =	vst v63  }
0x5e: {  	s22 =	sadd.s32 @!p0 $0x1, s19  }
0x5f: {  	[spmem:s4] =	stream.indirect.scatter.add.f32 [tilespmem:s17], [sflag:$0x12], $0x10, s21, s30, $0xb8;
	[tilespmem:$0x1EB80] =	vst v63  }
0x60: {  	_ =	swait.ge @!p0 [sflag:s22], $0x80  }
0x61: {  	[sflag:s22] =	ssyncset.done @!p0 $0x0  }
0x62: {  	s21 =	simm.s32 @!p0 $0xE;
	[sflag:s22] =	ssyncadd.s32 @!p0 $0xFFFFFF80  }
0x63: {  	_ =	swait.ge @!p0 [sflag:s21], $0x2000  }
0x64: {  	p3 =	por @!p0 $0x0, $0x0;
	p1 =	por !p1, p0;
	[sflag:s21] =	ssyncset.done @!p0 $0x0  }
0x65: {  	p2 =	por @!p2 $0x1, $0x1;
	[sflag:s21] =	ssyncadd.s32 @!p0 $0xFFFFE000;
	s21 =	simm.s32 @!p0 $0x12  }
0x66: {  	p2 =	por @!p1 p3, p3;
	_ =	swait.ge @!p0 [sflag:s21], $0x400  }
0x67: {  	p1 =	por $0x0, $0x0;
	s19 =	sshll.u32 @!p0 s19, $0x7;
	[sflag:s21] =	ssyncset.done @!p0 $0x0  }
0x68: {  	p1 =	por @!p0 p2, p2;
	[sflag:s21] =	ssyncadd.s32 @!p0 $0xFFFFFC00;
	s21 =	simm.s32 @!p0 $0x2400  }
0x69: {  	[tilespmem:s21], [sflag:$0xA] =	stream.indirect.gather @!p0 [hbm4b:s1+s18], $0x80, s19, s18, $0xb8;
	[tilespmem:$0x1EB80] =	vst v63  }
0x6a: {  	s19 =	sadd.s32 @p1 $0x1, s12;
	s21 =	sadd.s32 @p1 $0x10, s13;
	s12 =	simm.s32 @p1 $0x0  }
0x6b: {  	[tilespmem:s20], [sflag:s19] =	stream.linear.gather @p1 [hbm4b:s21+s12], $0x80, $0x38;
	[tilespmem:$0x1EB80] =	vst v63  }
0x6c: {  	s19 =	sor.u32 $0x2, s2;
	_ =	swait.ge [sflag:s9], $0x2000  }
0x6d: {  	s21 =	simm.s32 @!p0 $0x6;
	s20 =	sshll.u32 s19, $0x7;
	[sflag:s9] =	ssyncset.done $0x0  }
0x6e: {  	s21 =	sand.u32 @!p0 $0x6, s21;
	s24 =	sor.u32 $0x40, s20;
	[sflag:s9] =	ssyncadd.s32 $0xFFFFE000  }
0x6f: {  	[spmem:s3] =	stream.indirect.scatter.add.f32 [tilespmem:s25], [sflag:$0xF], $0x80, s24, s30, $0xb8;
	[tilespmem:$0x1EB80] =	vst v63  }
0x70: {  	s22 =	sor.u32 @!p0 $0x1, s21  }
0x71: {  	[spmem:s4] =	stream.indirect.scatter.add.f32 [tilespmem:s17], [sflag:$0x13], $0x10, s24, s30, $0xb8;
	[tilespmem:$0x1EB80] =	vst v63  }
0x72: {  	_ =	swait.ge @!p0 [sflag:s22], $0x80  }
0x73: {  	[sflag:s22] =	ssyncset.done @!p0 $0x0  }
0x74: {  	[sflag:s22] =	ssyncadd.s32 @!p0 $0xFFFFFF80;
	s22 =	simm.s32 @!p0 $0xF  }
0x75: {  	_ =	swait.ge @!p0 [sflag:s22], $0x2000  }
0x76: {  	[sflag:s22] =	ssyncset.done @!p0 $0x0  }
0x77: {  	[sflag:s22] =	ssyncadd.s32 @!p0 $0xFFFFE000;
	s22 =	simm.s32 @!p0 $0x13  }
0x78: {  	_ =	swait.ge @!p0 [sflag:s22], $0x400  }
0x79: {  	[sflag:s22] =	ssyncset.done @!p0 $0x0  }
0x7a: {  	s21 =	sshll.u32 @!p0 s21, $0x7;
	[sflag:s22] =	ssyncadd.s32 @!p0 $0xFFFFFC00;
	s22 =	simm.s32 @!p0 $0x4400  }
0x7b: {  	[tilespmem:s22], [sflag:$0xB] =	stream.indirect.gather @!p0 [hbm4b:s1+s18], $0x80, s21, s18, $0xb8;
	[tilespmem:$0x1EB80] =	vst v63  }
0x7c: {  	s19 =	sadd.s32 @p1 $0x1, s19;
	s21 =	sadd.s32 @p1 $0x20, s13  }
0x7d: {  	[tilespmem:s20], [sflag:s19] =	stream.linear.gather @p1 [hbm4b:s21+s12], $0x80, $0x38;
	[tilespmem:$0x1EB80] =	vst v63  }
0x7e: {  	s20 =	sor.u32 $0x3, s2;
	_ =	swait.ge [sflag:s11], $0x2000  }
0x7f: {  	s2 =	simm.s32 @!p0 $0xFFFFFFFF;
	s19 =	sshll.u32 s20, $0x7;
	[sflag:s11] =	ssyncset.done $0x0  }
0x80: {  	s2 =	sand.u32 @!p0 $0x7, s2;
	s26 =	sor.u32 $0x40, s19;
	[sflag:s11] =	ssyncadd.s32 $0xFFFFE000  }
0x81: {  	[spmem:s3] =	stream.indirect.scatter.add.f32 [tilespmem:s28], [sflag:$0x10], $0x80, s26, s30, $0xb8;
	[tilespmem:$0x1EB80] =	vst v63  }
0x82: {  	s21 =	sadd.s32 @!p0 $0x1, s2  }
0x83: {  	[spmem:s4] =	stream.indirect.scatter.add.f32 [tilespmem:s17], [sflag:$0x14], $0x10, s26, s30, $0xb8;
	[tilespmem:$0x1EB80] =	vst v63  }
0x84: {  	_ =	swait.ge @!p0 [sflag:s21], $0x80  }
0x85: {  	[sflag:s21] =	ssyncset.done @!p0 $0x0  }
0x86: {  	[sflag:s21] =	ssyncadd.s32 @!p0 $0xFFFFFF80;
	s21 =	simm.s32 @!p0 $0x10  }
0x87: {  	_ =	swait.ge @!p0 [sflag:s21], $0x2000  }
0x88: {  	[sflag:s21] =	ssyncset.done @!p0 $0x0  }
0x89: {  	[sflag:s21] =	ssyncadd.s32 @!p0 $0xFFFFE000;
	s21 =	simm.s32 @!p0 $0x14  }
0x8a: {  	_ =	swait.ge @!p0 [sflag:s21], $0x400  }
0x8b: {  	s24 =	sadd.s32 $0x40, s13;
	s13 =	sadd.s32 @p1 $0x30, s13;
	[sflag:s21] =	ssyncset.done @!p0 $0x0  }
0x8c: {  	s2 =	sshll.u32 @!p0 s2, $0x7;
	[sflag:s21] =	ssyncadd.s32 @!p0 $0xFFFFFC00;
	s21 =	simm.s32 @!p0 $0x6400  }
0x8d: {  	[tilespmem:s21], [sflag:$0xC] =	stream.indirect.gather @!p0 [hbm4b:s1+s18], $0x80, s2, s18, $0xb8;
	[tilespmem:$0x1EB80] =	vst v63  }
0x8e: {  	s26 =	simm.s32 $0x1;
	s2 =	simm.s32 $0x4;
	s18 =	sadd.s32 @p1 $0x1, s20  }
.LBB2_2:
0x8f: {  	[tilespmem:s19], [sflag:s18] =	stream.linear.gather @p1 [hbm4b:s13+s12], $0x80, $0x38;
	[tilespmem:$0x1EB80] =	vst v63  }
0x90: {  	s19 =	sand.u32 $0x4, s2;
	p0 =	seq.s32 s2, $0x9C;
	_ =	swait.ge [sflag:s6], $0x2000  }
0x91: {  	s23 =	sshll.u32 s19, $0x7;
	p2 =	por @!p0 $0x0, $0x0;
	[sflag:s6] =	ssyncset.done $0x0  }
0x92: {  	s13 =	sxor.u32 @!p0 $0x4, s19;
	s12 =	sor.u32 $0x40, s23;
	[sflag:s6] =	ssyncadd.s32 $0xFFFFE000  }
0x93: {  	[spmem:s3] =	stream.indirect.scatter.add.f32 [tilespmem:s31], [sflag:$0xD], $0x80, s12, s30, $0xb8;
	[tilespmem:$0x1EB80] =	vst v63  }
0x94: {  	p3 =	sgt.u32 @!p0 s26, $0x25;
	s20 =	sadd.s32 @!p0 $0x5, s2;
	s18 =	sadd.s32 @!p0 $0x1, s13  }
0x95: {  	[spmem:s4] =	stream.indirect.scatter.add.f32 [tilespmem:s17], [sflag:$0x11], $0x10, s12, s30, $0xb8;
	[tilespmem:$0x1EB80] =	vst v63  }
0x96: {  	p1 =	por p3, p0;
	p4 =	por !p3, p0;
	_ =	swait.ge @!p0 [sflag:s18], $0x80  }
0x97: {  	s16 =	sand.u32 @!p0 $0x5, s20;
	s14 =	sadd.s32 @!p1 $0x1, s19;
	[sflag:s18] =	ssyncset.done @!p0 $0x0  }
0x98: {  	p3 =	por @!p1 $0x1, $0x1;
	[sflag:s18] =	ssyncadd.s32 @!p0 $0xFFFFFF80;
	s18 =	simm.s32 @!p0 $0xD  }
0x99: {  	p3 =	por @!p4 p2, p2;
	s12 =	sshll.u32 @!p0 s16, $0x7;
	_ =	swait.ge @!p0 [sflag:s18], $0x2000  }
0x9a: {  	s21 =	sshll.u32 @!p0 s13, $0x7;
	s13 =	sadd.s32 @!p0 $0x6, s2;
	[sflag:s18] =	ssyncset.done @!p0 $0x0  }
0x9b: {  	s8 =	simm.s32 @!p0 $0x11;
	s22 =	sand.u32 @!p0 $0x6, s13;
	[sflag:s18] =	ssyncadd.s32 @!p0 $0xFFFFE000  }
0x9c: {  	s13 =	sadd.s32 @!p0 $0xFFFFFFFF, s2;
	s20 =	sshll.u32 @!p0 s22, $0x7;
	_ =	swait.ge @!p0 [sflag:s8], $0x400  }
0x9d: {  	s2 =	sadd.s32 $0x4, s2;
	s18 =	sand.u32 @!p0 $0x7, s13;
	[sflag:s8] =	ssyncset.done @!p0 $0x0  }
0x9e: {  	s13 =	simm.s32 @!p0 $0x40;
	[sflag:s8] =	ssyncadd.s32 @!p0 $0xFFFFFC00;
	s8 =	simm.s32 @!p0 $0x400  }
0x9f: {  	[tilespmem:s8], [sflag:$0x9] =	stream.indirect.gather @!p0 [hbm4b:s1+s13], $0x80, s21, s13, $0xb8;
	[tilespmem:$0x1EB80] =	vst v63  }
0xa0: {  	p2 =	sne.s32 s2, $0xA0;
	s8 =	simm.s32 @!p1 $0x0;
	s21 =	sshll.u32 @!p0 s18, $0x7  }
0xa1: {  	[tilespmem:s23], [sflag:s14] =	stream.linear.gather @!p1 [hbm4b:s24+s8], $0x80, $0x38;
	[tilespmem:$0x1EB80] =	vst v63  }
0xa2: {  	s8 =	sor.u32 $0x1, s19;
	s23 =	smov.u32 s24;
	_ =	swait.ge [sflag:s7], $0x2000  }
0xa3: {  	s14 =	sshll.u32 s8, $0x7;
	[sflag:s7] =	ssyncset.done $0x0  }
0xa4: {  	s5 =	sor.u32 $0x40, s14;
	[sflag:s7] =	ssyncadd.s32 $0xFFFFE000  }
0xa5: {  	[spmem:s3] =	stream.indirect.scatter.add.f32 [tilespmem:s0], [sflag:$0xE], $0x80, s5, s30, $0xb8;
	[tilespmem:$0x1EB80] =	vst v63  }
0xa6: {  	s16 =	sadd.s32 @!p0 $0x1, s16  }
0xa7: {  	[spmem:s4] =	stream.indirect.scatter.add.f32 [tilespmem:s17], [sflag:$0x12], $0x10, s5, s30, $0xb8;
	[tilespmem:$0x1EB80] =	vst v63  }
0xa8: {  	_ =	swait.ge @!p0 [sflag:s16], $0x80  }
0xa9: {  	[sflag:s16] =	ssyncset.done @!p0 $0x0  }
0xaa: {  	s5 =	simm.s32 @!p0 $0xE;
	[sflag:s16] =	ssyncadd.s32 @!p0 $0xFFFFFF80  }
0xab: {  	_ =	swait.ge @!p0 [sflag:s5], $0x2000  }
0xac: {  	[sflag:s5] =	ssyncset.done @!p0 $0x0  }
0xad: {  	[sflag:s5] =	ssyncadd.s32 @!p0 $0xFFFFE000;
	s5 =	simm.s32 @!p0 $0x12  }
0xae: {  	_ =	swait.ge @!p0 [sflag:s5], $0x400  }
0xaf: {  	p1 =	por $0x0, $0x0;
	[sflag:s5] =	ssyncset.done @!p0 $0x0  }
0xb0: {  	p1 =	por @!p0 p3, p3;
	[sflag:s5] =	ssyncadd.s32 @!p0 $0xFFFFFC00;
	s5 =	simm.s32 @!p0 $0x2400  }
0xb1: {  	[tilespmem:s5], [sflag:$0xA] =	stream.indirect.gather @!p0 [hbm4b:s1+s13], $0x80, s12, s13, $0xb8;
	[tilespmem:$0x1EB80] =	vst v63  }
0xb2: {  	s5 =	sadd.s32 @p1 $0x1, s8;
	s8 =	sadd.s32 @p1 $0x10, s24;
	s12 =	simm.s32 @p1 $0x0  }
0xb3: {  	[tilespmem:s14], [sflag:s5] =	stream.linear.gather @p1 [hbm4b:s8+s12], $0x80, $0x38;
	[tilespmem:$0x1EB80] =	vst v63  }
0xb4: {  	s5 =	sor.u32 $0x2, s19;
	_ =	swait.ge [sflag:s9], $0x2000  }
0xb5: {  	s8 =	sshll.u32 s5, $0x7;
	[sflag:s9] =	ssyncset.done $0x0  }
0xb6: {  	s14 =	sor.u32 $0x40, s8;
	[sflag:s9] =	ssyncadd.s32 $0xFFFFE000  }
0xb7: {  	[spmem:s3] =	stream.indirect.scatter.add.f32 [tilespmem:s25], [sflag:$0xF], $0x80, s14, s30, $0xb8;
	[tilespmem:$0x1EB80] =	vst v63  }
0xb8: {  	s16 =	sor.u32 @!p0 $0x1, s22  }
0xb9: {  	[spmem:s4] =	stream.indirect.scatter.add.f32 [tilespmem:s17], [sflag:$0x13], $0x10, s14, s30, $0xb8;
	[tilespmem:$0x1EB80] =	vst v63  }
0xba: {  	_ =	swait.ge @!p0 [sflag:s16], $0x80  }
0xbb: {  	[sflag:s16] =	ssyncset.done @!p0 $0x0  }
0xbc: {  	s14 =	simm.s32 @!p0 $0xF;
	[sflag:s16] =	ssyncadd.s32 @!p0 $0xFFFFFF80  }
0xbd: {  	_ =	swait.ge @!p0 [sflag:s14], $0x2000  }
0xbe: {  	[sflag:s14] =	ssyncset.done @!p0 $0x0  }
0xbf: {  	[sflag:s14] =	ssyncadd.s32 @!p0 $0xFFFFE000;
	s14 =	simm.s32 @!p0 $0x13  }
0xc0: {  	_ =	swait.ge @!p0 [sflag:s14], $0x400  }
0xc1: {  	[sflag:s14] =	ssyncset.done @!p0 $0x0  }
0xc2: {  	[sflag:s14] =	ssyncadd.s32 @!p0 $0xFFFFFC00;
	s14 =	simm.s32 @!p0 $0x4400  }
0xc3: {  	[tilespmem:s14], [sflag:$0xB] =	stream.indirect.gather @!p0 [hbm4b:s1+s13], $0x80, s20, s13, $0xb8;
	[tilespmem:$0x1EB80] =	vst v63  }
0xc4: {  	s5 =	sadd.s32 @p1 $0x1, s5;
	s14 =	sadd.s32 @p1 $0x20, s24  }
0xc5: {  	[tilespmem:s8], [sflag:s5] =	stream.linear.gather @p1 [hbm4b:s14+s12], $0x80, $0x38;
	[tilespmem:$0x1EB80] =	vst v63  }
0xc6: {  	s5 =	sor.u32 $0x3, s19;
	_ =	swait.ge [sflag:s11], $0x2000  }
0xc7: {  	s19 =	sshll.u32 s5, $0x7;
	[sflag:s11] =	ssyncset.done $0x0  }
0xc8: {  	s8 =	sor.u32 $0x40, s19;
	[sflag:s11] =	ssyncadd.s32 $0xFFFFE000  }
0xc9: {  	[spmem:s3] =	stream.indirect.scatter.add.f32 [tilespmem:s28], [sflag:$0x10], $0x80, s8, s30, $0xb8;
	[tilespmem:$0x1EB80] =	vst v63  }
0xca: {  	s14 =	sadd.s32 @!p0 $0x1, s18  }
0xcb: {  	[spmem:s4] =	stream.indirect.scatter.add.f32 [tilespmem:s17], [sflag:$0x14], $0x10, s8, s30, $0xb8;
	[tilespmem:$0x1EB80] =	vst v63  }
0xcc: {  	_ =	swait.ge @!p0 [sflag:s14], $0x80  }
0xcd: {  	[sflag:s14] =	ssyncset.done @!p0 $0x0  }
0xce: {  	s8 =	simm.s32 @!p0 $0x10;
	[sflag:s14] =	ssyncadd.s32 @!p0 $0xFFFFFF80  }
0xcf: {  	_ =	swait.ge @!p0 [sflag:s8], $0x2000  }
0xd0: {  	[sflag:s8] =	ssyncset.done @!p0 $0x0  }
0xd1: {  	[sflag:s8] =	ssyncadd.s32 @!p0 $0xFFFFE000;
	s8 =	simm.s32 @!p0 $0x14  }
.Ltmp0:
0xd2: {  	_ =	swait.ge @!p0 [sflag:s8], $0x400;
	(pc) =	sbr.rel @p2 .LBB2_2-.Ltmp0, $4  }
0xd3: {  	[sflag:s8] =	ssyncset.done @!p0 $0x0  }
0xd4: {  	s24 =	sadd.s32 $0x40, s24;
	[sflag:s8] =	ssyncadd.s32 @!p0 $0xFFFFFC00;
	s8 =	simm.s32 @!p0 $0x6400  }
0xd5: {  	[tilespmem:s8], [sflag:$0xC] =	stream.indirect.gather @!p0 [hbm4b:s1+s13], $0x80, s21, s13, $0xb8;
	[tilespmem:$0x1EB80] =	vst v63  }
0xd6: {  	s26 =	sadd.s32 $0x1, s26;
	s18 =	sadd.s32 @p1 $0x1, s5;
	s13 =	sadd.s32 @p1 $0x30, s23  }
0xd7: {  	[tilespmem:s19], [sflag:s18] =	stream.linear.gather @p1 [hbm4b:s13+s12], $0x80, $0x38;
	[tilespmem:$0x1EB80] =	vst v63  }
0xd8: {  	s2 =	simm.s32 $0xD  }
0xd9: {  	_ =	swait.ge [sflag:s2], $0x2000  }
0xda: {  	[sflag:s2] =	ssyncset.done $0x0  }
0xdb: {  	s14 =	simm.s32 $0x11;
	[sflag:s2] =	ssyncadd.s32 $0xFFFFE000  }
0xdc: {  	_ =	swait.ge [sflag:s14], $0x400  }
0xdd: {  	[sflag:s14] =	ssyncset.done $0x0  }
0xde: {  	s16 =	simm.s32 $0xE;
	[sflag:s14] =	ssyncadd.s32 $0xFFFFFC00  }
0xdf: {  	_ =	swait.ge [sflag:s16], $0x2000  }
0xe0: {  	[sflag:s16] =	ssyncset.done $0x0  }
0xe1: {  	s18 =	simm.s32 $0x12;
	[sflag:s16] =	ssyncadd.s32 $0xFFFFE000  }
0xe2: {  	_ =	swait.ge [sflag:s18], $0x400  }
0xe3: {  	[sflag:s18] =	ssyncset.done $0x0  }
0xe4: {  	s19 =	simm.s32 $0xF;
	[sflag:s18] =	ssyncadd.s32 $0xFFFFFC00  }
0xe5: {  	_ =	swait.ge [sflag:s19], $0x2000  }
0xe6: {  	[sflag:s19] =	ssyncset.done $0x0  }
0xe7: {  	s20 =	simm.s32 $0x13;
	[sflag:s19] =	ssyncadd.s32 $0xFFFFE000  }
0xe8: {  	_ =	swait.ge [sflag:s20], $0x400  }
0xe9: {  	[sflag:s20] =	ssyncset.done $0x0  }
0xea: {  	s21 =	simm.s32 $0x10;
	[sflag:s20] =	ssyncadd.s32 $0xFFFFFC00  }
0xeb: {  	_ =	swait.ge [sflag:s21], $0x2000  }
0xec: {  	[sflag:s21] =	ssyncset.done $0x0  }
0xed: {  	s22 =	simm.s32 $0x14;
	[sflag:s21] =	ssyncadd.s32 $0xFFFFE000  }
0xee: {  	_ =	swait.ge [sflag:s22], $0x400  }
0xef: {  	[sflag:s22] =	ssyncset.done $0x0  }
0xf0: {  	[sflag:s22] =	ssyncadd.s32 $0xFFFFFC00  }
0xf1: {  	[bflag:$0x0] =	sbarrier.arrive $0xFFFF  }
0xf2: {  	s5 =	rddreg [dreg:$0x8]  }
0xf3: {  	s23 =	rddreg [dreg:$0xa]  }
0xf4: {  	s8 =	rddreg [dreg:$0xd]  }
0xf5: {  	[hbm:s23], [sflag:s5] =	dma.local [spmem:s8], $0x2780  }
0xf6: {  	_ =	swait.ge [sflag:s15], $0x2780  }
0xf7: {  	[sflag:s15] =	ssyncset.done $0x0;
	s24 =	rddreg [dreg:$0xb]  }
0xf8: {  	s12 =	rddreg [dreg:$0xe];
	[sflag:s15] =	ssyncadd.s32 $0xFFFFD880  }
0xf9: {  	[hbm:s24], [sflag:s5] =	dma.local [spmem:s12], $0x4F0  }
0xfa: {  	_ =	swait.ge [sflag:s15], $0x4F0  }
0xfb: {  	s29 =	sadd.s32 $0x1, s29;
	s26 =	rddreg [dreg:$0xc]  }
0xfc: {  	p0 =	sne.s32 s29, s26  }
.Ltmp1:
0xfd: {  	_ = 	snop;
	(pc) =	sbr.rel @p0 .LBB2_1-.Ltmp1, $3  }
0xfe: {  	_ =	sdelay $0x1  }
0xff: {  	[sflag:s15] =	ssyncset.done $0x0  }
0x100: {  	[sflag:s15] =	ssyncadd.s32 $0xFFFFFB10  }
0x101: {  	_ =	sfence.sel $0x180000  }
0x102: {  	[bflag:$0x0] =	sbarrier.arrive $0xFFFF  }
0x103: {  	_ =	strace $0x90000047  }
0x104: {  	s0 =	stileid.u32;
	[bflag:$0x2] =	sbarrier.arrive $0xFFFF  }
0x105: {  	p0 =	sne.s32 s0, $0x0;
	s0 =	rddreg [dreg:$0x5]  }
0x106: {  	s0 =	sadd.s32 @!p0 $0x100000, s0  }
0x107: {  	[sflag:s0] =	ssyncadd.tile.s32 @!p0 $0x1;
	_ =	shalt  }
.Lfunc_end2:
_tile_overlayer_lowered:
.L_overlay_start_2:
0x108: {  	(tag) =	ssettag $0x2  }
0x109: {  	s0 =	rddreg [dreg:$0x0];
	s2 =	stileid.u32  }
0x10a: {  	s1 =	rddreg [dreg:$0x1];
	p0 =	sne.s32 s2, $0x0  }
0x10b: {  	s3 =	rddreg [dreg:$0x2];
	[bflag:$0x3] =	sbarrier.arrive $0xFFFF;
	s2 =	simm.s32 @!p0 $0x1C15  }
0x10c: {  	[timem:s3], [sflag:s2] =	dma.local @!p0 [hbm:s0], s1  }
0x10d: {  	s0 =	simm.s32 @!p0 $0x15  }
0x10e: {  	_ =	swait.ge @!p0 [sflag:s0], s1  }
0x10f: {  	s1 =	ssub.s32 @!p0 $0x0, s1;
	[sflag:s0] =	ssyncset.done @!p0 $0x0  }
0x110: {  	[sflag:s0] =	ssyncadd.s32 @!p0 s1  }
0x111: {  	[bflag:$0x3] =	sbarrier.arrive $0xFFFF  }
0x112: {  	_ =	shalt  }

</sc_bundles>
